<compile_context>
chip_gen: v7x
topology: tpu7x:2x2x1
jax: 0.10.2.dev20260603
libtpu: 0.0.44.dev20260713+nightly
codegen_flags: <defaults>
</compile_context>

<pallas_src>
import functools
import math

import jax
import jax.numpy as jnp
from jax import lax
from jax.experimental import pallas as pl
from jax.experimental.pallas import tpu as pltpu
from jax.experimental.pallas import tpu_sc as plsc

_V = 100000
_D = 1024
_K = 100
_KPAD = 128
_BN = 1024
_NORM = math.log(_V)
_EPS = 1e-10
_NC = 2
_NS = 16
_NW = _NC * _NS
_TPW = _BN // _NW
_L = 16
_NCH = 4
_CT = _TPW // _NCH
_JU = 8


def _sc_body(weight_hbm, bias_hbm, noise_hbm, target_hbm, x_hbm, nidx_hbm,
             tscore_hbm, ptn_hbm, bn_hbm, nn_hbm,
             idx_v, rows_v, x_v, bias_v, ptn_v, partial_v, score_v,
             kidx_v, bn_v, nn_v,
             sem_idx, sem_kidx, sem_rows, sem_x, sem_bias, sem_ptn,
             sem_bn, sem_nn, sem_po, sem_bno, sem_nno):
    cid = lax.axis_index("c")
    sid = lax.axis_index("s")
    wid = sid * _NC + cid
    base = wid * _TPW
    noise_worker = wid == _NW - 1

    idx_cp = pltpu.async_copy(target_hbm.at[wid], idx_v, sem_idx)

    @pl.when(noise_worker)
    def _():
        pltpu.async_copy(nidx_hbm, kidx_v, sem_kidx)

    idx_cp.wait()

    rows_cps = []
    x_cps = []
    for c in range(_NCH):
        rows_cps.append(pltpu.async_copy(
            weight_hbm.at[idx_v.at[pl.ds(c * _CT, _CT)]],
            rows_v.at[pl.ds(c * _CT, _CT), :], sem_rows[c]))
        x_cps.append(pltpu.async_copy(
            x_hbm.at[wid, pl.ds(c * _CT, _CT), :],
            x_v.at[pl.ds(c * _CT, _CT), :], sem_x[c]))
    bias_cp = pltpu.async_copy(bias_hbm.at[idx_v], bias_v, sem_bias)
    ptn_cp = pltpu.async_copy(noise_hbm.at[idx_v], ptn_v, sem_ptn)

    @pl.when(noise_worker)
    def _():
        pltpu.make_async_copy(nidx_hbm, kidx_v, sem_kidx).wait()
        pltpu.async_copy(bias_hbm.at[kidx_v], bn_v, sem_bn)
        pltpu.async_copy(noise_hbm.at[kidx_v], nn_v, sem_nn)

    for c in range(_NCH):
        rows_cps[c].wait()
        x_cps[c].wait()

        def tok_body(t, carry):
            def j_body(jo, accs):
                a0, a1 = accs
                for u in range(_JU):
                    off = jo * (_JU * _L) + u * _L
                    p = rows_v[t, pl.ds(off, _L)] * x_v[t, pl.ds(off, _L)]
                    if u % 2 == 0:
                        a0 = a0 + p
                    else:
                        a1 = a1 + p
                return a0, a1

            z = jnp.zeros((_L,), jnp.float32)
            a0, a1 = lax.fori_loop(0, _D // (_JU * _L), j_body, (z, z))
            partial_v[t, :] = a0 + a1
            return carry

        lax.fori_loop(c * _CT, (c + 1) * _CT, tok_body, 0)

    @pl.when(noise_worker)
    def _():
        pltpu.make_async_copy(bias_hbm.at[kidx_v], bn_v, sem_bn).wait()
        pltpu.make_async_copy(noise_hbm.at[kidx_v], nn_v, sem_nn).wait()
        pltpu.async_copy(bn_v, bn_hbm, sem_bno)
        pltpu.async_copy(nn_v, nn_hbm, sem_nno)

    ptn_cp.wait()
    pltpu.async_copy(ptn_v, ptn_hbm.at[pl.ds(base, _TPW)], sem_po)
    bias_cp.wait()

    lanes = lax.iota(jnp.int32, _L)
    for g in range(_TPW // _L):
        row_ids = lanes + g * _L
        acc16 = jnp.zeros((_L,), jnp.float32)
        for j in range(_L):
            col_ids = jnp.full((_L,), j, jnp.int32)
            acc16 = acc16 + plsc.load_gather(partial_v, [row_ids, col_ids])
        score_v[pl.ds(g * _L, _L)] = acc16 + bias_v[pl.ds(g * _L, _L)]

    pltpu.sync_copy(score_v, tscore_hbm.at[pl.ds(base, _TPW)])
    pltpu.make_async_copy(ptn_v, ptn_hbm.at[pl.ds(base, _TPW)], sem_po).wait()

    @pl.when(noise_worker)
    def _():
        pltpu.make_async_copy(bn_v, bn_hbm, sem_bno).wait()
        pltpu.make_async_copy(nn_v, nn_hbm, sem_nno).wait()


_SC_GATHER_CACHE = []


def _sc_gather_fn():
    if not _SC_GATHER_CACHE:
        _SC_GATHER_CACHE.append(_make_sc_gather())
    return _SC_GATHER_CACHE[0]


def _make_sc_gather():
    return functools.partial(
        pl.kernel,
        out_type=[
            jax.ShapeDtypeStruct((_BN,), jnp.float32),
            jax.ShapeDtypeStruct((_BN,), jnp.float32),
            jax.ShapeDtypeStruct((_K,), jnp.float32),
            jax.ShapeDtypeStruct((_K,), jnp.float32),
        ],
        mesh=plsc.VectorSubcoreMesh(core_axis_name="c", subcore_axis_name="s"),
        compiler_params=pltpu.CompilerParams(needs_layout_passes=False),
        scratch_types=[
            pltpu.VMEM((_TPW,), jnp.int32),
            pltpu.VMEM((_TPW, _D), jnp.float32),
            pltpu.VMEM((_TPW, _D), jnp.float32),
            pltpu.VMEM((_TPW,), jnp.float32),
            pltpu.VMEM((_TPW,), jnp.float32),
            pltpu.VMEM((_TPW, _L), jnp.float32),
            pltpu.VMEM((_TPW,), jnp.float32),
            pltpu.VMEM((_K,), jnp.int32),
            pltpu.VMEM((_K,), jnp.float32),
            pltpu.VMEM((_K,), jnp.float32),
            pltpu.SemaphoreType.DMA,
            pltpu.SemaphoreType.DMA,
            [pltpu.SemaphoreType.DMA] * _NCH,
            [pltpu.SemaphoreType.DMA] * _NCH,
            pltpu.SemaphoreType.DMA,
            pltpu.SemaphoreType.DMA,
            pltpu.SemaphoreType.DMA,
            pltpu.SemaphoreType.DMA,
            pltpu.SemaphoreType.DMA,
            pltpu.SemaphoreType.DMA,
            pltpu.SemaphoreType.DMA,
        ],
    )(_sc_body)


def _tcmat_body(nidx_ref, x_ref, weight_hbm, xw_ref, wn_v, sem):
    cps = []
    for k in range(_KPAD):
        idx = nidx_ref[min(k, _K - 1)]
        cps.append(pltpu.make_async_copy(
            weight_hbm.at[pl.ds(idx, 1), :], wn_v.at[pl.ds(k, 1), :], sem))
        cps[-1].start()
    for cp in cps:
        cp.wait()
    xs = jnp.reshape(x_ref[...], (_BN, _D))
    xw_ref[...] = lax.dot_general(
        xs, wn_v[...], (((1,), (1,)), ((), ())),
        preferred_element_type=jnp.float32)


def _tc_matmul(x3d, weight, noise_idx):
    return pl.pallas_call(
        _tcmat_body,
        in_specs=[
            pl.BlockSpec(memory_space=pltpu.SMEM),
            pl.BlockSpec(memory_space=pltpu.VMEM),
            pl.BlockSpec(memory_space=pl.ANY),
        ],
        out_shape=jax.ShapeDtypeStruct((_BN, _KPAD), jnp.float32),
        scratch_shapes=[
            pltpu.VMEM((_KPAD, _D), jnp.float32),
            pltpu.SemaphoreType.DMA,
        ],
    )(noise_idx, x3d, weight)


def _tcfin_body(xw_ref, ts_ref, ptn_ref, bn_ref, nn_ref, out_ref):
    ns = xw_ref[:, :_K] + jnp.reshape(bn_ref[...], (1, _K))
    pnim = jnp.exp(jnp.minimum(ns - _NORM, 20.0))
    kpn = jnp.reshape(_K * nn_ref[...], (1, _K))
    pnc = kpn / (pnim + kpn + _EPS)
    term2 = jnp.sum(jnp.log(pnc + _EPS))
    pm = jnp.exp(jnp.minimum(ts_ref[...] - _NORM, 20.0))
    pt = pm / (pm + _K * ptn_ref[...] + _EPS)
    term1 = jnp.sum(jnp.log(pt + _EPS))
    out_ref[...] = jnp.reshape(-(term1 + term2) / _BN, (1, 1))


def _tc_final(xw, ts, ptn, bn, nn):
    return pl.pallas_call(
        _tcfin_body,
        out_shape=jax.ShapeDtypeStruct((1, 1), jnp.float32),
    )(xw, ts, ptn, bn, nn)


def kernel(target, input, weight, bias, noise, noise_idx):
    nidx = noise_idx.astype(jnp.int32)
    tscore, ptn, bn, nn = _sc_gather_fn()(weight, bias, noise,
                                          target.astype(jnp.int32), input,
                                          nidx)
    xw = _tc_matmul(input, weight, nidx)
    out = _tc_final(xw, tscore, ptn, bn, nn)
    return out[0, 0]

# --- scband reference (transcript-rebuilt; emitter-appended) ---
"""Pipeline reference for scband-nceloss-41893111005553 (READ-ONLY COPY).

The authoritative reference and input builder live on the scoring server;
editing this copy changes nothing except your own understanding.
"""

import jax, jax.numpy as jnp
import numpy as np

V = 100000
D = 1024
B = 32
N = 32
K = 100  # noise_ratio
NORM_TERM = float(np.log(V))  # norm_term='auto'
BACKOFF_PROB = 1e-10


def setup_inputs(seed: int = 0) -> dict:
    key = jax.random.key(seed)
    k1, k2, k3, k4, k5, k6 = jax.random.split(key, 6)
    target = jax.random.randint(k1, (B, N), 0, V, dtype=jnp.int64) if jax.config.jax_enable_x64 else jax.random.randint(k1, (B, N), 0, V, dtype=jnp.int32)
    x = jax.random.normal(k2, (B, N, D), dtype=jnp.float32) * 0.05
    weight = jax.random.normal(k3, (V, D), dtype=jnp.float32) * 0.02
    bias = jax.random.normal(k4, (V,), dtype=jnp.float32) * 0.01
    freq = jax.random.uniform(k5, (V,), minval=0.1, maxval=1.0, dtype=jnp.float32)
    noise = freq / jnp.sum(freq)  # noise distribution buffer
    # per_word=False: a single set of K noise samples shared by all positions
    # (alias-method multinomial draw ~ categorical over noise dist)
    noise_idx = jax.random.categorical(k6, jnp.log(noise), shape=(K,))
    return {"target": target, "input": x, "weight": weight, "bias": bias,
            "noise": noise, "noise_idx": noise_idx}


def reference(target, input, weight, bias, noise, noise_idx):
    x = input
    k = noise_idx.shape[0]
    # get_score (IndexLinear-style): dot product against gathered output rows
    w_t = jnp.take(weight, target, axis=0)              # [B,N,D]
    target_score = jnp.sum(x * w_t, axis=-1) + jnp.take(bias, target, axis=0)   # [B,N]
    w_n = jnp.take(weight, noise_idx, axis=0)           # [K,D] (shared, per_word=False)
    noise_score = jnp.einsum('bnd,kd->bnk', x, w_n) + jnp.take(bias, noise_idx, axis=0)  # [B,N,K]
    # _get_prob: unnormalized probs with clamp_max(20) on the exponent
    prob_model = jnp.exp(jnp.minimum(target_score - NORM_TERM, 20.0))           # [B,N]
    prob_noise_in_model = jnp.exp(jnp.minimum(noise_score - NORM_TERM, 20.0))   # [B,N,K]
    prob_noise = jnp.take(noise, noise_idx, axis=0)[None, None, :]              # [1,1,K]
    prob_target_in_noise = jnp.take(noise, target, axis=0)                      # [B,N]
    # nce_loss (binary classification of data vs noise)
    p_true = prob_model / (prob_model + k * prob_target_in_noise + BACKOFF_PROB)
    p_noise_cls = (k * prob_noise) / (prob_noise_in_model + k * prob_noise + BACKOFF_PROB)
    loss = -(jnp.log(p_true + BACKOFF_PROB) + jnp.sum(jnp.log(p_noise_cls + BACKOFF_PROB), axis=-1))  # [B,N]
    # reduction='elementwise_mean'
    return jnp.mean(loss)

if __name__ == "__main__":
    import jax
    _d = setup_inputs()
    print(jax.jit(kernel)(*tuple(_d.values())))

</pallas_src>

<mosaic_0001>
#map = affine_map<(d0, d1) -> (0, 0)>
#map1 = affine_map<(d0, d1) -> (0)>
#map2 = affine_map<(d0, d1) -> (0, 0, 0)>
module attributes {stable_mosaic.version = 14 : i64} {
  func.func @_sc_body(%arg0: i32, %arg1: i32, %arg2: memref<100000x1024xf32, #tpu.memory_space<hbm>>, %arg3: memref<100000xf32, #tpu.memory_space<hbm>>, %arg4: memref<100000xf32, #tpu.memory_space<hbm>>, %arg5: memref<32x32xi32, #tpu.memory_space<hbm>>, %arg6: memref<32x32x1024xf32, #tpu.memory_space<hbm>>, %arg7: memref<100xi32, #tpu.memory_space<hbm>>, %arg8: memref<1024xf32, #tpu.memory_space<hbm>>, %arg9: memref<1024xf32, #tpu.memory_space<hbm>>, %arg10: memref<100xf32, #tpu.memory_space<hbm>>, %arg11: memref<100xf32, #tpu.memory_space<hbm>>, %arg12: memref<32xi32, #tpu.memory_space<vmem>>, %arg13: memref<32x1024xf32, #tpu.memory_space<vmem>>, %arg14: memref<32x1024xf32, #tpu.memory_space<vmem>>, %arg15: memref<32xf32, #tpu.memory_space<vmem>>, %arg16: memref<32xf32, #tpu.memory_space<vmem>>, %arg17: memref<32x16xf32, #tpu.memory_space<vmem>>, %arg18: memref<32xf32, #tpu.memory_space<vmem>>, %arg19: memref<100xi32, #tpu.memory_space<vmem>>, %arg20: memref<100xf32, #tpu.memory_space<vmem>>, %arg21: memref<100xf32, #tpu.memory_space<vmem>>, %arg22: memref<!tpu.dma_semaphore, #tpu.memory_space<semaphore_mem>>, %arg23: memref<!tpu.dma_semaphore, #tpu.memory_space<semaphore_mem>>, %arg24: memref<!tpu.dma_semaphore, #tpu.memory_space<semaphore_mem>>, %arg25: memref<!tpu.dma_semaphore, #tpu.memory_space<semaphore_mem>>, %arg26: memref<!tpu.dma_semaphore, #tpu.memory_space<semaphore_mem>>, %arg27: memref<!tpu.dma_semaphore, #tpu.memory_space<semaphore_mem>>, %arg28: memref<!tpu.dma_semaphore, #tpu.memory_space<semaphore_mem>>, %arg29: memref<!tpu.dma_semaphore, #tpu.memory_space<semaphore_mem>>, %arg30: memref<!tpu.dma_semaphore, #tpu.memory_space<semaphore_mem>>, %arg31: memref<!tpu.dma_semaphore, #tpu.memory_space<semaphore_mem>>, %arg32: memref<!tpu.dma_semaphore, #tpu.memory_space<semaphore_mem>>, %arg33: memref<!tpu.dma_semaphore, #tpu.memory_space<semaphore_mem>>, %arg34: memref<!tpu.dma_semaphore, #tpu.memory_space<semaphore_mem>>, %arg35: memref<!tpu.dma_semaphore, #tpu.memory_space<semaphore_mem>>, %arg36: memref<!tpu.dma_semaphore, #tpu.memory_space<semaphore_mem>>, %arg37: memref<!tpu.dma_semaphore, #tpu.memory_space<semaphore_mem>>, %arg38: memref<!tpu.dma_semaphore, #tpu.memory_space<semaphore_mem>>) attributes {dimension_semantics = [#tpu.dimension_semantics<core_parallel>, #tpu.dimension_semantics<subcore_parallel>], iteration_bounds = array<i64: 2, 16>, scalar_prefetch = 0 : i64, scratch_operands = 27 : i64, tpu.core_type = #tpu.core_type<sc_vector_subcore>, window_params = [{transform_indices = #map}, {transform_indices = #map1}, {transform_indices = #map1}, {transform_indices = #map}, {transform_indices = #map2}, {transform_indices = #map1}, {transform_indices = #map1}, {transform_indices = #map1}, {transform_indices = #map1}, {transform_indices = #map1}]} {
    %mul3A = arith.constant 2 : i32
    %mul3A_0 = arith.muli %arg1, %mul3A : i32
    %add3A = arith.addi %mul3A_0, %arg0 : i32
    %mul3A_1 = arith.constant 32 : i32
    %mul3A_2 = arith.muli %add3A, %mul3A_1 : i32
    %eq3A = arith.constant 31 : i32
    %eq3A_3 = arith.cmpi eq, %add3A, %eq3A : i32
    %dma_start3A = arith.constant 0 : i32
    %dma_start3A_4 = tpu.memref_slice %arg5[%add3A, %dma_start3A] : memref<32x32xi32, #tpu.memory_space<hbm>> -> memref<1x32xi32, #tpu.memory_space<hbm>>
    %dma_start3A_5 = tpu.memref_squeeze %dma_start3A_4 : memref<1x32xi32, #tpu.memory_space<hbm>> -> memref<32xi32, #tpu.memory_space<hbm>>
    %dma_start3A_6 = arith.constant 0 : i32
    %dma_start3A_7 = tpu.memref_slice %arg5[%add3A, %dma_start3A_6] : memref<32x32xi32, #tpu.memory_space<hbm>> -> memref<1x32xi32, #tpu.memory_space<hbm>>
    %dma_start3A_8 = tpu.memref_squeeze %dma_start3A_7 : memref<1x32xi32, #tpu.memory_space<hbm>> -> memref<32xi32, #tpu.memory_space<hbm>>
    tpu.enqueue_dma source(%dma_start3A_8 : memref<32xi32, #tpu.memory_space<hbm>>) target(%arg12 : memref<32xi32, #tpu.memory_space<vmem>>) target_semaphore(%arg22 : memref<!tpu.dma_semaphore, #tpu.memory_space<semaphore_mem>>)
    %convert_element_type3A = arith.extui %eq3A_3 : i1 to i32
    %cond3A = arith.constant 0 : i32
    %cond3A_9 = arith.cmpi ne, %convert_element_type3A, %cond3A : i32
    scf.if %cond3A_9 {
      tpu.enqueue_dma source(%arg7 : memref<100xi32, #tpu.memory_space<hbm>>) target(%arg19 : memref<100xi32, #tpu.memory_space<vmem>>) target_semaphore(%arg23 : memref<!tpu.dma_semaphore, #tpu.memory_space<semaphore_mem>>)
    } else {
    }
    %dma_wait3A = arith.constant 0 : i32
    %dma_wait3A_10 = tpu.memref_slice %arg5[%add3A, %dma_wait3A] : memref<32x32xi32, #tpu.memory_space<hbm>> -> memref<1x32xi32, #tpu.memory_space<hbm>>
    %dma_wait3A_11 = tpu.memref_squeeze %dma_wait3A_10 : memref<1x32xi32, #tpu.memory_space<hbm>> -> memref<32xi32, #tpu.memory_space<hbm>>
    %dma_wait3A_12 = arith.constant 0 : i32
    %dma_wait3A_13 = tpu.memref_slice %arg5[%add3A, %dma_wait3A_12] : memref<32x32xi32, #tpu.memory_space<hbm>> -> memref<1x32xi32, #tpu.memory_space<hbm>>
    %dma_wait3A_14 = tpu.memref_squeeze %dma_wait3A_13 : memref<1x32xi32, #tpu.memory_space<hbm>> -> memref<32xi32, #tpu.memory_space<hbm>>
    tpu.wait_dma2 semaphore(%arg22 : memref<!tpu.dma_semaphore, #tpu.memory_space<semaphore_mem>>) src(%dma_wait3A_14 : memref<32xi32, #tpu.memory_space<hbm>>) dst(%arg12 : memref<32xi32, #tpu.memory_space<vmem>>)
    %dma_start3A_15 = arith.constant 0 : i32
    %dma_start3A_16 = arith.constant 0 : i32
    %dma_start3A_17 = tpu.memref_slice %arg13[%dma_start3A_15, %dma_start3A_16] : memref<32x1024xf32, #tpu.memory_space<vmem>> -> memref<8x1024xf32, #tpu.memory_space<vmem>>
    %dma_start3A_18 = arith.constant 0 : i32
    %dma_start3A_19 = tpu.memref_slice %arg12[%dma_start3A_18] : memref<32xi32, #tpu.memory_space<vmem>> -> memref<8xi32, #tpu.memory_space<vmem>>
    %dma_start3A_20 = arith.constant 0 : i32
    %dma_start3A_21 = arith.constant 0 : i32
    %dma_start3A_22 = tpu.memref_slice %arg2[%dma_start3A_20, %dma_start3A_21] : memref<100000x1024xf32, #tpu.memory_space<hbm>> -> memref<100000x1024xf32, #tpu.memory_space<hbm>>
    tpu.enqueue_indirect_dma source(%dma_start3A_22 : memref<100000x1024xf32, #tpu.memory_space<hbm>>) target(%dma_start3A_17 : memref<8x1024xf32, #tpu.memory_space<vmem>>) offsets(%dma_start3A_19 : memref<8xi32, #tpu.memory_space<vmem>>) semaphore(%arg24 : memref<!tpu.dma_semaphore, #tpu.memory_space<semaphore_mem>>)
    %dma_start3A_23 = arith.constant 0 : i32
    %dma_start3A_24 = arith.constant 0 : i32
    %dma_start3A_25 = tpu.memref_slice %arg14[%dma_start3A_23, %dma_start3A_24] : memref<32x1024xf32, #tpu.memory_space<vmem>> -> memref<8x1024xf32, #tpu.memory_space<vmem>>
    %dma_start3A_26 = arith.constant 0 : i32
    %dma_start3A_27 = arith.constant 0 : i32
    %dma_start3A_28 = tpu.memref_slice %arg6[%add3A, %dma_start3A_26, %dma_start3A_27] : memref<32x32x1024xf32, #tpu.memory_space<hbm>> -> memref<1x8x1024xf32, #tpu.memory_space<hbm>>
    %dma_start3A_29 = tpu.memref_squeeze %dma_start3A_28 : memref<1x8x1024xf32, #tpu.memory_space<hbm>> -> memref<8x1024xf32, #tpu.memory_space<hbm>>
    %dma_start3A_30 = arith.constant 0 : i32
    %dma_start3A_31 = arith.constant 0 : i32
    %dma_start3A_32 = tpu.memref_slice %arg14[%dma_start3A_30, %dma_start3A_31] : memref<32x1024xf32, #tpu.memory_space<vmem>> -> memref<8x1024xf32, #tpu.memory_space<vmem>>
    %dma_start3A_33 = arith.constant 0 : i32
    %dma_start3A_34 = arith.constant 0 : i32
    %dma_start3A_35 = tpu.memref_slice %arg6[%add3A, %dma_start3A_33, %dma_start3A_34] : memref<32x32x1024xf32, #tpu.memory_space<hbm>> -> memref<1x8x1024xf32, #tpu.memory_space<hbm>>
    %dma_start3A_36 = tpu.memref_squeeze %dma_start3A_35 : memref<1x8x1024xf32, #tpu.memory_space<hbm>> -> memref<8x1024xf32, #tpu.memory_space<hbm>>
    tpu.enqueue_dma source(%dma_start3A_36 : memref<8x1024xf32, #tpu.memory_space<hbm>>) target(%dma_start3A_32 : memref<8x1024xf32, #tpu.memory_space<vmem>>) target_semaphore(%arg28 : memref<!tpu.dma_semaphore, #tpu.memory_space<semaphore_mem>>)
    %dma_start3A_37 = arith.constant 8 : i32
    %dma_start3A_38 = arith.constant 0 : i32
    %dma_start3A_39 = tpu.memref_slice %arg13[%dma_start3A_37, %dma_start3A_38] : memref<32x1024xf32, #tpu.memory_space<vmem>> -> memref<8x1024xf32, #tpu.memory_space<vmem>>
    %dma_start3A_40 = arith.constant 8 : i32
    %dma_start3A_41 = tpu.memref_slice %arg12[%dma_start3A_40] : memref<32xi32, #tpu.memory_space<vmem>> -> memref<8xi32, #tpu.memory_space<vmem>>
    %dma_start3A_42 = arith.constant 0 : i32
    %dma_start3A_43 = arith.constant 0 : i32
    %dma_start3A_44 = tpu.memref_slice %arg2[%dma_start3A_42, %dma_start3A_43] : memref<100000x1024xf32, #tpu.memory_space<hbm>> -> memref<100000x1024xf32, #tpu.memory_space<hbm>>
    tpu.enqueue_indirect_dma source(%dma_start3A_44 : memref<100000x1024xf32, #tpu.memory_space<hbm>>) target(%dma_start3A_39 : memref<8x1024xf32, #tpu.memory_space<vmem>>) offsets(%dma_start3A_41 : memref<8xi32, #tpu.memory_space<vmem>>) semaphore(%arg25 : memref<!tpu.dma_semaphore, #tpu.memory_space<semaphore_mem>>)
    %dma_start3A_45 = arith.constant 8 : i32
    %dma_start3A_46 = arith.constant 0 : i32
    %dma_start3A_47 = tpu.memref_slice %arg14[%dma_start3A_45, %dma_start3A_46] : memref<32x1024xf32, #tpu.memory_space<vmem>> -> memref<8x1024xf32, #tpu.memory_space<vmem>>
    %dma_start3A_48 = arith.constant 8 : i32
    %dma_start3A_49 = arith.constant 0 : i32
    %dma_start3A_50 = tpu.memref_slice %arg6[%add3A, %dma_start3A_48, %dma_start3A_49] : memref<32x32x1024xf32, #tpu.memory_space<hbm>> -> memref<1x8x1024xf32, #tpu.memory_space<hbm>>
    %dma_start3A_51 = tpu.memref_squeeze %dma_start3A_50 : memref<1x8x1024xf32, #tpu.memory_space<hbm>> -> memref<8x1024xf32, #tpu.memory_space<hbm>>
    %dma_start3A_52 = arith.constant 8 : i32
    %dma_start3A_53 = arith.constant 0 : i32
    %dma_start3A_54 = tpu.memref_slice %arg14[%dma_start3A_52, %dma_start3A_53] : memref<32x1024xf32, #tpu.memory_space<vmem>> -> memref<8x1024xf32, #tpu.memory_space<vmem>>
    %dma_start3A_55 = arith.constant 8 : i32
    %dma_start3A_56 = arith.constant 0 : i32
    %dma_start3A_57 = tpu.memref_slice %arg6[%add3A, %dma_start3A_55, %dma_start3A_56] : memref<32x32x1024xf32, #tpu.memory_space<hbm>> -> memref<1x8x1024xf32, #tpu.memory_space<hbm>>
    %dma_start3A_58 = tpu.memref_squeeze %dma_start3A_57 : memref<1x8x1024xf32, #tpu.memory_space<hbm>> -> memref<8x1024xf32, #tpu.memory_space<hbm>>
    tpu.enqueue_dma source(%dma_start3A_58 : memref<8x1024xf32, #tpu.memory_space<hbm>>) target(%dma_start3A_54 : memref<8x1024xf32, #tpu.memory_space<vmem>>) target_semaphore(%arg29 : memref<!tpu.dma_semaphore, #tpu.memory_space<semaphore_mem>>)
    %dma_start3A_59 = arith.constant 16 : i32
    %dma_start3A_60 = arith.constant 0 : i32
    %dma_start3A_61 = tpu.memref_slice %arg13[%dma_start3A_59, %dma_start3A_60] : memref<32x1024xf32, #tpu.memory_space<vmem>> -> memref<8x1024xf32, #tpu.memory_space<vmem>>
    %dma_start3A_62 = arith.constant 16 : i32
    %dma_start3A_63 = tpu.memref_slice %arg12[%dma_start3A_62] : memref<32xi32, #tpu.memory_space<vmem>> -> memref<8xi32, #tpu.memory_space<vmem>>
    %dma_start3A_64 = arith.constant 0 : i32
    %dma_start3A_65 = arith.constant 0 : i32
    %dma_start3A_66 = tpu.memref_slice %arg2[%dma_start3A_64, %dma_start3A_65] : memref<100000x1024xf32, #tpu.memory_space<hbm>> -> memref<100000x1024xf32, #tpu.memory_space<hbm>>
    tpu.enqueue_indirect_dma source(%dma_start3A_66 : memref<100000x1024xf32, #tpu.memory_space<hbm>>) target(%dma_start3A_61 : memref<8x1024xf32, #tpu.memory_space<vmem>>) offsets(%dma_start3A_63 : memref<8xi32, #tpu.memory_space<vmem>>) semaphore(%arg26 : memref<!tpu.dma_semaphore, #tpu.memory_space<semaphore_mem>>)
    %dma_start3A_67 = arith.constant 16 : i32
    %dma_start3A_68 = arith.constant 0 : i32
    %dma_start3A_69 = tpu.memref_slice %arg14[%dma_start3A_67, %dma_start3A_68] : memref<32x1024xf32, #tpu.memory_space<vmem>> -> memref<8x1024xf32, #tpu.memory_space<vmem>>
    %dma_start3A_70 = arith.constant 16 : i32
    %dma_start3A_71 = arith.constant 0 : i32
    %dma_start3A_72 = tpu.memref_slice %arg6[%add3A, %dma_start3A_70, %dma_start3A_71] : memref<32x32x1024xf32, #tpu.memory_space<hbm>> -> memref<1x8x1024xf32, #tpu.memory_space<hbm>>
    %dma_start3A_73 = tpu.memref_squeeze %dma_start3A_72 : memref<1x8x1024xf32, #tpu.memory_space<hbm>> -> memref<8x1024xf32, #tpu.memory_space<hbm>>
    %dma_start3A_74 = arith.constant 16 : i32
    %dma_start3A_75 = arith.constant 0 : i32
    %dma_start3A_76 = tpu.memref_slice %arg14[%dma_start3A_74, %dma_start3A_75] : memref<32x1024xf32, #tpu.memory_space<vmem>> -> memref<8x1024xf32, #tpu.memory_space<vmem>>
    %dma_start3A_77 = arith.constant 16 : i32
    %dma_start3A_78 = arith.constant 0 : i32
    %dma_start3A_79 = tpu.memref_slice %arg6[%add3A, %dma_start3A_77, %dma_start3A_78] : memref<32x32x1024xf32, #tpu.memory_space<hbm>> -> memref<1x8x1024xf32, #tpu.memory_space<hbm>>
    %dma_start3A_80 = tpu.memref_squeeze %dma_start3A_79 : memref<1x8x1024xf32, #tpu.memory_space<hbm>> -> memref<8x1024xf32, #tpu.memory_space<hbm>>
    tpu.enqueue_dma source(%dma_start3A_80 : memref<8x1024xf32, #tpu.memory_space<hbm>>) target(%dma_start3A_76 : memref<8x1024xf32, #tpu.memory_space<vmem>>) target_semaphore(%arg30 : memref<!tpu.dma_semaphore, #tpu.memory_space<semaphore_mem>>)
    %dma_start3A_81 = arith.constant 24 : i32
    %dma_start3A_82 = arith.constant 0 : i32
    %dma_start3A_83 = tpu.memref_slice %arg13[%dma_start3A_81, %dma_start3A_82] : memref<32x1024xf32, #tpu.memory_space<vmem>> -> memref<8x1024xf32, #tpu.memory_space<vmem>>
    %dma_start3A_84 = arith.constant 24 : i32
    %dma_start3A_85 = tpu.memref_slice %arg12[%dma_start3A_84] : memref<32xi32, #tpu.memory_space<vmem>> -> memref<8xi32, #tpu.memory_space<vmem>>
    %dma_start3A_86 = arith.constant 0 : i32
    %dma_start3A_87 = arith.constant 0 : i32
    %dma_start3A_88 = tpu.memref_slice %arg2[%dma_start3A_86, %dma_start3A_87] : memref<100000x1024xf32, #tpu.memory_space<hbm>> -> memref<100000x1024xf32, #tpu.memory_space<hbm>>
    tpu.enqueue_indirect_dma source(%dma_start3A_88 : memref<100000x1024xf32, #tpu.memory_space<hbm>>) target(%dma_start3A_83 : memref<8x1024xf32, #tpu.memory_space<vmem>>) offsets(%dma_start3A_85 : memref<8xi32, #tpu.memory_space<vmem>>) semaphore(%arg27 : memref<!tpu.dma_semaphore, #tpu.memory_space<semaphore_mem>>)
    %dma_start3A_89 = arith.constant 24 : i32
    %dma_start3A_90 = arith.constant 0 : i32
    %dma_start3A_91 = tpu.memref_slice %arg14[%dma_start3A_89, %dma_start3A_90] : memref<32x1024xf32, #tpu.memory_space<vmem>> -> memref<8x1024xf32, #tpu.memory_space<vmem>>
    %dma_start3A_92 = arith.constant 24 : i32
    %dma_start3A_93 = arith.constant 0 : i32
    %dma_start3A_94 = tpu.memref_slice %arg6[%add3A, %dma_start3A_92, %dma_start3A_93] : memref<32x32x1024xf32, #tpu.memory_space<hbm>> -> memref<1x8x1024xf32, #tpu.memory_space<hbm>>
    %dma_start3A_95 = tpu.memref_squeeze %dma_start3A_94 : memref<1x8x1024xf32, #tpu.memory_space<hbm>> -> memref<8x1024xf32, #tpu.memory_space<hbm>>
    %dma_start3A_96 = arith.constant 24 : i32
    %dma_start3A_97 = arith.constant 0 : i32
    %dma_start3A_98 = tpu.memref_slice %arg14[%dma_start3A_96, %dma_start3A_97] : memref<32x1024xf32, #tpu.memory_space<vmem>> -> memref<8x1024xf32, #tpu.memory_space<vmem>>
    %dma_start3A_99 = arith.constant 24 : i32
    %dma_start3A_100 = arith.constant 0 : i32
    %dma_start3A_101 = tpu.memref_slice %arg6[%add3A, %dma_start3A_99, %dma_start3A_100] : memref<32x32x1024xf32, #tpu.memory_space<hbm>> -> memref<1x8x1024xf32, #tpu.memory_space<hbm>>
    %dma_start3A_102 = tpu.memref_squeeze %dma_start3A_101 : memref<1x8x1024xf32, #tpu.memory_space<hbm>> -> memref<8x1024xf32, #tpu.memory_space<hbm>>
    tpu.enqueue_dma source(%dma_start3A_102 : memref<8x1024xf32, #tpu.memory_space<hbm>>) target(%dma_start3A_98 : memref<8x1024xf32, #tpu.memory_space<vmem>>) target_semaphore(%arg31 : memref<!tpu.dma_semaphore, #tpu.memory_space<semaphore_mem>>)
    %dma_start3A_103 = arith.constant 0 : i32
    %dma_start3A_104 = tpu.memref_slice %arg3[%dma_start3A_103] : memref<100000xf32, #tpu.memory_space<hbm>> -> memref<100000xf32, #tpu.memory_space<hbm>>
    tpu.enqueue_indirect_dma source(%dma_start3A_104 : memref<100000xf32, #tpu.memory_space<hbm>>) target(%arg15 : memref<32xf32, #tpu.memory_space<vmem>>) offsets(%arg12 : memref<32xi32, #tpu.memory_space<vmem>>) semaphore(%arg32 : memref<!tpu.dma_semaphore, #tpu.memory_space<semaphore_mem>>)
    %dma_start3A_105 = arith.constant 0 : i32
    %dma_start3A_106 = tpu.memref_slice %arg4[%dma_start3A_105] : memref<100000xf32, #tpu.memory_space<hbm>> -> memref<100000xf32, #tpu.memory_space<hbm>>
    tpu.enqueue_indirect_dma source(%dma_start3A_106 : memref<100000xf32, #tpu.memory_space<hbm>>) target(%arg16 : memref<32xf32, #tpu.memory_space<vmem>>) offsets(%arg12 : memref<32xi32, #tpu.memory_space<vmem>>) semaphore(%arg33 : memref<!tpu.dma_semaphore, #tpu.memory_space<semaphore_mem>>)
    %convert_element_type3A_107 = arith.extui %eq3A_3 : i1 to i32
    %cond3A_108 = arith.constant 0 : i32
    %cond3A_109 = arith.cmpi ne, %convert_element_type3A_107, %cond3A_108 : i32
    scf.if %cond3A_109 {
      tpu.wait_dma2 semaphore(%arg23 : memref<!tpu.dma_semaphore, #tpu.memory_space<semaphore_mem>>) src(%arg7 : memref<100xi32, #tpu.memory_space<hbm>>) dst(%arg19 : memref<100xi32, #tpu.memory_space<vmem>>)
      %dma_start3A_379 = arith.constant 0 : i32
      %dma_start3A_380 = tpu.memref_slice %arg3[%dma_start3A_379] : memref<100000xf32, #tpu.memory_space<hbm>> -> memref<100000xf32, #tpu.memory_space<hbm>>
      tpu.enqueue_indirect_dma source(%dma_start3A_380 : memref<100000xf32, #tpu.memory_space<hbm>>) target(%arg20 : memref<100xf32, #tpu.memory_space<vmem>>) offsets(%arg19 : memref<100xi32, #tpu.memory_space<vmem>>) semaphore(%arg34 : memref<!tpu.dma_semaphore, #tpu.memory_space<semaphore_mem>>)
      %dma_start3A_381 = arith.constant 0 : i32
      %dma_start3A_382 = tpu.memref_slice %arg4[%dma_start3A_381] : memref<100000xf32, #tpu.memory_space<hbm>> -> memref<100000xf32, #tpu.memory_space<hbm>>
      tpu.enqueue_indirect_dma source(%dma_start3A_382 : memref<100000xf32, #tpu.memory_space<hbm>>) target(%arg21 : memref<100xf32, #tpu.memory_space<vmem>>) offsets(%arg19 : memref<100xi32, #tpu.memory_space<vmem>>) semaphore(%arg35 : memref<!tpu.dma_semaphore, #tpu.memory_space<semaphore_mem>>)
    } else {
    }
    %dma_wait3A_110 = arith.constant 0 : i32
    %dma_wait3A_111 = arith.constant 0 : i32
    %dma_wait3A_112 = tpu.memref_slice %arg13[%dma_wait3A_110, %dma_wait3A_111] : memref<32x1024xf32, #tpu.memory_space<vmem>> -> memref<8x1024xf32, #tpu.memory_space<vmem>>
    %dma_wait3A_113 = arith.constant 0 : i32
    %dma_wait3A_114 = tpu.memref_slice %arg12[%dma_wait3A_113] : memref<32xi32, #tpu.memory_space<vmem>> -> memref<8xi32, #tpu.memory_space<vmem>>
    %dma_wait3A_115 = arith.constant 0 : i32
    %dma_wait3A_116 = arith.constant 0 : i32
    %dma_wait3A_117 = tpu.memref_slice %arg2[%dma_wait3A_115, %dma_wait3A_116] : memref<100000x1024xf32, #tpu.memory_space<hbm>> -> memref<100000x1024xf32, #tpu.memory_space<hbm>>
    tpu.wait_indirect_dma semaphore(%arg24 : memref<!tpu.dma_semaphore, #tpu.memory_space<semaphore_mem>>) src(%dma_wait3A_117 : memref<100000x1024xf32, #tpu.memory_space<hbm>>) dst(%dma_wait3A_112 : memref<8x1024xf32, #tpu.memory_space<vmem>>)
    %dma_wait3A_118 = arith.constant 0 : i32
    %dma_wait3A_119 = arith.constant 0 : i32
    %dma_wait3A_120 = tpu.memref_slice %arg14[%dma_wait3A_118, %dma_wait3A_119] : memref<32x1024xf32, #tpu.memory_space<vmem>> -> memref<8x1024xf32, #tpu.memory_space<vmem>>
    %dma_wait3A_121 = arith.constant 0 : i32
    %dma_wait3A_122 = arith.constant 0 : i32
    %dma_wait3A_123 = tpu.memref_slice %arg6[%add3A, %dma_wait3A_121, %dma_wait3A_122] : memref<32x32x1024xf32, #tpu.memory_space<hbm>> -> memref<1x8x1024xf32, #tpu.memory_space<hbm>>
    %dma_wait3A_124 = tpu.memref_squeeze %dma_wait3A_123 : memref<1x8x1024xf32, #tpu.memory_space<hbm>> -> memref<8x1024xf32, #tpu.memory_space<hbm>>
    %dma_wait3A_125 = arith.constant 0 : i32
    %dma_wait3A_126 = arith.constant 0 : i32
    %dma_wait3A_127 = tpu.memref_slice %arg14[%dma_wait3A_125, %dma_wait3A_126] : memref<32x1024xf32, #tpu.memory_space<vmem>> -> memref<8x1024xf32, #tpu.memory_space<vmem>>
    %dma_wait3A_128 = arith.constant 0 : i32
    %dma_wait3A_129 = arith.constant 0 : i32
    %dma_wait3A_130 = tpu.memref_slice %arg6[%add3A, %dma_wait3A_128, %dma_wait3A_129] : memref<32x32x1024xf32, #tpu.memory_space<hbm>> -> memref<1x8x1024xf32, #tpu.memory_space<hbm>>
    %dma_wait3A_131 = tpu.memref_squeeze %dma_wait3A_130 : memref<1x8x1024xf32, #tpu.memory_space<hbm>> -> memref<8x1024xf32, #tpu.memory_space<hbm>>
    tpu.wait_dma2 semaphore(%arg28 : memref<!tpu.dma_semaphore, #tpu.memory_space<semaphore_mem>>) src(%dma_wait3A_131 : memref<8x1024xf32, #tpu.memory_space<hbm>>) dst(%dma_wait3A_127 : memref<8x1024xf32, #tpu.memory_space<vmem>>)
    %scan3A = arith.constant 0 : i32
    %scan3A_132 = arith.constant 0 : i32
    %scan3A_133 = arith.constant 8 : i32
    %scan3A_134 = arith.addi %scan3A_132, %scan3A_133 : i32
    %scan3A_135 = arith.constant 1 : i32
    scf.for %scan3A_379 = %scan3A_132 to %scan3A_134 step %scan3A_135  : i32 {
      %broadcast_in_dim3A_380 = arith.constant 0.000000e+00 : f32
      %broadcast_in_dim3A_381 = vector.broadcast %broadcast_in_dim3A_380 : f32 to vector<16xf32>
      %scan3A_382 = arith.constant 0 : i32
      %scan3A_383 = arith.constant 8 : i32
      %scan3A_384 = arith.addi %scan3A_382, %scan3A_383 : i32
      %scan3A_385 = arith.constant 1 : i32
      %scan3A_386:2 = scf.for %scan3A_392 = %scan3A_382 to %scan3A_384 step %scan3A_385 iter_args(%scan3A_393 = %broadcast_in_dim3A_381, %scan3A_394 = %broadcast_in_dim3A_381) -> (vector<16xf32>, vector<16xf32>)  : i32 {
        %mul3A_395 = arith.constant 128 : i32
        %mul3A_396 = arith.muli %scan3A_392, %mul3A_395 : i32
        %add3A_397 = arith.constant 0 : i32
        %add3A_398 = arith.addi %mul3A_396, %add3A_397 : i32
        %get3A_399 = arith.index_cast %scan3A_379 : i32 to index
        %get3A_400 = arith.index_cast %add3A_398 : i32 to index
        %get3A_401 = tpu.vector_load %arg13[%get3A_399, %get3A_400] {strides = array<i32>} : memref<32x1024xf32, #tpu.memory_space<vmem>>, vector<16xf32>,
        %get3A_402 = arith.index_cast %scan3A_379 : i32 to index
        %get3A_403 = arith.index_cast %add3A_398 : i32 to index
        %get3A_404 = tpu.vector_load %arg14[%get3A_402, %get3A_403] {strides = array<i32>} : memref<32x1024xf32, #tpu.memory_space<vmem>>, vector<16xf32>,
        %mul3A_405 = arith.mulf %get3A_401, %get3A_404 : vector<16xf32>
        %add3A_406 = arith.addf %scan3A_393, %mul3A_405 : vector<16xf32>
        %mul3A_407 = arith.constant 128 : i32
        %mul3A_408 = arith.muli %scan3A_392, %mul3A_407 : i32
        %add3A_409 = arith.constant 16 : i32
        %add3A_410 = arith.addi %mul3A_408, %add3A_409 : i32
        %get3A_411 = arith.index_cast %scan3A_379 : i32 to index
        %get3A_412 = arith.index_cast %add3A_410 : i32 to index
        %get3A_413 = tpu.vector_load %arg13[%get3A_411, %get3A_412] {strides = array<i32>} : memref<32x1024xf32, #tpu.memory_space<vmem>>, vector<16xf32>,
        %get3A_414 = arith.index_cast %scan3A_379 : i32 to index
        %get3A_415 = arith.index_cast %add3A_410 : i32 to index
        %get3A_416 = tpu.vector_load %arg14[%get3A_414, %get3A_415] {strides = array<i32>} : memref<32x1024xf32, #tpu.memory_space<vmem>>, vector<16xf32>,
        %mul3A_417 = arith.mulf %get3A_413, %get3A_416 : vector<16xf32>
        %add3A_418 = arith.addf %scan3A_394, %mul3A_417 : vector<16xf32>
        %mul3A_419 = arith.constant 128 : i32
        %mul3A_420 = arith.muli %scan3A_392, %mul3A_419 : i32
        %add3A_421 = arith.constant 32 : i32
        %add3A_422 = arith.addi %mul3A_420, %add3A_421 : i32
        %get3A_423 = arith.index_cast %scan3A_379 : i32 to index
        %get3A_424 = arith.index_cast %add3A_422 : i32 to index
        %get3A_425 = tpu.vector_load %arg13[%get3A_423, %get3A_424] {strides = array<i32>} : memref<32x1024xf32, #tpu.memory_space<vmem>>, vector<16xf32>,
        %get3A_426 = arith.index_cast %scan3A_379 : i32 to index
        %get3A_427 = arith.index_cast %add3A_422 : i32 to index
        %get3A_428 = tpu.vector_load %arg14[%get3A_426, %get3A_427] {strides = array<i32>} : memref<32x1024xf32, #tpu.memory_space<vmem>>, vector<16xf32>,
        %mul3A_429 = arith.mulf %get3A_425, %get3A_428 : vector<16xf32>
        %add3A_430 = arith.addf %add3A_406, %mul3A_429 : vector<16xf32>
        %mul3A_431 = arith.constant 128 : i32
        %mul3A_432 = arith.muli %scan3A_392, %mul3A_431 : i32
        %add3A_433 = arith.constant 48 : i32
        %add3A_434 = arith.addi %mul3A_432, %add3A_433 : i32
        %get3A_435 = arith.index_cast %scan3A_379 : i32 to index
        %get3A_436 = arith.index_cast %add3A_434 : i32 to index
        %get3A_437 = tpu.vector_load %arg13[%get3A_435, %get3A_436] {strides = array<i32>} : memref<32x1024xf32, #tpu.memory_space<vmem>>, vector<16xf32>,
        %get3A_438 = arith.index_cast %scan3A_379 : i32 to index
        %get3A_439 = arith.index_cast %add3A_434 : i32 to index
        %get3A_440 = tpu.vector_load %arg14[%get3A_438, %get3A_439] {strides = array<i32>} : memref<32x1024xf32, #tpu.memory_space<vmem>>, vector<16xf32>,
        %mul3A_441 = arith.mulf %get3A_437, %get3A_440 : vector<16xf32>
        %add3A_442 = arith.addf %add3A_418, %mul3A_441 : vector<16xf32>
        %mul3A_443 = arith.constant 128 : i32
        %mul3A_444 = arith.muli %scan3A_392, %mul3A_443 : i32
        %add3A_445 = arith.constant 64 : i32
        %add3A_446 = arith.addi %mul3A_444, %add3A_445 : i32
        %get3A_447 = arith.index_cast %scan3A_379 : i32 to index
        %get3A_448 = arith.index_cast %add3A_446 : i32 to index
        %get3A_449 = tpu.vector_load %arg13[%get3A_447, %get3A_448] {strides = array<i32>} : memref<32x1024xf32, #tpu.memory_space<vmem>>, vector<16xf32>,
        %get3A_450 = arith.index_cast %scan3A_379 : i32 to index
        %get3A_451 = arith.index_cast %add3A_446 : i32 to index
        %get3A_452 = tpu.vector_load %arg14[%get3A_450, %get3A_451] {strides = array<i32>} : memref<32x1024xf32, #tpu.memory_space<vmem>>, vector<16xf32>,
        %mul3A_453 = arith.mulf %get3A_449, %get3A_452 : vector<16xf32>
        %add3A_454 = arith.addf %add3A_430, %mul3A_453 : vector<16xf32>
        %mul3A_455 = arith.constant 128 : i32
        %mul3A_456 = arith.muli %scan3A_392, %mul3A_455 : i32
        %add3A_457 = arith.constant 80 : i32
        %add3A_458 = arith.addi %mul3A_456, %add3A_457 : i32
        %get3A_459 = arith.index_cast %scan3A_379 : i32 to index
        %get3A_460 = arith.index_cast %add3A_458 : i32 to index
        %get3A_461 = tpu.vector_load %arg13[%get3A_459, %get3A_460] {strides = array<i32>} : memref<32x1024xf32, #tpu.memory_space<vmem>>, vector<16xf32>,
        %get3A_462 = arith.index_cast %scan3A_379 : i32 to index
        %get3A_463 = arith.index_cast %add3A_458 : i32 to index
        %get3A_464 = tpu.vector_load %arg14[%get3A_462, %get3A_463] {strides = array<i32>} : memref<32x1024xf32, #tpu.memory_space<vmem>>, vector<16xf32>,
        %mul3A_465 = arith.mulf %get3A_461, %get3A_464 : vector<16xf32>
        %add3A_466 = arith.addf %add3A_442, %mul3A_465 : vector<16xf32>
        %mul3A_467 = arith.constant 128 : i32
        %mul3A_468 = arith.muli %scan3A_392, %mul3A_467 : i32
        %add3A_469 = arith.constant 96 : i32
        %add3A_470 = arith.addi %mul3A_468, %add3A_469 : i32
        %get3A_471 = arith.index_cast %scan3A_379 : i32 to index
        %get3A_472 = arith.index_cast %add3A_470 : i32 to index
        %get3A_473 = tpu.vector_load %arg13[%get3A_471, %get3A_472] {strides = array<i32>} : memref<32x1024xf32, #tpu.memory_space<vmem>>, vector<16xf32>,
        %get3A_474 = arith.index_cast %scan3A_379 : i32 to index
        %get3A_475 = arith.index_cast %add3A_470 : i32 to index
        %get3A_476 = tpu.vector_load %arg14[%get3A_474, %get3A_475] {strides = array<i32>} : memref<32x1024xf32, #tpu.memory_space<vmem>>, vector<16xf32>,
        %mul3A_477 = arith.mulf %get3A_473, %get3A_476 : vector<16xf32>
        %add3A_478 = arith.addf %add3A_454, %mul3A_477 : vector<16xf32>
        %mul3A_479 = arith.constant 128 : i32
        %mul3A_480 = arith.muli %scan3A_392, %mul3A_479 : i32
        %add3A_481 = arith.constant 112 : i32
        %add3A_482 = arith.addi %mul3A_480, %add3A_481 : i32
        %get3A_483 = arith.index_cast %scan3A_379 : i32 to index
        %get3A_484 = arith.index_cast %add3A_482 : i32 to index
        %get3A_485 = tpu.vector_load %arg13[%get3A_483, %get3A_484] {strides = array<i32>} : memref<32x1024xf32, #tpu.memory_space<vmem>>, vector<16xf32>,
        %get3A_486 = arith.index_cast %scan3A_379 : i32 to index
        %get3A_487 = arith.index_cast %add3A_482 : i32 to index
        %get3A_488 = tpu.vector_load %arg14[%get3A_486, %get3A_487] {strides = array<i32>} : memref<32x1024xf32, #tpu.memory_space<vmem>>, vector<16xf32>,
        %mul3A_489 = arith.mulf %get3A_485, %get3A_488 : vector<16xf32>
        %add3A_490 = arith.addf %add3A_466, %mul3A_489 : vector<16xf32>
        scf.yield %add3A_478, %add3A_490 : vector<16xf32>, vector<16xf32>
      }
      %scan3A_387 = arith.constant 8 : i32
      %add3A_388 = arith.addf %scan3A_386#0, %scan3A_386#1 : vector<16xf32>
      %swap3A_389 = arith.index_cast %scan3A_379 : i32 to index
      %swap3A_390 = arith.constant 0 : index
      %swap3A_391 = tpu.vector_load %arg17[%swap3A_389, %swap3A_390] {strides = array<i32>} : memref<32x16xf32, #tpu.memory_space<vmem>>, vector<16xf32>,
      tpu.vector_store %arg17[%swap3A_389, %swap3A_390], %add3A_388 {strides = array<i32>} : memref<32x16xf32, #tpu.memory_space<vmem>>, vector<16xf32>,
    }
    %scan3A_136 = arith.constant 8 : i32
    %dma_wait3A_137 = arith.constant 8 : i32
    %dma_wait3A_138 = arith.constant 0 : i32
    %dma_wait3A_139 = tpu.memref_slice %arg13[%dma_wait3A_137, %dma_wait3A_138] : memref<32x1024xf32, #tpu.memory_space<vmem>> -> memref<8x1024xf32, #tpu.memory_space<vmem>>
    %dma_wait3A_140 = arith.constant 8 : i32
    %dma_wait3A_141 = tpu.memref_slice %arg12[%dma_wait3A_140] : memref<32xi32, #tpu.memory_space<vmem>> -> memref<8xi32, #tpu.memory_space<vmem>>
    %dma_wait3A_142 = arith.constant 0 : i32
    %dma_wait3A_143 = arith.constant 0 : i32
    %dma_wait3A_144 = tpu.memref_slice %arg2[%dma_wait3A_142, %dma_wait3A_143] : memref<100000x1024xf32, #tpu.memory_space<hbm>> -> memref<100000x1024xf32, #tpu.memory_space<hbm>>
    tpu.wait_indirect_dma semaphore(%arg25 : memref<!tpu.dma_semaphore, #tpu.memory_space<semaphore_mem>>) src(%dma_wait3A_144 : memref<100000x1024xf32, #tpu.memory_space<hbm>>) dst(%dma_wait3A_139 : memref<8x1024xf32, #tpu.memory_space<vmem>>)
    %dma_wait3A_145 = arith.constant 8 : i32
    %dma_wait3A_146 = arith.constant 0 : i32
    %dma_wait3A_147 = tpu.memref_slice %arg14[%dma_wait3A_145, %dma_wait3A_146] : memref<32x1024xf32, #tpu.memory_space<vmem>> -> memref<8x1024xf32, #tpu.memory_space<vmem>>
    %dma_wait3A_148 = arith.constant 8 : i32
    %dma_wait3A_149 = arith.constant 0 : i32
    %dma_wait3A_150 = tpu.memref_slice %arg6[%add3A, %dma_wait3A_148, %dma_wait3A_149] : memref<32x32x1024xf32, #tpu.memory_space<hbm>> -> memref<1x8x1024xf32, #tpu.memory_space<hbm>>
    %dma_wait3A_151 = tpu.memref_squeeze %dma_wait3A_150 : memref<1x8x1024xf32, #tpu.memory_space<hbm>> -> memref<8x1024xf32, #tpu.memory_space<hbm>>
    %dma_wait3A_152 = arith.constant 8 : i32
    %dma_wait3A_153 = arith.constant 0 : i32
    %dma_wait3A_154 = tpu.memref_slice %arg14[%dma_wait3A_152, %dma_wait3A_153] : memref<32x1024xf32, #tpu.memory_space<vmem>> -> memref<8x1024xf32, #tpu.memory_space<vmem>>
    %dma_wait3A_155 = arith.constant 8 : i32
    %dma_wait3A_156 = arith.constant 0 : i32
    %dma_wait3A_157 = tpu.memref_slice %arg6[%add3A, %dma_wait3A_155, %dma_wait3A_156] : memref<32x32x1024xf32, #tpu.memory_space<hbm>> -> memref<1x8x1024xf32, #tpu.memory_space<hbm>>
    %dma_wait3A_158 = tpu.memref_squeeze %dma_wait3A_157 : memref<1x8x1024xf32, #tpu.memory_space<hbm>> -> memref<8x1024xf32, #tpu.memory_space<hbm>>
    tpu.wait_dma2 semaphore(%arg29 : memref<!tpu.dma_semaphore, #tpu.memory_space<semaphore_mem>>) src(%dma_wait3A_158 : memref<8x1024xf32, #tpu.memory_space<hbm>>) dst(%dma_wait3A_154 : memref<8x1024xf32, #tpu.memory_space<vmem>>)
    %scan3A_159 = arith.constant 0 : i32
    %scan3A_160 = arith.constant 8 : i32
    %scan3A_161 = arith.constant 8 : i32
    %scan3A_162 = arith.addi %scan3A_160, %scan3A_161 : i32
    %scan3A_163 = arith.constant 1 : i32
    scf.for %scan3A_379 = %scan3A_160 to %scan3A_162 step %scan3A_163  : i32 {
      %broadcast_in_dim3A_380 = arith.constant 0.000000e+00 : f32
      %broadcast_in_dim3A_381 = vector.broadcast %broadcast_in_dim3A_380 : f32 to vector<16xf32>
      %scan3A_382 = arith.constant 0 : i32
      %scan3A_383 = arith.constant 8 : i32
      %scan3A_384 = arith.addi %scan3A_382, %scan3A_383 : i32
      %scan3A_385 = arith.constant 1 : i32
      %scan3A_386:2 = scf.for %scan3A_392 = %scan3A_382 to %scan3A_384 step %scan3A_385 iter_args(%scan3A_393 = %broadcast_in_dim3A_381, %scan3A_394 = %broadcast_in_dim3A_381) -> (vector<16xf32>, vector<16xf32>)  : i32 {
        %mul3A_395 = arith.constant 128 : i32
        %mul3A_396 = arith.muli %scan3A_392, %mul3A_395 : i32
        %add3A_397 = arith.constant 0 : i32
        %add3A_398 = arith.addi %mul3A_396, %add3A_397 : i32
        %get3A_399 = arith.index_cast %scan3A_379 : i32 to index
        %get3A_400 = arith.index_cast %add3A_398 : i32 to index
        %get3A_401 = tpu.vector_load %arg13[%get3A_399, %get3A_400] {strides = array<i32>} : memref<32x1024xf32, #tpu.memory_space<vmem>>, vector<16xf32>,
        %get3A_402 = arith.index_cast %scan3A_379 : i32 to index
        %get3A_403 = arith.index_cast %add3A_398 : i32 to index
        %get3A_404 = tpu.vector_load %arg14[%get3A_402, %get3A_403] {strides = array<i32>} : memref<32x1024xf32, #tpu.memory_space<vmem>>, vector<16xf32>,
        %mul3A_405 = arith.mulf %get3A_401, %get3A_404 : vector<16xf32>
        %add3A_406 = arith.addf %scan3A_393, %mul3A_405 : vector<16xf32>
        %mul3A_407 = arith.constant 128 : i32
        %mul3A_408 = arith.muli %scan3A_392, %mul3A_407 : i32
        %add3A_409 = arith.constant 16 : i32
        %add3A_410 = arith.addi %mul3A_408, %add3A_409 : i32
        %get3A_411 = arith.index_cast %scan3A_379 : i32 to index
        %get3A_412 = arith.index_cast %add3A_410 : i32 to index
        %get3A_413 = tpu.vector_load %arg13[%get3A_411, %get3A_412] {strides = array<i32>} : memref<32x1024xf32, #tpu.memory_space<vmem>>, vector<16xf32>,
        %get3A_414 = arith.index_cast %scan3A_379 : i32 to index
        %get3A_415 = arith.index_cast %add3A_410 : i32 to index
        %get3A_416 = tpu.vector_load %arg14[%get3A_414, %get3A_415] {strides = array<i32>} : memref<32x1024xf32, #tpu.memory_space<vmem>>, vector<16xf32>,
        %mul3A_417 = arith.mulf %get3A_413, %get3A_416 : vector<16xf32>
        %add3A_418 = arith.addf %scan3A_394, %mul3A_417 : vector<16xf32>
        %mul3A_419 = arith.constant 128 : i32
        %mul3A_420 = arith.muli %scan3A_392, %mul3A_419 : i32
        %add3A_421 = arith.constant 32 : i32
        %add3A_422 = arith.addi %mul3A_420, %add3A_421 : i32
        %get3A_423 = arith.index_cast %scan3A_379 : i32 to index
        %get3A_424 = arith.index_cast %add3A_422 : i32 to index
        %get3A_425 = tpu.vector_load %arg13[%get3A_423, %get3A_424] {strides = array<i32>} : memref<32x1024xf32, #tpu.memory_space<vmem>>, vector<16xf32>,
        %get3A_426 = arith.index_cast %scan3A_379 : i32 to index
        %get3A_427 = arith.index_cast %add3A_422 : i32 to index
        %get3A_428 = tpu.vector_load %arg14[%get3A_426, %get3A_427] {strides = array<i32>} : memref<32x1024xf32, #tpu.memory_space<vmem>>, vector<16xf32>,
        %mul3A_429 = arith.mulf %get3A_425, %get3A_428 : vector<16xf32>
        %add3A_430 = arith.addf %add3A_406, %mul3A_429 : vector<16xf32>
        %mul3A_431 = arith.constant 128 : i32
        %mul3A_432 = arith.muli %scan3A_392, %mul3A_431 : i32
        %add3A_433 = arith.constant 48 : i32
        %add3A_434 = arith.addi %mul3A_432, %add3A_433 : i32
        %get3A_435 = arith.index_cast %scan3A_379 : i32 to index
        %get3A_436 = arith.index_cast %add3A_434 : i32 to index
        %get3A_437 = tpu.vector_load %arg13[%get3A_435, %get3A_436] {strides = array<i32>} : memref<32x1024xf32, #tpu.memory_space<vmem>>, vector<16xf32>,
        %get3A_438 = arith.index_cast %scan3A_379 : i32 to index
        %get3A_439 = arith.index_cast %add3A_434 : i32 to index
        %get3A_440 = tpu.vector_load %arg14[%get3A_438, %get3A_439] {strides = array<i32>} : memref<32x1024xf32, #tpu.memory_space<vmem>>, vector<16xf32>,
        %mul3A_441 = arith.mulf %get3A_437, %get3A_440 : vector<16xf32>
        %add3A_442 = arith.addf %add3A_418, %mul3A_441 : vector<16xf32>
        %mul3A_443 = arith.constant 128 : i32
        %mul3A_444 = arith.muli %scan3A_392, %mul3A_443 : i32
        %add3A_445 = arith.constant 64 : i32
        %add3A_446 = arith.addi %mul3A_444, %add3A_445 : i32
        %get3A_447 = arith.index_cast %scan3A_379 : i32 to index
        %get3A_448 = arith.index_cast %add3A_446 : i32 to index
        %get3A_449 = tpu.vector_load %arg13[%get3A_447, %get3A_448] {strides = array<i32>} : memref<32x1024xf32, #tpu.memory_space<vmem>>, vector<16xf32>,
        %get3A_450 = arith.index_cast %scan3A_379 : i32 to index
        %get3A_451 = arith.index_cast %add3A_446 : i32 to index
        %get3A_452 = tpu.vector_load %arg14[%get3A_450, %get3A_451] {strides = array<i32>} : memref<32x1024xf32, #tpu.memory_space<vmem>>, vector<16xf32>,
        %mul3A_453 = arith.mulf %get3A_449, %get3A_452 : vector<16xf32>
        %add3A_454 = arith.addf %add3A_430, %mul3A_453 : vector<16xf32>
        %mul3A_455 = arith.constant 128 : i32
        %mul3A_456 = arith.muli %scan3A_392, %mul3A_455 : i32
        %add3A_457 = arith.constant 80 : i32
        %add3A_458 = arith.addi %mul3A_456, %add3A_457 : i32
        %get3A_459 = arith.index_cast %scan3A_379 : i32 to index
        %get3A_460 = arith.index_cast %add3A_458 : i32 to index
        %get3A_461 = tpu.vector_load %arg13[%get3A_459, %get3A_460] {strides = array<i32>} : memref<32x1024xf32, #tpu.memory_space<vmem>>, vector<16xf32>,
        %get3A_462 = arith.index_cast %scan3A_379 : i32 to index
        %get3A_463 = arith.index_cast %add3A_458 : i32 to index
        %get3A_464 = tpu.vector_load %arg14[%get3A_462, %get3A_463] {strides = array<i32>} : memref<32x1024xf32, #tpu.memory_space<vmem>>, vector<16xf32>,
        %mul3A_465 = arith.mulf %get3A_461, %get3A_464 : vector<16xf32>
        %add3A_466 = arith.addf %add3A_442, %mul3A_465 : vector<16xf32>
        %mul3A_467 = arith.constant 128 : i32
        %mul3A_468 = arith.muli %scan3A_392, %mul3A_467 : i32
        %add3A_469 = arith.constant 96 : i32
        %add3A_470 = arith.addi %mul3A_468, %add3A_469 : i32
        %get3A_471 = arith.index_cast %scan3A_379 : i32 to index
        %get3A_472 = arith.index_cast %add3A_470 : i32 to index
        %get3A_473 = tpu.vector_load %arg13[%get3A_471, %get3A_472] {strides = array<i32>} : memref<32x1024xf32, #tpu.memory_space<vmem>>, vector<16xf32>,
        %get3A_474 = arith.index_cast %scan3A_379 : i32 to index
        %get3A_475 = arith.index_cast %add3A_470 : i32 to index
        %get3A_476 = tpu.vector_load %arg14[%get3A_474, %get3A_475] {strides = array<i32>} : memref<32x1024xf32, #tpu.memory_space<vmem>>, vector<16xf32>,
        %mul3A_477 = arith.mulf %get3A_473, %get3A_476 : vector<16xf32>
        %add3A_478 = arith.addf %add3A_454, %mul3A_477 : vector<16xf32>
        %mul3A_479 = arith.constant 128 : i32
        %mul3A_480 = arith.muli %scan3A_392, %mul3A_479 : i32
        %add3A_481 = arith.constant 112 : i32
        %add3A_482 = arith.addi %mul3A_480, %add3A_481 : i32
        %get3A_483 = arith.index_cast %scan3A_379 : i32 to index
        %get3A_484 = arith.index_cast %add3A_482 : i32 to index
        %get3A_485 = tpu.vector_load %arg13[%get3A_483, %get3A_484] {strides = array<i32>} : memref<32x1024xf32, #tpu.memory_space<vmem>>, vector<16xf32>,
        %get3A_486 = arith.index_cast %scan3A_379 : i32 to index
        %get3A_487 = arith.index_cast %add3A_482 : i32 to index
        %get3A_488 = tpu.vector_load %arg14[%get3A_486, %get3A_487] {strides = array<i32>} : memref<32x1024xf32, #tpu.memory_space<vmem>>, vector<16xf32>,
        %mul3A_489 = arith.mulf %get3A_485, %get3A_488 : vector<16xf32>
        %add3A_490 = arith.addf %add3A_466, %mul3A_489 : vector<16xf32>
        scf.yield %add3A_478, %add3A_490 : vector<16xf32>, vector<16xf32>
      }
      %scan3A_387 = arith.constant 8 : i32
      %add3A_388 = arith.addf %scan3A_386#0, %scan3A_386#1 : vector<16xf32>
      %swap3A_389 = arith.index_cast %scan3A_379 : i32 to index
      %swap3A_390 = arith.constant 0 : index
      %swap3A_391 = tpu.vector_load %arg17[%swap3A_389, %swap3A_390] {strides = array<i32>} : memref<32x16xf32, #tpu.memory_space<vmem>>, vector<16xf32>,
      tpu.vector_store %arg17[%swap3A_389, %swap3A_390], %add3A_388 {strides = array<i32>} : memref<32x16xf32, #tpu.memory_space<vmem>>, vector<16xf32>,
    }
    %scan3A_164 = arith.constant 8 : i32
    %dma_wait3A_165 = arith.constant 16 : i32
    %dma_wait3A_166 = arith.constant 0 : i32
    %dma_wait3A_167 = tpu.memref_slice %arg13[%dma_wait3A_165, %dma_wait3A_166] : memref<32x1024xf32, #tpu.memory_space<vmem>> -> memref<8x1024xf32, #tpu.memory_space<vmem>>
    %dma_wait3A_168 = arith.constant 16 : i32
    %dma_wait3A_169 = tpu.memref_slice %arg12[%dma_wait3A_168] : memref<32xi32, #tpu.memory_space<vmem>> -> memref<8xi32, #tpu.memory_space<vmem>>
    %dma_wait3A_170 = arith.constant 0 : i32
    %dma_wait3A_171 = arith.constant 0 : i32
    %dma_wait3A_172 = tpu.memref_slice %arg2[%dma_wait3A_170, %dma_wait3A_171] : memref<100000x1024xf32, #tpu.memory_space<hbm>> -> memref<100000x1024xf32, #tpu.memory_space<hbm>>
    tpu.wait_indirect_dma semaphore(%arg26 : memref<!tpu.dma_semaphore, #tpu.memory_space<semaphore_mem>>) src(%dma_wait3A_172 : memref<100000x1024xf32, #tpu.memory_space<hbm>>) dst(%dma_wait3A_167 : memref<8x1024xf32, #tpu.memory_space<vmem>>)
    %dma_wait3A_173 = arith.constant 16 : i32
    %dma_wait3A_174 = arith.constant 0 : i32
    %dma_wait3A_175 = tpu.memref_slice %arg14[%dma_wait3A_173, %dma_wait3A_174] : memref<32x1024xf32, #tpu.memory_space<vmem>> -> memref<8x1024xf32, #tpu.memory_space<vmem>>
    %dma_wait3A_176 = arith.constant 16 : i32
    %dma_wait3A_177 = arith.constant 0 : i32
    %dma_wait3A_178 = tpu.memref_slice %arg6[%add3A, %dma_wait3A_176, %dma_wait3A_177] : memref<32x32x1024xf32, #tpu.memory_space<hbm>> -> memref<1x8x1024xf32, #tpu.memory_space<hbm>>
    %dma_wait3A_179 = tpu.memref_squeeze %dma_wait3A_178 : memref<1x8x1024xf32, #tpu.memory_space<hbm>> -> memref<8x1024xf32, #tpu.memory_space<hbm>>
    %dma_wait3A_180 = arith.constant 16 : i32
    %dma_wait3A_181 = arith.constant 0 : i32
    %dma_wait3A_182 = tpu.memref_slice %arg14[%dma_wait3A_180, %dma_wait3A_181] : memref<32x1024xf32, #tpu.memory_space<vmem>> -> memref<8x1024xf32, #tpu.memory_space<vmem>>
    %dma_wait3A_183 = arith.constant 16 : i32
    %dma_wait3A_184 = arith.constant 0 : i32
    %dma_wait3A_185 = tpu.memref_slice %arg6[%add3A, %dma_wait3A_183, %dma_wait3A_184] : memref<32x32x1024xf32, #tpu.memory_space<hbm>> -> memref<1x8x1024xf32, #tpu.memory_space<hbm>>
    %dma_wait3A_186 = tpu.memref_squeeze %dma_wait3A_185 : memref<1x8x1024xf32, #tpu.memory_space<hbm>> -> memref<8x1024xf32, #tpu.memory_space<hbm>>
    tpu.wait_dma2 semaphore(%arg30 : memref<!tpu.dma_semaphore, #tpu.memory_space<semaphore_mem>>) src(%dma_wait3A_186 : memref<8x1024xf32, #tpu.memory_space<hbm>>) dst(%dma_wait3A_182 : memref<8x1024xf32, #tpu.memory_space<vmem>>)
    %scan3A_187 = arith.constant 0 : i32
    %scan3A_188 = arith.constant 16 : i32
    %scan3A_189 = arith.constant 8 : i32
    %scan3A_190 = arith.addi %scan3A_188, %scan3A_189 : i32
    %scan3A_191 = arith.constant 1 : i32
    scf.for %scan3A_379 = %scan3A_188 to %scan3A_190 step %scan3A_191  : i32 {
      %broadcast_in_dim3A_380 = arith.constant 0.000000e+00 : f32
      %broadcast_in_dim3A_381 = vector.broadcast %broadcast_in_dim3A_380 : f32 to vector<16xf32>
      %scan3A_382 = arith.constant 0 : i32
      %scan3A_383 = arith.constant 8 : i32
      %scan3A_384 = arith.addi %scan3A_382, %scan3A_383 : i32
      %scan3A_385 = arith.constant 1 : i32
      %scan3A_386:2 = scf.for %scan3A_392 = %scan3A_382 to %scan3A_384 step %scan3A_385 iter_args(%scan3A_393 = %broadcast_in_dim3A_381, %scan3A_394 = %broadcast_in_dim3A_381) -> (vector<16xf32>, vector<16xf32>)  : i32 {
        %mul3A_395 = arith.constant 128 : i32
        %mul3A_396 = arith.muli %scan3A_392, %mul3A_395 : i32
        %add3A_397 = arith.constant 0 : i32
        %add3A_398 = arith.addi %mul3A_396, %add3A_397 : i32
        %get3A_399 = arith.index_cast %scan3A_379 : i32 to index
        %get3A_400 = arith.index_cast %add3A_398 : i32 to index
        %get3A_401 = tpu.vector_load %arg13[%get3A_399, %get3A_400] {strides = array<i32>} : memref<32x1024xf32, #tpu.memory_space<vmem>>, vector<16xf32>,
        %get3A_402 = arith.index_cast %scan3A_379 : i32 to index
        %get3A_403 = arith.index_cast %add3A_398 : i32 to index
        %get3A_404 = tpu.vector_load %arg14[%get3A_402, %get3A_403] {strides = array<i32>} : memref<32x1024xf32, #tpu.memory_space<vmem>>, vector<16xf32>,
        %mul3A_405 = arith.mulf %get3A_401, %get3A_404 : vector<16xf32>
        %add3A_406 = arith.addf %scan3A_393, %mul3A_405 : vector<16xf32>
        %mul3A_407 = arith.constant 128 : i32
        %mul3A_408 = arith.muli %scan3A_392, %mul3A_407 : i32
        %add3A_409 = arith.constant 16 : i32
        %add3A_410 = arith.addi %mul3A_408, %add3A_409 : i32
        %get3A_411 = arith.index_cast %scan3A_379 : i32 to index
        %get3A_412 = arith.index_cast %add3A_410 : i32 to index
        %get3A_413 = tpu.vector_load %arg13[%get3A_411, %get3A_412] {strides = array<i32>} : memref<32x1024xf32, #tpu.memory_space<vmem>>, vector<16xf32>,
        %get3A_414 = arith.index_cast %scan3A_379 : i32 to index
        %get3A_415 = arith.index_cast %add3A_410 : i32 to index
        %get3A_416 = tpu.vector_load %arg14[%get3A_414, %get3A_415] {strides = array<i32>} : memref<32x1024xf32, #tpu.memory_space<vmem>>, vector<16xf32>,
        %mul3A_417 = arith.mulf %get3A_413, %get3A_416 : vector<16xf32>
        %add3A_418 = arith.addf %scan3A_394, %mul3A_417 : vector<16xf32>
        %mul3A_419 = arith.constant 128 : i32
        %mul3A_420 = arith.muli %scan3A_392, %mul3A_419 : i32
        %add3A_421 = arith.constant 32 : i32
        %add3A_422 = arith.addi %mul3A_420, %add3A_421 : i32
        %get3A_423 = arith.index_cast %scan3A_379 : i32 to index
        %get3A_424 = arith.index_cast %add3A_422 : i32 to index
        %get3A_425 = tpu.vector_load %arg13[%get3A_423, %get3A_424] {strides = array<i32>} : memref<32x1024xf32, #tpu.memory_space<vmem>>, vector<16xf32>,
        %get3A_426 = arith.index_cast %scan3A_379 : i32 to index
        %get3A_427 = arith.index_cast %add3A_422 : i32 to index
        %get3A_428 = tpu.vector_load %arg14[%get3A_426, %get3A_427] {strides = array<i32>} : memref<32x1024xf32, #tpu.memory_space<vmem>>, vector<16xf32>,
        %mul3A_429 = arith.mulf %get3A_425, %get3A_428 : vector<16xf32>
        %add3A_430 = arith.addf %add3A_406, %mul3A_429 : vector<16xf32>
        %mul3A_431 = arith.constant 128 : i32
        %mul3A_432 = arith.muli %scan3A_392, %mul3A_431 : i32
        %add3A_433 = arith.constant 48 : i32
        %add3A_434 = arith.addi %mul3A_432, %add3A_433 : i32
        %get3A_435 = arith.index_cast %scan3A_379 : i32 to index
        %get3A_436 = arith.index_cast %add3A_434 : i32 to index
        %get3A_437 = tpu.vector_load %arg13[%get3A_435, %get3A_436] {strides = array<i32>} : memref<32x1024xf32, #tpu.memory_space<vmem>>, vector<16xf32>,
        %get3A_438 = arith.index_cast %scan3A_379 : i32 to index
        %get3A_439 = arith.index_cast %add3A_434 : i32 to index
        %get3A_440 = tpu.vector_load %arg14[%get3A_438, %get3A_439] {strides = array<i32>} : memref<32x1024xf32, #tpu.memory_space<vmem>>, vector<16xf32>,
        %mul3A_441 = arith.mulf %get3A_437, %get3A_440 : vector<16xf32>
        %add3A_442 = arith.addf %add3A_418, %mul3A_441 : vector<16xf32>
        %mul3A_443 = arith.constant 128 : i32
        %mul3A_444 = arith.muli %scan3A_392, %mul3A_443 : i32
        %add3A_445 = arith.constant 64 : i32
        %add3A_446 = arith.addi %mul3A_444, %add3A_445 : i32
        %get3A_447 = arith.index_cast %scan3A_379 : i32 to index
        %get3A_448 = arith.index_cast %add3A_446 : i32 to index
        %get3A_449 = tpu.vector_load %arg13[%get3A_447, %get3A_448] {strides = array<i32>} : memref<32x1024xf32, #tpu.memory_space<vmem>>, vector<16xf32>,
        %get3A_450 = arith.index_cast %scan3A_379 : i32 to index
        %get3A_451 = arith.index_cast %add3A_446 : i32 to index
        %get3A_452 = tpu.vector_load %arg14[%get3A_450, %get3A_451] {strides = array<i32>} : memref<32x1024xf32, #tpu.memory_space<vmem>>, vector<16xf32>,
        %mul3A_453 = arith.mulf %get3A_449, %get3A_452 : vector<16xf32>
        %add3A_454 = arith.addf %add3A_430, %mul3A_453 : vector<16xf32>
        %mul3A_455 = arith.constant 128 : i32
        %mul3A_456 = arith.muli %scan3A_392, %mul3A_455 : i32
        %add3A_457 = arith.constant 80 : i32
        %add3A_458 = arith.addi %mul3A_456, %add3A_457 : i32
        %get3A_459 = arith.index_cast %scan3A_379 : i32 to index
        %get3A_460 = arith.index_cast %add3A_458 : i32 to index
        %get3A_461 = tpu.vector_load %arg13[%get3A_459, %get3A_460] {strides = array<i32>} : memref<32x1024xf32, #tpu.memory_space<vmem>>, vector<16xf32>,
        %get3A_462 = arith.index_cast %scan3A_379 : i32 to index
        %get3A_463 = arith.index_cast %add3A_458 : i32 to index
        %get3A_464 = tpu.vector_load %arg14[%get3A_462, %get3A_463] {strides = array<i32>} : memref<32x1024xf32, #tpu.memory_space<vmem>>, vector<16xf32>,
        %mul3A_465 = arith.mulf %get3A_461, %get3A_464 : vector<16xf32>
        %add3A_466 = arith.addf %add3A_442, %mul3A_465 : vector<16xf32>
        %mul3A_467 = arith.constant 128 : i32
        %mul3A_468 = arith.muli %scan3A_392, %mul3A_467 : i32
        %add3A_469 = arith.constant 96 : i32
        %add3A_470 = arith.addi %mul3A_468, %add3A_469 : i32
        %get3A_471 = arith.index_cast %scan3A_379 : i32 to index
        %get3A_472 = arith.index_cast %add3A_470 : i32 to index
        %get3A_473 = tpu.vector_load %arg13[%get3A_471, %get3A_472] {strides = array<i32>} : memref<32x1024xf32, #tpu.memory_space<vmem>>, vector<16xf32>,
        %get3A_474 = arith.index_cast %scan3A_379 : i32 to index
        %get3A_475 = arith.index_cast %add3A_470 : i32 to index
        %get3A_476 = tpu.vector_load %arg14[%get3A_474, %get3A_475] {strides = array<i32>} : memref<32x1024xf32, #tpu.memory_space<vmem>>, vector<16xf32>,
        %mul3A_477 = arith.mulf %get3A_473, %get3A_476 : vector<16xf32>
        %add3A_478 = arith.addf %add3A_454, %mul3A_477 : vector<16xf32>
        %mul3A_479 = arith.constant 128 : i32
        %mul3A_480 = arith.muli %scan3A_392, %mul3A_479 : i32
        %add3A_481 = arith.constant 112 : i32
        %add3A_482 = arith.addi %mul3A_480, %add3A_481 : i32
        %get3A_483 = arith.index_cast %scan3A_379 : i32 to index
        %get3A_484 = arith.index_cast %add3A_482 : i32 to index
        %get3A_485 = tpu.vector_load %arg13[%get3A_483, %get3A_484] {strides = array<i32>} : memref<32x1024xf32, #tpu.memory_space<vmem>>, vector<16xf32>,
        %get3A_486 = arith.index_cast %scan3A_379 : i32 to index
        %get3A_487 = arith.index_cast %add3A_482 : i32 to index
        %get3A_488 = tpu.vector_load %arg14[%get3A_486, %get3A_487] {strides = array<i32>} : memref<32x1024xf32, #tpu.memory_space<vmem>>, vector<16xf32>,
        %mul3A_489 = arith.mulf %get3A_485, %get3A_488 : vector<16xf32>
        %add3A_490 = arith.addf %add3A_466, %mul3A_489 : vector<16xf32>
        scf.yield %add3A_478, %add3A_490 : vector<16xf32>, vector<16xf32>
      }
      %scan3A_387 = arith.constant 8 : i32
      %add3A_388 = arith.addf %scan3A_386#0, %scan3A_386#1 : vector<16xf32>
      %swap3A_389 = arith.index_cast %scan3A_379 : i32 to index
      %swap3A_390 = arith.constant 0 : index
      %swap3A_391 = tpu.vector_load %arg17[%swap3A_389, %swap3A_390] {strides = array<i32>} : memref<32x16xf32, #tpu.memory_space<vmem>>, vector<16xf32>,
      tpu.vector_store %arg17[%swap3A_389, %swap3A_390], %add3A_388 {strides = array<i32>} : memref<32x16xf32, #tpu.memory_space<vmem>>, vector<16xf32>,
    }
    %scan3A_192 = arith.constant 8 : i32
    %dma_wait3A_193 = arith.constant 24 : i32
    %dma_wait3A_194 = arith.constant 0 : i32
    %dma_wait3A_195 = tpu.memref_slice %arg13[%dma_wait3A_193, %dma_wait3A_194] : memref<32x1024xf32, #tpu.memory_space<vmem>> -> memref<8x1024xf32, #tpu.memory_space<vmem>>
    %dma_wait3A_196 = arith.constant 24 : i32
    %dma_wait3A_197 = tpu.memref_slice %arg12[%dma_wait3A_196] : memref<32xi32, #tpu.memory_space<vmem>> -> memref<8xi32, #tpu.memory_space<vmem>>
    %dma_wait3A_198 = arith.constant 0 : i32
    %dma_wait3A_199 = arith.constant 0 : i32
    %dma_wait3A_200 = tpu.memref_slice %arg2[%dma_wait3A_198, %dma_wait3A_199] : memref<100000x1024xf32, #tpu.memory_space<hbm>> -> memref<100000x1024xf32, #tpu.memory_space<hbm>>
    tpu.wait_indirect_dma semaphore(%arg27 : memref<!tpu.dma_semaphore, #tpu.memory_space<semaphore_mem>>) src(%dma_wait3A_200 : memref<100000x1024xf32, #tpu.memory_space<hbm>>) dst(%dma_wait3A_195 : memref<8x1024xf32, #tpu.memory_space<vmem>>)
    %dma_wait3A_201 = arith.constant 24 : i32
    %dma_wait3A_202 = arith.constant 0 : i32
    %dma_wait3A_203 = tpu.memref_slice %arg14[%dma_wait3A_201, %dma_wait3A_202] : memref<32x1024xf32, #tpu.memory_space<vmem>> -> memref<8x1024xf32, #tpu.memory_space<vmem>>
    %dma_wait3A_204 = arith.constant 24 : i32
    %dma_wait3A_205 = arith.constant 0 : i32
    %dma_wait3A_206 = tpu.memref_slice %arg6[%add3A, %dma_wait3A_204, %dma_wait3A_205] : memref<32x32x1024xf32, #tpu.memory_space<hbm>> -> memref<1x8x1024xf32, #tpu.memory_space<hbm>>
    %dma_wait3A_207 = tpu.memref_squeeze %dma_wait3A_206 : memref<1x8x1024xf32, #tpu.memory_space<hbm>> -> memref<8x1024xf32, #tpu.memory_space<hbm>>
    %dma_wait3A_208 = arith.constant 24 : i32
    %dma_wait3A_209 = arith.constant 0 : i32
    %dma_wait3A_210 = tpu.memref_slice %arg14[%dma_wait3A_208, %dma_wait3A_209] : memref<32x1024xf32, #tpu.memory_space<vmem>> -> memref<8x1024xf32, #tpu.memory_space<vmem>>
    %dma_wait3A_211 = arith.constant 24 : i32
    %dma_wait3A_212 = arith.constant 0 : i32
    %dma_wait3A_213 = tpu.memref_slice %arg6[%add3A, %dma_wait3A_211, %dma_wait3A_212] : memref<32x32x1024xf32, #tpu.memory_space<hbm>> -> memref<1x8x1024xf32, #tpu.memory_space<hbm>>
    %dma_wait3A_214 = tpu.memref_squeeze %dma_wait3A_213 : memref<1x8x1024xf32, #tpu.memory_space<hbm>> -> memref<8x1024xf32, #tpu.memory_space<hbm>>
    tpu.wait_dma2 semaphore(%arg31 : memref<!tpu.dma_semaphore, #tpu.memory_space<semaphore_mem>>) src(%dma_wait3A_214 : memref<8x1024xf32, #tpu.memory_space<hbm>>) dst(%dma_wait3A_210 : memref<8x1024xf32, #tpu.memory_space<vmem>>)
    %scan3A_215 = arith.constant 0 : i32
    %scan3A_216 = arith.constant 24 : i32
    %scan3A_217 = arith.constant 8 : i32
    %scan3A_218 = arith.addi %scan3A_216, %scan3A_217 : i32
    %scan3A_219 = arith.constant 1 : i32
    scf.for %scan3A_379 = %scan3A_216 to %scan3A_218 step %scan3A_219  : i32 {
      %broadcast_in_dim3A_380 = arith.constant 0.000000e+00 : f32
      %broadcast_in_dim3A_381 = vector.broadcast %broadcast_in_dim3A_380 : f32 to vector<16xf32>
      %scan3A_382 = arith.constant 0 : i32
      %scan3A_383 = arith.constant 8 : i32
      %scan3A_384 = arith.addi %scan3A_382, %scan3A_383 : i32
      %scan3A_385 = arith.constant 1 : i32
      %scan3A_386:2 = scf.for %scan3A_392 = %scan3A_382 to %scan3A_384 step %scan3A_385 iter_args(%scan3A_393 = %broadcast_in_dim3A_381, %scan3A_394 = %broadcast_in_dim3A_381) -> (vector<16xf32>, vector<16xf32>)  : i32 {
        %mul3A_395 = arith.constant 128 : i32
        %mul3A_396 = arith.muli %scan3A_392, %mul3A_395 : i32
        %add3A_397 = arith.constant 0 : i32
        %add3A_398 = arith.addi %mul3A_396, %add3A_397 : i32
        %get3A_399 = arith.index_cast %scan3A_379 : i32 to index
        %get3A_400 = arith.index_cast %add3A_398 : i32 to index
        %get3A_401 = tpu.vector_load %arg13[%get3A_399, %get3A_400] {strides = array<i32>} : memref<32x1024xf32, #tpu.memory_space<vmem>>, vector<16xf32>,
        %get3A_402 = arith.index_cast %scan3A_379 : i32 to index
        %get3A_403 = arith.index_cast %add3A_398 : i32 to index
        %get3A_404 = tpu.vector_load %arg14[%get3A_402, %get3A_403] {strides = array<i32>} : memref<32x1024xf32, #tpu.memory_space<vmem>>, vector<16xf32>,
        %mul3A_405 = arith.mulf %get3A_401, %get3A_404 : vector<16xf32>
        %add3A_406 = arith.addf %scan3A_393, %mul3A_405 : vector<16xf32>
        %mul3A_407 = arith.constant 128 : i32
        %mul3A_408 = arith.muli %scan3A_392, %mul3A_407 : i32
        %add3A_409 = arith.constant 16 : i32
        %add3A_410 = arith.addi %mul3A_408, %add3A_409 : i32
        %get3A_411 = arith.index_cast %scan3A_379 : i32 to index
        %get3A_412 = arith.index_cast %add3A_410 : i32 to index
        %get3A_413 = tpu.vector_load %arg13[%get3A_411, %get3A_412] {strides = array<i32>} : memref<32x1024xf32, #tpu.memory_space<vmem>>, vector<16xf32>,
        %get3A_414 = arith.index_cast %scan3A_379 : i32 to index
        %get3A_415 = arith.index_cast %add3A_410 : i32 to index
        %get3A_416 = tpu.vector_load %arg14[%get3A_414, %get3A_415] {strides = array<i32>} : memref<32x1024xf32, #tpu.memory_space<vmem>>, vector<16xf32>,
        %mul3A_417 = arith.mulf %get3A_413, %get3A_416 : vector<16xf32>
        %add3A_418 = arith.addf %scan3A_394, %mul3A_417 : vector<16xf32>
        %mul3A_419 = arith.constant 128 : i32
        %mul3A_420 = arith.muli %scan3A_392, %mul3A_419 : i32
        %add3A_421 = arith.constant 32 : i32
        %add3A_422 = arith.addi %mul3A_420, %add3A_421 : i32
        %get3A_423 = arith.index_cast %scan3A_379 : i32 to index
        %get3A_424 = arith.index_cast %add3A_422 : i32 to index
        %get3A_425 = tpu.vector_load %arg13[%get3A_423, %get3A_424] {strides = array<i32>} : memref<32x1024xf32, #tpu.memory_space<vmem>>, vector<16xf32>,
        %get3A_426 = arith.index_cast %scan3A_379 : i32 to index
        %get3A_427 = arith.index_cast %add3A_422 : i32 to index
        %get3A_428 = tpu.vector_load %arg14[%get3A_426, %get3A_427] {strides = array<i32>} : memref<32x1024xf32, #tpu.memory_space<vmem>>, vector<16xf32>,
        %mul3A_429 = arith.mulf %get3A_425, %get3A_428 : vector<16xf32>
        %add3A_430 = arith.addf %add3A_406, %mul3A_429 : vector<16xf32>
        %mul3A_431 = arith.constant 128 : i32
        %mul3A_432 = arith.muli %scan3A_392, %mul3A_431 : i32
        %add3A_433 = arith.constant 48 : i32
        %add3A_434 = arith.addi %mul3A_432, %add3A_433 : i32
        %get3A_435 = arith.index_cast %scan3A_379 : i32 to index
        %get3A_436 = arith.index_cast %add3A_434 : i32 to index
        %get3A_437 = tpu.vector_load %arg13[%get3A_435, %get3A_436] {strides = array<i32>} : memref<32x1024xf32, #tpu.memory_space<vmem>>, vector<16xf32>,
        %get3A_438 = arith.index_cast %scan3A_379 : i32 to index
        %get3A_439 = arith.index_cast %add3A_434 : i32 to index
        %get3A_440 = tpu.vector_load %arg14[%get3A_438, %get3A_439] {strides = array<i32>} : memref<32x1024xf32, #tpu.memory_space<vmem>>, vector<16xf32>,
        %mul3A_441 = arith.mulf %get3A_437, %get3A_440 : vector<16xf32>
        %add3A_442 = arith.addf %add3A_418, %mul3A_441 : vector<16xf32>
        %mul3A_443 = arith.constant 128 : i32
        %mul3A_444 = arith.muli %scan3A_392, %mul3A_443 : i32
        %add3A_445 = arith.constant 64 : i32
        %add3A_446 = arith.addi %mul3A_444, %add3A_445 : i32
        %get3A_447 = arith.index_cast %scan3A_379 : i32 to index
        %get3A_448 = arith.index_cast %add3A_446 : i32 to index
        %get3A_449 = tpu.vector_load %arg13[%get3A_447, %get3A_448] {strides = array<i32>} : memref<32x1024xf32, #tpu.memory_space<vmem>>, vector<16xf32>,
        %get3A_450 = arith.index_cast %scan3A_379 : i32 to index
        %get3A_451 = arith.index_cast %add3A_446 : i32 to index
        %get3A_452 = tpu.vector_load %arg14[%get3A_450, %get3A_451] {strides = array<i32>} : memref<32x1024xf32, #tpu.memory_space<vmem>>, vector<16xf32>,
        %mul3A_453 = arith.mulf %get3A_449, %get3A_452 : vector<16xf32>
        %add3A_454 = arith.addf %add3A_430, %mul3A_453 : vector<16xf32>
        %mul3A_455 = arith.constant 128 : i32
        %mul3A_456 = arith.muli %scan3A_392, %mul3A_455 : i32
        %add3A_457 = arith.constant 80 : i32
        %add3A_458 = arith.addi %mul3A_456, %add3A_457 : i32
        %get3A_459 = arith.index_cast %scan3A_379 : i32 to index
        %get3A_460 = arith.index_cast %add3A_458 : i32 to index
        %get3A_461 = tpu.vector_load %arg13[%get3A_459, %get3A_460] {strides = array<i32>} : memref<32x1024xf32, #tpu.memory_space<vmem>>, vector<16xf32>,
        %get3A_462 = arith.index_cast %scan3A_379 : i32 to index
        %get3A_463 = arith.index_cast %add3A_458 : i32 to index
        %get3A_464 = tpu.vector_load %arg14[%get3A_462, %get3A_463] {strides = array<i32>} : memref<32x1024xf32, #tpu.memory_space<vmem>>, vector<16xf32>,
        %mul3A_465 = arith.mulf %get3A_461, %get3A_464 : vector<16xf32>
        %add3A_466 = arith.addf %add3A_442, %mul3A_465 : vector<16xf32>
        %mul3A_467 = arith.constant 128 : i32
        %mul3A_468 = arith.muli %scan3A_392, %mul3A_467 : i32
        %add3A_469 = arith.constant 96 : i32
        %add3A_470 = arith.addi %mul3A_468, %add3A_469 : i32
        %get3A_471 = arith.index_cast %scan3A_379 : i32 to index
        %get3A_472 = arith.index_cast %add3A_470 : i32 to index
        %get3A_473 = tpu.vector_load %arg13[%get3A_471, %get3A_472] {strides = array<i32>} : memref<32x1024xf32, #tpu.memory_space<vmem>>, vector<16xf32>,
        %get3A_474 = arith.index_cast %scan3A_379 : i32 to index
        %get3A_475 = arith.index_cast %add3A_470 : i32 to index
        %get3A_476 = tpu.vector_load %arg14[%get3A_474, %get3A_475] {strides = array<i32>} : memref<32x1024xf32, #tpu.memory_space<vmem>>, vector<16xf32>,
        %mul3A_477 = arith.mulf %get3A_473, %get3A_476 : vector<16xf32>
        %add3A_478 = arith.addf %add3A_454, %mul3A_477 : vector<16xf32>
        %mul3A_479 = arith.constant 128 : i32
        %mul3A_480 = arith.muli %scan3A_392, %mul3A_479 : i32
        %add3A_481 = arith.constant 112 : i32
        %add3A_482 = arith.addi %mul3A_480, %add3A_481 : i32
        %get3A_483 = arith.index_cast %scan3A_379 : i32 to index
        %get3A_484 = arith.index_cast %add3A_482 : i32 to index
        %get3A_485 = tpu.vector_load %arg13[%get3A_483, %get3A_484] {strides = array<i32>} : memref<32x1024xf32, #tpu.memory_space<vmem>>, vector<16xf32>,
        %get3A_486 = arith.index_cast %scan3A_379 : i32 to index
        %get3A_487 = arith.index_cast %add3A_482 : i32 to index
        %get3A_488 = tpu.vector_load %arg14[%get3A_486, %get3A_487] {strides = array<i32>} : memref<32x1024xf32, #tpu.memory_space<vmem>>, vector<16xf32>,
        %mul3A_489 = arith.mulf %get3A_485, %get3A_488 : vector<16xf32>
        %add3A_490 = arith.addf %add3A_466, %mul3A_489 : vector<16xf32>
        scf.yield %add3A_478, %add3A_490 : vector<16xf32>, vector<16xf32>
      }
      %scan3A_387 = arith.constant 8 : i32
      %add3A_388 = arith.addf %scan3A_386#0, %scan3A_386#1 : vector<16xf32>
      %swap3A_389 = arith.index_cast %scan3A_379 : i32 to index
      %swap3A_390 = arith.constant 0 : index
      %swap3A_391 = tpu.vector_load %arg17[%swap3A_389, %swap3A_390] {strides = array<i32>} : memref<32x16xf32, #tpu.memory_space<vmem>>, vector<16xf32>,
      tpu.vector_store %arg17[%swap3A_389, %swap3A_390], %add3A_388 {strides = array<i32>} : memref<32x16xf32, #tpu.memory_space<vmem>>, vector<16xf32>,
    }
    %scan3A_220 = arith.constant 8 : i32
    %convert_element_type3A_221 = arith.extui %eq3A_3 : i1 to i32
    %cond3A_222 = arith.constant 0 : i32
    %cond3A_223 = arith.cmpi ne, %convert_element_type3A_221, %cond3A_222 : i32
    scf.if %cond3A_223 {
      %dma_wait3A_379 = arith.constant 0 : i32
      %dma_wait3A_380 = tpu.memref_slice %arg3[%dma_wait3A_379] : memref<100000xf32, #tpu.memory_space<hbm>> -> memref<100000xf32, #tpu.memory_space<hbm>>
      tpu.wait_indirect_dma semaphore(%arg34 : memref<!tpu.dma_semaphore, #tpu.memory_space<semaphore_mem>>) src(%dma_wait3A_380 : memref<100000xf32, #tpu.memory_space<hbm>>) dst(%arg20 : memref<100xf32, #tpu.memory_space<vmem>>)
      %dma_wait3A_381 = arith.constant 0 : i32
      %dma_wait3A_382 = tpu.memref_slice %arg4[%dma_wait3A_381] : memref<100000xf32, #tpu.memory_space<hbm>> -> memref<100000xf32, #tpu.memory_space<hbm>>
      tpu.wait_indirect_dma semaphore(%arg35 : memref<!tpu.dma_semaphore, #tpu.memory_space<semaphore_mem>>) src(%dma_wait3A_382 : memref<100000xf32, #tpu.memory_space<hbm>>) dst(%arg21 : memref<100xf32, #tpu.memory_space<vmem>>)
      tpu.enqueue_dma source(%arg20 : memref<100xf32, #tpu.memory_space<vmem>>) target(%arg10 : memref<100xf32, #tpu.memory_space<hbm>>) target_semaphore(%arg37 : memref<!tpu.dma_semaphore, #tpu.memory_space<semaphore_mem>>)
      tpu.enqueue_dma source(%arg21 : memref<100xf32, #tpu.memory_space<vmem>>) target(%arg11 : memref<100xf32, #tpu.memory_space<hbm>>) target_semaphore(%arg38 : memref<!tpu.dma_semaphore, #tpu.memory_space<semaphore_mem>>)
    } else {
    }
    %dma_wait3A_224 = arith.constant 0 : i32
    %dma_wait3A_225 = tpu.memref_slice %arg4[%dma_wait3A_224] : memref<100000xf32, #tpu.memory_space<hbm>> -> memref<100000xf32, #tpu.memory_space<hbm>>
    tpu.wait_indirect_dma semaphore(%arg33 : memref<!tpu.dma_semaphore, #tpu.memory_space<semaphore_mem>>) src(%dma_wait3A_225 : memref<100000xf32, #tpu.memory_space<hbm>>) dst(%arg16 : memref<32xf32, #tpu.memory_space<vmem>>)
    %dma_start3A_226 = tpu.memref_slice %arg9[%mul3A_2] : memref<1024xf32, #tpu.memory_space<hbm>> -> memref<32xf32, #tpu.memory_space<hbm>>
    %dma_start3A_227 = tpu.memref_slice %arg9[%mul3A_2] : memref<1024xf32, #tpu.memory_space<hbm>> -> memref<32xf32, #tpu.memory_space<hbm>>
    tpu.enqueue_dma source(%arg16 : memref<32xf32, #tpu.memory_space<vmem>>) target(%dma_start3A_227 : memref<32xf32, #tpu.memory_space<hbm>>) target_semaphore(%arg36 : memref<!tpu.dma_semaphore, #tpu.memory_space<semaphore_mem>>)
    %dma_wait3A_228 = arith.constant 0 : i32
    %dma_wait3A_229 = tpu.memref_slice %arg3[%dma_wait3A_228] : memref<100000xf32, #tpu.memory_space<hbm>> -> memref<100000xf32, #tpu.memory_space<hbm>>
    tpu.wait_indirect_dma semaphore(%arg32 : memref<!tpu.dma_semaphore, #tpu.memory_space<semaphore_mem>>) src(%dma_wait3A_229 : memref<100000xf32, #tpu.memory_space<hbm>>) dst(%arg15 : memref<32xf32, #tpu.memory_space<vmem>>)
    %iota3A = tpu.iota {dimensions = array<i32: 0>} : vector<16xi32>
    %add3A_230 = arith.constant 0 : i32
    %add3A_231 = vector.broadcast %add3A_230 : i32 to vector<16xi32>
    %add3A_232 = arith.addi %iota3A, %add3A_231 : vector<16xi32>
    %broadcast_in_dim3A = arith.constant 0.000000e+00 : f32
    %broadcast_in_dim3A_233 = vector.broadcast %broadcast_in_dim3A : f32 to vector<16xf32>
    %broadcast_in_dim3A_234 = arith.constant 0 : i32
    %broadcast_in_dim3A_235 = vector.broadcast %broadcast_in_dim3A_234 : i32 to vector<16xi32>
    %gather3A = tpu.vector_load_idx %arg17[%add3A_232, %broadcast_in_dim3A_235] : memref<32x16xf32, #tpu.memory_space<vmem>>[vector<16xi32>, vector<16xi32>], vector<16xf32>,
    %add3A_236 = arith.addf %broadcast_in_dim3A_233, %gather3A : vector<16xf32>
    %broadcast_in_dim3A_237 = arith.constant 1 : i32
    %broadcast_in_dim3A_238 = vector.broadcast %broadcast_in_dim3A_237 : i32 to vector<16xi32>
    %gather3A_239 = tpu.vector_load_idx %arg17[%add3A_232, %broadcast_in_dim3A_238] : memref<32x16xf32, #tpu.memory_space<vmem>>[vector<16xi32>, vector<16xi32>], vector<16xf32>,
    %add3A_240 = arith.addf %add3A_236, %gather3A_239 : vector<16xf32>
    %broadcast_in_dim3A_241 = arith.constant 2 : i32
    %broadcast_in_dim3A_242 = vector.broadcast %broadcast_in_dim3A_241 : i32 to vector<16xi32>
    %gather3A_243 = tpu.vector_load_idx %arg17[%add3A_232, %broadcast_in_dim3A_242] : memref<32x16xf32, #tpu.memory_space<vmem>>[vector<16xi32>, vector<16xi32>], vector<16xf32>,
    %add3A_244 = arith.addf %add3A_240, %gather3A_243 : vector<16xf32>
    %broadcast_in_dim3A_245 = arith.constant 3 : i32
    %broadcast_in_dim3A_246 = vector.broadcast %broadcast_in_dim3A_245 : i32 to vector<16xi32>
    %gather3A_247 = tpu.vector_load_idx %arg17[%add3A_232, %broadcast_in_dim3A_246] : memref<32x16xf32, #tpu.memory_space<vmem>>[vector<16xi32>, vector<16xi32>], vector<16xf32>,
    %add3A_248 = arith.addf %add3A_244, %gather3A_247 : vector<16xf32>
    %broadcast_in_dim3A_249 = arith.constant 4 : i32
    %broadcast_in_dim3A_250 = vector.broadcast %broadcast_in_dim3A_249 : i32 to vector<16xi32>
    %gather3A_251 = tpu.vector_load_idx %arg17[%add3A_232, %broadcast_in_dim3A_250] : memref<32x16xf32, #tpu.memory_space<vmem>>[vector<16xi32>, vector<16xi32>], vector<16xf32>,
    %add3A_252 = arith.addf %add3A_248, %gather3A_251 : vector<16xf32>
    %broadcast_in_dim3A_253 = arith.constant 5 : i32
    %broadcast_in_dim3A_254 = vector.broadcast %broadcast_in_dim3A_253 : i32 to vector<16xi32>
    %gather3A_255 = tpu.vector_load_idx %arg17[%add3A_232, %broadcast_in_dim3A_254] : memref<32x16xf32, #tpu.memory_space<vmem>>[vector<16xi32>, vector<16xi32>], vector<16xf32>,
    %add3A_256 = arith.addf %add3A_252, %gather3A_255 : vector<16xf32>
    %broadcast_in_dim3A_257 = arith.constant 6 : i32
    %broadcast_in_dim3A_258 = vector.broadcast %broadcast_in_dim3A_257 : i32 to vector<16xi32>
    %gather3A_259 = tpu.vector_load_idx %arg17[%add3A_232, %broadcast_in_dim3A_258] : memref<32x16xf32, #tpu.memory_space<vmem>>[vector<16xi32>, vector<16xi32>], vector<16xf32>,
    %add3A_260 = arith.addf %add3A_256, %gather3A_259 : vector<16xf32>
    %broadcast_in_dim3A_261 = arith.constant 7 : i32
    %broadcast_in_dim3A_262 = vector.broadcast %broadcast_in_dim3A_261 : i32 to vector<16xi32>
    %gather3A_263 = tpu.vector_load_idx %arg17[%add3A_232, %broadcast_in_dim3A_262] : memref<32x16xf32, #tpu.memory_space<vmem>>[vector<16xi32>, vector<16xi32>], vector<16xf32>,
    %add3A_264 = arith.addf %add3A_260, %gather3A_263 : vector<16xf32>
    %broadcast_in_dim3A_265 = arith.constant 8 : i32
    %broadcast_in_dim3A_266 = vector.broadcast %broadcast_in_dim3A_265 : i32 to vector<16xi32>
    %gather3A_267 = tpu.vector_load_idx %arg17[%add3A_232, %broadcast_in_dim3A_266] : memref<32x16xf32, #tpu.memory_space<vmem>>[vector<16xi32>, vector<16xi32>], vector<16xf32>,
    %add3A_268 = arith.addf %add3A_264, %gather3A_267 : vector<16xf32>
    %broadcast_in_dim3A_269 = arith.constant 9 : i32
    %broadcast_in_dim3A_270 = vector.broadcast %broadcast_in_dim3A_269 : i32 to vector<16xi32>
    %gather3A_271 = tpu.vector_load_idx %arg17[%add3A_232, %broadcast_in_dim3A_270] : memref<32x16xf32, #tpu.memory_space<vmem>>[vector<16xi32>, vector<16xi32>], vector<16xf32>,
    %add3A_272 = arith.addf %add3A_268, %gather3A_271 : vector<16xf32>
    %broadcast_in_dim3A_273 = arith.constant 10 : i32
    %broadcast_in_dim3A_274 = vector.broadcast %broadcast_in_dim3A_273 : i32 to vector<16xi32>
    %gather3A_275 = tpu.vector_load_idx %arg17[%add3A_232, %broadcast_in_dim3A_274] : memref<32x16xf32, #tpu.memory_space<vmem>>[vector<16xi32>, vector<16xi32>], vector<16xf32>,
    %add3A_276 = arith.addf %add3A_272, %gather3A_275 : vector<16xf32>
    %broadcast_in_dim3A_277 = arith.constant 11 : i32
    %broadcast_in_dim3A_278 = vector.broadcast %broadcast_in_dim3A_277 : i32 to vector<16xi32>
    %gather3A_279 = tpu.vector_load_idx %arg17[%add3A_232, %broadcast_in_dim3A_278] : memref<32x16xf32, #tpu.memory_space<vmem>>[vector<16xi32>, vector<16xi32>], vector<16xf32>,
    %add3A_280 = arith.addf %add3A_276, %gather3A_279 : vector<16xf32>
    %broadcast_in_dim3A_281 = arith.constant 12 : i32
    %broadcast_in_dim3A_282 = vector.broadcast %broadcast_in_dim3A_281 : i32 to vector<16xi32>
    %gather3A_283 = tpu.vector_load_idx %arg17[%add3A_232, %broadcast_in_dim3A_282] : memref<32x16xf32, #tpu.memory_space<vmem>>[vector<16xi32>, vector<16xi32>], vector<16xf32>,
    %add3A_284 = arith.addf %add3A_280, %gather3A_283 : vector<16xf32>
    %broadcast_in_dim3A_285 = arith.constant 13 : i32
    %broadcast_in_dim3A_286 = vector.broadcast %broadcast_in_dim3A_285 : i32 to vector<16xi32>
    %gather3A_287 = tpu.vector_load_idx %arg17[%add3A_232, %broadcast_in_dim3A_286] : memref<32x16xf32, #tpu.memory_space<vmem>>[vector<16xi32>, vector<16xi32>], vector<16xf32>,
    %add3A_288 = arith.addf %add3A_284, %gather3A_287 : vector<16xf32>
    %broadcast_in_dim3A_289 = arith.constant 14 : i32
    %broadcast_in_dim3A_290 = vector.broadcast %broadcast_in_dim3A_289 : i32 to vector<16xi32>
    %gather3A_291 = tpu.vector_load_idx %arg17[%add3A_232, %broadcast_in_dim3A_290] : memref<32x16xf32, #tpu.memory_space<vmem>>[vector<16xi32>, vector<16xi32>], vector<16xf32>,
    %add3A_292 = arith.addf %add3A_288, %gather3A_291 : vector<16xf32>
    %broadcast_in_dim3A_293 = arith.constant 15 : i32
    %broadcast_in_dim3A_294 = vector.broadcast %broadcast_in_dim3A_293 : i32 to vector<16xi32>
    %gather3A_295 = tpu.vector_load_idx %arg17[%add3A_232, %broadcast_in_dim3A_294] : memref<32x16xf32, #tpu.memory_space<vmem>>[vector<16xi32>, vector<16xi32>], vector<16xf32>,
    %add3A_296 = arith.addf %add3A_292, %gather3A_295 : vector<16xf32>
    %get3A = arith.constant 0 : index
    %get3A_297 = tpu.vector_load %arg15[%get3A] {strides = array<i32>} : memref<32xf32, #tpu.memory_space<vmem>>, vector<16xf32>,
    %add3A_298 = arith.addf %add3A_296, %get3A_297 : vector<16xf32>
    %swap3A = arith.constant 0 : index
    %swap3A_299 = tpu.vector_load %arg18[%swap3A] {strides = array<i32>} : memref<32xf32, #tpu.memory_space<vmem>>, vector<16xf32>,
    tpu.vector_store %arg18[%swap3A], %add3A_298 {strides = array<i32>} : memref<32xf32, #tpu.memory_space<vmem>>, vector<16xf32>,
    %add3A_300 = arith.constant 16 : i32
    %add3A_301 = vector.broadcast %add3A_300 : i32 to vector<16xi32>
    %add3A_302 = arith.addi %iota3A, %add3A_301 : vector<16xi32>
    %broadcast_in_dim3A_303 = arith.constant 0.000000e+00 : f32
    %broadcast_in_dim3A_304 = vector.broadcast %broadcast_in_dim3A_303 : f32 to vector<16xf32>
    %broadcast_in_dim3A_305 = arith.constant 0 : i32
    %broadcast_in_dim3A_306 = vector.broadcast %broadcast_in_dim3A_305 : i32 to vector<16xi32>
    %gather3A_307 = tpu.vector_load_idx %arg17[%add3A_302, %broadcast_in_dim3A_306] : memref<32x16xf32, #tpu.memory_space<vmem>>[vector<16xi32>, vector<16xi32>], vector<16xf32>,
    %add3A_308 = arith.addf %broadcast_in_dim3A_304, %gather3A_307 : vector<16xf32>
    %broadcast_in_dim3A_309 = arith.constant 1 : i32
    %broadcast_in_dim3A_310 = vector.broadcast %broadcast_in_dim3A_309 : i32 to vector<16xi32>
    %gather3A_311 = tpu.vector_load_idx %arg17[%add3A_302, %broadcast_in_dim3A_310] : memref<32x16xf32, #tpu.memory_space<vmem>>[vector<16xi32>, vector<16xi32>], vector<16xf32>,
    %add3A_312 = arith.addf %add3A_308, %gather3A_311 : vector<16xf32>
    %broadcast_in_dim3A_313 = arith.constant 2 : i32
    %broadcast_in_dim3A_314 = vector.broadcast %broadcast_in_dim3A_313 : i32 to vector<16xi32>
    %gather3A_315 = tpu.vector_load_idx %arg17[%add3A_302, %broadcast_in_dim3A_314] : memref<32x16xf32, #tpu.memory_space<vmem>>[vector<16xi32>, vector<16xi32>], vector<16xf32>,
    %add3A_316 = arith.addf %add3A_312, %gather3A_315 : vector<16xf32>
    %broadcast_in_dim3A_317 = arith.constant 3 : i32
    %broadcast_in_dim3A_318 = vector.broadcast %broadcast_in_dim3A_317 : i32 to vector<16xi32>
    %gather3A_319 = tpu.vector_load_idx %arg17[%add3A_302, %broadcast_in_dim3A_318] : memref<32x16xf32, #tpu.memory_space<vmem>>[vector<16xi32>, vector<16xi32>], vector<16xf32>,
    %add3A_320 = arith.addf %add3A_316, %gather3A_319 : vector<16xf32>
    %broadcast_in_dim3A_321 = arith.constant 4 : i32
    %broadcast_in_dim3A_322 = vector.broadcast %broadcast_in_dim3A_321 : i32 to vector<16xi32>
    %gather3A_323 = tpu.vector_load_idx %arg17[%add3A_302, %broadcast_in_dim3A_322] : memref<32x16xf32, #tpu.memory_space<vmem>>[vector<16xi32>, vector<16xi32>], vector<16xf32>,
    %add3A_324 = arith.addf %add3A_320, %gather3A_323 : vector<16xf32>
    %broadcast_in_dim3A_325 = arith.constant 5 : i32
    %broadcast_in_dim3A_326 = vector.broadcast %broadcast_in_dim3A_325 : i32 to vector<16xi32>
    %gather3A_327 = tpu.vector_load_idx %arg17[%add3A_302, %broadcast_in_dim3A_326] : memref<32x16xf32, #tpu.memory_space<vmem>>[vector<16xi32>, vector<16xi32>], vector<16xf32>,
    %add3A_328 = arith.addf %add3A_324, %gather3A_327 : vector<16xf32>
    %broadcast_in_dim3A_329 = arith.constant 6 : i32
    %broadcast_in_dim3A_330 = vector.broadcast %broadcast_in_dim3A_329 : i32 to vector<16xi32>
    %gather3A_331 = tpu.vector_load_idx %arg17[%add3A_302, %broadcast_in_dim3A_330] : memref<32x16xf32, #tpu.memory_space<vmem>>[vector<16xi32>, vector<16xi32>], vector<16xf32>,
    %add3A_332 = arith.addf %add3A_328, %gather3A_331 : vector<16xf32>
    %broadcast_in_dim3A_333 = arith.constant 7 : i32
    %broadcast_in_dim3A_334 = vector.broadcast %broadcast_in_dim3A_333 : i32 to vector<16xi32>
    %gather3A_335 = tpu.vector_load_idx %arg17[%add3A_302, %broadcast_in_dim3A_334] : memref<32x16xf32, #tpu.memory_space<vmem>>[vector<16xi32>, vector<16xi32>], vector<16xf32>,
    %add3A_336 = arith.addf %add3A_332, %gather3A_335 : vector<16xf32>
    %broadcast_in_dim3A_337 = arith.constant 8 : i32
    %broadcast_in_dim3A_338 = vector.broadcast %broadcast_in_dim3A_337 : i32 to vector<16xi32>
    %gather3A_339 = tpu.vector_load_idx %arg17[%add3A_302, %broadcast_in_dim3A_338] : memref<32x16xf32, #tpu.memory_space<vmem>>[vector<16xi32>, vector<16xi32>], vector<16xf32>,
    %add3A_340 = arith.addf %add3A_336, %gather3A_339 : vector<16xf32>
    %broadcast_in_dim3A_341 = arith.constant 9 : i32
    %broadcast_in_dim3A_342 = vector.broadcast %broadcast_in_dim3A_341 : i32 to vector<16xi32>
    %gather3A_343 = tpu.vector_load_idx %arg17[%add3A_302, %broadcast_in_dim3A_342] : memref<32x16xf32, #tpu.memory_space<vmem>>[vector<16xi32>, vector<16xi32>], vector<16xf32>,
    %add3A_344 = arith.addf %add3A_340, %gather3A_343 : vector<16xf32>
    %broadcast_in_dim3A_345 = arith.constant 10 : i32
    %broadcast_in_dim3A_346 = vector.broadcast %broadcast_in_dim3A_345 : i32 to vector<16xi32>
    %gather3A_347 = tpu.vector_load_idx %arg17[%add3A_302, %broadcast_in_dim3A_346] : memref<32x16xf32, #tpu.memory_space<vmem>>[vector<16xi32>, vector<16xi32>], vector<16xf32>,
    %add3A_348 = arith.addf %add3A_344, %gather3A_347 : vector<16xf32>
    %broadcast_in_dim3A_349 = arith.constant 11 : i32
    %broadcast_in_dim3A_350 = vector.broadcast %broadcast_in_dim3A_349 : i32 to vector<16xi32>
    %gather3A_351 = tpu.vector_load_idx %arg17[%add3A_302, %broadcast_in_dim3A_350] : memref<32x16xf32, #tpu.memory_space<vmem>>[vector<16xi32>, vector<16xi32>], vector<16xf32>,
    %add3A_352 = arith.addf %add3A_348, %gather3A_351 : vector<16xf32>
    %broadcast_in_dim3A_353 = arith.constant 12 : i32
    %broadcast_in_dim3A_354 = vector.broadcast %broadcast_in_dim3A_353 : i32 to vector<16xi32>
    %gather3A_355 = tpu.vector_load_idx %arg17[%add3A_302, %broadcast_in_dim3A_354] : memref<32x16xf32, #tpu.memory_space<vmem>>[vector<16xi32>, vector<16xi32>], vector<16xf32>,
    %add3A_356 = arith.addf %add3A_352, %gather3A_355 : vector<16xf32>
    %broadcast_in_dim3A_357 = arith.constant 13 : i32
    %broadcast_in_dim3A_358 = vector.broadcast %broadcast_in_dim3A_357 : i32 to vector<16xi32>
    %gather3A_359 = tpu.vector_load_idx %arg17[%add3A_302, %broadcast_in_dim3A_358] : memref<32x16xf32, #tpu.memory_space<vmem>>[vector<16xi32>, vector<16xi32>], vector<16xf32>,
    %add3A_360 = arith.addf %add3A_356, %gather3A_359 : vector<16xf32>
    %broadcast_in_dim3A_361 = arith.constant 14 : i32
    %broadcast_in_dim3A_362 = vector.broadcast %broadcast_in_dim3A_361 : i32 to vector<16xi32>
    %gather3A_363 = tpu.vector_load_idx %arg17[%add3A_302, %broadcast_in_dim3A_362] : memref<32x16xf32, #tpu.memory_space<vmem>>[vector<16xi32>, vector<16xi32>], vector<16xf32>,
    %add3A_364 = arith.addf %add3A_360, %gather3A_363 : vector<16xf32>
    %broadcast_in_dim3A_365 = arith.constant 15 : i32
    %broadcast_in_dim3A_366 = vector.broadcast %broadcast_in_dim3A_365 : i32 to vector<16xi32>
    %gather3A_367 = tpu.vector_load_idx %arg17[%add3A_302, %broadcast_in_dim3A_366] : memref<32x16xf32, #tpu.memory_space<vmem>>[vector<16xi32>, vector<16xi32>], vector<16xf32>,
    %add3A_368 = arith.addf %add3A_364, %gather3A_367 : vector<16xf32>
    %get3A_369 = arith.constant 16 : index
    %get3A_370 = tpu.vector_load %arg15[%get3A_369] {strides = array<i32>} : memref<32xf32, #tpu.memory_space<vmem>>, vector<16xf32>,
    %add3A_371 = arith.addf %add3A_368, %get3A_370 : vector<16xf32>
    %swap3A_372 = arith.constant 16 : index
    %swap3A_373 = tpu.vector_load %arg18[%swap3A_372] {strides = array<i32>} : memref<32xf32, #tpu.memory_space<vmem>>, vector<16xf32>,
    tpu.vector_store %arg18[%swap3A_372], %add3A_371 {strides = array<i32>} : memref<32xf32, #tpu.memory_space<vmem>>, vector<16xf32>,
    "tpu.region"() ({
      %run_scoped3A = tpu.sem_alloc : memref<!tpu.dma_semaphore, #tpu.memory_space<semaphore_mem>>
      %dma_start3A_379 = tpu.memref_slice %arg8[%mul3A_2] : memref<1024xf32, #tpu.memory_space<hbm>> -> memref<32xf32, #tpu.memory_space<hbm>>
      %dma_start3A_380 = tpu.memref_slice %arg8[%mul3A_2] : memref<1024xf32, #tpu.memory_space<hbm>> -> memref<32xf32, #tpu.memory_space<hbm>>
      tpu.enqueue_dma source(%arg18 : memref<32xf32, #tpu.memory_space<vmem>>) target(%dma_start3A_380 : memref<32xf32, #tpu.memory_space<hbm>>) target_semaphore(%run_scoped3A : memref<!tpu.dma_semaphore, #tpu.memory_space<semaphore_mem>>)
      %dma_wait3A_381 = tpu.memref_slice %arg8[%mul3A_2] : memref<1024xf32, #tpu.memory_space<hbm>> -> memref<32xf32, #tpu.memory_space<hbm>>
      %dma_wait3A_382 = tpu.memref_slice %arg8[%mul3A_2] : memref<1024xf32, #tpu.memory_space<hbm>> -> memref<32xf32, #tpu.memory_space<hbm>>
      tpu.wait_dma2 semaphore(%run_scoped3A : memref<!tpu.dma_semaphore, #tpu.memory_space<semaphore_mem>>) src(%arg18 : memref<32xf32, #tpu.memory_space<vmem>>) dst(%dma_wait3A_382 : memref<32xf32, #tpu.memory_space<hbm>>)
      tpu.yield
    }) : () -> ()
    %dma_wait3A_374 = tpu.memref_slice %arg9[%mul3A_2] : memref<1024xf32, #tpu.memory_space<hbm>> -> memref<32xf32, #tpu.memory_space<hbm>>
    %dma_wait3A_375 = tpu.memref_slice %arg9[%mul3A_2] : memref<1024xf32, #tpu.memory_space<hbm>> -> memref<32xf32, #tpu.memory_space<hbm>>
    tpu.wait_dma2 semaphore(%arg36 : memref<!tpu.dma_semaphore, #tpu.memory_space<semaphore_mem>>) src(%arg16 : memref<32xf32, #tpu.memory_space<vmem>>) dst(%dma_wait3A_375 : memref<32xf32, #tpu.memory_space<hbm>>)
    %convert_element_type3A_376 = arith.extui %eq3A_3 : i1 to i32
    %cond3A_377 = arith.constant 0 : i32
    %cond3A_378 = arith.cmpi ne, %convert_element_type3A_376, %cond3A_377 : i32
    scf.if %cond3A_378 {
      tpu.wait_dma2 semaphore(%arg37 : memref<!tpu.dma_semaphore, #tpu.memory_space<semaphore_mem>>) src(%arg20 : memref<100xf32, #tpu.memory_space<vmem>>) dst(%arg10 : memref<100xf32, #tpu.memory_space<hbm>>)
      tpu.wait_dma2 semaphore(%arg38 : memref<!tpu.dma_semaphore, #tpu.memory_space<semaphore_mem>>) src(%arg21 : memref<100xf32, #tpu.memory_space<vmem>>) dst(%arg11 : memref<100xf32, #tpu.memory_space<hbm>>)
    } else {
    }
    return
  }
}

module attributes {stable_mosaic.version = 14 : i64} {
  func.func @_tcmat_body(%arg0: memref<100xi32, #tpu.memory_space<smem>>, %arg1: memref<32x32x1024xf32, #tpu.memory_space<vmem>>, %arg2: memref<100000x1024xf32, #tpu.memory_space<any>>, %arg3: memref<1024x128xf32, #tpu.memory_space<vmem>>, %arg4: memref<128x1024xf32, #tpu.memory_space<vmem>>, %arg5: memref<!tpu.dma_semaphore, #tpu.memory_space<semaphore_mem>>) attributes {dimension_semantics = [], scalar_prefetch = 0 : i64, scratch_operands = 2 : i64, tpu.core_type = #tpu.core_type<tc>} {
    %get3A = arith.constant 0 : index
    %get3A_0 = memref.load %arg0[%get3A] : memref<100xi32, #tpu.memory_space<smem>>
    %dma_start3A = arith.constant 0 : i32
    %dma_start3A_1 = arith.constant 0 : i32
    %dma_start3A_2 = tpu.memref_slice %arg4[%dma_start3A, %dma_start3A_1] : memref<128x1024xf32, #tpu.memory_space<vmem>> -> memref<1x1024xf32, #tpu.memory_space<vmem>>
    %dma_start3A_3 = arith.constant 0 : i32
    %dma_start3A_4 = tpu.memref_slice %arg2[%get3A_0, %dma_start3A_3] : memref<100000x1024xf32, #tpu.memory_space<any>> -> memref<1x1024xf32, #tpu.memory_space<any>>
    tpu.enqueue_dma source(%dma_start3A_4 : memref<1x1024xf32, #tpu.memory_space<any>>) target(%dma_start3A_2 : memref<1x1024xf32, #tpu.memory_space<vmem>>) target_semaphore(%arg5 : memref<!tpu.dma_semaphore, #tpu.memory_space<semaphore_mem>>)
    %get3A_5 = arith.constant 1 : index
    %get3A_6 = memref.load %arg0[%get3A_5] : memref<100xi32, #tpu.memory_space<smem>>
    %dma_start3A_7 = arith.constant 1 : i32
    %dma_start3A_8 = arith.constant 0 : i32
    %dma_start3A_9 = tpu.memref_slice %arg4[%dma_start3A_7, %dma_start3A_8] : memref<128x1024xf32, #tpu.memory_space<vmem>> -> memref<1x1024xf32, #tpu.memory_space<vmem>>
    %dma_start3A_10 = arith.constant 0 : i32
    %dma_start3A_11 = tpu.memref_slice %arg2[%get3A_6, %dma_start3A_10] : memref<100000x1024xf32, #tpu.memory_space<any>> -> memref<1x1024xf32, #tpu.memory_space<any>>
    tpu.enqueue_dma source(%dma_start3A_11 : memref<1x1024xf32, #tpu.memory_space<any>>) target(%dma_start3A_9 : memref<1x1024xf32, #tpu.memory_space<vmem>>) target_semaphore(%arg5 : memref<!tpu.dma_semaphore, #tpu.memory_space<semaphore_mem>>)
    %get3A_12 = arith.constant 2 : index
    %get3A_13 = memref.load %arg0[%get3A_12] : memref<100xi32, #tpu.memory_space<smem>>
    %dma_start3A_14 = arith.constant 2 : i32
    %dma_start3A_15 = arith.constant 0 : i32
    %dma_start3A_16 = tpu.memref_slice %arg4[%dma_start3A_14, %dma_start3A_15] : memref<128x1024xf32, #tpu.memory_space<vmem>> -> memref<1x1024xf32, #tpu.memory_space<vmem>>
    %dma_start3A_17 = arith.constant 0 : i32
    %dma_start3A_18 = tpu.memref_slice %arg2[%get3A_13, %dma_start3A_17] : memref<100000x1024xf32, #tpu.memory_space<any>> -> memref<1x1024xf32, #tpu.memory_space<any>>
    tpu.enqueue_dma source(%dma_start3A_18 : memref<1x1024xf32, #tpu.memory_space<any>>) target(%dma_start3A_16 : memref<1x1024xf32, #tpu.memory_space<vmem>>) target_semaphore(%arg5 : memref<!tpu.dma_semaphore, #tpu.memory_space<semaphore_mem>>)
    %get3A_19 = arith.constant 3 : index
    %get3A_20 = memref.load %arg0[%get3A_19] : memref<100xi32, #tpu.memory_space<smem>>
    %dma_start3A_21 = arith.constant 3 : i32
    %dma_start3A_22 = arith.constant 0 : i32
    %dma_start3A_23 = tpu.memref_slice %arg4[%dma_start3A_21, %dma_start3A_22] : memref<128x1024xf32, #tpu.memory_space<vmem>> -> memref<1x1024xf32, #tpu.memory_space<vmem>>
    %dma_start3A_24 = arith.constant 0 : i32
    %dma_start3A_25 = tpu.memref_slice %arg2[%get3A_20, %dma_start3A_24] : memref<100000x1024xf32, #tpu.memory_space<any>> -> memref<1x1024xf32, #tpu.memory_space<any>>
    tpu.enqueue_dma source(%dma_start3A_25 : memref<1x1024xf32, #tpu.memory_space<any>>) target(%dma_start3A_23 : memref<1x1024xf32, #tpu.memory_space<vmem>>) target_semaphore(%arg5 : memref<!tpu.dma_semaphore, #tpu.memory_space<semaphore_mem>>)
    %get3A_26 = arith.constant 4 : index
    %get3A_27 = memref.load %arg0[%get3A_26] : memref<100xi32, #tpu.memory_space<smem>>
    %dma_start3A_28 = arith.constant 4 : i32
    %dma_start3A_29 = arith.constant 0 : i32
    %dma_start3A_30 = tpu.memref_slice %arg4[%dma_start3A_28, %dma_start3A_29] : memref<128x1024xf32, #tpu.memory_space<vmem>> -> memref<1x1024xf32, #tpu.memory_space<vmem>>
    %dma_start3A_31 = arith.constant 0 : i32
    %dma_start3A_32 = tpu.memref_slice %arg2[%get3A_27, %dma_start3A_31] : memref<100000x1024xf32, #tpu.memory_space<any>> -> memref<1x1024xf32, #tpu.memory_space<any>>
    tpu.enqueue_dma source(%dma_start3A_32 : memref<1x1024xf32, #tpu.memory_space<any>>) target(%dma_start3A_30 : memref<1x1024xf32, #tpu.memory_space<vmem>>) target_semaphore(%arg5 : memref<!tpu.dma_semaphore, #tpu.memory_space<semaphore_mem>>)
    %get3A_33 = arith.constant 5 : index
    %get3A_34 = memref.load %arg0[%get3A_33] : memref<100xi32, #tpu.memory_space<smem>>
    %dma_start3A_35 = arith.constant 5 : i32
    %dma_start3A_36 = arith.constant 0 : i32
    %dma_start3A_37 = tpu.memref_slice %arg4[%dma_start3A_35, %dma_start3A_36] : memref<128x1024xf32, #tpu.memory_space<vmem>> -> memref<1x1024xf32, #tpu.memory_space<vmem>>
    %dma_start3A_38 = arith.constant 0 : i32
    %dma_start3A_39 = tpu.memref_slice %arg2[%get3A_34, %dma_start3A_38] : memref<100000x1024xf32, #tpu.memory_space<any>> -> memref<1x1024xf32, #tpu.memory_space<any>>
    tpu.enqueue_dma source(%dma_start3A_39 : memref<1x1024xf32, #tpu.memory_space<any>>) target(%dma_start3A_37 : memref<1x1024xf32, #tpu.memory_space<vmem>>) target_semaphore(%arg5 : memref<!tpu.dma_semaphore, #tpu.memory_space<semaphore_mem>>)
    %get3A_40 = arith.constant 6 : index
    %get3A_41 = memref.load %arg0[%get3A_40] : memref<100xi32, #tpu.memory_space<smem>>
    %dma_start3A_42 = arith.constant 6 : i32
    %dma_start3A_43 = arith.constant 0 : i32
    %dma_start3A_44 = tpu.memref_slice %arg4[%dma_start3A_42, %dma_start3A_43] : memref<128x1024xf32, #tpu.memory_space<vmem>> -> memref<1x1024xf32, #tpu.memory_space<vmem>>
    %dma_start3A_45 = arith.constant 0 : i32
    %dma_start3A_46 = tpu.memref_slice %arg2[%get3A_41, %dma_start3A_45] : memref<100000x1024xf32, #tpu.memory_space<any>> -> memref<1x1024xf32, #tpu.memory_space<any>>
    tpu.enqueue_dma source(%dma_start3A_46 : memref<1x1024xf32, #tpu.memory_space<any>>) target(%dma_start3A_44 : memref<1x1024xf32, #tpu.memory_space<vmem>>) target_semaphore(%arg5 : memref<!tpu.dma_semaphore, #tpu.memory_space<semaphore_mem>>)
    %get3A_47 = arith.constant 7 : index
    %get3A_48 = memref.load %arg0[%get3A_47] : memref<100xi32, #tpu.memory_space<smem>>
    %dma_start3A_49 = arith.constant 7 : i32
    %dma_start3A_50 = arith.constant 0 : i32
    %dma_start3A_51 = tpu.memref_slice %arg4[%dma_start3A_49, %dma_start3A_50] : memref<128x1024xf32, #tpu.memory_space<vmem>> -> memref<1x1024xf32, #tpu.memory_space<vmem>>
    %dma_start3A_52 = arith.constant 0 : i32
    %dma_start3A_53 = tpu.memref_slice %arg2[%get3A_48, %dma_start3A_52] : memref<100000x1024xf32, #tpu.memory_space<any>> -> memref<1x1024xf32, #tpu.memory_space<any>>
    tpu.enqueue_dma source(%dma_start3A_53 : memref<1x1024xf32, #tpu.memory_space<any>>) target(%dma_start3A_51 : memref<1x1024xf32, #tpu.memory_space<vmem>>) target_semaphore(%arg5 : memref<!tpu.dma_semaphore, #tpu.memory_space<semaphore_mem>>)
    %get3A_54 = arith.constant 8 : index
    %get3A_55 = memref.load %arg0[%get3A_54] : memref<100xi32, #tpu.memory_space<smem>>
    %dma_start3A_56 = arith.constant 8 : i32
    %dma_start3A_57 = arith.constant 0 : i32
    %dma_start3A_58 = tpu.memref_slice %arg4[%dma_start3A_56, %dma_start3A_57] : memref<128x1024xf32, #tpu.memory_space<vmem>> -> memref<1x1024xf32, #tpu.memory_space<vmem>>
    %dma_start3A_59 = arith.constant 0 : i32
    %dma_start3A_60 = tpu.memref_slice %arg2[%get3A_55, %dma_start3A_59] : memref<100000x1024xf32, #tpu.memory_space<any>> -> memref<1x1024xf32, #tpu.memory_space<any>>
    tpu.enqueue_dma source(%dma_start3A_60 : memref<1x1024xf32, #tpu.memory_space<any>>) target(%dma_start3A_58 : memref<1x1024xf32, #tpu.memory_space<vmem>>) target_semaphore(%arg5 : memref<!tpu.dma_semaphore, #tpu.memory_space<semaphore_mem>>)
    %get3A_61 = arith.constant 9 : index
    %get3A_62 = memref.load %arg0[%get3A_61] : memref<100xi32, #tpu.memory_space<smem>>
    %dma_start3A_63 = arith.constant 9 : i32
    %dma_start3A_64 = arith.constant 0 : i32
    %dma_start3A_65 = tpu.memref_slice %arg4[%dma_start3A_63, %dma_start3A_64] : memref<128x1024xf32, #tpu.memory_space<vmem>> -> memref<1x1024xf32, #tpu.memory_space<vmem>>
    %dma_start3A_66 = arith.constant 0 : i32
    %dma_start3A_67 = tpu.memref_slice %arg2[%get3A_62, %dma_start3A_66] : memref<100000x1024xf32, #tpu.memory_space<any>> -> memref<1x1024xf32, #tpu.memory_space<any>>
    tpu.enqueue_dma source(%dma_start3A_67 : memref<1x1024xf32, #tpu.memory_space<any>>) target(%dma_start3A_65 : memref<1x1024xf32, #tpu.memory_space<vmem>>) target_semaphore(%arg5 : memref<!tpu.dma_semaphore, #tpu.memory_space<semaphore_mem>>)
    %get3A_68 = arith.constant 10 : index
    %get3A_69 = memref.load %arg0[%get3A_68] : memref<100xi32, #tpu.memory_space<smem>>
    %dma_start3A_70 = arith.constant 10 : i32
    %dma_start3A_71 = arith.constant 0 : i32
    %dma_start3A_72 = tpu.memref_slice %arg4[%dma_start3A_70, %dma_start3A_71] : memref<128x1024xf32, #tpu.memory_space<vmem>> -> memref<1x1024xf32, #tpu.memory_space<vmem>>
    %dma_start3A_73 = arith.constant 0 : i32
    %dma_start3A_74 = tpu.memref_slice %arg2[%get3A_69, %dma_start3A_73] : memref<100000x1024xf32, #tpu.memory_space<any>> -> memref<1x1024xf32, #tpu.memory_space<any>>
    tpu.enqueue_dma source(%dma_start3A_74 : memref<1x1024xf32, #tpu.memory_space<any>>) target(%dma_start3A_72 : memref<1x1024xf32, #tpu.memory_space<vmem>>) target_semaphore(%arg5 : memref<!tpu.dma_semaphore, #tpu.memory_space<semaphore_mem>>)
    %get3A_75 = arith.constant 11 : index
    %get3A_76 = memref.load %arg0[%get3A_75] : memref<100xi32, #tpu.memory_space<smem>>
    %dma_start3A_77 = arith.constant 11 : i32
    %dma_start3A_78 = arith.constant 0 : i32
    %dma_start3A_79 = tpu.memref_slice %arg4[%dma_start3A_77, %dma_start3A_78] : memref<128x1024xf32, #tpu.memory_space<vmem>> -> memref<1x1024xf32, #tpu.memory_space<vmem>>
    %dma_start3A_80 = arith.constant 0 : i32
    %dma_start3A_81 = tpu.memref_slice %arg2[%get3A_76, %dma_start3A_80] : memref<100000x1024xf32, #tpu.memory_space<any>> -> memref<1x1024xf32, #tpu.memory_space<any>>
    tpu.enqueue_dma source(%dma_start3A_81 : memref<1x1024xf32, #tpu.memory_space<any>>) target(%dma_start3A_79 : memref<1x1024xf32, #tpu.memory_space<vmem>>) target_semaphore(%arg5 : memref<!tpu.dma_semaphore, #tpu.memory_space<semaphore_mem>>)
    %get3A_82 = arith.constant 12 : index
    %get3A_83 = memref.load %arg0[%get3A_82] : memref<100xi32, #tpu.memory_space<smem>>
    %dma_start3A_84 = arith.constant 12 : i32
    %dma_start3A_85 = arith.constant 0 : i32
    %dma_start3A_86 = tpu.memref_slice %arg4[%dma_start3A_84, %dma_start3A_85] : memref<128x1024xf32, #tpu.memory_space<vmem>> -> memref<1x1024xf32, #tpu.memory_space<vmem>>
    %dma_start3A_87 = arith.constant 0 : i32
    %dma_start3A_88 = tpu.memref_slice %arg2[%get3A_83, %dma_start3A_87] : memref<100000x1024xf32, #tpu.memory_space<any>> -> memref<1x1024xf32, #tpu.memory_space<any>>
    tpu.enqueue_dma source(%dma_start3A_88 : memref<1x1024xf32, #tpu.memory_space<any>>) target(%dma_start3A_86 : memref<1x1024xf32, #tpu.memory_space<vmem>>) target_semaphore(%arg5 : memref<!tpu.dma_semaphore, #tpu.memory_space<semaphore_mem>>)
    %get3A_89 = arith.constant 13 : index
    %get3A_90 = memref.load %arg0[%get3A_89] : memref<100xi32, #tpu.memory_space<smem>>
    %dma_start3A_91 = arith.constant 13 : i32
    %dma_start3A_92 = arith.constant 0 : i32
    %dma_start3A_93 = tpu.memref_slice %arg4[%dma_start3A_91, %dma_start3A_92] : memref<128x1024xf32, #tpu.memory_space<vmem>> -> memref<1x1024xf32, #tpu.memory_space<vmem>>
    %dma_start3A_94 = arith.constant 0 : i32
    %dma_start3A_95 = tpu.memref_slice %arg2[%get3A_90, %dma_start3A_94] : memref<100000x1024xf32, #tpu.memory_space<any>> -> memref<1x1024xf32, #tpu.memory_space<any>>
    tpu.enqueue_dma source(%dma_start3A_95 : memref<1x1024xf32, #tpu.memory_space<any>>) target(%dma_start3A_93 : memref<1x1024xf32, #tpu.memory_space<vmem>>) target_semaphore(%arg5 : memref<!tpu.dma_semaphore, #tpu.memory_space<semaphore_mem>>)
    %get3A_96 = arith.constant 14 : index
    %get3A_97 = memref.load %arg0[%get3A_96] : memref<100xi32, #tpu.memory_space<smem>>
    %dma_start3A_98 = arith.constant 14 : i32
    %dma_start3A_99 = arith.constant 0 : i32
    %dma_start3A_100 = tpu.memref_slice %arg4[%dma_start3A_98, %dma_start3A_99] : memref<128x1024xf32, #tpu.memory_space<vmem>> -> memref<1x1024xf32, #tpu.memory_space<vmem>>
    %dma_start3A_101 = arith.constant 0 : i32
    %dma_start3A_102 = tpu.memref_slice %arg2[%get3A_97, %dma_start3A_101] : memref<100000x1024xf32, #tpu.memory_space<any>> -> memref<1x1024xf32, #tpu.memory_space<any>>
    tpu.enqueue_dma source(%dma_start3A_102 : memref<1x1024xf32, #tpu.memory_space<any>>) target(%dma_start3A_100 : memref<1x1024xf32, #tpu.memory_space<vmem>>) target_semaphore(%arg5 : memref<!tpu.dma_semaphore, #tpu.memory_space<semaphore_mem>>)
    %get3A_103 = arith.constant 15 : index
    %get3A_104 = memref.load %arg0[%get3A_103] : memref<100xi32, #tpu.memory_space<smem>>
    %dma_start3A_105 = arith.constant 15 : i32
    %dma_start3A_106 = arith.constant 0 : i32
    %dma_start3A_107 = tpu.memref_slice %arg4[%dma_start3A_105, %dma_start3A_106] : memref<128x1024xf32, #tpu.memory_space<vmem>> -> memref<1x1024xf32, #tpu.memory_space<vmem>>
    %dma_start3A_108 = arith.constant 0 : i32
    %dma_start3A_109 = tpu.memref_slice %arg2[%get3A_104, %dma_start3A_108] : memref<100000x1024xf32, #tpu.memory_space<any>> -> memref<1x1024xf32, #tpu.memory_space<any>>
    tpu.enqueue_dma source(%dma_start3A_109 : memref<1x1024xf32, #tpu.memory_space<any>>) target(%dma_start3A_107 : memref<1x1024xf32, #tpu.memory_space<vmem>>) target_semaphore(%arg5 : memref<!tpu.dma_semaphore, #tpu.memory_space<semaphore_mem>>)
    %get3A_110 = arith.constant 16 : index
    %get3A_111 = memref.load %arg0[%get3A_110] : memref<100xi32, #tpu.memory_space<smem>>
    %dma_start3A_112 = arith.constant 16 : i32
    %dma_start3A_113 = arith.constant 0 : i32
    %dma_start3A_114 = tpu.memref_slice %arg4[%dma_start3A_112, %dma_start3A_113] : memref<128x1024xf32, #tpu.memory_space<vmem>> -> memref<1x1024xf32, #tpu.memory_space<vmem>>
    %dma_start3A_115 = arith.constant 0 : i32
    %dma_start3A_116 = tpu.memref_slice %arg2[%get3A_111, %dma_start3A_115] : memref<100000x1024xf32, #tpu.memory_space<any>> -> memref<1x1024xf32, #tpu.memory_space<any>>
    tpu.enqueue_dma source(%dma_start3A_116 : memref<1x1024xf32, #tpu.memory_space<any>>) target(%dma_start3A_114 : memref<1x1024xf32, #tpu.memory_space<vmem>>) target_semaphore(%arg5 : memref<!tpu.dma_semaphore, #tpu.memory_space<semaphore_mem>>)
    %get3A_117 = arith.constant 17 : index
    %get3A_118 = memref.load %arg0[%get3A_117] : memref<100xi32, #tpu.memory_space<smem>>
    %dma_start3A_119 = arith.constant 17 : i32
    %dma_start3A_120 = arith.constant 0 : i32
    %dma_start3A_121 = tpu.memref_slice %arg4[%dma_start3A_119, %dma_start3A_120] : memref<128x1024xf32, #tpu.memory_space<vmem>> -> memref<1x1024xf32, #tpu.memory_space<vmem>>
    %dma_start3A_122 = arith.constant 0 : i32
    %dma_start3A_123 = tpu.memref_slice %arg2[%get3A_118, %dma_start3A_122] : memref<100000x1024xf32, #tpu.memory_space<any>> -> memref<1x1024xf32, #tpu.memory_space<any>>
    tpu.enqueue_dma source(%dma_start3A_123 : memref<1x1024xf32, #tpu.memory_space<any>>) target(%dma_start3A_121 : memref<1x1024xf32, #tpu.memory_space<vmem>>) target_semaphore(%arg5 : memref<!tpu.dma_semaphore, #tpu.memory_space<semaphore_mem>>)
    %get3A_124 = arith.constant 18 : index
    %get3A_125 = memref.load %arg0[%get3A_124] : memref<100xi32, #tpu.memory_space<smem>>
    %dma_start3A_126 = arith.constant 18 : i32
    %dma_start3A_127 = arith.constant 0 : i32
    %dma_start3A_128 = tpu.memref_slice %arg4[%dma_start3A_126, %dma_start3A_127] : memref<128x1024xf32, #tpu.memory_space<vmem>> -> memref<1x1024xf32, #tpu.memory_space<vmem>>
    %dma_start3A_129 = arith.constant 0 : i32
    %dma_start3A_130 = tpu.memref_slice %arg2[%get3A_125, %dma_start3A_129] : memref<100000x1024xf32, #tpu.memory_space<any>> -> memref<1x1024xf32, #tpu.memory_space<any>>
    tpu.enqueue_dma source(%dma_start3A_130 : memref<1x1024xf32, #tpu.memory_space<any>>) target(%dma_start3A_128 : memref<1x1024xf32, #tpu.memory_space<vmem>>) target_semaphore(%arg5 : memref<!tpu.dma_semaphore, #tpu.memory_space<semaphore_mem>>)
    %get3A_131 = arith.constant 19 : index
    %get3A_132 = memref.load %arg0[%get3A_131] : memref<100xi32, #tpu.memory_space<smem>>
    %dma_start3A_133 = arith.constant 19 : i32
    %dma_start3A_134 = arith.constant 0 : i32
    %dma_start3A_135 = tpu.memref_slice %arg4[%dma_start3A_133, %dma_start3A_134] : memref<128x1024xf32, #tpu.memory_space<vmem>> -> memref<1x1024xf32, #tpu.memory_space<vmem>>
    %dma_start3A_136 = arith.constant 0 : i32
    %dma_start3A_137 = tpu.memref_slice %arg2[%get3A_132, %dma_start3A_136] : memref<100000x1024xf32, #tpu.memory_space<any>> -> memref<1x1024xf32, #tpu.memory_space<any>>
    tpu.enqueue_dma source(%dma_start3A_137 : memref<1x1024xf32, #tpu.memory_space<any>>) target(%dma_start3A_135 : memref<1x1024xf32, #tpu.memory_space<vmem>>) target_semaphore(%arg5 : memref<!tpu.dma_semaphore, #tpu.memory_space<semaphore_mem>>)
    %get3A_138 = arith.constant 20 : index
    %get3A_139 = memref.load %arg0[%get3A_138] : memref<100xi32, #tpu.memory_space<smem>>
    %dma_start3A_140 = arith.constant 20 : i32
    %dma_start3A_141 = arith.constant 0 : i32
    %dma_start3A_142 = tpu.memref_slice %arg4[%dma_start3A_140, %dma_start3A_141] : memref<128x1024xf32, #tpu.memory_space<vmem>> -> memref<1x1024xf32, #tpu.memory_space<vmem>>
    %dma_start3A_143 = arith.constant 0 : i32
    %dma_start3A_144 = tpu.memref_slice %arg2[%get3A_139, %dma_start3A_143] : memref<100000x1024xf32, #tpu.memory_space<any>> -> memref<1x1024xf32, #tpu.memory_space<any>>
    tpu.enqueue_dma source(%dma_start3A_144 : memref<1x1024xf32, #tpu.memory_space<any>>) target(%dma_start3A_142 : memref<1x1024xf32, #tpu.memory_space<vmem>>) target_semaphore(%arg5 : memref<!tpu.dma_semaphore, #tpu.memory_space<semaphore_mem>>)
    %get3A_145 = arith.constant 21 : index
    %get3A_146 = memref.load %arg0[%get3A_145] : memref<100xi32, #tpu.memory_space<smem>>
    %dma_start3A_147 = arith.constant 21 : i32
    %dma_start3A_148 = arith.constant 0 : i32
    %dma_start3A_149 = tpu.memref_slice %arg4[%dma_start3A_147, %dma_start3A_148] : memref<128x1024xf32, #tpu.memory_space<vmem>> -> memref<1x1024xf32, #tpu.memory_space<vmem>>
    %dma_start3A_150 = arith.constant 0 : i32
    %dma_start3A_151 = tpu.memref_slice %arg2[%get3A_146, %dma_start3A_150] : memref<100000x1024xf32, #tpu.memory_space<any>> -> memref<1x1024xf32, #tpu.memory_space<any>>
    tpu.enqueue_dma source(%dma_start3A_151 : memref<1x1024xf32, #tpu.memory_space<any>>) target(%dma_start3A_149 : memref<1x1024xf32, #tpu.memory_space<vmem>>) target_semaphore(%arg5 : memref<!tpu.dma_semaphore, #tpu.memory_space<semaphore_mem>>)
    %get3A_152 = arith.constant 22 : index
    %get3A_153 = memref.load %arg0[%get3A_152] : memref<100xi32, #tpu.memory_space<smem>>
    %dma_start3A_154 = arith.constant 22 : i32
    %dma_start3A_155 = arith.constant 0 : i32
    %dma_start3A_156 = tpu.memref_slice %arg4[%dma_start3A_154, %dma_start3A_155] : memref<128x1024xf32, #tpu.memory_space<vmem>> -> memref<1x1024xf32, #tpu.memory_space<vmem>>
    %dma_start3A_157 = arith.constant 0 : i32
    %dma_start3A_158 = tpu.memref_slice %arg2[%get3A_153, %dma_start3A_157] : memref<100000x1024xf32, #tpu.memory_space<any>> -> memref<1x1024xf32, #tpu.memory_space<any>>
    tpu.enqueue_dma source(%dma_start3A_158 : memref<1x1024xf32, #tpu.memory_space<any>>) target(%dma_start3A_156 : memref<1x1024xf32, #tpu.memory_space<vmem>>) target_semaphore(%arg5 : memref<!tpu.dma_semaphore, #tpu.memory_space<semaphore_mem>>)
    %get3A_159 = arith.constant 23 : index
    %get3A_160 = memref.load %arg0[%get3A_159] : memref<100xi32, #tpu.memory_space<smem>>
    %dma_start3A_161 = arith.constant 23 : i32
    %dma_start3A_162 = arith.constant 0 : i32
    %dma_start3A_163 = tpu.memref_slice %arg4[%dma_start3A_161, %dma_start3A_162] : memref<128x1024xf32, #tpu.memory_space<vmem>> -> memref<1x1024xf32, #tpu.memory_space<vmem>>
    %dma_start3A_164 = arith.constant 0 : i32
    %dma_start3A_165 = tpu.memref_slice %arg2[%get3A_160, %dma_start3A_164] : memref<100000x1024xf32, #tpu.memory_space<any>> -> memref<1x1024xf32, #tpu.memory_space<any>>
    tpu.enqueue_dma source(%dma_start3A_165 : memref<1x1024xf32, #tpu.memory_space<any>>) target(%dma_start3A_163 : memref<1x1024xf32, #tpu.memory_space<vmem>>) target_semaphore(%arg5 : memref<!tpu.dma_semaphore, #tpu.memory_space<semaphore_mem>>)
    %get3A_166 = arith.constant 24 : index
    %get3A_167 = memref.load %arg0[%get3A_166] : memref<100xi32, #tpu.memory_space<smem>>
    %dma_start3A_168 = arith.constant 24 : i32
    %dma_start3A_169 = arith.constant 0 : i32
    %dma_start3A_170 = tpu.memref_slice %arg4[%dma_start3A_168, %dma_start3A_169] : memref<128x1024xf32, #tpu.memory_space<vmem>> -> memref<1x1024xf32, #tpu.memory_space<vmem>>
    %dma_start3A_171 = arith.constant 0 : i32
    %dma_start3A_172 = tpu.memref_slice %arg2[%get3A_167, %dma_start3A_171] : memref<100000x1024xf32, #tpu.memory_space<any>> -> memref<1x1024xf32, #tpu.memory_space<any>>
    tpu.enqueue_dma source(%dma_start3A_172 : memref<1x1024xf32, #tpu.memory_space<any>>) target(%dma_start3A_170 : memref<1x1024xf32, #tpu.memory_space<vmem>>) target_semaphore(%arg5 : memref<!tpu.dma_semaphore, #tpu.memory_space<semaphore_mem>>)
    %get3A_173 = arith.constant 25 : index
    %get3A_174 = memref.load %arg0[%get3A_173] : memref<100xi32, #tpu.memory_space<smem>>
    %dma_start3A_175 = arith.constant 25 : i32
    %dma_start3A_176 = arith.constant 0 : i32
    %dma_start3A_177 = tpu.memref_slice %arg4[%dma_start3A_175, %dma_start3A_176] : memref<128x1024xf32, #tpu.memory_space<vmem>> -> memref<1x1024xf32, #tpu.memory_space<vmem>>
    %dma_start3A_178 = arith.constant 0 : i32
    %dma_start3A_179 = tpu.memref_slice %arg2[%get3A_174, %dma_start3A_178] : memref<100000x1024xf32, #tpu.memory_space<any>> -> memref<1x1024xf32, #tpu.memory_space<any>>
    tpu.enqueue_dma source(%dma_start3A_179 : memref<1x1024xf32, #tpu.memory_space<any>>) target(%dma_start3A_177 : memref<1x1024xf32, #tpu.memory_space<vmem>>) target_semaphore(%arg5 : memref<!tpu.dma_semaphore, #tpu.memory_space<semaphore_mem>>)
    %get3A_180 = arith.constant 26 : index
    %get3A_181 = memref.load %arg0[%get3A_180] : memref<100xi32, #tpu.memory_space<smem>>
    %dma_start3A_182 = arith.constant 26 : i32
    %dma_start3A_183 = arith.constant 0 : i32
    %dma_start3A_184 = tpu.memref_slice %arg4[%dma_start3A_182, %dma_start3A_183] : memref<128x1024xf32, #tpu.memory_space<vmem>> -> memref<1x1024xf32, #tpu.memory_space<vmem>>
    %dma_start3A_185 = arith.constant 0 : i32
    %dma_start3A_186 = tpu.memref_slice %arg2[%get3A_181, %dma_start3A_185] : memref<100000x1024xf32, #tpu.memory_space<any>> -> memref<1x1024xf32, #tpu.memory_space<any>>
    tpu.enqueue_dma source(%dma_start3A_186 : memref<1x1024xf32, #tpu.memory_space<any>>) target(%dma_start3A_184 : memref<1x1024xf32, #tpu.memory_space<vmem>>) target_semaphore(%arg5 : memref<!tpu.dma_semaphore, #tpu.memory_space<semaphore_mem>>)
    %get3A_187 = arith.constant 27 : index
    %get3A_188 = memref.load %arg0[%get3A_187] : memref<100xi32, #tpu.memory_space<smem>>
    %dma_start3A_189 = arith.constant 27 : i32
    %dma_start3A_190 = arith.constant 0 : i32
    %dma_start3A_191 = tpu.memref_slice %arg4[%dma_start3A_189, %dma_start3A_190] : memref<128x1024xf32, #tpu.memory_space<vmem>> -> memref<1x1024xf32, #tpu.memory_space<vmem>>
    %dma_start3A_192 = arith.constant 0 : i32
    %dma_start3A_193 = tpu.memref_slice %arg2[%get3A_188, %dma_start3A_192] : memref<100000x1024xf32, #tpu.memory_space<any>> -> memref<1x1024xf32, #tpu.memory_space<any>>
    tpu.enqueue_dma source(%dma_start3A_193 : memref<1x1024xf32, #tpu.memory_space<any>>) target(%dma_start3A_191 : memref<1x1024xf32, #tpu.memory_space<vmem>>) target_semaphore(%arg5 : memref<!tpu.dma_semaphore, #tpu.memory_space<semaphore_mem>>)
    %get3A_194 = arith.constant 28 : index
    %get3A_195 = memref.load %arg0[%get3A_194] : memref<100xi32, #tpu.memory_space<smem>>
    %dma_start3A_196 = arith.constant 28 : i32
    %dma_start3A_197 = arith.constant 0 : i32
    %dma_start3A_198 = tpu.memref_slice %arg4[%dma_start3A_196, %dma_start3A_197] : memref<128x1024xf32, #tpu.memory_space<vmem>> -> memref<1x1024xf32, #tpu.memory_space<vmem>>
    %dma_start3A_199 = arith.constant 0 : i32
    %dma_start3A_200 = tpu.memref_slice %arg2[%get3A_195, %dma_start3A_199] : memref<100000x1024xf32, #tpu.memory_space<any>> -> memref<1x1024xf32, #tpu.memory_space<any>>
    tpu.enqueue_dma source(%dma_start3A_200 : memref<1x1024xf32, #tpu.memory_space<any>>) target(%dma_start3A_198 : memref<1x1024xf32, #tpu.memory_space<vmem>>) target_semaphore(%arg5 : memref<!tpu.dma_semaphore, #tpu.memory_space<semaphore_mem>>)
    %get3A_201 = arith.constant 29 : index
    %get3A_202 = memref.load %arg0[%get3A_201] : memref<100xi32, #tpu.memory_space<smem>>
    %dma_start3A_203 = arith.constant 29 : i32
    %dma_start3A_204 = arith.constant 0 : i32
    %dma_start3A_205 = tpu.memref_slice %arg4[%dma_start3A_203, %dma_start3A_204] : memref<128x1024xf32, #tpu.memory_space<vmem>> -> memref<1x1024xf32, #tpu.memory_space<vmem>>
    %dma_start3A_206 = arith.constant 0 : i32
    %dma_start3A_207 = tpu.memref_slice %arg2[%get3A_202, %dma_start3A_206] : memref<100000x1024xf32, #tpu.memory_space<any>> -> memref<1x1024xf32, #tpu.memory_space<any>>
    tpu.enqueue_dma source(%dma_start3A_207 : memref<1x1024xf32, #tpu.memory_space<any>>) target(%dma_start3A_205 : memref<1x1024xf32, #tpu.memory_space<vmem>>) target_semaphore(%arg5 : memref<!tpu.dma_semaphore, #tpu.memory_space<semaphore_mem>>)
    %get3A_208 = arith.constant 30 : index
    %get3A_209 = memref.load %arg0[%get3A_208] : memref<100xi32, #tpu.memory_space<smem>>
    %dma_start3A_210 = arith.constant 30 : i32
    %dma_start3A_211 = arith.constant 0 : i32
    %dma_start3A_212 = tpu.memref_slice %arg4[%dma_start3A_210, %dma_start3A_211] : memref<128x1024xf32, #tpu.memory_space<vmem>> -> memref<1x1024xf32, #tpu.memory_space<vmem>>
    %dma_start3A_213 = arith.constant 0 : i32
    %dma_start3A_214 = tpu.memref_slice %arg2[%get3A_209, %dma_start3A_213] : memref<100000x1024xf32, #tpu.memory_space<any>> -> memref<1x1024xf32, #tpu.memory_space<any>>
    tpu.enqueue_dma source(%dma_start3A_214 : memref<1x1024xf32, #tpu.memory_space<any>>) target(%dma_start3A_212 : memref<1x1024xf32, #tpu.memory_space<vmem>>) target_semaphore(%arg5 : memref<!tpu.dma_semaphore, #tpu.memory_space<semaphore_mem>>)
    %get3A_215 = arith.constant 31 : index
    %get3A_216 = memref.load %arg0[%get3A_215] : memref<100xi32, #tpu.memory_space<smem>>
    %dma_start3A_217 = arith.constant 31 : i32
    %dma_start3A_218 = arith.constant 0 : i32
    %dma_start3A_219 = tpu.memref_slice %arg4[%dma_start3A_217, %dma_start3A_218] : memref<128x1024xf32, #tpu.memory_space<vmem>> -> memref<1x1024xf32, #tpu.memory_space<vmem>>
    %dma_start3A_220 = arith.constant 0 : i32
    %dma_start3A_221 = tpu.memref_slice %arg2[%get3A_216, %dma_start3A_220] : memref<100000x1024xf32, #tpu.memory_space<any>> -> memref<1x1024xf32, #tpu.memory_space<any>>
    tpu.enqueue_dma source(%dma_start3A_221 : memref<1x1024xf32, #tpu.memory_space<any>>) target(%dma_start3A_219 : memref<1x1024xf32, #tpu.memory_space<vmem>>) target_semaphore(%arg5 : memref<!tpu.dma_semaphore, #tpu.memory_space<semaphore_mem>>)
    %get3A_222 = arith.constant 32 : index
    %get3A_223 = memref.load %arg0[%get3A_222] : memref<100xi32, #tpu.memory_space<smem>>
    %dma_start3A_224 = arith.constant 32 : i32
    %dma_start3A_225 = arith.constant 0 : i32
    %dma_start3A_226 = tpu.memref_slice %arg4[%dma_start3A_224, %dma_start3A_225] : memref<128x1024xf32, #tpu.memory_space<vmem>> -> memref<1x1024xf32, #tpu.memory_space<vmem>>
    %dma_start3A_227 = arith.constant 0 : i32
    %dma_start3A_228 = tpu.memref_slice %arg2[%get3A_223, %dma_start3A_227] : memref<100000x1024xf32, #tpu.memory_space<any>> -> memref<1x1024xf32, #tpu.memory_space<any>>
    tpu.enqueue_dma source(%dma_start3A_228 : memref<1x1024xf32, #tpu.memory_space<any>>) target(%dma_start3A_226 : memref<1x1024xf32, #tpu.memory_space<vmem>>) target_semaphore(%arg5 : memref<!tpu.dma_semaphore, #tpu.memory_space<semaphore_mem>>)
    %get3A_229 = arith.constant 33 : index
    %get3A_230 = memref.load %arg0[%get3A_229] : memref<100xi32, #tpu.memory_space<smem>>
    %dma_start3A_231 = arith.constant 33 : i32
    %dma_start3A_232 = arith.constant 0 : i32
    %dma_start3A_233 = tpu.memref_slice %arg4[%dma_start3A_231, %dma_start3A_232] : memref<128x1024xf32, #tpu.memory_space<vmem>> -> memref<1x1024xf32, #tpu.memory_space<vmem>>
    %dma_start3A_234 = arith.constant 0 : i32
    %dma_start3A_235 = tpu.memref_slice %arg2[%get3A_230, %dma_start3A_234] : memref<100000x1024xf32, #tpu.memory_space<any>> -> memref<1x1024xf32, #tpu.memory_space<any>>
    tpu.enqueue_dma source(%dma_start3A_235 : memref<1x1024xf32, #tpu.memory_space<any>>) target(%dma_start3A_233 : memref<1x1024xf32, #tpu.memory_space<vmem>>) target_semaphore(%arg5 : memref<!tpu.dma_semaphore, #tpu.memory_space<semaphore_mem>>)
    %get3A_236 = arith.constant 34 : index
    %get3A_237 = memref.load %arg0[%get3A_236] : memref<100xi32, #tpu.memory_space<smem>>
    %dma_start3A_238 = arith.constant 34 : i32
    %dma_start3A_239 = arith.constant 0 : i32
    %dma_start3A_240 = tpu.memref_slice %arg4[%dma_start3A_238, %dma_start3A_239] : memref<128x1024xf32, #tpu.memory_space<vmem>> -> memref<1x1024xf32, #tpu.memory_space<vmem>>
    %dma_start3A_241 = arith.constant 0 : i32
    %dma_start3A_242 = tpu.memref_slice %arg2[%get3A_237, %dma_start3A_241] : memref<100000x1024xf32, #tpu.memory_space<any>> -> memref<1x1024xf32, #tpu.memory_space<any>>
    tpu.enqueue_dma source(%dma_start3A_242 : memref<1x1024xf32, #tpu.memory_space<any>>) target(%dma_start3A_240 : memref<1x1024xf32, #tpu.memory_space<vmem>>) target_semaphore(%arg5 : memref<!tpu.dma_semaphore, #tpu.memory_space<semaphore_mem>>)
    %get3A_243 = arith.constant 35 : index
    %get3A_244 = memref.load %arg0[%get3A_243] : memref<100xi32, #tpu.memory_space<smem>>
    %dma_start3A_245 = arith.constant 35 : i32
    %dma_start3A_246 = arith.constant 0 : i32
    %dma_start3A_247 = tpu.memref_slice %arg4[%dma_start3A_245, %dma_start3A_246] : memref<128x1024xf32, #tpu.memory_space<vmem>> -> memref<1x1024xf32, #tpu.memory_space<vmem>>
    %dma_start3A_248 = arith.constant 0 : i32
    %dma_start3A_249 = tpu.memref_slice %arg2[%get3A_244, %dma_start3A_248] : memref<100000x1024xf32, #tpu.memory_space<any>> -> memref<1x1024xf32, #tpu.memory_space<any>>
    tpu.enqueue_dma source(%dma_start3A_249 : memref<1x1024xf32, #tpu.memory_space<any>>) target(%dma_start3A_247 : memref<1x1024xf32, #tpu.memory_space<vmem>>) target_semaphore(%arg5 : memref<!tpu.dma_semaphore, #tpu.memory_space<semaphore_mem>>)
    %get3A_250 = arith.constant 36 : index
    %get3A_251 = memref.load %arg0[%get3A_250] : memref<100xi32, #tpu.memory_space<smem>>
    %dma_start3A_252 = arith.constant 36 : i32
    %dma_start3A_253 = arith.constant 0 : i32
    %dma_start3A_254 = tpu.memref_slice %arg4[%dma_start3A_252, %dma_start3A_253] : memref<128x1024xf32, #tpu.memory_space<vmem>> -> memref<1x1024xf32, #tpu.memory_space<vmem>>
    %dma_start3A_255 = arith.constant 0 : i32
    %dma_start3A_256 = tpu.memref_slice %arg2[%get3A_251, %dma_start3A_255] : memref<100000x1024xf32, #tpu.memory_space<any>> -> memref<1x1024xf32, #tpu.memory_space<any>>
    tpu.enqueue_dma source(%dma_start3A_256 : memref<1x1024xf32, #tpu.memory_space<any>>) target(%dma_start3A_254 : memref<1x1024xf32, #tpu.memory_space<vmem>>) target_semaphore(%arg5 : memref<!tpu.dma_semaphore, #tpu.memory_space<semaphore_mem>>)
    %get3A_257 = arith.constant 37 : index
    %get3A_258 = memref.load %arg0[%get3A_257] : memref<100xi32, #tpu.memory_space<smem>>
    %dma_start3A_259 = arith.constant 37 : i32
    %dma_start3A_260 = arith.constant 0 : i32
    %dma_start3A_261 = tpu.memref_slice %arg4[%dma_start3A_259, %dma_start3A_260] : memref<128x1024xf32, #tpu.memory_space<vmem>> -> memref<1x1024xf32, #tpu.memory_space<vmem>>
    %dma_start3A_262 = arith.constant 0 : i32
    %dma_start3A_263 = tpu.memref_slice %arg2[%get3A_258, %dma_start3A_262] : memref<100000x1024xf32, #tpu.memory_space<any>> -> memref<1x1024xf32, #tpu.memory_space<any>>
    tpu.enqueue_dma source(%dma_start3A_263 : memref<1x1024xf32, #tpu.memory_space<any>>) target(%dma_start3A_261 : memref<1x1024xf32, #tpu.memory_space<vmem>>) target_semaphore(%arg5 : memref<!tpu.dma_semaphore, #tpu.memory_space<semaphore_mem>>)
    %get3A_264 = arith.constant 38 : index
    %get3A_265 = memref.load %arg0[%get3A_264] : memref<100xi32, #tpu.memory_space<smem>>
    %dma_start3A_266 = arith.constant 38 : i32
    %dma_start3A_267 = arith.constant 0 : i32
    %dma_start3A_268 = tpu.memref_slice %arg4[%dma_start3A_266, %dma_start3A_267] : memref<128x1024xf32, #tpu.memory_space<vmem>> -> memref<1x1024xf32, #tpu.memory_space<vmem>>
    %dma_start3A_269 = arith.constant 0 : i32
    %dma_start3A_270 = tpu.memref_slice %arg2[%get3A_265, %dma_start3A_269] : memref<100000x1024xf32, #tpu.memory_space<any>> -> memref<1x1024xf32, #tpu.memory_space<any>>
    tpu.enqueue_dma source(%dma_start3A_270 : memref<1x1024xf32, #tpu.memory_space<any>>) target(%dma_start3A_268 : memref<1x1024xf32, #tpu.memory_space<vmem>>) target_semaphore(%arg5 : memref<!tpu.dma_semaphore, #tpu.memory_space<semaphore_mem>>)
    %get3A_271 = arith.constant 39 : index
    %get3A_272 = memref.load %arg0[%get3A_271] : memref<100xi32, #tpu.memory_space<smem>>
    %dma_start3A_273 = arith.constant 39 : i32
    %dma_start3A_274 = arith.constant 0 : i32
    %dma_start3A_275 = tpu.memref_slice %arg4[%dma_start3A_273, %dma_start3A_274] : memref<128x1024xf32, #tpu.memory_space<vmem>> -> memref<1x1024xf32, #tpu.memory_space<vmem>>
    %dma_start3A_276 = arith.constant 0 : i32
    %dma_start3A_277 = tpu.memref_slice %arg2[%get3A_272, %dma_start3A_276] : memref<100000x1024xf32, #tpu.memory_space<any>> -> memref<1x1024xf32, #tpu.memory_space<any>>
    tpu.enqueue_dma source(%dma_start3A_277 : memref<1x1024xf32, #tpu.memory_space<any>>) target(%dma_start3A_275 : memref<1x1024xf32, #tpu.memory_space<vmem>>) target_semaphore(%arg5 : memref<!tpu.dma_semaphore, #tpu.memory_space<semaphore_mem>>)
    %get3A_278 = arith.constant 40 : index
    %get3A_279 = memref.load %arg0[%get3A_278] : memref<100xi32, #tpu.memory_space<smem>>
    %dma_start3A_280 = arith.constant 40 : i32
    %dma_start3A_281 = arith.constant 0 : i32
    %dma_start3A_282 = tpu.memref_slice %arg4[%dma_start3A_280, %dma_start3A_281] : memref<128x1024xf32, #tpu.memory_space<vmem>> -> memref<1x1024xf32, #tpu.memory_space<vmem>>
    %dma_start3A_283 = arith.constant 0 : i32
    %dma_start3A_284 = tpu.memref_slice %arg2[%get3A_279, %dma_start3A_283] : memref<100000x1024xf32, #tpu.memory_space<any>> -> memref<1x1024xf32, #tpu.memory_space<any>>
    tpu.enqueue_dma source(%dma_start3A_284 : memref<1x1024xf32, #tpu.memory_space<any>>) target(%dma_start3A_282 : memref<1x1024xf32, #tpu.memory_space<vmem>>) target_semaphore(%arg5 : memref<!tpu.dma_semaphore, #tpu.memory_space<semaphore_mem>>)
    %get3A_285 = arith.constant 41 : index
    %get3A_286 = memref.load %arg0[%get3A_285] : memref<100xi32, #tpu.memory_space<smem>>
    %dma_start3A_287 = arith.constant 41 : i32
    %dma_start3A_288 = arith.constant 0 : i32
    %dma_start3A_289 = tpu.memref_slice %arg4[%dma_start3A_287, %dma_start3A_288] : memref<128x1024xf32, #tpu.memory_space<vmem>> -> memref<1x1024xf32, #tpu.memory_space<vmem>>
    %dma_start3A_290 = arith.constant 0 : i32
    %dma_start3A_291 = tpu.memref_slice %arg2[%get3A_286, %dma_start3A_290] : memref<100000x1024xf32, #tpu.memory_space<any>> -> memref<1x1024xf32, #tpu.memory_space<any>>
    tpu.enqueue_dma source(%dma_start3A_291 : memref<1x1024xf32, #tpu.memory_space<any>>) target(%dma_start3A_289 : memref<1x1024xf32, #tpu.memory_space<vmem>>) target_semaphore(%arg5 : memref<!tpu.dma_semaphore, #tpu.memory_space<semaphore_mem>>)
    %get3A_292 = arith.constant 42 : index
    %get3A_293 = memref.load %arg0[%get3A_292] : memref<100xi32, #tpu.memory_space<smem>>
    %dma_start3A_294 = arith.constant 42 : i32
    %dma_start3A_295 = arith.constant 0 : i32
    %dma_start3A_296 = tpu.memref_slice %arg4[%dma_start3A_294, %dma_start3A_295] : memref<128x1024xf32, #tpu.memory_space<vmem>> -> memref<1x1024xf32, #tpu.memory_space<vmem>>
    %dma_start3A_297 = arith.constant 0 : i32
    %dma_start3A_298 = tpu.memref_slice %arg2[%get3A_293, %dma_start3A_297] : memref<100000x1024xf32, #tpu.memory_space<any>> -> memref<1x1024xf32, #tpu.memory_space<any>>
    tpu.enqueue_dma source(%dma_start3A_298 : memref<1x1024xf32, #tpu.memory_space<any>>) target(%dma_start3A_296 : memref<1x1024xf32, #tpu.memory_space<vmem>>) target_semaphore(%arg5 : memref<!tpu.dma_semaphore, #tpu.memory_space<semaphore_mem>>)
    %get3A_299 = arith.constant 43 : index
    %get3A_300 = memref.load %arg0[%get3A_299] : memref<100xi32, #tpu.memory_space<smem>>
    %dma_start3A_301 = arith.constant 43 : i32
    %dma_start3A_302 = arith.constant 0 : i32
    %dma_start3A_303 = tpu.memref_slice %arg4[%dma_start3A_301, %dma_start3A_302] : memref<128x1024xf32, #tpu.memory_space<vmem>> -> memref<1x1024xf32, #tpu.memory_space<vmem>>
    %dma_start3A_304 = arith.constant 0 : i32
    %dma_start3A_305 = tpu.memref_slice %arg2[%get3A_300, %dma_start3A_304] : memref<100000x1024xf32, #tpu.memory_space<any>> -> memref<1x1024xf32, #tpu.memory_space<any>>
    tpu.enqueue_dma source(%dma_start3A_305 : memref<1x1024xf32, #tpu.memory_space<any>>) target(%dma_start3A_303 : memref<1x1024xf32, #tpu.memory_space<vmem>>) target_semaphore(%arg5 : memref<!tpu.dma_semaphore, #tpu.memory_space<semaphore_mem>>)
    %get3A_306 = arith.constant 44 : index
    %get3A_307 = memref.load %arg0[%get3A_306] : memref<100xi32, #tpu.memory_space<smem>>
    %dma_start3A_308 = arith.constant 44 : i32
    %dma_start3A_309 = arith.constant 0 : i32
    %dma_start3A_310 = tpu.memref_slice %arg4[%dma_start3A_308, %dma_start3A_309] : memref<128x1024xf32, #tpu.memory_space<vmem>> -> memref<1x1024xf32, #tpu.memory_space<vmem>>
    %dma_start3A_311 = arith.constant 0 : i32
    %dma_start3A_312 = tpu.memref_slice %arg2[%get3A_307, %dma_start3A_311] : memref<100000x1024xf32, #tpu.memory_space<any>> -> memref<1x1024xf32, #tpu.memory_space<any>>
    tpu.enqueue_dma source(%dma_start3A_312 : memref<1x1024xf32, #tpu.memory_space<any>>) target(%dma_start3A_310 : memref<1x1024xf32, #tpu.memory_space<vmem>>) target_semaphore(%arg5 : memref<!tpu.dma_semaphore, #tpu.memory_space<semaphore_mem>>)
    %get3A_313 = arith.constant 45 : index
    %get3A_314 = memref.load %arg0[%get3A_313] : memref<100xi32, #tpu.memory_space<smem>>
    %dma_start3A_315 = arith.constant 45 : i32
    %dma_start3A_316 = arith.constant 0 : i32
    %dma_start3A_317 = tpu.memref_slice %arg4[%dma_start3A_315, %dma_start3A_316] : memref<128x1024xf32, #tpu.memory_space<vmem>> -> memref<1x1024xf32, #tpu.memory_space<vmem>>
    %dma_start3A_318 = arith.constant 0 : i32
    %dma_start3A_319 = tpu.memref_slice %arg2[%get3A_314, %dma_start3A_318] : memref<100000x1024xf32, #tpu.memory_space<any>> -> memref<1x1024xf32, #tpu.memory_space<any>>
    tpu.enqueue_dma source(%dma_start3A_319 : memref<1x1024xf32, #tpu.memory_space<any>>) target(%dma_start3A_317 : memref<1x1024xf32, #tpu.memory_space<vmem>>) target_semaphore(%arg5 : memref<!tpu.dma_semaphore, #tpu.memory_space<semaphore_mem>>)
    %get3A_320 = arith.constant 46 : index
    %get3A_321 = memref.load %arg0[%get3A_320] : memref<100xi32, #tpu.memory_space<smem>>
    %dma_start3A_322 = arith.constant 46 : i32
    %dma_start3A_323 = arith.constant 0 : i32
    %dma_start3A_324 = tpu.memref_slice %arg4[%dma_start3A_322, %dma_start3A_323] : memref<128x1024xf32, #tpu.memory_space<vmem>> -> memref<1x1024xf32, #tpu.memory_space<vmem>>
    %dma_start3A_325 = arith.constant 0 : i32
    %dma_start3A_326 = tpu.memref_slice %arg2[%get3A_321, %dma_start3A_325] : memref<100000x1024xf32, #tpu.memory_space<any>> -> memref<1x1024xf32, #tpu.memory_space<any>>
    tpu.enqueue_dma source(%dma_start3A_326 : memref<1x1024xf32, #tpu.memory_space<any>>) target(%dma_start3A_324 : memref<1x1024xf32, #tpu.memory_space<vmem>>) target_semaphore(%arg5 : memref<!tpu.dma_semaphore, #tpu.memory_space<semaphore_mem>>)
    %get3A_327 = arith.constant 47 : index
    %get3A_328 = memref.load %arg0[%get3A_327] : memref<100xi32, #tpu.memory_space<smem>>
    %dma_start3A_329 = arith.constant 47 : i32
    %dma_start3A_330 = arith.constant 0 : i32
    %dma_start3A_331 = tpu.memref_slice %arg4[%dma_start3A_329, %dma_start3A_330] : memref<128x1024xf32, #tpu.memory_space<vmem>> -> memref<1x1024xf32, #tpu.memory_space<vmem>>
    %dma_start3A_332 = arith.constant 0 : i32
    %dma_start3A_333 = tpu.memref_slice %arg2[%get3A_328, %dma_start3A_332] : memref<100000x1024xf32, #tpu.memory_space<any>> -> memref<1x1024xf32, #tpu.memory_space<any>>
    tpu.enqueue_dma source(%dma_start3A_333 : memref<1x1024xf32, #tpu.memory_space<any>>) target(%dma_start3A_331 : memref<1x1024xf32, #tpu.memory_space<vmem>>) target_semaphore(%arg5 : memref<!tpu.dma_semaphore, #tpu.memory_space<semaphore_mem>>)
    %get3A_334 = arith.constant 48 : index
    %get3A_335 = memref.load %arg0[%get3A_334] : memref<100xi32, #tpu.memory_space<smem>>
    %dma_start3A_336 = arith.constant 48 : i32
    %dma_start3A_337 = arith.constant 0 : i32
    %dma_start3A_338 = tpu.memref_slice %arg4[%dma_start3A_336, %dma_start3A_337] : memref<128x1024xf32, #tpu.memory_space<vmem>> -> memref<1x1024xf32, #tpu.memory_space<vmem>>
    %dma_start3A_339 = arith.constant 0 : i32
    %dma_start3A_340 = tpu.memref_slice %arg2[%get3A_335, %dma_start3A_339] : memref<100000x1024xf32, #tpu.memory_space<any>> -> memref<1x1024xf32, #tpu.memory_space<any>>
    tpu.enqueue_dma source(%dma_start3A_340 : memref<1x1024xf32, #tpu.memory_space<any>>) target(%dma_start3A_338 : memref<1x1024xf32, #tpu.memory_space<vmem>>) target_semaphore(%arg5 : memref<!tpu.dma_semaphore, #tpu.memory_space<semaphore_mem>>)
    %get3A_341 = arith.constant 49 : index
    %get3A_342 = memref.load %arg0[%get3A_341] : memref<100xi32, #tpu.memory_space<smem>>
    %dma_start3A_343 = arith.constant 49 : i32
    %dma_start3A_344 = arith.constant 0 : i32
    %dma_start3A_345 = tpu.memref_slice %arg4[%dma_start3A_343, %dma_start3A_344] : memref<128x1024xf32, #tpu.memory_space<vmem>> -> memref<1x1024xf32, #tpu.memory_space<vmem>>
    %dma_start3A_346 = arith.constant 0 : i32
    %dma_start3A_347 = tpu.memref_slice %arg2[%get3A_342, %dma_start3A_346] : memref<100000x1024xf32, #tpu.memory_space<any>> -> memref<1x1024xf32, #tpu.memory_space<any>>
    tpu.enqueue_dma source(%dma_start3A_347 : memref<1x1024xf32, #tpu.memory_space<any>>) target(%dma_start3A_345 : memref<1x1024xf32, #tpu.memory_space<vmem>>) target_semaphore(%arg5 : memref<!tpu.dma_semaphore, #tpu.memory_space<semaphore_mem>>)
    %get3A_348 = arith.constant 50 : index
    %get3A_349 = memref.load %arg0[%get3A_348] : memref<100xi32, #tpu.memory_space<smem>>
    %dma_start3A_350 = arith.constant 50 : i32
    %dma_start3A_351 = arith.constant 0 : i32
    %dma_start3A_352 = tpu.memref_slice %arg4[%dma_start3A_350, %dma_start3A_351] : memref<128x1024xf32, #tpu.memory_space<vmem>> -> memref<1x1024xf32, #tpu.memory_space<vmem>>
    %dma_start3A_353 = arith.constant 0 : i32
    %dma_start3A_354 = tpu.memref_slice %arg2[%get3A_349, %dma_start3A_353] : memref<100000x1024xf32, #tpu.memory_space<any>> -> memref<1x1024xf32, #tpu.memory_space<any>>
    tpu.enqueue_dma source(%dma_start3A_354 : memref<1x1024xf32, #tpu.memory_space<any>>) target(%dma_start3A_352 : memref<1x1024xf32, #tpu.memory_space<vmem>>) target_semaphore(%arg5 : memref<!tpu.dma_semaphore, #tpu.memory_space<semaphore_mem>>)
    %get3A_355 = arith.constant 51 : index
    %get3A_356 = memref.load %arg0[%get3A_355] : memref<100xi32, #tpu.memory_space<smem>>
    %dma_start3A_357 = arith.constant 51 : i32
    %dma_start3A_358 = arith.constant 0 : i32
    %dma_start3A_359 = tpu.memref_slice %arg4[%dma_start3A_357, %dma_start3A_358] : memref<128x1024xf32, #tpu.memory_space<vmem>> -> memref<1x1024xf32, #tpu.memory_space<vmem>>
    %dma_start3A_360 = arith.constant 0 : i32
    %dma_start3A_361 = tpu.memref_slice %arg2[%get3A_356, %dma_start3A_360] : memref<100000x1024xf32, #tpu.memory_space<any>> -> memref<1x1024xf32, #tpu.memory_space<any>>
    tpu.enqueue_dma source(%dma_start3A_361 : memref<1x1024xf32, #tpu.memory_space<any>>) target(%dma_start3A_359 : memref<1x1024xf32, #tpu.memory_space<vmem>>) target_semaphore(%arg5 : memref<!tpu.dma_semaphore, #tpu.memory_space<semaphore_mem>>)
    %get3A_362 = arith.constant 52 : index
    %get3A_363 = memref.load %arg0[%get3A_362] : memref<100xi32, #tpu.memory_space<smem>>
    %dma_start3A_364 = arith.constant 52 : i32
    %dma_start3A_365 = arith.constant 0 : i32
    %dma_start3A_366 = tpu.memref_slice %arg4[%dma_start3A_364, %dma_start3A_365] : memref<128x1024xf32, #tpu.memory_space<vmem>> -> memref<1x1024xf32, #tpu.memory_space<vmem>>
    %dma_start3A_367 = arith.constant 0 : i32
    %dma_start3A_368 = tpu.memref_slice %arg2[%get3A_363, %dma_start3A_367] : memref<100000x1024xf32, #tpu.memory_space<any>> -> memref<1x1024xf32, #tpu.memory_space<any>>
    tpu.enqueue_dma source(%dma_start3A_368 : memref<1x1024xf32, #tpu.memory_space<any>>) target(%dma_start3A_366 : memref<1x1024xf32, #tpu.memory_space<vmem>>) target_semaphore(%arg5 : memref<!tpu.dma_semaphore, #tpu.memory_space<semaphore_mem>>)
    %get3A_369 = arith.constant 53 : index
    %get3A_370 = memref.load %arg0[%get3A_369] : memref<100xi32, #tpu.memory_space<smem>>
    %dma_start3A_371 = arith.constant 53 : i32
    %dma_start3A_372 = arith.constant 0 : i32
    %dma_start3A_373 = tpu.memref_slice %arg4[%dma_start3A_371, %dma_start3A_372] : memref<128x1024xf32, #tpu.memory_space<vmem>> -> memref<1x1024xf32, #tpu.memory_space<vmem>>
    %dma_start3A_374 = arith.constant 0 : i32
    %dma_start3A_375 = tpu.memref_slice %arg2[%get3A_370, %dma_start3A_374] : memref<100000x1024xf32, #tpu.memory_space<any>> -> memref<1x1024xf32, #tpu.memory_space<any>>
    tpu.enqueue_dma source(%dma_start3A_375 : memref<1x1024xf32, #tpu.memory_space<any>>) target(%dma_start3A_373 : memref<1x1024xf32, #tpu.memory_space<vmem>>) target_semaphore(%arg5 : memref<!tpu.dma_semaphore, #tpu.memory_space<semaphore_mem>>)
    %get3A_376 = arith.constant 54 : index
    %get3A_377 = memref.load %arg0[%get3A_376] : memref<100xi32, #tpu.memory_space<smem>>
    %dma_start3A_378 = arith.constant 54 : i32
    %dma_start3A_379 = arith.constant 0 : i32
    %dma_start3A_380 = tpu.memref_slice %arg4[%dma_start3A_378, %dma_start3A_379] : memref<128x1024xf32, #tpu.memory_space<vmem>> -> memref<1x1024xf32, #tpu.memory_space<vmem>>
    %dma_start3A_381 = arith.constant 0 : i32
    %dma_start3A_382 = tpu.memref_slice %arg2[%get3A_377, %dma_start3A_381] : memref<100000x1024xf32, #tpu.memory_space<any>> -> memref<1x1024xf32, #tpu.memory_space<any>>
    tpu.enqueue_dma source(%dma_start3A_382 : memref<1x1024xf32, #tpu.memory_space<any>>) target(%dma_start3A_380 : memref<1x1024xf32, #tpu.memory_space<vmem>>) target_semaphore(%arg5 : memref<!tpu.dma_semaphore, #tpu.memory_space<semaphore_mem>>)
    %get3A_383 = arith.constant 55 : index
    %get3A_384 = memref.load %arg0[%get3A_383] : memref<100xi32, #tpu.memory_space<smem>>
    %dma_start3A_385 = arith.constant 55 : i32
    %dma_start3A_386 = arith.constant 0 : i32
    %dma_start3A_387 = tpu.memref_slice %arg4[%dma_start3A_385, %dma_start3A_386] : memref<128x1024xf32, #tpu.memory_space<vmem>> -> memref<1x1024xf32, #tpu.memory_space<vmem>>
    %dma_start3A_388 = arith.constant 0 : i32
    %dma_start3A_389 = tpu.memref_slice %arg2[%get3A_384, %dma_start3A_388] : memref<100000x1024xf32, #tpu.memory_space<any>> -> memref<1x1024xf32, #tpu.memory_space<any>>
    tpu.enqueue_dma source(%dma_start3A_389 : memref<1x1024xf32, #tpu.memory_space<any>>) target(%dma_start3A_387 : memref<1x1024xf32, #tpu.memory_space<vmem>>) target_semaphore(%arg5 : memref<!tpu.dma_semaphore, #tpu.memory_space<semaphore_mem>>)
    %get3A_390 = arith.constant 56 : index
    %get3A_391 = memref.load %arg0[%get3A_390] : memref<100xi32, #tpu.memory_space<smem>>
    %dma_start3A_392 = arith.constant 56 : i32
    %dma_start3A_393 = arith.constant 0 : i32
    %dma_start3A_394 = tpu.memref_slice %arg4[%dma_start3A_392, %dma_start3A_393] : memref<128x1024xf32, #tpu.memory_space<vmem>> -> memref<1x1024xf32, #tpu.memory_space<vmem>>
    %dma_start3A_395 = arith.constant 0 : i32
    %dma_start3A_396 = tpu.memref_slice %arg2[%get3A_391, %dma_start3A_395] : memref<100000x1024xf32, #tpu.memory_space<any>> -> memref<1x1024xf32, #tpu.memory_space<any>>
    tpu.enqueue_dma source(%dma_start3A_396 : memref<1x1024xf32, #tpu.memory_space<any>>) target(%dma_start3A_394 : memref<1x1024xf32, #tpu.memory_space<vmem>>) target_semaphore(%arg5 : memref<!tpu.dma_semaphore, #tpu.memory_space<semaphore_mem>>)
    %get3A_397 = arith.constant 57 : index
    %get3A_398 = memref.load %arg0[%get3A_397] : memref<100xi32, #tpu.memory_space<smem>>
    %dma_start3A_399 = arith.constant 57 : i32
    %dma_start3A_400 = arith.constant 0 : i32
    %dma_start3A_401 = tpu.memref_slice %arg4[%dma_start3A_399, %dma_start3A_400] : memref<128x1024xf32, #tpu.memory_space<vmem>> -> memref<1x1024xf32, #tpu.memory_space<vmem>>
    %dma_start3A_402 = arith.constant 0 : i32
    %dma_start3A_403 = tpu.memref_slice %arg2[%get3A_398, %dma_start3A_402] : memref<100000x1024xf32, #tpu.memory_space<any>> -> memref<1x1024xf32, #tpu.memory_space<any>>
    tpu.enqueue_dma source(%dma_start3A_403 : memref<1x1024xf32, #tpu.memory_space<any>>) target(%dma_start3A_401 : memref<1x1024xf32, #tpu.memory_space<vmem>>) target_semaphore(%arg5 : memref<!tpu.dma_semaphore, #tpu.memory_space<semaphore_mem>>)
    %get3A_404 = arith.constant 58 : index
    %get3A_405 = memref.load %arg0[%get3A_404] : memref<100xi32, #tpu.memory_space<smem>>
    %dma_start3A_406 = arith.constant 58 : i32
    %dma_start3A_407 = arith.constant 0 : i32
    %dma_start3A_408 = tpu.memref_slice %arg4[%dma_start3A_406, %dma_start3A_407] : memref<128x1024xf32, #tpu.memory_space<vmem>> -> memref<1x1024xf32, #tpu.memory_space<vmem>>
    %dma_start3A_409 = arith.constant 0 : i32
    %dma_start3A_410 = tpu.memref_slice %arg2[%get3A_405, %dma_start3A_409] : memref<100000x1024xf32, #tpu.memory_space<any>> -> memref<1x1024xf32, #tpu.memory_space<any>>
    tpu.enqueue_dma source(%dma_start3A_410 : memref<1x1024xf32, #tpu.memory_space<any>>) target(%dma_start3A_408 : memref<1x1024xf32, #tpu.memory_space<vmem>>) target_semaphore(%arg5 : memref<!tpu.dma_semaphore, #tpu.memory_space<semaphore_mem>>)
    %get3A_411 = arith.constant 59 : index
    %get3A_412 = memref.load %arg0[%get3A_411] : memref<100xi32, #tpu.memory_space<smem>>
    %dma_start3A_413 = arith.constant 59 : i32
    %dma_start3A_414 = arith.constant 0 : i32
    %dma_start3A_415 = tpu.memref_slice %arg4[%dma_start3A_413, %dma_start3A_414] : memref<128x1024xf32, #tpu.memory_space<vmem>> -> memref<1x1024xf32, #tpu.memory_space<vmem>>
    %dma_start3A_416 = arith.constant 0 : i32
    %dma_start3A_417 = tpu.memref_slice %arg2[%get3A_412, %dma_start3A_416] : memref<100000x1024xf32, #tpu.memory_space<any>> -> memref<1x1024xf32, #tpu.memory_space<any>>
    tpu.enqueue_dma source(%dma_start3A_417 : memref<1x1024xf32, #tpu.memory_space<any>>) target(%dma_start3A_415 : memref<1x1024xf32, #tpu.memory_space<vmem>>) target_semaphore(%arg5 : memref<!tpu.dma_semaphore, #tpu.memory_space<semaphore_mem>>)
    %get3A_418 = arith.constant 60 : index
    %get3A_419 = memref.load %arg0[%get3A_418] : memref<100xi32, #tpu.memory_space<smem>>
    %dma_start3A_420 = arith.constant 60 : i32
    %dma_start3A_421 = arith.constant 0 : i32
    %dma_start3A_422 = tpu.memref_slice %arg4[%dma_start3A_420, %dma_start3A_421] : memref<128x1024xf32, #tpu.memory_space<vmem>> -> memref<1x1024xf32, #tpu.memory_space<vmem>>
    %dma_start3A_423 = arith.constant 0 : i32
    %dma_start3A_424 = tpu.memref_slice %arg2[%get3A_419, %dma_start3A_423] : memref<100000x1024xf32, #tpu.memory_space<any>> -> memref<1x1024xf32, #tpu.memory_space<any>>
    tpu.enqueue_dma source(%dma_start3A_424 : memref<1x1024xf32, #tpu.memory_space<any>>) target(%dma_start3A_422 : memref<1x1024xf32, #tpu.memory_space<vmem>>) target_semaphore(%arg5 : memref<!tpu.dma_semaphore, #tpu.memory_space<semaphore_mem>>)
    %get3A_425 = arith.constant 61 : index
    %get3A_426 = memref.load %arg0[%get3A_425] : memref<100xi32, #tpu.memory_space<smem>>
    %dma_start3A_427 = arith.constant 61 : i32
    %dma_start3A_428 = arith.constant 0 : i32
    %dma_start3A_429 = tpu.memref_slice %arg4[%dma_start3A_427, %dma_start3A_428] : memref<128x1024xf32, #tpu.memory_space<vmem>> -> memref<1x1024xf32, #tpu.memory_space<vmem>>
    %dma_start3A_430 = arith.constant 0 : i32
    %dma_start3A_431 = tpu.memref_slice %arg2[%get3A_426, %dma_start3A_430] : memref<100000x1024xf32, #tpu.memory_space<any>> -> memref<1x1024xf32, #tpu.memory_space<any>>
    tpu.enqueue_dma source(%dma_start3A_431 : memref<1x1024xf32, #tpu.memory_space<any>>) target(%dma_start3A_429 : memref<1x1024xf32, #tpu.memory_space<vmem>>) target_semaphore(%arg5 : memref<!tpu.dma_semaphore, #tpu.memory_space<semaphore_mem>>)
    %get3A_432 = arith.constant 62 : index
    %get3A_433 = memref.load %arg0[%get3A_432] : memref<100xi32, #tpu.memory_space<smem>>
    %dma_start3A_434 = arith.constant 62 : i32
    %dma_start3A_435 = arith.constant 0 : i32
    %dma_start3A_436 = tpu.memref_slice %arg4[%dma_start3A_434, %dma_start3A_435] : memref<128x1024xf32, #tpu.memory_space<vmem>> -> memref<1x1024xf32, #tpu.memory_space<vmem>>
    %dma_start3A_437 = arith.constant 0 : i32
    %dma_start3A_438 = tpu.memref_slice %arg2[%get3A_433, %dma_start3A_437] : memref<100000x1024xf32, #tpu.memory_space<any>> -> memref<1x1024xf32, #tpu.memory_space<any>>
    tpu.enqueue_dma source(%dma_start3A_438 : memref<1x1024xf32, #tpu.memory_space<any>>) target(%dma_start3A_436 : memref<1x1024xf32, #tpu.memory_space<vmem>>) target_semaphore(%arg5 : memref<!tpu.dma_semaphore, #tpu.memory_space<semaphore_mem>>)
    %get3A_439 = arith.constant 63 : index
    %get3A_440 = memref.load %arg0[%get3A_439] : memref<100xi32, #tpu.memory_space<smem>>
    %dma_start3A_441 = arith.constant 63 : i32
    %dma_start3A_442 = arith.constant 0 : i32
    %dma_start3A_443 = tpu.memref_slice %arg4[%dma_start3A_441, %dma_start3A_442] : memref<128x1024xf32, #tpu.memory_space<vmem>> -> memref<1x1024xf32, #tpu.memory_space<vmem>>
    %dma_start3A_444 = arith.constant 0 : i32
    %dma_start3A_445 = tpu.memref_slice %arg2[%get3A_440, %dma_start3A_444] : memref<100000x1024xf32, #tpu.memory_space<any>> -> memref<1x1024xf32, #tpu.memory_space<any>>
    tpu.enqueue_dma source(%dma_start3A_445 : memref<1x1024xf32, #tpu.memory_space<any>>) target(%dma_start3A_443 : memref<1x1024xf32, #tpu.memory_space<vmem>>) target_semaphore(%arg5 : memref<!tpu.dma_semaphore, #tpu.memory_space<semaphore_mem>>)
    %get3A_446 = arith.constant 64 : index
    %get3A_447 = memref.load %arg0[%get3A_446] : memref<100xi32, #tpu.memory_space<smem>>
    %dma_start3A_448 = arith.constant 64 : i32
    %dma_start3A_449 = arith.constant 0 : i32
    %dma_start3A_450 = tpu.memref_slice %arg4[%dma_start3A_448, %dma_start3A_449] : memref<128x1024xf32, #tpu.memory_space<vmem>> -> memref<1x1024xf32, #tpu.memory_space<vmem>>
    %dma_start3A_451 = arith.constant 0 : i32
    %dma_start3A_452 = tpu.memref_slice %arg2[%get3A_447, %dma_start3A_451] : memref<100000x1024xf32, #tpu.memory_space<any>> -> memref<1x1024xf32, #tpu.memory_space<any>>
    tpu.enqueue_dma source(%dma_start3A_452 : memref<1x1024xf32, #tpu.memory_space<any>>) target(%dma_start3A_450 : memref<1x1024xf32, #tpu.memory_space<vmem>>) target_semaphore(%arg5 : memref<!tpu.dma_semaphore, #tpu.memory_space<semaphore_mem>>)
    %get3A_453 = arith.constant 65 : index
    %get3A_454 = memref.load %arg0[%get3A_453] : memref<100xi32, #tpu.memory_space<smem>>
    %dma_start3A_455 = arith.constant 65 : i32
    %dma_start3A_456 = arith.constant 0 : i32
    %dma_start3A_457 = tpu.memref_slice %arg4[%dma_start3A_455, %dma_start3A_456] : memref<128x1024xf32, #tpu.memory_space<vmem>> -> memref<1x1024xf32, #tpu.memory_space<vmem>>
    %dma_start3A_458 = arith.constant 0 : i32
    %dma_start3A_459 = tpu.memref_slice %arg2[%get3A_454, %dma_start3A_458] : memref<100000x1024xf32, #tpu.memory_space<any>> -> memref<1x1024xf32, #tpu.memory_space<any>>
    tpu.enqueue_dma source(%dma_start3A_459 : memref<1x1024xf32, #tpu.memory_space<any>>) target(%dma_start3A_457 : memref<1x1024xf32, #tpu.memory_space<vmem>>) target_semaphore(%arg5 : memref<!tpu.dma_semaphore, #tpu.memory_space<semaphore_mem>>)
    %get3A_460 = arith.constant 66 : index
    %get3A_461 = memref.load %arg0[%get3A_460] : memref<100xi32, #tpu.memory_space<smem>>
    %dma_start3A_462 = arith.constant 66 : i32
    %dma_start3A_463 = arith.constant 0 : i32
    %dma_start3A_464 = tpu.memref_slice %arg4[%dma_start3A_462, %dma_start3A_463] : memref<128x1024xf32, #tpu.memory_space<vmem>> -> memref<1x1024xf32, #tpu.memory_space<vmem>>
    %dma_start3A_465 = arith.constant 0 : i32
    %dma_start3A_466 = tpu.memref_slice %arg2[%get3A_461, %dma_start3A_465] : memref<100000x1024xf32, #tpu.memory_space<any>> -> memref<1x1024xf32, #tpu.memory_space<any>>
    tpu.enqueue_dma source(%dma_start3A_466 : memref<1x1024xf32, #tpu.memory_space<any>>) target(%dma_start3A_464 : memref<1x1024xf32, #tpu.memory_space<vmem>>) target_semaphore(%arg5 : memref<!tpu.dma_semaphore, #tpu.memory_space<semaphore_mem>>)
    %get3A_467 = arith.constant 67 : index
    %get3A_468 = memref.load %arg0[%get3A_467] : memref<100xi32, #tpu.memory_space<smem>>
    %dma_start3A_469 = arith.constant 67 : i32
    %dma_start3A_470 = arith.constant 0 : i32
    %dma_start3A_471 = tpu.memref_slice %arg4[%dma_start3A_469, %dma_start3A_470] : memref<128x1024xf32, #tpu.memory_space<vmem>> -> memref<1x1024xf32, #tpu.memory_space<vmem>>
    %dma_start3A_472 = arith.constant 0 : i32
    %dma_start3A_473 = tpu.memref_slice %arg2[%get3A_468, %dma_start3A_472] : memref<100000x1024xf32, #tpu.memory_space<any>> -> memref<1x1024xf32, #tpu.memory_space<any>>
    tpu.enqueue_dma source(%dma_start3A_473 : memref<1x1024xf32, #tpu.memory_space<any>>) target(%dma_start3A_471 : memref<1x1024xf32, #tpu.memory_space<vmem>>) target_semaphore(%arg5 : memref<!tpu.dma_semaphore, #tpu.memory_space<semaphore_mem>>)
    %get3A_474 = arith.constant 68 : index
    %get3A_475 = memref.load %arg0[%get3A_474] : memref<100xi32, #tpu.memory_space<smem>>
    %dma_start3A_476 = arith.constant 68 : i32
    %dma_start3A_477 = arith.constant 0 : i32
    %dma_start3A_478 = tpu.memref_slice %arg4[%dma_start3A_476, %dma_start3A_477] : memref<128x1024xf32, #tpu.memory_space<vmem>> -> memref<1x1024xf32, #tpu.memory_space<vmem>>
    %dma_start3A_479 = arith.constant 0 : i32
    %dma_start3A_480 = tpu.memref_slice %arg2[%get3A_475, %dma_start3A_479] : memref<100000x1024xf32, #tpu.memory_space<any>> -> memref<1x1024xf32, #tpu.memory_space<any>>
    tpu.enqueue_dma source(%dma_start3A_480 : memref<1x1024xf32, #tpu.memory_space<any>>) target(%dma_start3A_478 : memref<1x1024xf32, #tpu.memory_space<vmem>>) target_semaphore(%arg5 : memref<!tpu.dma_semaphore, #tpu.memory_space<semaphore_mem>>)
    %get3A_481 = arith.constant 69 : index
    %get3A_482 = memref.load %arg0[%get3A_481] : memref<100xi32, #tpu.memory_space<smem>>
    %dma_start3A_483 = arith.constant 69 : i32
    %dma_start3A_484 = arith.constant 0 : i32
    %dma_start3A_485 = tpu.memref_slice %arg4[%dma_start3A_483, %dma_start3A_484] : memref<128x1024xf32, #tpu.memory_space<vmem>> -> memref<1x1024xf32, #tpu.memory_space<vmem>>
    %dma_start3A_486 = arith.constant 0 : i32
    %dma_start3A_487 = tpu.memref_slice %arg2[%get3A_482, %dma_start3A_486] : memref<100000x1024xf32, #tpu.memory_space<any>> -> memref<1x1024xf32, #tpu.memory_space<any>>
    tpu.enqueue_dma source(%dma_start3A_487 : memref<1x1024xf32, #tpu.memory_space<any>>) target(%dma_start3A_485 : memref<1x1024xf32, #tpu.memory_space<vmem>>) target_semaphore(%arg5 : memref<!tpu.dma_semaphore, #tpu.memory_space<semaphore_mem>>)
    %get3A_488 = arith.constant 70 : index
    %get3A_489 = memref.load %arg0[%get3A_488] : memref<100xi32, #tpu.memory_space<smem>>
    %dma_start3A_490 = arith.constant 70 : i32
    %dma_start3A_491 = arith.constant 0 : i32
    %dma_start3A_492 = tpu.memref_slice %arg4[%dma_start3A_490, %dma_start3A_491] : memref<128x1024xf32, #tpu.memory_space<vmem>> -> memref<1x1024xf32, #tpu.memory_space<vmem>>
    %dma_start3A_493 = arith.constant 0 : i32
    %dma_start3A_494 = tpu.memref_slice %arg2[%get3A_489, %dma_start3A_493] : memref<100000x1024xf32, #tpu.memory_space<any>> -> memref<1x1024xf32, #tpu.memory_space<any>>
    tpu.enqueue_dma source(%dma_start3A_494 : memref<1x1024xf32, #tpu.memory_space<any>>) target(%dma_start3A_492 : memref<1x1024xf32, #tpu.memory_space<vmem>>) target_semaphore(%arg5 : memref<!tpu.dma_semaphore, #tpu.memory_space<semaphore_mem>>)
    %get3A_495 = arith.constant 71 : index
    %get3A_496 = memref.load %arg0[%get3A_495] : memref<100xi32, #tpu.memory_space<smem>>
    %dma_start3A_497 = arith.constant 71 : i32
    %dma_start3A_498 = arith.constant 0 : i32
    %dma_start3A_499 = tpu.memref_slice %arg4[%dma_start3A_497, %dma_start3A_498] : memref<128x1024xf32, #tpu.memory_space<vmem>> -> memref<1x1024xf32, #tpu.memory_space<vmem>>
    %dma_start3A_500 = arith.constant 0 : i32
    %dma_start3A_501 = tpu.memref_slice %arg2[%get3A_496, %dma_start3A_500] : memref<100000x1024xf32, #tpu.memory_space<any>> -> memref<1x1024xf32, #tpu.memory_space<any>>
    tpu.enqueue_dma source(%dma_start3A_501 : memref<1x1024xf32, #tpu.memory_space<any>>) target(%dma_start3A_499 : memref<1x1024xf32, #tpu.memory_space<vmem>>) target_semaphore(%arg5 : memref<!tpu.dma_semaphore, #tpu.memory_space<semaphore_mem>>)
    %get3A_502 = arith.constant 72 : index
    %get3A_503 = memref.load %arg0[%get3A_502] : memref<100xi32, #tpu.memory_space<smem>>
    %dma_start3A_504 = arith.constant 72 : i32
    %dma_start3A_505 = arith.constant 0 : i32
    %dma_start3A_506 = tpu.memref_slice %arg4[%dma_start3A_504, %dma_start3A_505] : memref<128x1024xf32, #tpu.memory_space<vmem>> -> memref<1x1024xf32, #tpu.memory_space<vmem>>
    %dma_start3A_507 = arith.constant 0 : i32
    %dma_start3A_508 = tpu.memref_slice %arg2[%get3A_503, %dma_start3A_507] : memref<100000x1024xf32, #tpu.memory_space<any>> -> memref<1x1024xf32, #tpu.memory_space<any>>
    tpu.enqueue_dma source(%dma_start3A_508 : memref<1x1024xf32, #tpu.memory_space<any>>) target(%dma_start3A_506 : memref<1x1024xf32, #tpu.memory_space<vmem>>) target_semaphore(%arg5 : memref<!tpu.dma_semaphore, #tpu.memory_space<semaphore_mem>>)
    %get3A_509 = arith.constant 73 : index
    %get3A_510 = memref.load %arg0[%get3A_509] : memref<100xi32, #tpu.memory_space<smem>>
    %dma_start3A_511 = arith.constant 73 : i32
    %dma_start3A_512 = arith.constant 0 : i32
    %dma_start3A_513 = tpu.memref_slice %arg4[%dma_start3A_511, %dma_start3A_512] : memref<128x1024xf32, #tpu.memory_space<vmem>> -> memref<1x1024xf32, #tpu.memory_space<vmem>>
    %dma_start3A_514 = arith.constant 0 : i32
    %dma_start3A_515 = tpu.memref_slice %arg2[%get3A_510, %dma_start3A_514] : memref<100000x1024xf32, #tpu.memory_space<any>> -> memref<1x1024xf32, #tpu.memory_space<any>>
    tpu.enqueue_dma source(%dma_start3A_515 : memref<1x1024xf32, #tpu.memory_space<any>>) target(%dma_start3A_513 : memref<1x1024xf32, #tpu.memory_space<vmem>>) target_semaphore(%arg5 : memref<!tpu.dma_semaphore, #tpu.memory_space<semaphore_mem>>)
    %get3A_516 = arith.constant 74 : index
    %get3A_517 = memref.load %arg0[%get3A_516] : memref<100xi32, #tpu.memory_space<smem>>
    %dma_start3A_518 = arith.constant 74 : i32
    %dma_start3A_519 = arith.constant 0 : i32
    %dma_start3A_520 = tpu.memref_slice %arg4[%dma_start3A_518, %dma_start3A_519] : memref<128x1024xf32, #tpu.memory_space<vmem>> -> memref<1x1024xf32, #tpu.memory_space<vmem>>
    %dma_start3A_521 = arith.constant 0 : i32
    %dma_start3A_522 = tpu.memref_slice %arg2[%get3A_517, %dma_start3A_521] : memref<100000x1024xf32, #tpu.memory_space<any>> -> memref<1x1024xf32, #tpu.memory_space<any>>
    tpu.enqueue_dma source(%dma_start3A_522 : memref<1x1024xf32, #tpu.memory_space<any>>) target(%dma_start3A_520 : memref<1x1024xf32, #tpu.memory_space<vmem>>) target_semaphore(%arg5 : memref<!tpu.dma_semaphore, #tpu.memory_space<semaphore_mem>>)
    %get3A_523 = arith.constant 75 : index
    %get3A_524 = memref.load %arg0[%get3A_523] : memref<100xi32, #tpu.memory_space<smem>>
    %dma_start3A_525 = arith.constant 75 : i32
    %dma_start3A_526 = arith.constant 0 : i32
    %dma_start3A_527 = tpu.memref_slice %arg4[%dma_start3A_525, %dma_start3A_526] : memref<128x1024xf32, #tpu.memory_space<vmem>> -> memref<1x1024xf32, #tpu.memory_space<vmem>>
    %dma_start3A_528 = arith.constant 0 : i32
    %dma_start3A_529 = tpu.memref_slice %arg2[%get3A_524, %dma_start3A_528] : memref<100000x1024xf32, #tpu.memory_space<any>> -> memref<1x1024xf32, #tpu.memory_space<any>>
    tpu.enqueue_dma source(%dma_start3A_529 : memref<1x1024xf32, #tpu.memory_space<any>>) target(%dma_start3A_527 : memref<1x1024xf32, #tpu.memory_space<vmem>>) target_semaphore(%arg5 : memref<!tpu.dma_semaphore, #tpu.memory_space<semaphore_mem>>)
    %get3A_530 = arith.constant 76 : index
    %get3A_531 = memref.load %arg0[%get3A_530] : memref<100xi32, #tpu.memory_space<smem>>
    %dma_start3A_532 = arith.constant 76 : i32
    %dma_start3A_533 = arith.constant 0 : i32
    %dma_start3A_534 = tpu.memref_slice %arg4[%dma_start3A_532, %dma_start3A_533] : memref<128x1024xf32, #tpu.memory_space<vmem>> -> memref<1x1024xf32, #tpu.memory_space<vmem>>
    %dma_start3A_535 = arith.constant 0 : i32
    %dma_start3A_536 = tpu.memref_slice %arg2[%get3A_531, %dma_start3A_535] : memref<100000x1024xf32, #tpu.memory_space<any>> -> memref<1x1024xf32, #tpu.memory_space<any>>
    tpu.enqueue_dma source(%dma_start3A_536 : memref<1x1024xf32, #tpu.memory_space<any>>) target(%dma_start3A_534 : memref<1x1024xf32, #tpu.memory_space<vmem>>) target_semaphore(%arg5 : memref<!tpu.dma_semaphore, #tpu.memory_space<semaphore_mem>>)
    %get3A_537 = arith.constant 77 : index
    %get3A_538 = memref.load %arg0[%get3A_537] : memref<100xi32, #tpu.memory_space<smem>>
    %dma_start3A_539 = arith.constant 77 : i32
    %dma_start3A_540 = arith.constant 0 : i32
    %dma_start3A_541 = tpu.memref_slice %arg4[%dma_start3A_539, %dma_start3A_540] : memref<128x1024xf32, #tpu.memory_space<vmem>> -> memref<1x1024xf32, #tpu.memory_space<vmem>>
    %dma_start3A_542 = arith.constant 0 : i32
    %dma_start3A_543 = tpu.memref_slice %arg2[%get3A_538, %dma_start3A_542] : memref<100000x1024xf32, #tpu.memory_space<any>> -> memref<1x1024xf32, #tpu.memory_space<any>>
    tpu.enqueue_dma source(%dma_start3A_543 : memref<1x1024xf32, #tpu.memory_space<any>>) target(%dma_start3A_541 : memref<1x1024xf32, #tpu.memory_space<vmem>>) target_semaphore(%arg5 : memref<!tpu.dma_semaphore, #tpu.memory_space<semaphore_mem>>)
    %get3A_544 = arith.constant 78 : index
    %get3A_545 = memref.load %arg0[%get3A_544] : memref<100xi32, #tpu.memory_space<smem>>
    %dma_start3A_546 = arith.constant 78 : i32
    %dma_start3A_547 = arith.constant 0 : i32
    %dma_start3A_548 = tpu.memref_slice %arg4[%dma_start3A_546, %dma_start3A_547] : memref<128x1024xf32, #tpu.memory_space<vmem>> -> memref<1x1024xf32, #tpu.memory_space<vmem>>
    %dma_start3A_549 = arith.constant 0 : i32
    %dma_start3A_550 = tpu.memref_slice %arg2[%get3A_545, %dma_start3A_549] : memref<100000x1024xf32, #tpu.memory_space<any>> -> memref<1x1024xf32, #tpu.memory_space<any>>
    tpu.enqueue_dma source(%dma_start3A_550 : memref<1x1024xf32, #tpu.memory_space<any>>) target(%dma_start3A_548 : memref<1x1024xf32, #tpu.memory_space<vmem>>) target_semaphore(%arg5 : memref<!tpu.dma_semaphore, #tpu.memory_space<semaphore_mem>>)
    %get3A_551 = arith.constant 79 : index
    %get3A_552 = memref.load %arg0[%get3A_551] : memref<100xi32, #tpu.memory_space<smem>>
    %dma_start3A_553 = arith.constant 79 : i32
    %dma_start3A_554 = arith.constant 0 : i32
    %dma_start3A_555 = tpu.memref_slice %arg4[%dma_start3A_553, %dma_start3A_554] : memref<128x1024xf32, #tpu.memory_space<vmem>> -> memref<1x1024xf32, #tpu.memory_space<vmem>>
    %dma_start3A_556 = arith.constant 0 : i32
    %dma_start3A_557 = tpu.memref_slice %arg2[%get3A_552, %dma_start3A_556] : memref<100000x1024xf32, #tpu.memory_space<any>> -> memref<1x1024xf32, #tpu.memory_space<any>>
    tpu.enqueue_dma source(%dma_start3A_557 : memref<1x1024xf32, #tpu.memory_space<any>>) target(%dma_start3A_555 : memref<1x1024xf32, #tpu.memory_space<vmem>>) target_semaphore(%arg5 : memref<!tpu.dma_semaphore, #tpu.memory_space<semaphore_mem>>)
    %get3A_558 = arith.constant 80 : index
    %get3A_559 = memref.load %arg0[%get3A_558] : memref<100xi32, #tpu.memory_space<smem>>
    %dma_start3A_560 = arith.constant 80 : i32
    %dma_start3A_561 = arith.constant 0 : i32
    %dma_start3A_562 = tpu.memref_slice %arg4[%dma_start3A_560, %dma_start3A_561] : memref<128x1024xf32, #tpu.memory_space<vmem>> -> memref<1x1024xf32, #tpu.memory_space<vmem>>
    %dma_start3A_563 = arith.constant 0 : i32
    %dma_start3A_564 = tpu.memref_slice %arg2[%get3A_559, %dma_start3A_563] : memref<100000x1024xf32, #tpu.memory_space<any>> -> memref<1x1024xf32, #tpu.memory_space<any>>
    tpu.enqueue_dma source(%dma_start3A_564 : memref<1x1024xf32, #tpu.memory_space<any>>) target(%dma_start3A_562 : memref<1x1024xf32, #tpu.memory_space<vmem>>) target_semaphore(%arg5 : memref<!tpu.dma_semaphore, #tpu.memory_space<semaphore_mem>>)
    %get3A_565 = arith.constant 81 : index
    %get3A_566 = memref.load %arg0[%get3A_565] : memref<100xi32, #tpu.memory_space<smem>>
    %dma_start3A_567 = arith.constant 81 : i32
    %dma_start3A_568 = arith.constant 0 : i32
    %dma_start3A_569 = tpu.memref_slice %arg4[%dma_start3A_567, %dma_start3A_568] : memref<128x1024xf32, #tpu.memory_space<vmem>> -> memref<1x1024xf32, #tpu.memory_space<vmem>>
    %dma_start3A_570 = arith.constant 0 : i32
    %dma_start3A_571 = tpu.memref_slice %arg2[%get3A_566, %dma_start3A_570] : memref<100000x1024xf32, #tpu.memory_space<any>> -> memref<1x1024xf32, #tpu.memory_space<any>>
    tpu.enqueue_dma source(%dma_start3A_571 : memref<1x1024xf32, #tpu.memory_space<any>>) target(%dma_start3A_569 : memref<1x1024xf32, #tpu.memory_space<vmem>>) target_semaphore(%arg5 : memref<!tpu.dma_semaphore, #tpu.memory_space<semaphore_mem>>)
    %get3A_572 = arith.constant 82 : index
    %get3A_573 = memref.load %arg0[%get3A_572] : memref<100xi32, #tpu.memory_space<smem>>
    %dma_start3A_574 = arith.constant 82 : i32
    %dma_start3A_575 = arith.constant 0 : i32
    %dma_start3A_576 = tpu.memref_slice %arg4[%dma_start3A_574, %dma_start3A_575] : memref<128x1024xf32, #tpu.memory_space<vmem>> -> memref<1x1024xf32, #tpu.memory_space<vmem>>
    %dma_start3A_577 = arith.constant 0 : i32
    %dma_start3A_578 = tpu.memref_slice %arg2[%get3A_573, %dma_start3A_577] : memref<100000x1024xf32, #tpu.memory_space<any>> -> memref<1x1024xf32, #tpu.memory_space<any>>
    tpu.enqueue_dma source(%dma_start3A_578 : memref<1x1024xf32, #tpu.memory_space<any>>) target(%dma_start3A_576 : memref<1x1024xf32, #tpu.memory_space<vmem>>) target_semaphore(%arg5 : memref<!tpu.dma_semaphore, #tpu.memory_space<semaphore_mem>>)
    %get3A_579 = arith.constant 83 : index
    %get3A_580 = memref.load %arg0[%get3A_579] : memref<100xi32, #tpu.memory_space<smem>>
    %dma_start3A_581 = arith.constant 83 : i32
    %dma_start3A_582 = arith.constant 0 : i32
    %dma_start3A_583 = tpu.memref_slice %arg4[%dma_start3A_581, %dma_start3A_582] : memref<128x1024xf32, #tpu.memory_space<vmem>> -> memref<1x1024xf32, #tpu.memory_space<vmem>>
    %dma_start3A_584 = arith.constant 0 : i32
    %dma_start3A_585 = tpu.memref_slice %arg2[%get3A_580, %dma_start3A_584] : memref<100000x1024xf32, #tpu.memory_space<any>> -> memref<1x1024xf32, #tpu.memory_space<any>>
    tpu.enqueue_dma source(%dma_start3A_585 : memref<1x1024xf32, #tpu.memory_space<any>>) target(%dma_start3A_583 : memref<1x1024xf32, #tpu.memory_space<vmem>>) target_semaphore(%arg5 : memref<!tpu.dma_semaphore, #tpu.memory_space<semaphore_mem>>)
    %get3A_586 = arith.constant 84 : index
    %get3A_587 = memref.load %arg0[%get3A_586] : memref<100xi32, #tpu.memory_space<smem>>
    %dma_start3A_588 = arith.constant 84 : i32
    %dma_start3A_589 = arith.constant 0 : i32
    %dma_start3A_590 = tpu.memref_slice %arg4[%dma_start3A_588, %dma_start3A_589] : memref<128x1024xf32, #tpu.memory_space<vmem>> -> memref<1x1024xf32, #tpu.memory_space<vmem>>
    %dma_start3A_591 = arith.constant 0 : i32
    %dma_start3A_592 = tpu.memref_slice %arg2[%get3A_587, %dma_start3A_591] : memref<100000x1024xf32, #tpu.memory_space<any>> -> memref<1x1024xf32, #tpu.memory_space<any>>
    tpu.enqueue_dma source(%dma_start3A_592 : memref<1x1024xf32, #tpu.memory_space<any>>) target(%dma_start3A_590 : memref<1x1024xf32, #tpu.memory_space<vmem>>) target_semaphore(%arg5 : memref<!tpu.dma_semaphore, #tpu.memory_space<semaphore_mem>>)
    %get3A_593 = arith.constant 85 : index
    %get3A_594 = memref.load %arg0[%get3A_593] : memref<100xi32, #tpu.memory_space<smem>>
    %dma_start3A_595 = arith.constant 85 : i32
    %dma_start3A_596 = arith.constant 0 : i32
    %dma_start3A_597 = tpu.memref_slice %arg4[%dma_start3A_595, %dma_start3A_596] : memref<128x1024xf32, #tpu.memory_space<vmem>> -> memref<1x1024xf32, #tpu.memory_space<vmem>>
    %dma_start3A_598 = arith.constant 0 : i32
    %dma_start3A_599 = tpu.memref_slice %arg2[%get3A_594, %dma_start3A_598] : memref<100000x1024xf32, #tpu.memory_space<any>> -> memref<1x1024xf32, #tpu.memory_space<any>>
    tpu.enqueue_dma source(%dma_start3A_599 : memref<1x1024xf32, #tpu.memory_space<any>>) target(%dma_start3A_597 : memref<1x1024xf32, #tpu.memory_space<vmem>>) target_semaphore(%arg5 : memref<!tpu.dma_semaphore, #tpu.memory_space<semaphore_mem>>)
    %get3A_600 = arith.constant 86 : index
    %get3A_601 = memref.load %arg0[%get3A_600] : memref<100xi32, #tpu.memory_space<smem>>
    %dma_start3A_602 = arith.constant 86 : i32
    %dma_start3A_603 = arith.constant 0 : i32
    %dma_start3A_604 = tpu.memref_slice %arg4[%dma_start3A_602, %dma_start3A_603] : memref<128x1024xf32, #tpu.memory_space<vmem>> -> memref<1x1024xf32, #tpu.memory_space<vmem>>
    %dma_start3A_605 = arith.constant 0 : i32
    %dma_start3A_606 = tpu.memref_slice %arg2[%get3A_601, %dma_start3A_605] : memref<100000x1024xf32, #tpu.memory_space<any>> -> memref<1x1024xf32, #tpu.memory_space<any>>
    tpu.enqueue_dma source(%dma_start3A_606 : memref<1x1024xf32, #tpu.memory_space<any>>) target(%dma_start3A_604 : memref<1x1024xf32, #tpu.memory_space<vmem>>) target_semaphore(%arg5 : memref<!tpu.dma_semaphore, #tpu.memory_space<semaphore_mem>>)
    %get3A_607 = arith.constant 87 : index
    %get3A_608 = memref.load %arg0[%get3A_607] : memref<100xi32, #tpu.memory_space<smem>>
    %dma_start3A_609 = arith.constant 87 : i32
    %dma_start3A_610 = arith.constant 0 : i32
    %dma_start3A_611 = tpu.memref_slice %arg4[%dma_start3A_609, %dma_start3A_610] : memref<128x1024xf32, #tpu.memory_space<vmem>> -> memref<1x1024xf32, #tpu.memory_space<vmem>>
    %dma_start3A_612 = arith.constant 0 : i32
    %dma_start3A_613 = tpu.memref_slice %arg2[%get3A_608, %dma_start3A_612] : memref<100000x1024xf32, #tpu.memory_space<any>> -> memref<1x1024xf32, #tpu.memory_space<any>>
    tpu.enqueue_dma source(%dma_start3A_613 : memref<1x1024xf32, #tpu.memory_space<any>>) target(%dma_start3A_611 : memref<1x1024xf32, #tpu.memory_space<vmem>>) target_semaphore(%arg5 : memref<!tpu.dma_semaphore, #tpu.memory_space<semaphore_mem>>)
    %get3A_614 = arith.constant 88 : index
    %get3A_615 = memref.load %arg0[%get3A_614] : memref<100xi32, #tpu.memory_space<smem>>
    %dma_start3A_616 = arith.constant 88 : i32
    %dma_start3A_617 = arith.constant 0 : i32
    %dma_start3A_618 = tpu.memref_slice %arg4[%dma_start3A_616, %dma_start3A_617] : memref<128x1024xf32, #tpu.memory_space<vmem>> -> memref<1x1024xf32, #tpu.memory_space<vmem>>
    %dma_start3A_619 = arith.constant 0 : i32
    %dma_start3A_620 = tpu.memref_slice %arg2[%get3A_615, %dma_start3A_619] : memref<100000x1024xf32, #tpu.memory_space<any>> -> memref<1x1024xf32, #tpu.memory_space<any>>
    tpu.enqueue_dma source(%dma_start3A_620 : memref<1x1024xf32, #tpu.memory_space<any>>) target(%dma_start3A_618 : memref<1x1024xf32, #tpu.memory_space<vmem>>) target_semaphore(%arg5 : memref<!tpu.dma_semaphore, #tpu.memory_space<semaphore_mem>>)
    %get3A_621 = arith.constant 89 : index
    %get3A_622 = memref.load %arg0[%get3A_621] : memref<100xi32, #tpu.memory_space<smem>>
    %dma_start3A_623 = arith.constant 89 : i32
    %dma_start3A_624 = arith.constant 0 : i32
    %dma_start3A_625 = tpu.memref_slice %arg4[%dma_start3A_623, %dma_start3A_624] : memref<128x1024xf32, #tpu.memory_space<vmem>> -> memref<1x1024xf32, #tpu.memory_space<vmem>>
    %dma_start3A_626 = arith.constant 0 : i32
    %dma_start3A_627 = tpu.memref_slice %arg2[%get3A_622, %dma_start3A_626] : memref<100000x1024xf32, #tpu.memory_space<any>> -> memref<1x1024xf32, #tpu.memory_space<any>>
    tpu.enqueue_dma source(%dma_start3A_627 : memref<1x1024xf32, #tpu.memory_space<any>>) target(%dma_start3A_625 : memref<1x1024xf32, #tpu.memory_space<vmem>>) target_semaphore(%arg5 : memref<!tpu.dma_semaphore, #tpu.memory_space<semaphore_mem>>)
    %get3A_628 = arith.constant 90 : index
    %get3A_629 = memref.load %arg0[%get3A_628] : memref<100xi32, #tpu.memory_space<smem>>
    %dma_start3A_630 = arith.constant 90 : i32
    %dma_start3A_631 = arith.constant 0 : i32
    %dma_start3A_632 = tpu.memref_slice %arg4[%dma_start3A_630, %dma_start3A_631] : memref<128x1024xf32, #tpu.memory_space<vmem>> -> memref<1x1024xf32, #tpu.memory_space<vmem>>
    %dma_start3A_633 = arith.constant 0 : i32
    %dma_start3A_634 = tpu.memref_slice %arg2[%get3A_629, %dma_start3A_633] : memref<100000x1024xf32, #tpu.memory_space<any>> -> memref<1x1024xf32, #tpu.memory_space<any>>
    tpu.enqueue_dma source(%dma_start3A_634 : memref<1x1024xf32, #tpu.memory_space<any>>) target(%dma_start3A_632 : memref<1x1024xf32, #tpu.memory_space<vmem>>) target_semaphore(%arg5 : memref<!tpu.dma_semaphore, #tpu.memory_space<semaphore_mem>>)
    %get3A_635 = arith.constant 91 : index
    %get3A_636 = memref.load %arg0[%get3A_635] : memref<100xi32, #tpu.memory_space<smem>>
    %dma_start3A_637 = arith.constant 91 : i32
    %dma_start3A_638 = arith.constant 0 : i32
    %dma_start3A_639 = tpu.memref_slice %arg4[%dma_start3A_637, %dma_start3A_638] : memref<128x1024xf32, #tpu.memory_space<vmem>> -> memref<1x1024xf32, #tpu.memory_space<vmem>>
    %dma_start3A_640 = arith.constant 0 : i32
    %dma_start3A_641 = tpu.memref_slice %arg2[%get3A_636, %dma_start3A_640] : memref<100000x1024xf32, #tpu.memory_space<any>> -> memref<1x1024xf32, #tpu.memory_space<any>>
    tpu.enqueue_dma source(%dma_start3A_641 : memref<1x1024xf32, #tpu.memory_space<any>>) target(%dma_start3A_639 : memref<1x1024xf32, #tpu.memory_space<vmem>>) target_semaphore(%arg5 : memref<!tpu.dma_semaphore, #tpu.memory_space<semaphore_mem>>)
    %get3A_642 = arith.constant 92 : index
    %get3A_643 = memref.load %arg0[%get3A_642] : memref<100xi32, #tpu.memory_space<smem>>
    %dma_start3A_644 = arith.constant 92 : i32
    %dma_start3A_645 = arith.constant 0 : i32
    %dma_start3A_646 = tpu.memref_slice %arg4[%dma_start3A_644, %dma_start3A_645] : memref<128x1024xf32, #tpu.memory_space<vmem>> -> memref<1x1024xf32, #tpu.memory_space<vmem>>
    %dma_start3A_647 = arith.constant 0 : i32
    %dma_start3A_648 = tpu.memref_slice %arg2[%get3A_643, %dma_start3A_647] : memref<100000x1024xf32, #tpu.memory_space<any>> -> memref<1x1024xf32, #tpu.memory_space<any>>
    tpu.enqueue_dma source(%dma_start3A_648 : memref<1x1024xf32, #tpu.memory_space<any>>) target(%dma_start3A_646 : memref<1x1024xf32, #tpu.memory_space<vmem>>) target_semaphore(%arg5 : memref<!tpu.dma_semaphore, #tpu.memory_space<semaphore_mem>>)
    %get3A_649 = arith.constant 93 : index
    %get3A_650 = memref.load %arg0[%get3A_649] : memref<100xi32, #tpu.memory_space<smem>>
    %dma_start3A_651 = arith.constant 93 : i32
    %dma_start3A_652 = arith.constant 0 : i32
    %dma_start3A_653 = tpu.memref_slice %arg4[%dma_start3A_651, %dma_start3A_652] : memref<128x1024xf32, #tpu.memory_space<vmem>> -> memref<1x1024xf32, #tpu.memory_space<vmem>>
    %dma_start3A_654 = arith.constant 0 : i32
    %dma_start3A_655 = tpu.memref_slice %arg2[%get3A_650, %dma_start3A_654] : memref<100000x1024xf32, #tpu.memory_space<any>> -> memref<1x1024xf32, #tpu.memory_space<any>>
    tpu.enqueue_dma source(%dma_start3A_655 : memref<1x1024xf32, #tpu.memory_space<any>>) target(%dma_start3A_653 : memref<1x1024xf32, #tpu.memory_space<vmem>>) target_semaphore(%arg5 : memref<!tpu.dma_semaphore, #tpu.memory_space<semaphore_mem>>)
    %get3A_656 = arith.constant 94 : index
    %get3A_657 = memref.load %arg0[%get3A_656] : memref<100xi32, #tpu.memory_space<smem>>
    %dma_start3A_658 = arith.constant 94 : i32
    %dma_start3A_659 = arith.constant 0 : i32
    %dma_start3A_660 = tpu.memref_slice %arg4[%dma_start3A_658, %dma_start3A_659] : memref<128x1024xf32, #tpu.memory_space<vmem>> -> memref<1x1024xf32, #tpu.memory_space<vmem>>
    %dma_start3A_661 = arith.constant 0 : i32
    %dma_start3A_662 = tpu.memref_slice %arg2[%get3A_657, %dma_start3A_661] : memref<100000x1024xf32, #tpu.memory_space<any>> -> memref<1x1024xf32, #tpu.memory_space<any>>
    tpu.enqueue_dma source(%dma_start3A_662 : memref<1x1024xf32, #tpu.memory_space<any>>) target(%dma_start3A_660 : memref<1x1024xf32, #tpu.memory_space<vmem>>) target_semaphore(%arg5 : memref<!tpu.dma_semaphore, #tpu.memory_space<semaphore_mem>>)
    %get3A_663 = arith.constant 95 : index
    %get3A_664 = memref.load %arg0[%get3A_663] : memref<100xi32, #tpu.memory_space<smem>>
    %dma_start3A_665 = arith.constant 95 : i32
    %dma_start3A_666 = arith.constant 0 : i32
    %dma_start3A_667 = tpu.memref_slice %arg4[%dma_start3A_665, %dma_start3A_666] : memref<128x1024xf32, #tpu.memory_space<vmem>> -> memref<1x1024xf32, #tpu.memory_space<vmem>>
    %dma_start3A_668 = arith.constant 0 : i32
    %dma_start3A_669 = tpu.memref_slice %arg2[%get3A_664, %dma_start3A_668] : memref<100000x1024xf32, #tpu.memory_space<any>> -> memref<1x1024xf32, #tpu.memory_space<any>>
    tpu.enqueue_dma source(%dma_start3A_669 : memref<1x1024xf32, #tpu.memory_space<any>>) target(%dma_start3A_667 : memref<1x1024xf32, #tpu.memory_space<vmem>>) target_semaphore(%arg5 : memref<!tpu.dma_semaphore, #tpu.memory_space<semaphore_mem>>)
    %get3A_670 = arith.constant 96 : index
    %get3A_671 = memref.load %arg0[%get3A_670] : memref<100xi32, #tpu.memory_space<smem>>
    %dma_start3A_672 = arith.constant 96 : i32
    %dma_start3A_673 = arith.constant 0 : i32
    %dma_start3A_674 = tpu.memref_slice %arg4[%dma_start3A_672, %dma_start3A_673] : memref<128x1024xf32, #tpu.memory_space<vmem>> -> memref<1x1024xf32, #tpu.memory_space<vmem>>
    %dma_start3A_675 = arith.constant 0 : i32
    %dma_start3A_676 = tpu.memref_slice %arg2[%get3A_671, %dma_start3A_675] : memref<100000x1024xf32, #tpu.memory_space<any>> -> memref<1x1024xf32, #tpu.memory_space<any>>
    tpu.enqueue_dma source(%dma_start3A_676 : memref<1x1024xf32, #tpu.memory_space<any>>) target(%dma_start3A_674 : memref<1x1024xf32, #tpu.memory_space<vmem>>) target_semaphore(%arg5 : memref<!tpu.dma_semaphore, #tpu.memory_space<semaphore_mem>>)
    %get3A_677 = arith.constant 97 : index
    %get3A_678 = memref.load %arg0[%get3A_677] : memref<100xi32, #tpu.memory_space<smem>>
    %dma_start3A_679 = arith.constant 97 : i32
    %dma_start3A_680 = arith.constant 0 : i32
    %dma_start3A_681 = tpu.memref_slice %arg4[%dma_start3A_679, %dma_start3A_680] : memref<128x1024xf32, #tpu.memory_space<vmem>> -> memref<1x1024xf32, #tpu.memory_space<vmem>>
    %dma_start3A_682 = arith.constant 0 : i32
    %dma_start3A_683 = tpu.memref_slice %arg2[%get3A_678, %dma_start3A_682] : memref<100000x1024xf32, #tpu.memory_space<any>> -> memref<1x1024xf32, #tpu.memory_space<any>>
    tpu.enqueue_dma source(%dma_start3A_683 : memref<1x1024xf32, #tpu.memory_space<any>>) target(%dma_start3A_681 : memref<1x1024xf32, #tpu.memory_space<vmem>>) target_semaphore(%arg5 : memref<!tpu.dma_semaphore, #tpu.memory_space<semaphore_mem>>)
    %get3A_684 = arith.constant 98 : index
    %get3A_685 = memref.load %arg0[%get3A_684] : memref<100xi32, #tpu.memory_space<smem>>
    %dma_start3A_686 = arith.constant 98 : i32
    %dma_start3A_687 = arith.constant 0 : i32
    %dma_start3A_688 = tpu.memref_slice %arg4[%dma_start3A_686, %dma_start3A_687] : memref<128x1024xf32, #tpu.memory_space<vmem>> -> memref<1x1024xf32, #tpu.memory_space<vmem>>
    %dma_start3A_689 = arith.constant 0 : i32
    %dma_start3A_690 = tpu.memref_slice %arg2[%get3A_685, %dma_start3A_689] : memref<100000x1024xf32, #tpu.memory_space<any>> -> memref<1x1024xf32, #tpu.memory_space<any>>
    tpu.enqueue_dma source(%dma_start3A_690 : memref<1x1024xf32, #tpu.memory_space<any>>) target(%dma_start3A_688 : memref<1x1024xf32, #tpu.memory_space<vmem>>) target_semaphore(%arg5 : memref<!tpu.dma_semaphore, #tpu.memory_space<semaphore_mem>>)
    %get3A_691 = arith.constant 99 : index
    %get3A_692 = memref.load %arg0[%get3A_691] : memref<100xi32, #tpu.memory_space<smem>>
    %dma_start3A_693 = arith.constant 99 : i32
    %dma_start3A_694 = arith.constant 0 : i32
    %dma_start3A_695 = tpu.memref_slice %arg4[%dma_start3A_693, %dma_start3A_694] : memref<128x1024xf32, #tpu.memory_space<vmem>> -> memref<1x1024xf32, #tpu.memory_space<vmem>>
    %dma_start3A_696 = arith.constant 0 : i32
    %dma_start3A_697 = tpu.memref_slice %arg2[%get3A_692, %dma_start3A_696] : memref<100000x1024xf32, #tpu.memory_space<any>> -> memref<1x1024xf32, #tpu.memory_space<any>>
    tpu.enqueue_dma source(%dma_start3A_697 : memref<1x1024xf32, #tpu.memory_space<any>>) target(%dma_start3A_695 : memref<1x1024xf32, #tpu.memory_space<vmem>>) target_semaphore(%arg5 : memref<!tpu.dma_semaphore, #tpu.memory_space<semaphore_mem>>)
    %get3A_698 = arith.constant 99 : index
    %get3A_699 = memref.load %arg0[%get3A_698] : memref<100xi32, #tpu.memory_space<smem>>
    %dma_start3A_700 = arith.constant 100 : i32
    %dma_start3A_701 = arith.constant 0 : i32
    %dma_start3A_702 = tpu.memref_slice %arg4[%dma_start3A_700, %dma_start3A_701] : memref<128x1024xf32, #tpu.memory_space<vmem>> -> memref<1x1024xf32, #tpu.memory_space<vmem>>
    %dma_start3A_703 = arith.constant 0 : i32
    %dma_start3A_704 = tpu.memref_slice %arg2[%get3A_699, %dma_start3A_703] : memref<100000x1024xf32, #tpu.memory_space<any>> -> memref<1x1024xf32, #tpu.memory_space<any>>
    tpu.enqueue_dma source(%dma_start3A_704 : memref<1x1024xf32, #tpu.memory_space<any>>) target(%dma_start3A_702 : memref<1x1024xf32, #tpu.memory_space<vmem>>) target_semaphore(%arg5 : memref<!tpu.dma_semaphore, #tpu.memory_space<semaphore_mem>>)
    %get3A_705 = arith.constant 99 : index
    %get3A_706 = memref.load %arg0[%get3A_705] : memref<100xi32, #tpu.memory_space<smem>>
    %dma_start3A_707 = arith.constant 101 : i32
    %dma_start3A_708 = arith.constant 0 : i32
    %dma_start3A_709 = tpu.memref_slice %arg4[%dma_start3A_707, %dma_start3A_708] : memref<128x1024xf32, #tpu.memory_space<vmem>> -> memref<1x1024xf32, #tpu.memory_space<vmem>>
    %dma_start3A_710 = arith.constant 0 : i32
    %dma_start3A_711 = tpu.memref_slice %arg2[%get3A_706, %dma_start3A_710] : memref<100000x1024xf32, #tpu.memory_space<any>> -> memref<1x1024xf32, #tpu.memory_space<any>>
    tpu.enqueue_dma source(%dma_start3A_711 : memref<1x1024xf32, #tpu.memory_space<any>>) target(%dma_start3A_709 : memref<1x1024xf32, #tpu.memory_space<vmem>>) target_semaphore(%arg5 : memref<!tpu.dma_semaphore, #tpu.memory_space<semaphore_mem>>)
    %get3A_712 = arith.constant 99 : index
    %get3A_713 = memref.load %arg0[%get3A_712] : memref<100xi32, #tpu.memory_space<smem>>
    %dma_start3A_714 = arith.constant 102 : i32
    %dma_start3A_715 = arith.constant 0 : i32
    %dma_start3A_716 = tpu.memref_slice %arg4[%dma_start3A_714, %dma_start3A_715] : memref<128x1024xf32, #tpu.memory_space<vmem>> -> memref<1x1024xf32, #tpu.memory_space<vmem>>
    %dma_start3A_717 = arith.constant 0 : i32
    %dma_start3A_718 = tpu.memref_slice %arg2[%get3A_713, %dma_start3A_717] : memref<100000x1024xf32, #tpu.memory_space<any>> -> memref<1x1024xf32, #tpu.memory_space<any>>
    tpu.enqueue_dma source(%dma_start3A_718 : memref<1x1024xf32, #tpu.memory_space<any>>) target(%dma_start3A_716 : memref<1x1024xf32, #tpu.memory_space<vmem>>) target_semaphore(%arg5 : memref<!tpu.dma_semaphore, #tpu.memory_space<semaphore_mem>>)
    %get3A_719 = arith.constant 99 : index
    %get3A_720 = memref.load %arg0[%get3A_719] : memref<100xi32, #tpu.memory_space<smem>>
    %dma_start3A_721 = arith.constant 103 : i32
    %dma_start3A_722 = arith.constant 0 : i32
    %dma_start3A_723 = tpu.memref_slice %arg4[%dma_start3A_721, %dma_start3A_722] : memref<128x1024xf32, #tpu.memory_space<vmem>> -> memref<1x1024xf32, #tpu.memory_space<vmem>>
    %dma_start3A_724 = arith.constant 0 : i32
    %dma_start3A_725 = tpu.memref_slice %arg2[%get3A_720, %dma_start3A_724] : memref<100000x1024xf32, #tpu.memory_space<any>> -> memref<1x1024xf32, #tpu.memory_space<any>>
    tpu.enqueue_dma source(%dma_start3A_725 : memref<1x1024xf32, #tpu.memory_space<any>>) target(%dma_start3A_723 : memref<1x1024xf32, #tpu.memory_space<vmem>>) target_semaphore(%arg5 : memref<!tpu.dma_semaphore, #tpu.memory_space<semaphore_mem>>)
    %get3A_726 = arith.constant 99 : index
    %get3A_727 = memref.load %arg0[%get3A_726] : memref<100xi32, #tpu.memory_space<smem>>
    %dma_start3A_728 = arith.constant 104 : i32
    %dma_start3A_729 = arith.constant 0 : i32
    %dma_start3A_730 = tpu.memref_slice %arg4[%dma_start3A_728, %dma_start3A_729] : memref<128x1024xf32, #tpu.memory_space<vmem>> -> memref<1x1024xf32, #tpu.memory_space<vmem>>
    %dma_start3A_731 = arith.constant 0 : i32
    %dma_start3A_732 = tpu.memref_slice %arg2[%get3A_727, %dma_start3A_731] : memref<100000x1024xf32, #tpu.memory_space<any>> -> memref<1x1024xf32, #tpu.memory_space<any>>
    tpu.enqueue_dma source(%dma_start3A_732 : memref<1x1024xf32, #tpu.memory_space<any>>) target(%dma_start3A_730 : memref<1x1024xf32, #tpu.memory_space<vmem>>) target_semaphore(%arg5 : memref<!tpu.dma_semaphore, #tpu.memory_space<semaphore_mem>>)
    %get3A_733 = arith.constant 99 : index
    %get3A_734 = memref.load %arg0[%get3A_733] : memref<100xi32, #tpu.memory_space<smem>>
    %dma_start3A_735 = arith.constant 105 : i32
    %dma_start3A_736 = arith.constant 0 : i32
    %dma_start3A_737 = tpu.memref_slice %arg4[%dma_start3A_735, %dma_start3A_736] : memref<128x1024xf32, #tpu.memory_space<vmem>> -> memref<1x1024xf32, #tpu.memory_space<vmem>>
    %dma_start3A_738 = arith.constant 0 : i32
    %dma_start3A_739 = tpu.memref_slice %arg2[%get3A_734, %dma_start3A_738] : memref<100000x1024xf32, #tpu.memory_space<any>> -> memref<1x1024xf32, #tpu.memory_space<any>>
    tpu.enqueue_dma source(%dma_start3A_739 : memref<1x1024xf32, #tpu.memory_space<any>>) target(%dma_start3A_737 : memref<1x1024xf32, #tpu.memory_space<vmem>>) target_semaphore(%arg5 : memref<!tpu.dma_semaphore, #tpu.memory_space<semaphore_mem>>)
    %get3A_740 = arith.constant 99 : index
    %get3A_741 = memref.load %arg0[%get3A_740] : memref<100xi32, #tpu.memory_space<smem>>
    %dma_start3A_742 = arith.constant 106 : i32
    %dma_start3A_743 = arith.constant 0 : i32
    %dma_start3A_744 = tpu.memref_slice %arg4[%dma_start3A_742, %dma_start3A_743] : memref<128x1024xf32, #tpu.memory_space<vmem>> -> memref<1x1024xf32, #tpu.memory_space<vmem>>
    %dma_start3A_745 = arith.constant 0 : i32
    %dma_start3A_746 = tpu.memref_slice %arg2[%get3A_741, %dma_start3A_745] : memref<100000x1024xf32, #tpu.memory_space<any>> -> memref<1x1024xf32, #tpu.memory_space<any>>
    tpu.enqueue_dma source(%dma_start3A_746 : memref<1x1024xf32, #tpu.memory_space<any>>) target(%dma_start3A_744 : memref<1x1024xf32, #tpu.memory_space<vmem>>) target_semaphore(%arg5 : memref<!tpu.dma_semaphore, #tpu.memory_space<semaphore_mem>>)
    %get3A_747 = arith.constant 99 : index
    %get3A_748 = memref.load %arg0[%get3A_747] : memref<100xi32, #tpu.memory_space<smem>>
    %dma_start3A_749 = arith.constant 107 : i32
    %dma_start3A_750 = arith.constant 0 : i32
    %dma_start3A_751 = tpu.memref_slice %arg4[%dma_start3A_749, %dma_start3A_750] : memref<128x1024xf32, #tpu.memory_space<vmem>> -> memref<1x1024xf32, #tpu.memory_space<vmem>>
    %dma_start3A_752 = arith.constant 0 : i32
    %dma_start3A_753 = tpu.memref_slice %arg2[%get3A_748, %dma_start3A_752] : memref<100000x1024xf32, #tpu.memory_space<any>> -> memref<1x1024xf32, #tpu.memory_space<any>>
    tpu.enqueue_dma source(%dma_start3A_753 : memref<1x1024xf32, #tpu.memory_space<any>>) target(%dma_start3A_751 : memref<1x1024xf32, #tpu.memory_space<vmem>>) target_semaphore(%arg5 : memref<!tpu.dma_semaphore, #tpu.memory_space<semaphore_mem>>)
    %get3A_754 = arith.constant 99 : index
    %get3A_755 = memref.load %arg0[%get3A_754] : memref<100xi32, #tpu.memory_space<smem>>
    %dma_start3A_756 = arith.constant 108 : i32
    %dma_start3A_757 = arith.constant 0 : i32
    %dma_start3A_758 = tpu.memref_slice %arg4[%dma_start3A_756, %dma_start3A_757] : memref<128x1024xf32, #tpu.memory_space<vmem>> -> memref<1x1024xf32, #tpu.memory_space<vmem>>
    %dma_start3A_759 = arith.constant 0 : i32
    %dma_start3A_760 = tpu.memref_slice %arg2[%get3A_755, %dma_start3A_759] : memref<100000x1024xf32, #tpu.memory_space<any>> -> memref<1x1024xf32, #tpu.memory_space<any>>
    tpu.enqueue_dma source(%dma_start3A_760 : memref<1x1024xf32, #tpu.memory_space<any>>) target(%dma_start3A_758 : memref<1x1024xf32, #tpu.memory_space<vmem>>) target_semaphore(%arg5 : memref<!tpu.dma_semaphore, #tpu.memory_space<semaphore_mem>>)
    %get3A_761 = arith.constant 99 : index
    %get3A_762 = memref.load %arg0[%get3A_761] : memref<100xi32, #tpu.memory_space<smem>>
    %dma_start3A_763 = arith.constant 109 : i32
    %dma_start3A_764 = arith.constant 0 : i32
    %dma_start3A_765 = tpu.memref_slice %arg4[%dma_start3A_763, %dma_start3A_764] : memref<128x1024xf32, #tpu.memory_space<vmem>> -> memref<1x1024xf32, #tpu.memory_space<vmem>>
    %dma_start3A_766 = arith.constant 0 : i32
    %dma_start3A_767 = tpu.memref_slice %arg2[%get3A_762, %dma_start3A_766] : memref<100000x1024xf32, #tpu.memory_space<any>> -> memref<1x1024xf32, #tpu.memory_space<any>>
    tpu.enqueue_dma source(%dma_start3A_767 : memref<1x1024xf32, #tpu.memory_space<any>>) target(%dma_start3A_765 : memref<1x1024xf32, #tpu.memory_space<vmem>>) target_semaphore(%arg5 : memref<!tpu.dma_semaphore, #tpu.memory_space<semaphore_mem>>)
    %get3A_768 = arith.constant 99 : index
    %get3A_769 = memref.load %arg0[%get3A_768] : memref<100xi32, #tpu.memory_space<smem>>
    %dma_start3A_770 = arith.constant 110 : i32
    %dma_start3A_771 = arith.constant 0 : i32
    %dma_start3A_772 = tpu.memref_slice %arg4[%dma_start3A_770, %dma_start3A_771] : memref<128x1024xf32, #tpu.memory_space<vmem>> -> memref<1x1024xf32, #tpu.memory_space<vmem>>
    %dma_start3A_773 = arith.constant 0 : i32
    %dma_start3A_774 = tpu.memref_slice %arg2[%get3A_769, %dma_start3A_773] : memref<100000x1024xf32, #tpu.memory_space<any>> -> memref<1x1024xf32, #tpu.memory_space<any>>
    tpu.enqueue_dma source(%dma_start3A_774 : memref<1x1024xf32, #tpu.memory_space<any>>) target(%dma_start3A_772 : memref<1x1024xf32, #tpu.memory_space<vmem>>) target_semaphore(%arg5 : memref<!tpu.dma_semaphore, #tpu.memory_space<semaphore_mem>>)
    %get3A_775 = arith.constant 99 : index
    %get3A_776 = memref.load %arg0[%get3A_775] : memref<100xi32, #tpu.memory_space<smem>>
    %dma_start3A_777 = arith.constant 111 : i32
    %dma_start3A_778 = arith.constant 0 : i32
    %dma_start3A_779 = tpu.memref_slice %arg4[%dma_start3A_777, %dma_start3A_778] : memref<128x1024xf32, #tpu.memory_space<vmem>> -> memref<1x1024xf32, #tpu.memory_space<vmem>>
    %dma_start3A_780 = arith.constant 0 : i32
    %dma_start3A_781 = tpu.memref_slice %arg2[%get3A_776, %dma_start3A_780] : memref<100000x1024xf32, #tpu.memory_space<any>> -> memref<1x1024xf32, #tpu.memory_space<any>>
    tpu.enqueue_dma source(%dma_start3A_781 : memref<1x1024xf32, #tpu.memory_space<any>>) target(%dma_start3A_779 : memref<1x1024xf32, #tpu.memory_space<vmem>>) target_semaphore(%arg5 : memref<!tpu.dma_semaphore, #tpu.memory_space<semaphore_mem>>)
    %get3A_782 = arith.constant 99 : index
    %get3A_783 = memref.load %arg0[%get3A_782] : memref<100xi32, #tpu.memory_space<smem>>
    %dma_start3A_784 = arith.constant 112 : i32
    %dma_start3A_785 = arith.constant 0 : i32
    %dma_start3A_786 = tpu.memref_slice %arg4[%dma_start3A_784, %dma_start3A_785] : memref<128x1024xf32, #tpu.memory_space<vmem>> -> memref<1x1024xf32, #tpu.memory_space<vmem>>
    %dma_start3A_787 = arith.constant 0 : i32
    %dma_start3A_788 = tpu.memref_slice %arg2[%get3A_783, %dma_start3A_787] : memref<100000x1024xf32, #tpu.memory_space<any>> -> memref<1x1024xf32, #tpu.memory_space<any>>
    tpu.enqueue_dma source(%dma_start3A_788 : memref<1x1024xf32, #tpu.memory_space<any>>) target(%dma_start3A_786 : memref<1x1024xf32, #tpu.memory_space<vmem>>) target_semaphore(%arg5 : memref<!tpu.dma_semaphore, #tpu.memory_space<semaphore_mem>>)
    %get3A_789 = arith.constant 99 : index
    %get3A_790 = memref.load %arg0[%get3A_789] : memref<100xi32, #tpu.memory_space<smem>>
    %dma_start3A_791 = arith.constant 113 : i32
    %dma_start3A_792 = arith.constant 0 : i32
    %dma_start3A_793 = tpu.memref_slice %arg4[%dma_start3A_791, %dma_start3A_792] : memref<128x1024xf32, #tpu.memory_space<vmem>> -> memref<1x1024xf32, #tpu.memory_space<vmem>>
    %dma_start3A_794 = arith.constant 0 : i32
    %dma_start3A_795 = tpu.memref_slice %arg2[%get3A_790, %dma_start3A_794] : memref<100000x1024xf32, #tpu.memory_space<any>> -> memref<1x1024xf32, #tpu.memory_space<any>>
    tpu.enqueue_dma source(%dma_start3A_795 : memref<1x1024xf32, #tpu.memory_space<any>>) target(%dma_start3A_793 : memref<1x1024xf32, #tpu.memory_space<vmem>>) target_semaphore(%arg5 : memref<!tpu.dma_semaphore, #tpu.memory_space<semaphore_mem>>)
    %get3A_796 = arith.constant 99 : index
    %get3A_797 = memref.load %arg0[%get3A_796] : memref<100xi32, #tpu.memory_space<smem>>
    %dma_start3A_798 = arith.constant 114 : i32
    %dma_start3A_799 = arith.constant 0 : i32
    %dma_start3A_800 = tpu.memref_slice %arg4[%dma_start3A_798, %dma_start3A_799] : memref<128x1024xf32, #tpu.memory_space<vmem>> -> memref<1x1024xf32, #tpu.memory_space<vmem>>
    %dma_start3A_801 = arith.constant 0 : i32
    %dma_start3A_802 = tpu.memref_slice %arg2[%get3A_797, %dma_start3A_801] : memref<100000x1024xf32, #tpu.memory_space<any>> -> memref<1x1024xf32, #tpu.memory_space<any>>
    tpu.enqueue_dma source(%dma_start3A_802 : memref<1x1024xf32, #tpu.memory_space<any>>) target(%dma_start3A_800 : memref<1x1024xf32, #tpu.memory_space<vmem>>) target_semaphore(%arg5 : memref<!tpu.dma_semaphore, #tpu.memory_space<semaphore_mem>>)
    %get3A_803 = arith.constant 99 : index
    %get3A_804 = memref.load %arg0[%get3A_803] : memref<100xi32, #tpu.memory_space<smem>>
    %dma_start3A_805 = arith.constant 115 : i32
    %dma_start3A_806 = arith.constant 0 : i32
    %dma_start3A_807 = tpu.memref_slice %arg4[%dma_start3A_805, %dma_start3A_806] : memref<128x1024xf32, #tpu.memory_space<vmem>> -> memref<1x1024xf32, #tpu.memory_space<vmem>>
    %dma_start3A_808 = arith.constant 0 : i32
    %dma_start3A_809 = tpu.memref_slice %arg2[%get3A_804, %dma_start3A_808] : memref<100000x1024xf32, #tpu.memory_space<any>> -> memref<1x1024xf32, #tpu.memory_space<any>>
    tpu.enqueue_dma source(%dma_start3A_809 : memref<1x1024xf32, #tpu.memory_space<any>>) target(%dma_start3A_807 : memref<1x1024xf32, #tpu.memory_space<vmem>>) target_semaphore(%arg5 : memref<!tpu.dma_semaphore, #tpu.memory_space<semaphore_mem>>)
    %get3A_810 = arith.constant 99 : index
    %get3A_811 = memref.load %arg0[%get3A_810] : memref<100xi32, #tpu.memory_space<smem>>
    %dma_start3A_812 = arith.constant 116 : i32
    %dma_start3A_813 = arith.constant 0 : i32
    %dma_start3A_814 = tpu.memref_slice %arg4[%dma_start3A_812, %dma_start3A_813] : memref<128x1024xf32, #tpu.memory_space<vmem>> -> memref<1x1024xf32, #tpu.memory_space<vmem>>
    %dma_start3A_815 = arith.constant 0 : i32
    %dma_start3A_816 = tpu.memref_slice %arg2[%get3A_811, %dma_start3A_815] : memref<100000x1024xf32, #tpu.memory_space<any>> -> memref<1x1024xf32, #tpu.memory_space<any>>
    tpu.enqueue_dma source(%dma_start3A_816 : memref<1x1024xf32, #tpu.memory_space<any>>) target(%dma_start3A_814 : memref<1x1024xf32, #tpu.memory_space<vmem>>) target_semaphore(%arg5 : memref<!tpu.dma_semaphore, #tpu.memory_space<semaphore_mem>>)
    %get3A_817 = arith.constant 99 : index
    %get3A_818 = memref.load %arg0[%get3A_817] : memref<100xi32, #tpu.memory_space<smem>>
    %dma_start3A_819 = arith.constant 117 : i32
    %dma_start3A_820 = arith.constant 0 : i32
    %dma_start3A_821 = tpu.memref_slice %arg4[%dma_start3A_819, %dma_start3A_820] : memref<128x1024xf32, #tpu.memory_space<vmem>> -> memref<1x1024xf32, #tpu.memory_space<vmem>>
    %dma_start3A_822 = arith.constant 0 : i32
    %dma_start3A_823 = tpu.memref_slice %arg2[%get3A_818, %dma_start3A_822] : memref<100000x1024xf32, #tpu.memory_space<any>> -> memref<1x1024xf32, #tpu.memory_space<any>>
    tpu.enqueue_dma source(%dma_start3A_823 : memref<1x1024xf32, #tpu.memory_space<any>>) target(%dma_start3A_821 : memref<1x1024xf32, #tpu.memory_space<vmem>>) target_semaphore(%arg5 : memref<!tpu.dma_semaphore, #tpu.memory_space<semaphore_mem>>)
    %get3A_824 = arith.constant 99 : index
    %get3A_825 = memref.load %arg0[%get3A_824] : memref<100xi32, #tpu.memory_space<smem>>
    %dma_start3A_826 = arith.constant 118 : i32
    %dma_start3A_827 = arith.constant 0 : i32
    %dma_start3A_828 = tpu.memref_slice %arg4[%dma_start3A_826, %dma_start3A_827] : memref<128x1024xf32, #tpu.memory_space<vmem>> -> memref<1x1024xf32, #tpu.memory_space<vmem>>
    %dma_start3A_829 = arith.constant 0 : i32
    %dma_start3A_830 = tpu.memref_slice %arg2[%get3A_825, %dma_start3A_829] : memref<100000x1024xf32, #tpu.memory_space<any>> -> memref<1x1024xf32, #tpu.memory_space<any>>
    tpu.enqueue_dma source(%dma_start3A_830 : memref<1x1024xf32, #tpu.memory_space<any>>) target(%dma_start3A_828 : memref<1x1024xf32, #tpu.memory_space<vmem>>) target_semaphore(%arg5 : memref<!tpu.dma_semaphore, #tpu.memory_space<semaphore_mem>>)
    %get3A_831 = arith.constant 99 : index
    %get3A_832 = memref.load %arg0[%get3A_831] : memref<100xi32, #tpu.memory_space<smem>>
    %dma_start3A_833 = arith.constant 119 : i32
    %dma_start3A_834 = arith.constant 0 : i32
    %dma_start3A_835 = tpu.memref_slice %arg4[%dma_start3A_833, %dma_start3A_834] : memref<128x1024xf32, #tpu.memory_space<vmem>> -> memref<1x1024xf32, #tpu.memory_space<vmem>>
    %dma_start3A_836 = arith.constant 0 : i32
    %dma_start3A_837 = tpu.memref_slice %arg2[%get3A_832, %dma_start3A_836] : memref<100000x1024xf32, #tpu.memory_space<any>> -> memref<1x1024xf32, #tpu.memory_space<any>>
    tpu.enqueue_dma source(%dma_start3A_837 : memref<1x1024xf32, #tpu.memory_space<any>>) target(%dma_start3A_835 : memref<1x1024xf32, #tpu.memory_space<vmem>>) target_semaphore(%arg5 : memref<!tpu.dma_semaphore, #tpu.memory_space<semaphore_mem>>)
    %get3A_838 = arith.constant 99 : index
    %get3A_839 = memref.load %arg0[%get3A_838] : memref<100xi32, #tpu.memory_space<smem>>
    %dma_start3A_840 = arith.constant 120 : i32
    %dma_start3A_841 = arith.constant 0 : i32
    %dma_start3A_842 = tpu.memref_slice %arg4[%dma_start3A_840, %dma_start3A_841] : memref<128x1024xf32, #tpu.memory_space<vmem>> -> memref<1x1024xf32, #tpu.memory_space<vmem>>
    %dma_start3A_843 = arith.constant 0 : i32
    %dma_start3A_844 = tpu.memref_slice %arg2[%get3A_839, %dma_start3A_843] : memref<100000x1024xf32, #tpu.memory_space<any>> -> memref<1x1024xf32, #tpu.memory_space<any>>
    tpu.enqueue_dma source(%dma_start3A_844 : memref<1x1024xf32, #tpu.memory_space<any>>) target(%dma_start3A_842 : memref<1x1024xf32, #tpu.memory_space<vmem>>) target_semaphore(%arg5 : memref<!tpu.dma_semaphore, #tpu.memory_space<semaphore_mem>>)
    %get3A_845 = arith.constant 99 : index
    %get3A_846 = memref.load %arg0[%get3A_845] : memref<100xi32, #tpu.memory_space<smem>>
    %dma_start3A_847 = arith.constant 121 : i32
    %dma_start3A_848 = arith.constant 0 : i32
    %dma_start3A_849 = tpu.memref_slice %arg4[%dma_start3A_847, %dma_start3A_848] : memref<128x1024xf32, #tpu.memory_space<vmem>> -> memref<1x1024xf32, #tpu.memory_space<vmem>>
    %dma_start3A_850 = arith.constant 0 : i32
    %dma_start3A_851 = tpu.memref_slice %arg2[%get3A_846, %dma_start3A_850] : memref<100000x1024xf32, #tpu.memory_space<any>> -> memref<1x1024xf32, #tpu.memory_space<any>>
    tpu.enqueue_dma source(%dma_start3A_851 : memref<1x1024xf32, #tpu.memory_space<any>>) target(%dma_start3A_849 : memref<1x1024xf32, #tpu.memory_space<vmem>>) target_semaphore(%arg5 : memref<!tpu.dma_semaphore, #tpu.memory_space<semaphore_mem>>)
    %get3A_852 = arith.constant 99 : index
    %get3A_853 = memref.load %arg0[%get3A_852] : memref<100xi32, #tpu.memory_space<smem>>
    %dma_start3A_854 = arith.constant 122 : i32
    %dma_start3A_855 = arith.constant 0 : i32
    %dma_start3A_856 = tpu.memref_slice %arg4[%dma_start3A_854, %dma_start3A_855] : memref<128x1024xf32, #tpu.memory_space<vmem>> -> memref<1x1024xf32, #tpu.memory_space<vmem>>
    %dma_start3A_857 = arith.constant 0 : i32
    %dma_start3A_858 = tpu.memref_slice %arg2[%get3A_853, %dma_start3A_857] : memref<100000x1024xf32, #tpu.memory_space<any>> -> memref<1x1024xf32, #tpu.memory_space<any>>
    tpu.enqueue_dma source(%dma_start3A_858 : memref<1x1024xf32, #tpu.memory_space<any>>) target(%dma_start3A_856 : memref<1x1024xf32, #tpu.memory_space<vmem>>) target_semaphore(%arg5 : memref<!tpu.dma_semaphore, #tpu.memory_space<semaphore_mem>>)
    %get3A_859 = arith.constant 99 : index
    %get3A_860 = memref.load %arg0[%get3A_859] : memref<100xi32, #tpu.memory_space<smem>>
    %dma_start3A_861 = arith.constant 123 : i32
    %dma_start3A_862 = arith.constant 0 : i32
    %dma_start3A_863 = tpu.memref_slice %arg4[%dma_start3A_861, %dma_start3A_862] : memref<128x1024xf32, #tpu.memory_space<vmem>> -> memref<1x1024xf32, #tpu.memory_space<vmem>>
    %dma_start3A_864 = arith.constant 0 : i32
    %dma_start3A_865 = tpu.memref_slice %arg2[%get3A_860, %dma_start3A_864] : memref<100000x1024xf32, #tpu.memory_space<any>> -> memref<1x1024xf32, #tpu.memory_space<any>>
    tpu.enqueue_dma source(%dma_start3A_865 : memref<1x1024xf32, #tpu.memory_space<any>>) target(%dma_start3A_863 : memref<1x1024xf32, #tpu.memory_space<vmem>>) target_semaphore(%arg5 : memref<!tpu.dma_semaphore, #tpu.memory_space<semaphore_mem>>)
    %get3A_866 = arith.constant 99 : index
    %get3A_867 = memref.load %arg0[%get3A_866] : memref<100xi32, #tpu.memory_space<smem>>
    %dma_start3A_868 = arith.constant 124 : i32
    %dma_start3A_869 = arith.constant 0 : i32
    %dma_start3A_870 = tpu.memref_slice %arg4[%dma_start3A_868, %dma_start3A_869] : memref<128x1024xf32, #tpu.memory_space<vmem>> -> memref<1x1024xf32, #tpu.memory_space<vmem>>
    %dma_start3A_871 = arith.constant 0 : i32
    %dma_start3A_872 = tpu.memref_slice %arg2[%get3A_867, %dma_start3A_871] : memref<100000x1024xf32, #tpu.memory_space<any>> -> memref<1x1024xf32, #tpu.memory_space<any>>
    tpu.enqueue_dma source(%dma_start3A_872 : memref<1x1024xf32, #tpu.memory_space<any>>) target(%dma_start3A_870 : memref<1x1024xf32, #tpu.memory_space<vmem>>) target_semaphore(%arg5 : memref<!tpu.dma_semaphore, #tpu.memory_space<semaphore_mem>>)
    %get3A_873 = arith.constant 99 : index
    %get3A_874 = memref.load %arg0[%get3A_873] : memref<100xi32, #tpu.memory_space<smem>>
    %dma_start3A_875 = arith.constant 125 : i32
    %dma_start3A_876 = arith.constant 0 : i32
    %dma_start3A_877 = tpu.memref_slice %arg4[%dma_start3A_875, %dma_start3A_876] : memref<128x1024xf32, #tpu.memory_space<vmem>> -> memref<1x1024xf32, #tpu.memory_space<vmem>>
    %dma_start3A_878 = arith.constant 0 : i32
    %dma_start3A_879 = tpu.memref_slice %arg2[%get3A_874, %dma_start3A_878] : memref<100000x1024xf32, #tpu.memory_space<any>> -> memref<1x1024xf32, #tpu.memory_space<any>>
    tpu.enqueue_dma source(%dma_start3A_879 : memref<1x1024xf32, #tpu.memory_space<any>>) target(%dma_start3A_877 : memref<1x1024xf32, #tpu.memory_space<vmem>>) target_semaphore(%arg5 : memref<!tpu.dma_semaphore, #tpu.memory_space<semaphore_mem>>)
    %get3A_880 = arith.constant 99 : index
    %get3A_881 = memref.load %arg0[%get3A_880] : memref<100xi32, #tpu.memory_space<smem>>
    %dma_start3A_882 = arith.constant 126 : i32
    %dma_start3A_883 = arith.constant 0 : i32
    %dma_start3A_884 = tpu.memref_slice %arg4[%dma_start3A_882, %dma_start3A_883] : memref<128x1024xf32, #tpu.memory_space<vmem>> -> memref<1x1024xf32, #tpu.memory_space<vmem>>
    %dma_start3A_885 = arith.constant 0 : i32
    %dma_start3A_886 = tpu.memref_slice %arg2[%get3A_881, %dma_start3A_885] : memref<100000x1024xf32, #tpu.memory_space<any>> -> memref<1x1024xf32, #tpu.memory_space<any>>
    tpu.enqueue_dma source(%dma_start3A_886 : memref<1x1024xf32, #tpu.memory_space<any>>) target(%dma_start3A_884 : memref<1x1024xf32, #tpu.memory_space<vmem>>) target_semaphore(%arg5 : memref<!tpu.dma_semaphore, #tpu.memory_space<semaphore_mem>>)
    %get3A_887 = arith.constant 99 : index
    %get3A_888 = memref.load %arg0[%get3A_887] : memref<100xi32, #tpu.memory_space<smem>>
    %dma_start3A_889 = arith.constant 127 : i32
    %dma_start3A_890 = arith.constant 0 : i32
    %dma_start3A_891 = tpu.memref_slice %arg4[%dma_start3A_889, %dma_start3A_890] : memref<128x1024xf32, #tpu.memory_space<vmem>> -> memref<1x1024xf32, #tpu.memory_space<vmem>>
    %dma_start3A_892 = arith.constant 0 : i32
    %dma_start3A_893 = tpu.memref_slice %arg2[%get3A_888, %dma_start3A_892] : memref<100000x1024xf32, #tpu.memory_space<any>> -> memref<1x1024xf32, #tpu.memory_space<any>>
    tpu.enqueue_dma source(%dma_start3A_893 : memref<1x1024xf32, #tpu.memory_space<any>>) target(%dma_start3A_891 : memref<1x1024xf32, #tpu.memory_space<vmem>>) target_semaphore(%arg5 : memref<!tpu.dma_semaphore, #tpu.memory_space<semaphore_mem>>)
    %dma_wait3A = arith.constant 0 : i32
    %dma_wait3A_894 = arith.constant 0 : i32
    %dma_wait3A_895 = tpu.memref_slice %arg4[%dma_wait3A, %dma_wait3A_894] : memref<128x1024xf32, #tpu.memory_space<vmem>> -> memref<1x1024xf32, #tpu.memory_space<vmem>>
    %dma_wait3A_896 = arith.constant 0 : i32
    %dma_wait3A_897 = tpu.memref_slice %arg2[%get3A_0, %dma_wait3A_896] : memref<100000x1024xf32, #tpu.memory_space<any>> -> memref<1x1024xf32, #tpu.memory_space<any>>
    tpu.wait_dma2 semaphore(%arg5 : memref<!tpu.dma_semaphore, #tpu.memory_space<semaphore_mem>>) src(%dma_wait3A_897 : memref<1x1024xf32, #tpu.memory_space<any>>) dst(%dma_wait3A_895 : memref<1x1024xf32, #tpu.memory_space<vmem>>)
    %dma_wait3A_898 = arith.constant 1 : i32
    %dma_wait3A_899 = arith.constant 0 : i32
    %dma_wait3A_900 = tpu.memref_slice %arg4[%dma_wait3A_898, %dma_wait3A_899] : memref<128x1024xf32, #tpu.memory_space<vmem>> -> memref<1x1024xf32, #tpu.memory_space<vmem>>
    %dma_wait3A_901 = arith.constant 0 : i32
    %dma_wait3A_902 = tpu.memref_slice %arg2[%get3A_6, %dma_wait3A_901] : memref<100000x1024xf32, #tpu.memory_space<any>> -> memref<1x1024xf32, #tpu.memory_space<any>>
    tpu.wait_dma2 semaphore(%arg5 : memref<!tpu.dma_semaphore, #tpu.memory_space<semaphore_mem>>) src(%dma_wait3A_902 : memref<1x1024xf32, #tpu.memory_space<any>>) dst(%dma_wait3A_900 : memref<1x1024xf32, #tpu.memory_space<vmem>>)
    %dma_wait3A_903 = arith.constant 2 : i32
    %dma_wait3A_904 = arith.constant 0 : i32
    %dma_wait3A_905 = tpu.memref_slice %arg4[%dma_wait3A_903, %dma_wait3A_904] : memref<128x1024xf32, #tpu.memory_space<vmem>> -> memref<1x1024xf32, #tpu.memory_space<vmem>>
    %dma_wait3A_906 = arith.constant 0 : i32
    %dma_wait3A_907 = tpu.memref_slice %arg2[%get3A_13, %dma_wait3A_906] : memref<100000x1024xf32, #tpu.memory_space<any>> -> memref<1x1024xf32, #tpu.memory_space<any>>
    tpu.wait_dma2 semaphore(%arg5 : memref<!tpu.dma_semaphore, #tpu.memory_space<semaphore_mem>>) src(%dma_wait3A_907 : memref<1x1024xf32, #tpu.memory_space<any>>) dst(%dma_wait3A_905 : memref<1x1024xf32, #tpu.memory_space<vmem>>)
    %dma_wait3A_908 = arith.constant 3 : i32
    %dma_wait3A_909 = arith.constant 0 : i32
    %dma_wait3A_910 = tpu.memref_slice %arg4[%dma_wait3A_908, %dma_wait3A_909] : memref<128x1024xf32, #tpu.memory_space<vmem>> -> memref<1x1024xf32, #tpu.memory_space<vmem>>
    %dma_wait3A_911 = arith.constant 0 : i32
    %dma_wait3A_912 = tpu.memref_slice %arg2[%get3A_20, %dma_wait3A_911] : memref<100000x1024xf32, #tpu.memory_space<any>> -> memref<1x1024xf32, #tpu.memory_space<any>>
    tpu.wait_dma2 semaphore(%arg5 : memref<!tpu.dma_semaphore, #tpu.memory_space<semaphore_mem>>) src(%dma_wait3A_912 : memref<1x1024xf32, #tpu.memory_space<any>>) dst(%dma_wait3A_910 : memref<1x1024xf32, #tpu.memory_space<vmem>>)
    %dma_wait3A_913 = arith.constant 4 : i32
    %dma_wait3A_914 = arith.constant 0 : i32
    %dma_wait3A_915 = tpu.memref_slice %arg4[%dma_wait3A_913, %dma_wait3A_914] : memref<128x1024xf32, #tpu.memory_space<vmem>> -> memref<1x1024xf32, #tpu.memory_space<vmem>>
    %dma_wait3A_916 = arith.constant 0 : i32
    %dma_wait3A_917 = tpu.memref_slice %arg2[%get3A_27, %dma_wait3A_916] : memref<100000x1024xf32, #tpu.memory_space<any>> -> memref<1x1024xf32, #tpu.memory_space<any>>
    tpu.wait_dma2 semaphore(%arg5 : memref<!tpu.dma_semaphore, #tpu.memory_space<semaphore_mem>>) src(%dma_wait3A_917 : memref<1x1024xf32, #tpu.memory_space<any>>) dst(%dma_wait3A_915 : memref<1x1024xf32, #tpu.memory_space<vmem>>)
    %dma_wait3A_918 = arith.constant 5 : i32
    %dma_wait3A_919 = arith.constant 0 : i32
    %dma_wait3A_920 = tpu.memref_slice %arg4[%dma_wait3A_918, %dma_wait3A_919] : memref<128x1024xf32, #tpu.memory_space<vmem>> -> memref<1x1024xf32, #tpu.memory_space<vmem>>
    %dma_wait3A_921 = arith.constant 0 : i32
    %dma_wait3A_922 = tpu.memref_slice %arg2[%get3A_34, %dma_wait3A_921] : memref<100000x1024xf32, #tpu.memory_space<any>> -> memref<1x1024xf32, #tpu.memory_space<any>>
    tpu.wait_dma2 semaphore(%arg5 : memref<!tpu.dma_semaphore, #tpu.memory_space<semaphore_mem>>) src(%dma_wait3A_922 : memref<1x1024xf32, #tpu.memory_space<any>>) dst(%dma_wait3A_920 : memref<1x1024xf32, #tpu.memory_space<vmem>>)
    %dma_wait3A_923 = arith.constant 6 : i32
    %dma_wait3A_924 = arith.constant 0 : i32
    %dma_wait3A_925 = tpu.memref_slice %arg4[%dma_wait3A_923, %dma_wait3A_924] : memref<128x1024xf32, #tpu.memory_space<vmem>> -> memref<1x1024xf32, #tpu.memory_space<vmem>>
    %dma_wait3A_926 = arith.constant 0 : i32
    %dma_wait3A_927 = tpu.memref_slice %arg2[%get3A_41, %dma_wait3A_926] : memref<100000x1024xf32, #tpu.memory_space<any>> -> memref<1x1024xf32, #tpu.memory_space<any>>
    tpu.wait_dma2 semaphore(%arg5 : memref<!tpu.dma_semaphore, #tpu.memory_space<semaphore_mem>>) src(%dma_wait3A_927 : memref<1x1024xf32, #tpu.memory_space<any>>) dst(%dma_wait3A_925 : memref<1x1024xf32, #tpu.memory_space<vmem>>)
    %dma_wait3A_928 = arith.constant 7 : i32
    %dma_wait3A_929 = arith.constant 0 : i32
    %dma_wait3A_930 = tpu.memref_slice %arg4[%dma_wait3A_928, %dma_wait3A_929] : memref<128x1024xf32, #tpu.memory_space<vmem>> -> memref<1x1024xf32, #tpu.memory_space<vmem>>
    %dma_wait3A_931 = arith.constant 0 : i32
    %dma_wait3A_932 = tpu.memref_slice %arg2[%get3A_48, %dma_wait3A_931] : memref<100000x1024xf32, #tpu.memory_space<any>> -> memref<1x1024xf32, #tpu.memory_space<any>>
    tpu.wait_dma2 semaphore(%arg5 : memref<!tpu.dma_semaphore, #tpu.memory_space<semaphore_mem>>) src(%dma_wait3A_932 : memref<1x1024xf32, #tpu.memory_space<any>>) dst(%dma_wait3A_930 : memref<1x1024xf32, #tpu.memory_space<vmem>>)
    %dma_wait3A_933 = arith.constant 8 : i32
    %dma_wait3A_934 = arith.constant 0 : i32
    %dma_wait3A_935 = tpu.memref_slice %arg4[%dma_wait3A_933, %dma_wait3A_934] : memref<128x1024xf32, #tpu.memory_space<vmem>> -> memref<1x1024xf32, #tpu.memory_space<vmem>>
    %dma_wait3A_936 = arith.constant 0 : i32
    %dma_wait3A_937 = tpu.memref_slice %arg2[%get3A_55, %dma_wait3A_936] : memref<100000x1024xf32, #tpu.memory_space<any>> -> memref<1x1024xf32, #tpu.memory_space<any>>
    tpu.wait_dma2 semaphore(%arg5 : memref<!tpu.dma_semaphore, #tpu.memory_space<semaphore_mem>>) src(%dma_wait3A_937 : memref<1x1024xf32, #tpu.memory_space<any>>) dst(%dma_wait3A_935 : memref<1x1024xf32, #tpu.memory_space<vmem>>)
    %dma_wait3A_938 = arith.constant 9 : i32
    %dma_wait3A_939 = arith.constant 0 : i32
    %dma_wait3A_940 = tpu.memref_slice %arg4[%dma_wait3A_938, %dma_wait3A_939] : memref<128x1024xf32, #tpu.memory_space<vmem>> -> memref<1x1024xf32, #tpu.memory_space<vmem>>
    %dma_wait3A_941 = arith.constant 0 : i32
    %dma_wait3A_942 = tpu.memref_slice %arg2[%get3A_62, %dma_wait3A_941] : memref<100000x1024xf32, #tpu.memory_space<any>> -> memref<1x1024xf32, #tpu.memory_space<any>>
    tpu.wait_dma2 semaphore(%arg5 : memref<!tpu.dma_semaphore, #tpu.memory_space<semaphore_mem>>) src(%dma_wait3A_942 : memref<1x1024xf32, #tpu.memory_space<any>>) dst(%dma_wait3A_940 : memref<1x1024xf32, #tpu.memory_space<vmem>>)
    %dma_wait3A_943 = arith.constant 10 : i32
    %dma_wait3A_944 = arith.constant 0 : i32
    %dma_wait3A_945 = tpu.memref_slice %arg4[%dma_wait3A_943, %dma_wait3A_944] : memref<128x1024xf32, #tpu.memory_space<vmem>> -> memref<1x1024xf32, #tpu.memory_space<vmem>>
    %dma_wait3A_946 = arith.constant 0 : i32
    %dma_wait3A_947 = tpu.memref_slice %arg2[%get3A_69, %dma_wait3A_946] : memref<100000x1024xf32, #tpu.memory_space<any>> -> memref<1x1024xf32, #tpu.memory_space<any>>
    tpu.wait_dma2 semaphore(%arg5 : memref<!tpu.dma_semaphore, #tpu.memory_space<semaphore_mem>>) src(%dma_wait3A_947 : memref<1x1024xf32, #tpu.memory_space<any>>) dst(%dma_wait3A_945 : memref<1x1024xf32, #tpu.memory_space<vmem>>)
    %dma_wait3A_948 = arith.constant 11 : i32
    %dma_wait3A_949 = arith.constant 0 : i32
    %dma_wait3A_950 = tpu.memref_slice %arg4[%dma_wait3A_948, %dma_wait3A_949] : memref<128x1024xf32, #tpu.memory_space<vmem>> -> memref<1x1024xf32, #tpu.memory_space<vmem>>
    %dma_wait3A_951 = arith.constant 0 : i32
    %dma_wait3A_952 = tpu.memref_slice %arg2[%get3A_76, %dma_wait3A_951] : memref<100000x1024xf32, #tpu.memory_space<any>> -> memref<1x1024xf32, #tpu.memory_space<any>>
    tpu.wait_dma2 semaphore(%arg5 : memref<!tpu.dma_semaphore, #tpu.memory_space<semaphore_mem>>) src(%dma_wait3A_952 : memref<1x1024xf32, #tpu.memory_space<any>>) dst(%dma_wait3A_950 : memref<1x1024xf32, #tpu.memory_space<vmem>>)
    %dma_wait3A_953 = arith.constant 12 : i32
    %dma_wait3A_954 = arith.constant 0 : i32
    %dma_wait3A_955 = tpu.memref_slice %arg4[%dma_wait3A_953, %dma_wait3A_954] : memref<128x1024xf32, #tpu.memory_space<vmem>> -> memref<1x1024xf32, #tpu.memory_space<vmem>>
    %dma_wait3A_956 = arith.constant 0 : i32
    %dma_wait3A_957 = tpu.memref_slice %arg2[%get3A_83, %dma_wait3A_956] : memref<100000x1024xf32, #tpu.memory_space<any>> -> memref<1x1024xf32, #tpu.memory_space<any>>
    tpu.wait_dma2 semaphore(%arg5 : memref<!tpu.dma_semaphore, #tpu.memory_space<semaphore_mem>>) src(%dma_wait3A_957 : memref<1x1024xf32, #tpu.memory_space<any>>) dst(%dma_wait3A_955 : memref<1x1024xf32, #tpu.memory_space<vmem>>)
    %dma_wait3A_958 = arith.constant 13 : i32
    %dma_wait3A_959 = arith.constant 0 : i32
    %dma_wait3A_960 = tpu.memref_slice %arg4[%dma_wait3A_958, %dma_wait3A_959] : memref<128x1024xf32, #tpu.memory_space<vmem>> -> memref<1x1024xf32, #tpu.memory_space<vmem>>
    %dma_wait3A_961 = arith.constant 0 : i32
    %dma_wait3A_962 = tpu.memref_slice %arg2[%get3A_90, %dma_wait3A_961] : memref<100000x1024xf32, #tpu.memory_space<any>> -> memref<1x1024xf32, #tpu.memory_space<any>>
    tpu.wait_dma2 semaphore(%arg5 : memref<!tpu.dma_semaphore, #tpu.memory_space<semaphore_mem>>) src(%dma_wait3A_962 : memref<1x1024xf32, #tpu.memory_space<any>>) dst(%dma_wait3A_960 : memref<1x1024xf32, #tpu.memory_space<vmem>>)
    %dma_wait3A_963 = arith.constant 14 : i32
    %dma_wait3A_964 = arith.constant 0 : i32
    %dma_wait3A_965 = tpu.memref_slice %arg4[%dma_wait3A_963, %dma_wait3A_964] : memref<128x1024xf32, #tpu.memory_space<vmem>> -> memref<1x1024xf32, #tpu.memory_space<vmem>>
    %dma_wait3A_966 = arith.constant 0 : i32
    %dma_wait3A_967 = tpu.memref_slice %arg2[%get3A_97, %dma_wait3A_966] : memref<100000x1024xf32, #tpu.memory_space<any>> -> memref<1x1024xf32, #tpu.memory_space<any>>
    tpu.wait_dma2 semaphore(%arg5 : memref<!tpu.dma_semaphore, #tpu.memory_space<semaphore_mem>>) src(%dma_wait3A_967 : memref<1x1024xf32, #tpu.memory_space<any>>) dst(%dma_wait3A_965 : memref<1x1024xf32, #tpu.memory_space<vmem>>)
    %dma_wait3A_968 = arith.constant 15 : i32
    %dma_wait3A_969 = arith.constant 0 : i32
    %dma_wait3A_970 = tpu.memref_slice %arg4[%dma_wait3A_968, %dma_wait3A_969] : memref<128x1024xf32, #tpu.memory_space<vmem>> -> memref<1x1024xf32, #tpu.memory_space<vmem>>
    %dma_wait3A_971 = arith.constant 0 : i32
    %dma_wait3A_972 = tpu.memref_slice %arg2[%get3A_104, %dma_wait3A_971] : memref<100000x1024xf32, #tpu.memory_space<any>> -> memref<1x1024xf32, #tpu.memory_space<any>>
    tpu.wait_dma2 semaphore(%arg5 : memref<!tpu.dma_semaphore, #tpu.memory_space<semaphore_mem>>) src(%dma_wait3A_972 : memref<1x1024xf32, #tpu.memory_space<any>>) dst(%dma_wait3A_970 : memref<1x1024xf32, #tpu.memory_space<vmem>>)
    %dma_wait3A_973 = arith.constant 16 : i32
    %dma_wait3A_974 = arith.constant 0 : i32
    %dma_wait3A_975 = tpu.memref_slice %arg4[%dma_wait3A_973, %dma_wait3A_974] : memref<128x1024xf32, #tpu.memory_space<vmem>> -> memref<1x1024xf32, #tpu.memory_space<vmem>>
    %dma_wait3A_976 = arith.constant 0 : i32
    %dma_wait3A_977 = tpu.memref_slice %arg2[%get3A_111, %dma_wait3A_976] : memref<100000x1024xf32, #tpu.memory_space<any>> -> memref<1x1024xf32, #tpu.memory_space<any>>
    tpu.wait_dma2 semaphore(%arg5 : memref<!tpu.dma_semaphore, #tpu.memory_space<semaphore_mem>>) src(%dma_wait3A_977 : memref<1x1024xf32, #tpu.memory_space<any>>) dst(%dma_wait3A_975 : memref<1x1024xf32, #tpu.memory_space<vmem>>)
    %dma_wait3A_978 = arith.constant 17 : i32
    %dma_wait3A_979 = arith.constant 0 : i32
    %dma_wait3A_980 = tpu.memref_slice %arg4[%dma_wait3A_978, %dma_wait3A_979] : memref<128x1024xf32, #tpu.memory_space<vmem>> -> memref<1x1024xf32, #tpu.memory_space<vmem>>
    %dma_wait3A_981 = arith.constant 0 : i32
    %dma_wait3A_982 = tpu.memref_slice %arg2[%get3A_118, %dma_wait3A_981] : memref<100000x1024xf32, #tpu.memory_space<any>> -> memref<1x1024xf32, #tpu.memory_space<any>>
    tpu.wait_dma2 semaphore(%arg5 : memref<!tpu.dma_semaphore, #tpu.memory_space<semaphore_mem>>) src(%dma_wait3A_982 : memref<1x1024xf32, #tpu.memory_space<any>>) dst(%dma_wait3A_980 : memref<1x1024xf32, #tpu.memory_space<vmem>>)
    %dma_wait3A_983 = arith.constant 18 : i32
    %dma_wait3A_984 = arith.constant 0 : i32
    %dma_wait3A_985 = tpu.memref_slice %arg4[%dma_wait3A_983, %dma_wait3A_984] : memref<128x1024xf32, #tpu.memory_space<vmem>> -> memref<1x1024xf32, #tpu.memory_space<vmem>>
    %dma_wait3A_986 = arith.constant 0 : i32
    %dma_wait3A_987 = tpu.memref_slice %arg2[%get3A_125, %dma_wait3A_986] : memref<100000x1024xf32, #tpu.memory_space<any>> -> memref<1x1024xf32, #tpu.memory_space<any>>
    tpu.wait_dma2 semaphore(%arg5 : memref<!tpu.dma_semaphore, #tpu.memory_space<semaphore_mem>>) src(%dma_wait3A_987 : memref<1x1024xf32, #tpu.memory_space<any>>) dst(%dma_wait3A_985 : memref<1x1024xf32, #tpu.memory_space<vmem>>)
    %dma_wait3A_988 = arith.constant 19 : i32
    %dma_wait3A_989 = arith.constant 0 : i32
    %dma_wait3A_990 = tpu.memref_slice %arg4[%dma_wait3A_988, %dma_wait3A_989] : memref<128x1024xf32, #tpu.memory_space<vmem>> -> memref<1x1024xf32, #tpu.memory_space<vmem>>
    %dma_wait3A_991 = arith.constant 0 : i32
    %dma_wait3A_992 = tpu.memref_slice %arg2[%get3A_132, %dma_wait3A_991] : memref<100000x1024xf32, #tpu.memory_space<any>> -> memref<1x1024xf32, #tpu.memory_space<any>>
    tpu.wait_dma2 semaphore(%arg5 : memref<!tpu.dma_semaphore, #tpu.memory_space<semaphore_mem>>) src(%dma_wait3A_992 : memref<1x1024xf32, #tpu.memory_space<any>>) dst(%dma_wait3A_990 : memref<1x1024xf32, #tpu.memory_space<vmem>>)
    %dma_wait3A_993 = arith.constant 20 : i32
    %dma_wait3A_994 = arith.constant 0 : i32
    %dma_wait3A_995 = tpu.memref_slice %arg4[%dma_wait3A_993, %dma_wait3A_994] : memref<128x1024xf32, #tpu.memory_space<vmem>> -> memref<1x1024xf32, #tpu.memory_space<vmem>>
    %dma_wait3A_996 = arith.constant 0 : i32
    %dma_wait3A_997 = tpu.memref_slice %arg2[%get3A_139, %dma_wait3A_996] : memref<100000x1024xf32, #tpu.memory_space<any>> -> memref<1x1024xf32, #tpu.memory_space<any>>
    tpu.wait_dma2 semaphore(%arg5 : memref<!tpu.dma_semaphore, #tpu.memory_space<semaphore_mem>>) src(%dma_wait3A_997 : memref<1x1024xf32, #tpu.memory_space<any>>) dst(%dma_wait3A_995 : memref<1x1024xf32, #tpu.memory_space<vmem>>)
    %dma_wait3A_998 = arith.constant 21 : i32
    %dma_wait3A_999 = arith.constant 0 : i32
    %dma_wait3A_1000 = tpu.memref_slice %arg4[%dma_wait3A_998, %dma_wait3A_999] : memref<128x1024xf32, #tpu.memory_space<vmem>> -> memref<1x1024xf32, #tpu.memory_space<vmem>>
    %dma_wait3A_1001 = arith.constant 0 : i32
    %dma_wait3A_1002 = tpu.memref_slice %arg2[%get3A_146, %dma_wait3A_1001] : memref<100000x1024xf32, #tpu.memory_space<any>> -> memref<1x1024xf32, #tpu.memory_space<any>>
    tpu.wait_dma2 semaphore(%arg5 : memref<!tpu.dma_semaphore, #tpu.memory_space<semaphore_mem>>) src(%dma_wait3A_1002 : memref<1x1024xf32, #tpu.memory_space<any>>) dst(%dma_wait3A_1000 : memref<1x1024xf32, #tpu.memory_space<vmem>>)
    %dma_wait3A_1003 = arith.constant 22 : i32
    %dma_wait3A_1004 = arith.constant 0 : i32
    %dma_wait3A_1005 = tpu.memref_slice %arg4[%dma_wait3A_1003, %dma_wait3A_1004] : memref<128x1024xf32, #tpu.memory_space<vmem>> -> memref<1x1024xf32, #tpu.memory_space<vmem>>
    %dma_wait3A_1006 = arith.constant 0 : i32
    %dma_wait3A_1007 = tpu.memref_slice %arg2[%get3A_153, %dma_wait3A_1006] : memref<100000x1024xf32, #tpu.memory_space<any>> -> memref<1x1024xf32, #tpu.memory_space<any>>
    tpu.wait_dma2 semaphore(%arg5 : memref<!tpu.dma_semaphore, #tpu.memory_space<semaphore_mem>>) src(%dma_wait3A_1007 : memref<1x1024xf32, #tpu.memory_space<any>>) dst(%dma_wait3A_1005 : memref<1x1024xf32, #tpu.memory_space<vmem>>)
    %dma_wait3A_1008 = arith.constant 23 : i32
    %dma_wait3A_1009 = arith.constant 0 : i32
    %dma_wait3A_1010 = tpu.memref_slice %arg4[%dma_wait3A_1008, %dma_wait3A_1009] : memref<128x1024xf32, #tpu.memory_space<vmem>> -> memref<1x1024xf32, #tpu.memory_space<vmem>>
    %dma_wait3A_1011 = arith.constant 0 : i32
    %dma_wait3A_1012 = tpu.memref_slice %arg2[%get3A_160, %dma_wait3A_1011] : memref<100000x1024xf32, #tpu.memory_space<any>> -> memref<1x1024xf32, #tpu.memory_space<any>>
    tpu.wait_dma2 semaphore(%arg5 : memref<!tpu.dma_semaphore, #tpu.memory_space<semaphore_mem>>) src(%dma_wait3A_1012 : memref<1x1024xf32, #tpu.memory_space<any>>) dst(%dma_wait3A_1010 : memref<1x1024xf32, #tpu.memory_space<vmem>>)
    %dma_wait3A_1013 = arith.constant 24 : i32
    %dma_wait3A_1014 = arith.constant 0 : i32
    %dma_wait3A_1015 = tpu.memref_slice %arg4[%dma_wait3A_1013, %dma_wait3A_1014] : memref<128x1024xf32, #tpu.memory_space<vmem>> -> memref<1x1024xf32, #tpu.memory_space<vmem>>
    %dma_wait3A_1016 = arith.constant 0 : i32
    %dma_wait3A_1017 = tpu.memref_slice %arg2[%get3A_167, %dma_wait3A_1016] : memref<100000x1024xf32, #tpu.memory_space<any>> -> memref<1x1024xf32, #tpu.memory_space<any>>
    tpu.wait_dma2 semaphore(%arg5 : memref<!tpu.dma_semaphore, #tpu.memory_space<semaphore_mem>>) src(%dma_wait3A_1017 : memref<1x1024xf32, #tpu.memory_space<any>>) dst(%dma_wait3A_1015 : memref<1x1024xf32, #tpu.memory_space<vmem>>)
    %dma_wait3A_1018 = arith.constant 25 : i32
    %dma_wait3A_1019 = arith.constant 0 : i32
    %dma_wait3A_1020 = tpu.memref_slice %arg4[%dma_wait3A_1018, %dma_wait3A_1019] : memref<128x1024xf32, #tpu.memory_space<vmem>> -> memref<1x1024xf32, #tpu.memory_space<vmem>>
    %dma_wait3A_1021 = arith.constant 0 : i32
    %dma_wait3A_1022 = tpu.memref_slice %arg2[%get3A_174, %dma_wait3A_1021] : memref<100000x1024xf32, #tpu.memory_space<any>> -> memref<1x1024xf32, #tpu.memory_space<any>>
    tpu.wait_dma2 semaphore(%arg5 : memref<!tpu.dma_semaphore, #tpu.memory_space<semaphore_mem>>) src(%dma_wait3A_1022 : memref<1x1024xf32, #tpu.memory_space<any>>) dst(%dma_wait3A_1020 : memref<1x1024xf32, #tpu.memory_space<vmem>>)
    %dma_wait3A_1023 = arith.constant 26 : i32
    %dma_wait3A_1024 = arith.constant 0 : i32
    %dma_wait3A_1025 = tpu.memref_slice %arg4[%dma_wait3A_1023, %dma_wait3A_1024] : memref<128x1024xf32, #tpu.memory_space<vmem>> -> memref<1x1024xf32, #tpu.memory_space<vmem>>
    %dma_wait3A_1026 = arith.constant 0 : i32
    %dma_wait3A_1027 = tpu.memref_slice %arg2[%get3A_181, %dma_wait3A_1026] : memref<100000x1024xf32, #tpu.memory_space<any>> -> memref<1x1024xf32, #tpu.memory_space<any>>
    tpu.wait_dma2 semaphore(%arg5 : memref<!tpu.dma_semaphore, #tpu.memory_space<semaphore_mem>>) src(%dma_wait3A_1027 : memref<1x1024xf32, #tpu.memory_space<any>>) dst(%dma_wait3A_1025 : memref<1x1024xf32, #tpu.memory_space<vmem>>)
    %dma_wait3A_1028 = arith.constant 27 : i32
    %dma_wait3A_1029 = arith.constant 0 : i32
    %dma_wait3A_1030 = tpu.memref_slice %arg4[%dma_wait3A_1028, %dma_wait3A_1029] : memref<128x1024xf32, #tpu.memory_space<vmem>> -> memref<1x1024xf32, #tpu.memory_space<vmem>>
    %dma_wait3A_1031 = arith.constant 0 : i32
    %dma_wait3A_1032 = tpu.memref_slice %arg2[%get3A_188, %dma_wait3A_1031] : memref<100000x1024xf32, #tpu.memory_space<any>> -> memref<1x1024xf32, #tpu.memory_space<any>>
    tpu.wait_dma2 semaphore(%arg5 : memref<!tpu.dma_semaphore, #tpu.memory_space<semaphore_mem>>) src(%dma_wait3A_1032 : memref<1x1024xf32, #tpu.memory_space<any>>) dst(%dma_wait3A_1030 : memref<1x1024xf32, #tpu.memory_space<vmem>>)
    %dma_wait3A_1033 = arith.constant 28 : i32
    %dma_wait3A_1034 = arith.constant 0 : i32
    %dma_wait3A_1035 = tpu.memref_slice %arg4[%dma_wait3A_1033, %dma_wait3A_1034] : memref<128x1024xf32, #tpu.memory_space<vmem>> -> memref<1x1024xf32, #tpu.memory_space<vmem>>
    %dma_wait3A_1036 = arith.constant 0 : i32
    %dma_wait3A_1037 = tpu.memref_slice %arg2[%get3A_195, %dma_wait3A_1036] : memref<100000x1024xf32, #tpu.memory_space<any>> -> memref<1x1024xf32, #tpu.memory_space<any>>
    tpu.wait_dma2 semaphore(%arg5 : memref<!tpu.dma_semaphore, #tpu.memory_space<semaphore_mem>>) src(%dma_wait3A_1037 : memref<1x1024xf32, #tpu.memory_space<any>>) dst(%dma_wait3A_1035 : memref<1x1024xf32, #tpu.memory_space<vmem>>)
    %dma_wait3A_1038 = arith.constant 29 : i32
    %dma_wait3A_1039 = arith.constant 0 : i32
    %dma_wait3A_1040 = tpu.memref_slice %arg4[%dma_wait3A_1038, %dma_wait3A_1039] : memref<128x1024xf32, #tpu.memory_space<vmem>> -> memref<1x1024xf32, #tpu.memory_space<vmem>>
    %dma_wait3A_1041 = arith.constant 0 : i32
    %dma_wait3A_1042 = tpu.memref_slice %arg2[%get3A_202, %dma_wait3A_1041] : memref<100000x1024xf32, #tpu.memory_space<any>> -> memref<1x1024xf32, #tpu.memory_space<any>>
    tpu.wait_dma2 semaphore(%arg5 : memref<!tpu.dma_semaphore, #tpu.memory_space<semaphore_mem>>) src(%dma_wait3A_1042 : memref<1x1024xf32, #tpu.memory_space<any>>) dst(%dma_wait3A_1040 : memref<1x1024xf32, #tpu.memory_space<vmem>>)
    %dma_wait3A_1043 = arith.constant 30 : i32
    %dma_wait3A_1044 = arith.constant 0 : i32
    %dma_wait3A_1045 = tpu.memref_slice %arg4[%dma_wait3A_1043, %dma_wait3A_1044] : memref<128x1024xf32, #tpu.memory_space<vmem>> -> memref<1x1024xf32, #tpu.memory_space<vmem>>
    %dma_wait3A_1046 = arith.constant 0 : i32
    %dma_wait3A_1047 = tpu.memref_slice %arg2[%get3A_209, %dma_wait3A_1046] : memref<100000x1024xf32, #tpu.memory_space<any>> -> memref<1x1024xf32, #tpu.memory_space<any>>
    tpu.wait_dma2 semaphore(%arg5 : memref<!tpu.dma_semaphore, #tpu.memory_space<semaphore_mem>>) src(%dma_wait3A_1047 : memref<1x1024xf32, #tpu.memory_space<any>>) dst(%dma_wait3A_1045 : memref<1x1024xf32, #tpu.memory_space<vmem>>)
    %dma_wait3A_1048 = arith.constant 31 : i32
    %dma_wait3A_1049 = arith.constant 0 : i32
    %dma_wait3A_1050 = tpu.memref_slice %arg4[%dma_wait3A_1048, %dma_wait3A_1049] : memref<128x1024xf32, #tpu.memory_space<vmem>> -> memref<1x1024xf32, #tpu.memory_space<vmem>>
    %dma_wait3A_1051 = arith.constant 0 : i32
    %dma_wait3A_1052 = tpu.memref_slice %arg2[%get3A_216, %dma_wait3A_1051] : memref<100000x1024xf32, #tpu.memory_space<any>> -> memref<1x1024xf32, #tpu.memory_space<any>>
    tpu.wait_dma2 semaphore(%arg5 : memref<!tpu.dma_semaphore, #tpu.memory_space<semaphore_mem>>) src(%dma_wait3A_1052 : memref<1x1024xf32, #tpu.memory_space<any>>) dst(%dma_wait3A_1050 : memref<1x1024xf32, #tpu.memory_space<vmem>>)
    %dma_wait3A_1053 = arith.constant 32 : i32
    %dma_wait3A_1054 = arith.constant 0 : i32
    %dma_wait3A_1055 = tpu.memref_slice %arg4[%dma_wait3A_1053, %dma_wait3A_1054] : memref<128x1024xf32, #tpu.memory_space<vmem>> -> memref<1x1024xf32, #tpu.memory_space<vmem>>
    %dma_wait3A_1056 = arith.constant 0 : i32
    %dma_wait3A_1057 = tpu.memref_slice %arg2[%get3A_223, %dma_wait3A_1056] : memref<100000x1024xf32, #tpu.memory_space<any>> -> memref<1x1024xf32, #tpu.memory_space<any>>
    tpu.wait_dma2 semaphore(%arg5 : memref<!tpu.dma_semaphore, #tpu.memory_space<semaphore_mem>>) src(%dma_wait3A_1057 : memref<1x1024xf32, #tpu.memory_space<any>>) dst(%dma_wait3A_1055 : memref<1x1024xf32, #tpu.memory_space<vmem>>)
    %dma_wait3A_1058 = arith.constant 33 : i32
    %dma_wait3A_1059 = arith.constant 0 : i32
    %dma_wait3A_1060 = tpu.memref_slice %arg4[%dma_wait3A_1058, %dma_wait3A_1059] : memref<128x1024xf32, #tpu.memory_space<vmem>> -> memref<1x1024xf32, #tpu.memory_space<vmem>>
    %dma_wait3A_1061 = arith.constant 0 : i32
    %dma_wait3A_1062 = tpu.memref_slice %arg2[%get3A_230, %dma_wait3A_1061] : memref<100000x1024xf32, #tpu.memory_space<any>> -> memref<1x1024xf32, #tpu.memory_space<any>>
    tpu.wait_dma2 semaphore(%arg5 : memref<!tpu.dma_semaphore, #tpu.memory_space<semaphore_mem>>) src(%dma_wait3A_1062 : memref<1x1024xf32, #tpu.memory_space<any>>) dst(%dma_wait3A_1060 : memref<1x1024xf32, #tpu.memory_space<vmem>>)
    %dma_wait3A_1063 = arith.constant 34 : i32
    %dma_wait3A_1064 = arith.constant 0 : i32
    %dma_wait3A_1065 = tpu.memref_slice %arg4[%dma_wait3A_1063, %dma_wait3A_1064] : memref<128x1024xf32, #tpu.memory_space<vmem>> -> memref<1x1024xf32, #tpu.memory_space<vmem>>
    %dma_wait3A_1066 = arith.constant 0 : i32
    %dma_wait3A_1067 = tpu.memref_slice %arg2[%get3A_237, %dma_wait3A_1066] : memref<100000x1024xf32, #tpu.memory_space<any>> -> memref<1x1024xf32, #tpu.memory_space<any>>
    tpu.wait_dma2 semaphore(%arg5 : memref<!tpu.dma_semaphore, #tpu.memory_space<semaphore_mem>>) src(%dma_wait3A_1067 : memref<1x1024xf32, #tpu.memory_space<any>>) dst(%dma_wait3A_1065 : memref<1x1024xf32, #tpu.memory_space<vmem>>)
    %dma_wait3A_1068 = arith.constant 35 : i32
    %dma_wait3A_1069 = arith.constant 0 : i32
    %dma_wait3A_1070 = tpu.memref_slice %arg4[%dma_wait3A_1068, %dma_wait3A_1069] : memref<128x1024xf32, #tpu.memory_space<vmem>> -> memref<1x1024xf32, #tpu.memory_space<vmem>>
    %dma_wait3A_1071 = arith.constant 0 : i32
    %dma_wait3A_1072 = tpu.memref_slice %arg2[%get3A_244, %dma_wait3A_1071] : memref<100000x1024xf32, #tpu.memory_space<any>> -> memref<1x1024xf32, #tpu.memory_space<any>>
    tpu.wait_dma2 semaphore(%arg5 : memref<!tpu.dma_semaphore, #tpu.memory_space<semaphore_mem>>) src(%dma_wait3A_1072 : memref<1x1024xf32, #tpu.memory_space<any>>) dst(%dma_wait3A_1070 : memref<1x1024xf32, #tpu.memory_space<vmem>>)
    %dma_wait3A_1073 = arith.constant 36 : i32
    %dma_wait3A_1074 = arith.constant 0 : i32
    %dma_wait3A_1075 = tpu.memref_slice %arg4[%dma_wait3A_1073, %dma_wait3A_1074] : memref<128x1024xf32, #tpu.memory_space<vmem>> -> memref<1x1024xf32, #tpu.memory_space<vmem>>
    %dma_wait3A_1076 = arith.constant 0 : i32
    %dma_wait3A_1077 = tpu.memref_slice %arg2[%get3A_251, %dma_wait3A_1076] : memref<100000x1024xf32, #tpu.memory_space<any>> -> memref<1x1024xf32, #tpu.memory_space<any>>
    tpu.wait_dma2 semaphore(%arg5 : memref<!tpu.dma_semaphore, #tpu.memory_space<semaphore_mem>>) src(%dma_wait3A_1077 : memref<1x1024xf32, #tpu.memory_space<any>>) dst(%dma_wait3A_1075 : memref<1x1024xf32, #tpu.memory_space<vmem>>)
    %dma_wait3A_1078 = arith.constant 37 : i32
    %dma_wait3A_1079 = arith.constant 0 : i32
    %dma_wait3A_1080 = tpu.memref_slice %arg4[%dma_wait3A_1078, %dma_wait3A_1079] : memref<128x1024xf32, #tpu.memory_space<vmem>> -> memref<1x1024xf32, #tpu.memory_space<vmem>>
    %dma_wait3A_1081 = arith.constant 0 : i32
    %dma_wait3A_1082 = tpu.memref_slice %arg2[%get3A_258, %dma_wait3A_1081] : memref<100000x1024xf32, #tpu.memory_space<any>> -> memref<1x1024xf32, #tpu.memory_space<any>>
    tpu.wait_dma2 semaphore(%arg5 : memref<!tpu.dma_semaphore, #tpu.memory_space<semaphore_mem>>) src(%dma_wait3A_1082 : memref<1x1024xf32, #tpu.memory_space<any>>) dst(%dma_wait3A_1080 : memref<1x1024xf32, #tpu.memory_space<vmem>>)
    %dma_wait3A_1083 = arith.constant 38 : i32
    %dma_wait3A_1084 = arith.constant 0 : i32
    %dma_wait3A_1085 = tpu.memref_slice %arg4[%dma_wait3A_1083, %dma_wait3A_1084] : memref<128x1024xf32, #tpu.memory_space<vmem>> -> memref<1x1024xf32, #tpu.memory_space<vmem>>
    %dma_wait3A_1086 = arith.constant 0 : i32
    %dma_wait3A_1087 = tpu.memref_slice %arg2[%get3A_265, %dma_wait3A_1086] : memref<100000x1024xf32, #tpu.memory_space<any>> -> memref<1x1024xf32, #tpu.memory_space<any>>
    tpu.wait_dma2 semaphore(%arg5 : memref<!tpu.dma_semaphore, #tpu.memory_space<semaphore_mem>>) src(%dma_wait3A_1087 : memref<1x1024xf32, #tpu.memory_space<any>>) dst(%dma_wait3A_1085 : memref<1x1024xf32, #tpu.memory_space<vmem>>)
    %dma_wait3A_1088 = arith.constant 39 : i32
    %dma_wait3A_1089 = arith.constant 0 : i32
    %dma_wait3A_1090 = tpu.memref_slice %arg4[%dma_wait3A_1088, %dma_wait3A_1089] : memref<128x1024xf32, #tpu.memory_space<vmem>> -> memref<1x1024xf32, #tpu.memory_space<vmem>>
    %dma_wait3A_1091 = arith.constant 0 : i32
    %dma_wait3A_1092 = tpu.memref_slice %arg2[%get3A_272, %dma_wait3A_1091] : memref<100000x1024xf32, #tpu.memory_space<any>> -> memref<1x1024xf32, #tpu.memory_space<any>>
    tpu.wait_dma2 semaphore(%arg5 : memref<!tpu.dma_semaphore, #tpu.memory_space<semaphore_mem>>) src(%dma_wait3A_1092 : memref<1x1024xf32, #tpu.memory_space<any>>) dst(%dma_wait3A_1090 : memref<1x1024xf32, #tpu.memory_space<vmem>>)
    %dma_wait3A_1093 = arith.constant 40 : i32
    %dma_wait3A_1094 = arith.constant 0 : i32
    %dma_wait3A_1095 = tpu.memref_slice %arg4[%dma_wait3A_1093, %dma_wait3A_1094] : memref<128x1024xf32, #tpu.memory_space<vmem>> -> memref<1x1024xf32, #tpu.memory_space<vmem>>
    %dma_wait3A_1096 = arith.constant 0 : i32
    %dma_wait3A_1097 = tpu.memref_slice %arg2[%get3A_279, %dma_wait3A_1096] : memref<100000x1024xf32, #tpu.memory_space<any>> -> memref<1x1024xf32, #tpu.memory_space<any>>
    tpu.wait_dma2 semaphore(%arg5 : memref<!tpu.dma_semaphore, #tpu.memory_space<semaphore_mem>>) src(%dma_wait3A_1097 : memref<1x1024xf32, #tpu.memory_space<any>>) dst(%dma_wait3A_1095 : memref<1x1024xf32, #tpu.memory_space<vmem>>)
    %dma_wait3A_1098 = arith.constant 41 : i32
    %dma_wait3A_1099 = arith.constant 0 : i32
    %dma_wait3A_1100 = tpu.memref_slice %arg4[%dma_wait3A_1098, %dma_wait3A_1099] : memref<128x1024xf32, #tpu.memory_space<vmem>> -> memref<1x1024xf32, #tpu.memory_space<vmem>>
    %dma_wait3A_1101 = arith.constant 0 : i32
    %dma_wait3A_1102 = tpu.memref_slice %arg2[%get3A_286, %dma_wait3A_1101] : memref<100000x1024xf32, #tpu.memory_space<any>> -> memref<1x1024xf32, #tpu.memory_space<any>>
    tpu.wait_dma2 semaphore(%arg5 : memref<!tpu.dma_semaphore, #tpu.memory_space<semaphore_mem>>) src(%dma_wait3A_1102 : memref<1x1024xf32, #tpu.memory_space<any>>) dst(%dma_wait3A_1100 : memref<1x1024xf32, #tpu.memory_space<vmem>>)
    %dma_wait3A_1103 = arith.constant 42 : i32
    %dma_wait3A_1104 = arith.constant 0 : i32
    %dma_wait3A_1105 = tpu.memref_slice %arg4[%dma_wait3A_1103, %dma_wait3A_1104] : memref<128x1024xf32, #tpu.memory_space<vmem>> -> memref<1x1024xf32, #tpu.memory_space<vmem>>
    %dma_wait3A_1106 = arith.constant 0 : i32
    %dma_wait3A_1107 = tpu.memref_slice %arg2[%get3A_293, %dma_wait3A_1106] : memref<100000x1024xf32, #tpu.memory_space<any>> -> memref<1x1024xf32, #tpu.memory_space<any>>
    tpu.wait_dma2 semaphore(%arg5 : memref<!tpu.dma_semaphore, #tpu.memory_space<semaphore_mem>>) src(%dma_wait3A_1107 : memref<1x1024xf32, #tpu.memory_space<any>>) dst(%dma_wait3A_1105 : memref<1x1024xf32, #tpu.memory_space<vmem>>)
    %dma_wait3A_1108 = arith.constant 43 : i32
    %dma_wait3A_1109 = arith.constant 0 : i32
    %dma_wait3A_1110 = tpu.memref_slice %arg4[%dma_wait3A_1108, %dma_wait3A_1109] : memref<128x1024xf32, #tpu.memory_space<vmem>> -> memref<1x1024xf32, #tpu.memory_space<vmem>>
    %dma_wait3A_1111 = arith.constant 0 : i32
    %dma_wait3A_1112 = tpu.memref_slice %arg2[%get3A_300, %dma_wait3A_1111] : memref<100000x1024xf32, #tpu.memory_space<any>> -> memref<1x1024xf32, #tpu.memory_space<any>>
    tpu.wait_dma2 semaphore(%arg5 : memref<!tpu.dma_semaphore, #tpu.memory_space<semaphore_mem>>) src(%dma_wait3A_1112 : memref<1x1024xf32, #tpu.memory_space<any>>) dst(%dma_wait3A_1110 : memref<1x1024xf32, #tpu.memory_space<vmem>>)
    %dma_wait3A_1113 = arith.constant 44 : i32
    %dma_wait3A_1114 = arith.constant 0 : i32
    %dma_wait3A_1115 = tpu.memref_slice %arg4[%dma_wait3A_1113, %dma_wait3A_1114] : memref<128x1024xf32, #tpu.memory_space<vmem>> -> memref<1x1024xf32, #tpu.memory_space<vmem>>
    %dma_wait3A_1116 = arith.constant 0 : i32
    %dma_wait3A_1117 = tpu.memref_slice %arg2[%get3A_307, %dma_wait3A_1116] : memref<100000x1024xf32, #tpu.memory_space<any>> -> memref<1x1024xf32, #tpu.memory_space<any>>
    tpu.wait_dma2 semaphore(%arg5 : memref<!tpu.dma_semaphore, #tpu.memory_space<semaphore_mem>>) src(%dma_wait3A_1117 : memref<1x1024xf32, #tpu.memory_space<any>>) dst(%dma_wait3A_1115 : memref<1x1024xf32, #tpu.memory_space<vmem>>)
    %dma_wait3A_1118 = arith.constant 45 : i32
    %dma_wait3A_1119 = arith.constant 0 : i32
    %dma_wait3A_1120 = tpu.memref_slice %arg4[%dma_wait3A_1118, %dma_wait3A_1119] : memref<128x1024xf32, #tpu.memory_space<vmem>> -> memref<1x1024xf32, #tpu.memory_space<vmem>>
    %dma_wait3A_1121 = arith.constant 0 : i32
    %dma_wait3A_1122 = tpu.memref_slice %arg2[%get3A_314, %dma_wait3A_1121] : memref<100000x1024xf32, #tpu.memory_space<any>> -> memref<1x1024xf32, #tpu.memory_space<any>>
    tpu.wait_dma2 semaphore(%arg5 : memref<!tpu.dma_semaphore, #tpu.memory_space<semaphore_mem>>) src(%dma_wait3A_1122 : memref<1x1024xf32, #tpu.memory_space<any>>) dst(%dma_wait3A_1120 : memref<1x1024xf32, #tpu.memory_space<vmem>>)
    %dma_wait3A_1123 = arith.constant 46 : i32
    %dma_wait3A_1124 = arith.constant 0 : i32
    %dma_wait3A_1125 = tpu.memref_slice %arg4[%dma_wait3A_1123, %dma_wait3A_1124] : memref<128x1024xf32, #tpu.memory_space<vmem>> -> memref<1x1024xf32, #tpu.memory_space<vmem>>
    %dma_wait3A_1126 = arith.constant 0 : i32
    %dma_wait3A_1127 = tpu.memref_slice %arg2[%get3A_321, %dma_wait3A_1126] : memref<100000x1024xf32, #tpu.memory_space<any>> -> memref<1x1024xf32, #tpu.memory_space<any>>
    tpu.wait_dma2 semaphore(%arg5 : memref<!tpu.dma_semaphore, #tpu.memory_space<semaphore_mem>>) src(%dma_wait3A_1127 : memref<1x1024xf32, #tpu.memory_space<any>>) dst(%dma_wait3A_1125 : memref<1x1024xf32, #tpu.memory_space<vmem>>)
    %dma_wait3A_1128 = arith.constant 47 : i32
    %dma_wait3A_1129 = arith.constant 0 : i32
    %dma_wait3A_1130 = tpu.memref_slice %arg4[%dma_wait3A_1128, %dma_wait3A_1129] : memref<128x1024xf32, #tpu.memory_space<vmem>> -> memref<1x1024xf32, #tpu.memory_space<vmem>>
    %dma_wait3A_1131 = arith.constant 0 : i32
    %dma_wait3A_1132 = tpu.memref_slice %arg2[%get3A_328, %dma_wait3A_1131] : memref<100000x1024xf32, #tpu.memory_space<any>> -> memref<1x1024xf32, #tpu.memory_space<any>>
    tpu.wait_dma2 semaphore(%arg5 : memref<!tpu.dma_semaphore, #tpu.memory_space<semaphore_mem>>) src(%dma_wait3A_1132 : memref<1x1024xf32, #tpu.memory_space<any>>) dst(%dma_wait3A_1130 : memref<1x1024xf32, #tpu.memory_space<vmem>>)
    %dma_wait3A_1133 = arith.constant 48 : i32
    %dma_wait3A_1134 = arith.constant 0 : i32
    %dma_wait3A_1135 = tpu.memref_slice %arg4[%dma_wait3A_1133, %dma_wait3A_1134] : memref<128x1024xf32, #tpu.memory_space<vmem>> -> memref<1x1024xf32, #tpu.memory_space<vmem>>
    %dma_wait3A_1136 = arith.constant 0 : i32
    %dma_wait3A_1137 = tpu.memref_slice %arg2[%get3A_335, %dma_wait3A_1136] : memref<100000x1024xf32, #tpu.memory_space<any>> -> memref<1x1024xf32, #tpu.memory_space<any>>
    tpu.wait_dma2 semaphore(%arg5 : memref<!tpu.dma_semaphore, #tpu.memory_space<semaphore_mem>>) src(%dma_wait3A_1137 : memref<1x1024xf32, #tpu.memory_space<any>>) dst(%dma_wait3A_1135 : memref<1x1024xf32, #tpu.memory_space<vmem>>)
    %dma_wait3A_1138 = arith.constant 49 : i32
    %dma_wait3A_1139 = arith.constant 0 : i32
    %dma_wait3A_1140 = tpu.memref_slice %arg4[%dma_wait3A_1138, %dma_wait3A_1139] : memref<128x1024xf32, #tpu.memory_space<vmem>> -> memref<1x1024xf32, #tpu.memory_space<vmem>>
    %dma_wait3A_1141 = arith.constant 0 : i32
    %dma_wait3A_1142 = tpu.memref_slice %arg2[%get3A_342, %dma_wait3A_1141] : memref<100000x1024xf32, #tpu.memory_space<any>> -> memref<1x1024xf32, #tpu.memory_space<any>>
    tpu.wait_dma2 semaphore(%arg5 : memref<!tpu.dma_semaphore, #tpu.memory_space<semaphore_mem>>) src(%dma_wait3A_1142 : memref<1x1024xf32, #tpu.memory_space<any>>) dst(%dma_wait3A_1140 : memref<1x1024xf32, #tpu.memory_space<vmem>>)
    %dma_wait3A_1143 = arith.constant 50 : i32
    %dma_wait3A_1144 = arith.constant 0 : i32
    %dma_wait3A_1145 = tpu.memref_slice %arg4[%dma_wait3A_1143, %dma_wait3A_1144] : memref<128x1024xf32, #tpu.memory_space<vmem>> -> memref<1x1024xf32, #tpu.memory_space<vmem>>
    %dma_wait3A_1146 = arith.constant 0 : i32
    %dma_wait3A_1147 = tpu.memref_slice %arg2[%get3A_349, %dma_wait3A_1146] : memref<100000x1024xf32, #tpu.memory_space<any>> -> memref<1x1024xf32, #tpu.memory_space<any>>
    tpu.wait_dma2 semaphore(%arg5 : memref<!tpu.dma_semaphore, #tpu.memory_space<semaphore_mem>>) src(%dma_wait3A_1147 : memref<1x1024xf32, #tpu.memory_space<any>>) dst(%dma_wait3A_1145 : memref<1x1024xf32, #tpu.memory_space<vmem>>)
    %dma_wait3A_1148 = arith.constant 51 : i32
    %dma_wait3A_1149 = arith.constant 0 : i32
    %dma_wait3A_1150 = tpu.memref_slice %arg4[%dma_wait3A_1148, %dma_wait3A_1149] : memref<128x1024xf32, #tpu.memory_space<vmem>> -> memref<1x1024xf32, #tpu.memory_space<vmem>>
    %dma_wait3A_1151 = arith.constant 0 : i32
    %dma_wait3A_1152 = tpu.memref_slice %arg2[%get3A_356, %dma_wait3A_1151] : memref<100000x1024xf32, #tpu.memory_space<any>> -> memref<1x1024xf32, #tpu.memory_space<any>>
    tpu.wait_dma2 semaphore(%arg5 : memref<!tpu.dma_semaphore, #tpu.memory_space<semaphore_mem>>) src(%dma_wait3A_1152 : memref<1x1024xf32, #tpu.memory_space<any>>) dst(%dma_wait3A_1150 : memref<1x1024xf32, #tpu.memory_space<vmem>>)
    %dma_wait3A_1153 = arith.constant 52 : i32
    %dma_wait3A_1154 = arith.constant 0 : i32
    %dma_wait3A_1155 = tpu.memref_slice %arg4[%dma_wait3A_1153, %dma_wait3A_1154] : memref<128x1024xf32, #tpu.memory_space<vmem>> -> memref<1x1024xf32, #tpu.memory_space<vmem>>
    %dma_wait3A_1156 = arith.constant 0 : i32
    %dma_wait3A_1157 = tpu.memref_slice %arg2[%get3A_363, %dma_wait3A_1156] : memref<100000x1024xf32, #tpu.memory_space<any>> -> memref<1x1024xf32, #tpu.memory_space<any>>
    tpu.wait_dma2 semaphore(%arg5 : memref<!tpu.dma_semaphore, #tpu.memory_space<semaphore_mem>>) src(%dma_wait3A_1157 : memref<1x1024xf32, #tpu.memory_space<any>>) dst(%dma_wait3A_1155 : memref<1x1024xf32, #tpu.memory_space<vmem>>)
    %dma_wait3A_1158 = arith.constant 53 : i32
    %dma_wait3A_1159 = arith.constant 0 : i32
    %dma_wait3A_1160 = tpu.memref_slice %arg4[%dma_wait3A_1158, %dma_wait3A_1159] : memref<128x1024xf32, #tpu.memory_space<vmem>> -> memref<1x1024xf32, #tpu.memory_space<vmem>>
    %dma_wait3A_1161 = arith.constant 0 : i32
    %dma_wait3A_1162 = tpu.memref_slice %arg2[%get3A_370, %dma_wait3A_1161] : memref<100000x1024xf32, #tpu.memory_space<any>> -> memref<1x1024xf32, #tpu.memory_space<any>>
    tpu.wait_dma2 semaphore(%arg5 : memref<!tpu.dma_semaphore, #tpu.memory_space<semaphore_mem>>) src(%dma_wait3A_1162 : memref<1x1024xf32, #tpu.memory_space<any>>) dst(%dma_wait3A_1160 : memref<1x1024xf32, #tpu.memory_space<vmem>>)
    %dma_wait3A_1163 = arith.constant 54 : i32
    %dma_wait3A_1164 = arith.constant 0 : i32
    %dma_wait3A_1165 = tpu.memref_slice %arg4[%dma_wait3A_1163, %dma_wait3A_1164] : memref<128x1024xf32, #tpu.memory_space<vmem>> -> memref<1x1024xf32, #tpu.memory_space<vmem>>
    %dma_wait3A_1166 = arith.constant 0 : i32
    %dma_wait3A_1167 = tpu.memref_slice %arg2[%get3A_377, %dma_wait3A_1166] : memref<100000x1024xf32, #tpu.memory_space<any>> -> memref<1x1024xf32, #tpu.memory_space<any>>
    tpu.wait_dma2 semaphore(%arg5 : memref<!tpu.dma_semaphore, #tpu.memory_space<semaphore_mem>>) src(%dma_wait3A_1167 : memref<1x1024xf32, #tpu.memory_space<any>>) dst(%dma_wait3A_1165 : memref<1x1024xf32, #tpu.memory_space<vmem>>)
    %dma_wait3A_1168 = arith.constant 55 : i32
    %dma_wait3A_1169 = arith.constant 0 : i32
    %dma_wait3A_1170 = tpu.memref_slice %arg4[%dma_wait3A_1168, %dma_wait3A_1169] : memref<128x1024xf32, #tpu.memory_space<vmem>> -> memref<1x1024xf32, #tpu.memory_space<vmem>>
    %dma_wait3A_1171 = arith.constant 0 : i32
    %dma_wait3A_1172 = tpu.memref_slice %arg2[%get3A_384, %dma_wait3A_1171] : memref<100000x1024xf32, #tpu.memory_space<any>> -> memref<1x1024xf32, #tpu.memory_space<any>>
    tpu.wait_dma2 semaphore(%arg5 : memref<!tpu.dma_semaphore, #tpu.memory_space<semaphore_mem>>) src(%dma_wait3A_1172 : memref<1x1024xf32, #tpu.memory_space<any>>) dst(%dma_wait3A_1170 : memref<1x1024xf32, #tpu.memory_space<vmem>>)
    %dma_wait3A_1173 = arith.constant 56 : i32
    %dma_wait3A_1174 = arith.constant 0 : i32
    %dma_wait3A_1175 = tpu.memref_slice %arg4[%dma_wait3A_1173, %dma_wait3A_1174] : memref<128x1024xf32, #tpu.memory_space<vmem>> -> memref<1x1024xf32, #tpu.memory_space<vmem>>
    %dma_wait3A_1176 = arith.constant 0 : i32
    %dma_wait3A_1177 = tpu.memref_slice %arg2[%get3A_391, %dma_wait3A_1176] : memref<100000x1024xf32, #tpu.memory_space<any>> -> memref<1x1024xf32, #tpu.memory_space<any>>
    tpu.wait_dma2 semaphore(%arg5 : memref<!tpu.dma_semaphore, #tpu.memory_space<semaphore_mem>>) src(%dma_wait3A_1177 : memref<1x1024xf32, #tpu.memory_space<any>>) dst(%dma_wait3A_1175 : memref<1x1024xf32, #tpu.memory_space<vmem>>)
    %dma_wait3A_1178 = arith.constant 57 : i32
    %dma_wait3A_1179 = arith.constant 0 : i32
    %dma_wait3A_1180 = tpu.memref_slice %arg4[%dma_wait3A_1178, %dma_wait3A_1179] : memref<128x1024xf32, #tpu.memory_space<vmem>> -> memref<1x1024xf32, #tpu.memory_space<vmem>>
    %dma_wait3A_1181 = arith.constant 0 : i32
    %dma_wait3A_1182 = tpu.memref_slice %arg2[%get3A_398, %dma_wait3A_1181] : memref<100000x1024xf32, #tpu.memory_space<any>> -> memref<1x1024xf32, #tpu.memory_space<any>>
    tpu.wait_dma2 semaphore(%arg5 : memref<!tpu.dma_semaphore, #tpu.memory_space<semaphore_mem>>) src(%dma_wait3A_1182 : memref<1x1024xf32, #tpu.memory_space<any>>) dst(%dma_wait3A_1180 : memref<1x1024xf32, #tpu.memory_space<vmem>>)
    %dma_wait3A_1183 = arith.constant 58 : i32
    %dma_wait3A_1184 = arith.constant 0 : i32
    %dma_wait3A_1185 = tpu.memref_slice %arg4[%dma_wait3A_1183, %dma_wait3A_1184] : memref<128x1024xf32, #tpu.memory_space<vmem>> -> memref<1x1024xf32, #tpu.memory_space<vmem>>
    %dma_wait3A_1186 = arith.constant 0 : i32
    %dma_wait3A_1187 = tpu.memref_slice %arg2[%get3A_405, %dma_wait3A_1186] : memref<100000x1024xf32, #tpu.memory_space<any>> -> memref<1x1024xf32, #tpu.memory_space<any>>
    tpu.wait_dma2 semaphore(%arg5 : memref<!tpu.dma_semaphore, #tpu.memory_space<semaphore_mem>>) src(%dma_wait3A_1187 : memref<1x1024xf32, #tpu.memory_space<any>>) dst(%dma_wait3A_1185 : memref<1x1024xf32, #tpu.memory_space<vmem>>)
    %dma_wait3A_1188 = arith.constant 59 : i32
    %dma_wait3A_1189 = arith.constant 0 : i32
    %dma_wait3A_1190 = tpu.memref_slice %arg4[%dma_wait3A_1188, %dma_wait3A_1189] : memref<128x1024xf32, #tpu.memory_space<vmem>> -> memref<1x1024xf32, #tpu.memory_space<vmem>>
    %dma_wait3A_1191 = arith.constant 0 : i32
    %dma_wait3A_1192 = tpu.memref_slice %arg2[%get3A_412, %dma_wait3A_1191] : memref<100000x1024xf32, #tpu.memory_space<any>> -> memref<1x1024xf32, #tpu.memory_space<any>>
    tpu.wait_dma2 semaphore(%arg5 : memref<!tpu.dma_semaphore, #tpu.memory_space<semaphore_mem>>) src(%dma_wait3A_1192 : memref<1x1024xf32, #tpu.memory_space<any>>) dst(%dma_wait3A_1190 : memref<1x1024xf32, #tpu.memory_space<vmem>>)
    %dma_wait3A_1193 = arith.constant 60 : i32
    %dma_wait3A_1194 = arith.constant 0 : i32
    %dma_wait3A_1195 = tpu.memref_slice %arg4[%dma_wait3A_1193, %dma_wait3A_1194] : memref<128x1024xf32, #tpu.memory_space<vmem>> -> memref<1x1024xf32, #tpu.memory_space<vmem>>
    %dma_wait3A_1196 = arith.constant 0 : i32
    %dma_wait3A_1197 = tpu.memref_slice %arg2[%get3A_419, %dma_wait3A_1196] : memref<100000x1024xf32, #tpu.memory_space<any>> -> memref<1x1024xf32, #tpu.memory_space<any>>
    tpu.wait_dma2 semaphore(%arg5 : memref<!tpu.dma_semaphore, #tpu.memory_space<semaphore_mem>>) src(%dma_wait3A_1197 : memref<1x1024xf32, #tpu.memory_space<any>>) dst(%dma_wait3A_1195 : memref<1x1024xf32, #tpu.memory_space<vmem>>)
    %dma_wait3A_1198 = arith.constant 61 : i32
    %dma_wait3A_1199 = arith.constant 0 : i32
    %dma_wait3A_1200 = tpu.memref_slice %arg4[%dma_wait3A_1198, %dma_wait3A_1199] : memref<128x1024xf32, #tpu.memory_space<vmem>> -> memref<1x1024xf32, #tpu.memory_space<vmem>>
    %dma_wait3A_1201 = arith.constant 0 : i32
    %dma_wait3A_1202 = tpu.memref_slice %arg2[%get3A_426, %dma_wait3A_1201] : memref<100000x1024xf32, #tpu.memory_space<any>> -> memref<1x1024xf32, #tpu.memory_space<any>>
    tpu.wait_dma2 semaphore(%arg5 : memref<!tpu.dma_semaphore, #tpu.memory_space<semaphore_mem>>) src(%dma_wait3A_1202 : memref<1x1024xf32, #tpu.memory_space<any>>) dst(%dma_wait3A_1200 : memref<1x1024xf32, #tpu.memory_space<vmem>>)
    %dma_wait3A_1203 = arith.constant 62 : i32
    %dma_wait3A_1204 = arith.constant 0 : i32
    %dma_wait3A_1205 = tpu.memref_slice %arg4[%dma_wait3A_1203, %dma_wait3A_1204] : memref<128x1024xf32, #tpu.memory_space<vmem>> -> memref<1x1024xf32, #tpu.memory_space<vmem>>
    %dma_wait3A_1206 = arith.constant 0 : i32
    %dma_wait3A_1207 = tpu.memref_slice %arg2[%get3A_433, %dma_wait3A_1206] : memref<100000x1024xf32, #tpu.memory_space<any>> -> memref<1x1024xf32, #tpu.memory_space<any>>
    tpu.wait_dma2 semaphore(%arg5 : memref<!tpu.dma_semaphore, #tpu.memory_space<semaphore_mem>>) src(%dma_wait3A_1207 : memref<1x1024xf32, #tpu.memory_space<any>>) dst(%dma_wait3A_1205 : memref<1x1024xf32, #tpu.memory_space<vmem>>)
    %dma_wait3A_1208 = arith.constant 63 : i32
    %dma_wait3A_1209 = arith.constant 0 : i32
    %dma_wait3A_1210 = tpu.memref_slice %arg4[%dma_wait3A_1208, %dma_wait3A_1209] : memref<128x1024xf32, #tpu.memory_space<vmem>> -> memref<1x1024xf32, #tpu.memory_space<vmem>>
    %dma_wait3A_1211 = arith.constant 0 : i32
    %dma_wait3A_1212 = tpu.memref_slice %arg2[%get3A_440, %dma_wait3A_1211] : memref<100000x1024xf32, #tpu.memory_space<any>> -> memref<1x1024xf32, #tpu.memory_space<any>>
    tpu.wait_dma2 semaphore(%arg5 : memref<!tpu.dma_semaphore, #tpu.memory_space<semaphore_mem>>) src(%dma_wait3A_1212 : memref<1x1024xf32, #tpu.memory_space<any>>) dst(%dma_wait3A_1210 : memref<1x1024xf32, #tpu.memory_space<vmem>>)
    %dma_wait3A_1213 = arith.constant 64 : i32
    %dma_wait3A_1214 = arith.constant 0 : i32
    %dma_wait3A_1215 = tpu.memref_slice %arg4[%dma_wait3A_1213, %dma_wait3A_1214] : memref<128x1024xf32, #tpu.memory_space<vmem>> -> memref<1x1024xf32, #tpu.memory_space<vmem>>
    %dma_wait3A_1216 = arith.constant 0 : i32
    %dma_wait3A_1217 = tpu.memref_slice %arg2[%get3A_447, %dma_wait3A_1216] : memref<100000x1024xf32, #tpu.memory_space<any>> -> memref<1x1024xf32, #tpu.memory_space<any>>
    tpu.wait_dma2 semaphore(%arg5 : memref<!tpu.dma_semaphore, #tpu.memory_space<semaphore_mem>>) src(%dma_wait3A_1217 : memref<1x1024xf32, #tpu.memory_space<any>>) dst(%dma_wait3A_1215 : memref<1x1024xf32, #tpu.memory_space<vmem>>)
    %dma_wait3A_1218 = arith.constant 65 : i32
    %dma_wait3A_1219 = arith.constant 0 : i32
    %dma_wait3A_1220 = tpu.memref_slice %arg4[%dma_wait3A_1218, %dma_wait3A_1219] : memref<128x1024xf32, #tpu.memory_space<vmem>> -> memref<1x1024xf32, #tpu.memory_space<vmem>>
    %dma_wait3A_1221 = arith.constant 0 : i32
    %dma_wait3A_1222 = tpu.memref_slice %arg2[%get3A_454, %dma_wait3A_1221] : memref<100000x1024xf32, #tpu.memory_space<any>> -> memref<1x1024xf32, #tpu.memory_space<any>>
    tpu.wait_dma2 semaphore(%arg5 : memref<!tpu.dma_semaphore, #tpu.memory_space<semaphore_mem>>) src(%dma_wait3A_1222 : memref<1x1024xf32, #tpu.memory_space<any>>) dst(%dma_wait3A_1220 : memref<1x1024xf32, #tpu.memory_space<vmem>>)
    %dma_wait3A_1223 = arith.constant 66 : i32
    %dma_wait3A_1224 = arith.constant 0 : i32
    %dma_wait3A_1225 = tpu.memref_slice %arg4[%dma_wait3A_1223, %dma_wait3A_1224] : memref<128x1024xf32, #tpu.memory_space<vmem>> -> memref<1x1024xf32, #tpu.memory_space<vmem>>
    %dma_wait3A_1226 = arith.constant 0 : i32
    %dma_wait3A_1227 = tpu.memref_slice %arg2[%get3A_461, %dma_wait3A_1226] : memref<100000x1024xf32, #tpu.memory_space<any>> -> memref<1x1024xf32, #tpu.memory_space<any>>
    tpu.wait_dma2 semaphore(%arg5 : memref<!tpu.dma_semaphore, #tpu.memory_space<semaphore_mem>>) src(%dma_wait3A_1227 : memref<1x1024xf32, #tpu.memory_space<any>>) dst(%dma_wait3A_1225 : memref<1x1024xf32, #tpu.memory_space<vmem>>)
    %dma_wait3A_1228 = arith.constant 67 : i32
    %dma_wait3A_1229 = arith.constant 0 : i32
    %dma_wait3A_1230 = tpu.memref_slice %arg4[%dma_wait3A_1228, %dma_wait3A_1229] : memref<128x1024xf32, #tpu.memory_space<vmem>> -> memref<1x1024xf32, #tpu.memory_space<vmem>>
    %dma_wait3A_1231 = arith.constant 0 : i32
    %dma_wait3A_1232 = tpu.memref_slice %arg2[%get3A_468, %dma_wait3A_1231] : memref<100000x1024xf32, #tpu.memory_space<any>> -> memref<1x1024xf32, #tpu.memory_space<any>>
    tpu.wait_dma2 semaphore(%arg5 : memref<!tpu.dma_semaphore, #tpu.memory_space<semaphore_mem>>) src(%dma_wait3A_1232 : memref<1x1024xf32, #tpu.memory_space<any>>) dst(%dma_wait3A_1230 : memref<1x1024xf32, #tpu.memory_space<vmem>>)
    %dma_wait3A_1233 = arith.constant 68 : i32
    %dma_wait3A_1234 = arith.constant 0 : i32
    %dma_wait3A_1235 = tpu.memref_slice %arg4[%dma_wait3A_1233, %dma_wait3A_1234] : memref<128x1024xf32, #tpu.memory_space<vmem>> -> memref<1x1024xf32, #tpu.memory_space<vmem>>
    %dma_wait3A_1236 = arith.constant 0 : i32
    %dma_wait3A_1237 = tpu.memref_slice %arg2[%get3A_475, %dma_wait3A_1236] : memref<100000x1024xf32, #tpu.memory_space<any>> -> memref<1x1024xf32, #tpu.memory_space<any>>
    tpu.wait_dma2 semaphore(%arg5 : memref<!tpu.dma_semaphore, #tpu.memory_space<semaphore_mem>>) src(%dma_wait3A_1237 : memref<1x1024xf32, #tpu.memory_space<any>>) dst(%dma_wait3A_1235 : memref<1x1024xf32, #tpu.memory_space<vmem>>)
    %dma_wait3A_1238 = arith.constant 69 : i32
    %dma_wait3A_1239 = arith.constant 0 : i32
    %dma_wait3A_1240 = tpu.memref_slice %arg4[%dma_wait3A_1238, %dma_wait3A_1239] : memref<128x1024xf32, #tpu.memory_space<vmem>> -> memref<1x1024xf32, #tpu.memory_space<vmem>>
    %dma_wait3A_1241 = arith.constant 0 : i32
    %dma_wait3A_1242 = tpu.memref_slice %arg2[%get3A_482, %dma_wait3A_1241] : memref<100000x1024xf32, #tpu.memory_space<any>> -> memref<1x1024xf32, #tpu.memory_space<any>>
    tpu.wait_dma2 semaphore(%arg5 : memref<!tpu.dma_semaphore, #tpu.memory_space<semaphore_mem>>) src(%dma_wait3A_1242 : memref<1x1024xf32, #tpu.memory_space<any>>) dst(%dma_wait3A_1240 : memref<1x1024xf32, #tpu.memory_space<vmem>>)
    %dma_wait3A_1243 = arith.constant 70 : i32
    %dma_wait3A_1244 = arith.constant 0 : i32
    %dma_wait3A_1245 = tpu.memref_slice %arg4[%dma_wait3A_1243, %dma_wait3A_1244] : memref<128x1024xf32, #tpu.memory_space<vmem>> -> memref<1x1024xf32, #tpu.memory_space<vmem>>
    %dma_wait3A_1246 = arith.constant 0 : i32
    %dma_wait3A_1247 = tpu.memref_slice %arg2[%get3A_489, %dma_wait3A_1246] : memref<100000x1024xf32, #tpu.memory_space<any>> -> memref<1x1024xf32, #tpu.memory_space<any>>
    tpu.wait_dma2 semaphore(%arg5 : memref<!tpu.dma_semaphore, #tpu.memory_space<semaphore_mem>>) src(%dma_wait3A_1247 : memref<1x1024xf32, #tpu.memory_space<any>>) dst(%dma_wait3A_1245 : memref<1x1024xf32, #tpu.memory_space<vmem>>)
    %dma_wait3A_1248 = arith.constant 71 : i32
    %dma_wait3A_1249 = arith.constant 0 : i32
    %dma_wait3A_1250 = tpu.memref_slice %arg4[%dma_wait3A_1248, %dma_wait3A_1249] : memref<128x1024xf32, #tpu.memory_space<vmem>> -> memref<1x1024xf32, #tpu.memory_space<vmem>>
    %dma_wait3A_1251 = arith.constant 0 : i32
    %dma_wait3A_1252 = tpu.memref_slice %arg2[%get3A_496, %dma_wait3A_1251] : memref<100000x1024xf32, #tpu.memory_space<any>> -> memref<1x1024xf32, #tpu.memory_space<any>>
    tpu.wait_dma2 semaphore(%arg5 : memref<!tpu.dma_semaphore, #tpu.memory_space<semaphore_mem>>) src(%dma_wait3A_1252 : memref<1x1024xf32, #tpu.memory_space<any>>) dst(%dma_wait3A_1250 : memref<1x1024xf32, #tpu.memory_space<vmem>>)
    %dma_wait3A_1253 = arith.constant 72 : i32
    %dma_wait3A_1254 = arith.constant 0 : i32
    %dma_wait3A_1255 = tpu.memref_slice %arg4[%dma_wait3A_1253, %dma_wait3A_1254] : memref<128x1024xf32, #tpu.memory_space<vmem>> -> memref<1x1024xf32, #tpu.memory_space<vmem>>
    %dma_wait3A_1256 = arith.constant 0 : i32
    %dma_wait3A_1257 = tpu.memref_slice %arg2[%get3A_503, %dma_wait3A_1256] : memref<100000x1024xf32, #tpu.memory_space<any>> -> memref<1x1024xf32, #tpu.memory_space<any>>
    tpu.wait_dma2 semaphore(%arg5 : memref<!tpu.dma_semaphore, #tpu.memory_space<semaphore_mem>>) src(%dma_wait3A_1257 : memref<1x1024xf32, #tpu.memory_space<any>>) dst(%dma_wait3A_1255 : memref<1x1024xf32, #tpu.memory_space<vmem>>)
    %dma_wait3A_1258 = arith.constant 73 : i32
    %dma_wait3A_1259 = arith.constant 0 : i32
    %dma_wait3A_1260 = tpu.memref_slice %arg4[%dma_wait3A_1258, %dma_wait3A_1259] : memref<128x1024xf32, #tpu.memory_space<vmem>> -> memref<1x1024xf32, #tpu.memory_space<vmem>>
    %dma_wait3A_1261 = arith.constant 0 : i32
    %dma_wait3A_1262 = tpu.memref_slice %arg2[%get3A_510, %dma_wait3A_1261] : memref<100000x1024xf32, #tpu.memory_space<any>> -> memref<1x1024xf32, #tpu.memory_space<any>>
    tpu.wait_dma2 semaphore(%arg5 : memref<!tpu.dma_semaphore, #tpu.memory_space<semaphore_mem>>) src(%dma_wait3A_1262 : memref<1x1024xf32, #tpu.memory_space<any>>) dst(%dma_wait3A_1260 : memref<1x1024xf32, #tpu.memory_space<vmem>>)
    %dma_wait3A_1263 = arith.constant 74 : i32
    %dma_wait3A_1264 = arith.constant 0 : i32
    %dma_wait3A_1265 = tpu.memref_slice %arg4[%dma_wait3A_1263, %dma_wait3A_1264] : memref<128x1024xf32, #tpu.memory_space<vmem>> -> memref<1x1024xf32, #tpu.memory_space<vmem>>
    %dma_wait3A_1266 = arith.constant 0 : i32
    %dma_wait3A_1267 = tpu.memref_slice %arg2[%get3A_517, %dma_wait3A_1266] : memref<100000x1024xf32, #tpu.memory_space<any>> -> memref<1x1024xf32, #tpu.memory_space<any>>
    tpu.wait_dma2 semaphore(%arg5 : memref<!tpu.dma_semaphore, #tpu.memory_space<semaphore_mem>>) src(%dma_wait3A_1267 : memref<1x1024xf32, #tpu.memory_space<any>>) dst(%dma_wait3A_1265 : memref<1x1024xf32, #tpu.memory_space<vmem>>)
    %dma_wait3A_1268 = arith.constant 75 : i32
    %dma_wait3A_1269 = arith.constant 0 : i32
    %dma_wait3A_1270 = tpu.memref_slice %arg4[%dma_wait3A_1268, %dma_wait3A_1269] : memref<128x1024xf32, #tpu.memory_space<vmem>> -> memref<1x1024xf32, #tpu.memory_space<vmem>>
    %dma_wait3A_1271 = arith.constant 0 : i32
    %dma_wait3A_1272 = tpu.memref_slice %arg2[%get3A_524, %dma_wait3A_1271] : memref<100000x1024xf32, #tpu.memory_space<any>> -> memref<1x1024xf32, #tpu.memory_space<any>>
    tpu.wait_dma2 semaphore(%arg5 : memref<!tpu.dma_semaphore, #tpu.memory_space<semaphore_mem>>) src(%dma_wait3A_1272 : memref<1x1024xf32, #tpu.memory_space<any>>) dst(%dma_wait3A_1270 : memref<1x1024xf32, #tpu.memory_space<vmem>>)
    %dma_wait3A_1273 = arith.constant 76 : i32
    %dma_wait3A_1274 = arith.constant 0 : i32
    %dma_wait3A_1275 = tpu.memref_slice %arg4[%dma_wait3A_1273, %dma_wait3A_1274] : memref<128x1024xf32, #tpu.memory_space<vmem>> -> memref<1x1024xf32, #tpu.memory_space<vmem>>
    %dma_wait3A_1276 = arith.constant 0 : i32
    %dma_wait3A_1277 = tpu.memref_slice %arg2[%get3A_531, %dma_wait3A_1276] : memref<100000x1024xf32, #tpu.memory_space<any>> -> memref<1x1024xf32, #tpu.memory_space<any>>
    tpu.wait_dma2 semaphore(%arg5 : memref<!tpu.dma_semaphore, #tpu.memory_space<semaphore_mem>>) src(%dma_wait3A_1277 : memref<1x1024xf32, #tpu.memory_space<any>>) dst(%dma_wait3A_1275 : memref<1x1024xf32, #tpu.memory_space<vmem>>)
    %dma_wait3A_1278 = arith.constant 77 : i32
    %dma_wait3A_1279 = arith.constant 0 : i32
    %dma_wait3A_1280 = tpu.memref_slice %arg4[%dma_wait3A_1278, %dma_wait3A_1279] : memref<128x1024xf32, #tpu.memory_space<vmem>> -> memref<1x1024xf32, #tpu.memory_space<vmem>>
    %dma_wait3A_1281 = arith.constant 0 : i32
    %dma_wait3A_1282 = tpu.memref_slice %arg2[%get3A_538, %dma_wait3A_1281] : memref<100000x1024xf32, #tpu.memory_space<any>> -> memref<1x1024xf32, #tpu.memory_space<any>>
    tpu.wait_dma2 semaphore(%arg5 : memref<!tpu.dma_semaphore, #tpu.memory_space<semaphore_mem>>) src(%dma_wait3A_1282 : memref<1x1024xf32, #tpu.memory_space<any>>) dst(%dma_wait3A_1280 : memref<1x1024xf32, #tpu.memory_space<vmem>>)
    %dma_wait3A_1283 = arith.constant 78 : i32
    %dma_wait3A_1284 = arith.constant 0 : i32
    %dma_wait3A_1285 = tpu.memref_slice %arg4[%dma_wait3A_1283, %dma_wait3A_1284] : memref<128x1024xf32, #tpu.memory_space<vmem>> -> memref<1x1024xf32, #tpu.memory_space<vmem>>
    %dma_wait3A_1286 = arith.constant 0 : i32
    %dma_wait3A_1287 = tpu.memref_slice %arg2[%get3A_545, %dma_wait3A_1286] : memref<100000x1024xf32, #tpu.memory_space<any>> -> memref<1x1024xf32, #tpu.memory_space<any>>
    tpu.wait_dma2 semaphore(%arg5 : memref<!tpu.dma_semaphore, #tpu.memory_space<semaphore_mem>>) src(%dma_wait3A_1287 : memref<1x1024xf32, #tpu.memory_space<any>>) dst(%dma_wait3A_1285 : memref<1x1024xf32, #tpu.memory_space<vmem>>)
    %dma_wait3A_1288 = arith.constant 79 : i32
    %dma_wait3A_1289 = arith.constant 0 : i32
    %dma_wait3A_1290 = tpu.memref_slice %arg4[%dma_wait3A_1288, %dma_wait3A_1289] : memref<128x1024xf32, #tpu.memory_space<vmem>> -> memref<1x1024xf32, #tpu.memory_space<vmem>>
    %dma_wait3A_1291 = arith.constant 0 : i32
    %dma_wait3A_1292 = tpu.memref_slice %arg2[%get3A_552, %dma_wait3A_1291] : memref<100000x1024xf32, #tpu.memory_space<any>> -> memref<1x1024xf32, #tpu.memory_space<any>>
    tpu.wait_dma2 semaphore(%arg5 : memref<!tpu.dma_semaphore, #tpu.memory_space<semaphore_mem>>) src(%dma_wait3A_1292 : memref<1x1024xf32, #tpu.memory_space<any>>) dst(%dma_wait3A_1290 : memref<1x1024xf32, #tpu.memory_space<vmem>>)
    %dma_wait3A_1293 = arith.constant 80 : i32
    %dma_wait3A_1294 = arith.constant 0 : i32
    %dma_wait3A_1295 = tpu.memref_slice %arg4[%dma_wait3A_1293, %dma_wait3A_1294] : memref<128x1024xf32, #tpu.memory_space<vmem>> -> memref<1x1024xf32, #tpu.memory_space<vmem>>
    %dma_wait3A_1296 = arith.constant 0 : i32
    %dma_wait3A_1297 = tpu.memref_slice %arg2[%get3A_559, %dma_wait3A_1296] : memref<100000x1024xf32, #tpu.memory_space<any>> -> memref<1x1024xf32, #tpu.memory_space<any>>
    tpu.wait_dma2 semaphore(%arg5 : memref<!tpu.dma_semaphore, #tpu.memory_space<semaphore_mem>>) src(%dma_wait3A_1297 : memref<1x1024xf32, #tpu.memory_space<any>>) dst(%dma_wait3A_1295 : memref<1x1024xf32, #tpu.memory_space<vmem>>)
    %dma_wait3A_1298 = arith.constant 81 : i32
    %dma_wait3A_1299 = arith.constant 0 : i32
    %dma_wait3A_1300 = tpu.memref_slice %arg4[%dma_wait3A_1298, %dma_wait3A_1299] : memref<128x1024xf32, #tpu.memory_space<vmem>> -> memref<1x1024xf32, #tpu.memory_space<vmem>>
    %dma_wait3A_1301 = arith.constant 0 : i32
    %dma_wait3A_1302 = tpu.memref_slice %arg2[%get3A_566, %dma_wait3A_1301] : memref<100000x1024xf32, #tpu.memory_space<any>> -> memref<1x1024xf32, #tpu.memory_space<any>>
    tpu.wait_dma2 semaphore(%arg5 : memref<!tpu.dma_semaphore, #tpu.memory_space<semaphore_mem>>) src(%dma_wait3A_1302 : memref<1x1024xf32, #tpu.memory_space<any>>) dst(%dma_wait3A_1300 : memref<1x1024xf32, #tpu.memory_space<vmem>>)
    %dma_wait3A_1303 = arith.constant 82 : i32
    %dma_wait3A_1304 = arith.constant 0 : i32
    %dma_wait3A_1305 = tpu.memref_slice %arg4[%dma_wait3A_1303, %dma_wait3A_1304] : memref<128x1024xf32, #tpu.memory_space<vmem>> -> memref<1x1024xf32, #tpu.memory_space<vmem>>
    %dma_wait3A_1306 = arith.constant 0 : i32
    %dma_wait3A_1307 = tpu.memref_slice %arg2[%get3A_573, %dma_wait3A_1306] : memref<100000x1024xf32, #tpu.memory_space<any>> -> memref<1x1024xf32, #tpu.memory_space<any>>
    tpu.wait_dma2 semaphore(%arg5 : memref<!tpu.dma_semaphore, #tpu.memory_space<semaphore_mem>>) src(%dma_wait3A_1307 : memref<1x1024xf32, #tpu.memory_space<any>>) dst(%dma_wait3A_1305 : memref<1x1024xf32, #tpu.memory_space<vmem>>)
    %dma_wait3A_1308 = arith.constant 83 : i32
    %dma_wait3A_1309 = arith.constant 0 : i32
    %dma_wait3A_1310 = tpu.memref_slice %arg4[%dma_wait3A_1308, %dma_wait3A_1309] : memref<128x1024xf32, #tpu.memory_space<vmem>> -> memref<1x1024xf32, #tpu.memory_space<vmem>>
    %dma_wait3A_1311 = arith.constant 0 : i32
    %dma_wait3A_1312 = tpu.memref_slice %arg2[%get3A_580, %dma_wait3A_1311] : memref<100000x1024xf32, #tpu.memory_space<any>> -> memref<1x1024xf32, #tpu.memory_space<any>>
    tpu.wait_dma2 semaphore(%arg5 : memref<!tpu.dma_semaphore, #tpu.memory_space<semaphore_mem>>) src(%dma_wait3A_1312 : memref<1x1024xf32, #tpu.memory_space<any>>) dst(%dma_wait3A_1310 : memref<1x1024xf32, #tpu.memory_space<vmem>>)
    %dma_wait3A_1313 = arith.constant 84 : i32
    %dma_wait3A_1314 = arith.constant 0 : i32
    %dma_wait3A_1315 = tpu.memref_slice %arg4[%dma_wait3A_1313, %dma_wait3A_1314] : memref<128x1024xf32, #tpu.memory_space<vmem>> -> memref<1x1024xf32, #tpu.memory_space<vmem>>
    %dma_wait3A_1316 = arith.constant 0 : i32
    %dma_wait3A_1317 = tpu.memref_slice %arg2[%get3A_587, %dma_wait3A_1316] : memref<100000x1024xf32, #tpu.memory_space<any>> -> memref<1x1024xf32, #tpu.memory_space<any>>
    tpu.wait_dma2 semaphore(%arg5 : memref<!tpu.dma_semaphore, #tpu.memory_space<semaphore_mem>>) src(%dma_wait3A_1317 : memref<1x1024xf32, #tpu.memory_space<any>>) dst(%dma_wait3A_1315 : memref<1x1024xf32, #tpu.memory_space<vmem>>)
    %dma_wait3A_1318 = arith.constant 85 : i32
    %dma_wait3A_1319 = arith.constant 0 : i32
    %dma_wait3A_1320 = tpu.memref_slice %arg4[%dma_wait3A_1318, %dma_wait3A_1319] : memref<128x1024xf32, #tpu.memory_space<vmem>> -> memref<1x1024xf32, #tpu.memory_space<vmem>>
    %dma_wait3A_1321 = arith.constant 0 : i32
    %dma_wait3A_1322 = tpu.memref_slice %arg2[%get3A_594, %dma_wait3A_1321] : memref<100000x1024xf32, #tpu.memory_space<any>> -> memref<1x1024xf32, #tpu.memory_space<any>>
    tpu.wait_dma2 semaphore(%arg5 : memref<!tpu.dma_semaphore, #tpu.memory_space<semaphore_mem>>) src(%dma_wait3A_1322 : memref<1x1024xf32, #tpu.memory_space<any>>) dst(%dma_wait3A_1320 : memref<1x1024xf32, #tpu.memory_space<vmem>>)
    %dma_wait3A_1323 = arith.constant 86 : i32
    %dma_wait3A_1324 = arith.constant 0 : i32
    %dma_wait3A_1325 = tpu.memref_slice %arg4[%dma_wait3A_1323, %dma_wait3A_1324] : memref<128x1024xf32, #tpu.memory_space<vmem>> -> memref<1x1024xf32, #tpu.memory_space<vmem>>
    %dma_wait3A_1326 = arith.constant 0 : i32
    %dma_wait3A_1327 = tpu.memref_slice %arg2[%get3A_601, %dma_wait3A_1326] : memref<100000x1024xf32, #tpu.memory_space<any>> -> memref<1x1024xf32, #tpu.memory_space<any>>
    tpu.wait_dma2 semaphore(%arg5 : memref<!tpu.dma_semaphore, #tpu.memory_space<semaphore_mem>>) src(%dma_wait3A_1327 : memref<1x1024xf32, #tpu.memory_space<any>>) dst(%dma_wait3A_1325 : memref<1x1024xf32, #tpu.memory_space<vmem>>)
    %dma_wait3A_1328 = arith.constant 87 : i32
    %dma_wait3A_1329 = arith.constant 0 : i32
    %dma_wait3A_1330 = tpu.memref_slice %arg4[%dma_wait3A_1328, %dma_wait3A_1329] : memref<128x1024xf32, #tpu.memory_space<vmem>> -> memref<1x1024xf32, #tpu.memory_space<vmem>>
    %dma_wait3A_1331 = arith.constant 0 : i32
    %dma_wait3A_1332 = tpu.memref_slice %arg2[%get3A_608, %dma_wait3A_1331] : memref<100000x1024xf32, #tpu.memory_space<any>> -> memref<1x1024xf32, #tpu.memory_space<any>>
    tpu.wait_dma2 semaphore(%arg5 : memref<!tpu.dma_semaphore, #tpu.memory_space<semaphore_mem>>) src(%dma_wait3A_1332 : memref<1x1024xf32, #tpu.memory_space<any>>) dst(%dma_wait3A_1330 : memref<1x1024xf32, #tpu.memory_space<vmem>>)
    %dma_wait3A_1333 = arith.constant 88 : i32
    %dma_wait3A_1334 = arith.constant 0 : i32
    %dma_wait3A_1335 = tpu.memref_slice %arg4[%dma_wait3A_1333, %dma_wait3A_1334] : memref<128x1024xf32, #tpu.memory_space<vmem>> -> memref<1x1024xf32, #tpu.memory_space<vmem>>
    %dma_wait3A_1336 = arith.constant 0 : i32
    %dma_wait3A_1337 = tpu.memref_slice %arg2[%get3A_615, %dma_wait3A_1336] : memref<100000x1024xf32, #tpu.memory_space<any>> -> memref<1x1024xf32, #tpu.memory_space<any>>
    tpu.wait_dma2 semaphore(%arg5 : memref<!tpu.dma_semaphore, #tpu.memory_space<semaphore_mem>>) src(%dma_wait3A_1337 : memref<1x1024xf32, #tpu.memory_space<any>>) dst(%dma_wait3A_1335 : memref<1x1024xf32, #tpu.memory_space<vmem>>)
    %dma_wait3A_1338 = arith.constant 89 : i32
    %dma_wait3A_1339 = arith.constant 0 : i32
    %dma_wait3A_1340 = tpu.memref_slice %arg4[%dma_wait3A_1338, %dma_wait3A_1339] : memref<128x1024xf32, #tpu.memory_space<vmem>> -> memref<1x1024xf32, #tpu.memory_space<vmem>>
    %dma_wait3A_1341 = arith.constant 0 : i32
    %dma_wait3A_1342 = tpu.memref_slice %arg2[%get3A_622, %dma_wait3A_1341] : memref<100000x1024xf32, #tpu.memory_space<any>> -> memref<1x1024xf32, #tpu.memory_space<any>>
    tpu.wait_dma2 semaphore(%arg5 : memref<!tpu.dma_semaphore, #tpu.memory_space<semaphore_mem>>) src(%dma_wait3A_1342 : memref<1x1024xf32, #tpu.memory_space<any>>) dst(%dma_wait3A_1340 : memref<1x1024xf32, #tpu.memory_space<vmem>>)
    %dma_wait3A_1343 = arith.constant 90 : i32
    %dma_wait3A_1344 = arith.constant 0 : i32
    %dma_wait3A_1345 = tpu.memref_slice %arg4[%dma_wait3A_1343, %dma_wait3A_1344] : memref<128x1024xf32, #tpu.memory_space<vmem>> -> memref<1x1024xf32, #tpu.memory_space<vmem>>
    %dma_wait3A_1346 = arith.constant 0 : i32
    %dma_wait3A_1347 = tpu.memref_slice %arg2[%get3A_629, %dma_wait3A_1346] : memref<100000x1024xf32, #tpu.memory_space<any>> -> memref<1x1024xf32, #tpu.memory_space<any>>
    tpu.wait_dma2 semaphore(%arg5 : memref<!tpu.dma_semaphore, #tpu.memory_space<semaphore_mem>>) src(%dma_wait3A_1347 : memref<1x1024xf32, #tpu.memory_space<any>>) dst(%dma_wait3A_1345 : memref<1x1024xf32, #tpu.memory_space<vmem>>)
    %dma_wait3A_1348 = arith.constant 91 : i32
    %dma_wait3A_1349 = arith.constant 0 : i32
    %dma_wait3A_1350 = tpu.memref_slice %arg4[%dma_wait3A_1348, %dma_wait3A_1349] : memref<128x1024xf32, #tpu.memory_space<vmem>> -> memref<1x1024xf32, #tpu.memory_space<vmem>>
    %dma_wait3A_1351 = arith.constant 0 : i32
    %dma_wait3A_1352 = tpu.memref_slice %arg2[%get3A_636, %dma_wait3A_1351] : memref<100000x1024xf32, #tpu.memory_space<any>> -> memref<1x1024xf32, #tpu.memory_space<any>>
    tpu.wait_dma2 semaphore(%arg5 : memref<!tpu.dma_semaphore, #tpu.memory_space<semaphore_mem>>) src(%dma_wait3A_1352 : memref<1x1024xf32, #tpu.memory_space<any>>) dst(%dma_wait3A_1350 : memref<1x1024xf32, #tpu.memory_space<vmem>>)
    %dma_wait3A_1353 = arith.constant 92 : i32
    %dma_wait3A_1354 = arith.constant 0 : i32
    %dma_wait3A_1355 = tpu.memref_slice %arg4[%dma_wait3A_1353, %dma_wait3A_1354] : memref<128x1024xf32, #tpu.memory_space<vmem>> -> memref<1x1024xf32, #tpu.memory_space<vmem>>
    %dma_wait3A_1356 = arith.constant 0 : i32
    %dma_wait3A_1357 = tpu.memref_slice %arg2[%get3A_643, %dma_wait3A_1356] : memref<100000x1024xf32, #tpu.memory_space<any>> -> memref<1x1024xf32, #tpu.memory_space<any>>
    tpu.wait_dma2 semaphore(%arg5 : memref<!tpu.dma_semaphore, #tpu.memory_space<semaphore_mem>>) src(%dma_wait3A_1357 : memref<1x1024xf32, #tpu.memory_space<any>>) dst(%dma_wait3A_1355 : memref<1x1024xf32, #tpu.memory_space<vmem>>)
    %dma_wait3A_1358 = arith.constant 93 : i32
    %dma_wait3A_1359 = arith.constant 0 : i32
    %dma_wait3A_1360 = tpu.memref_slice %arg4[%dma_wait3A_1358, %dma_wait3A_1359] : memref<128x1024xf32, #tpu.memory_space<vmem>> -> memref<1x1024xf32, #tpu.memory_space<vmem>>
    %dma_wait3A_1361 = arith.constant 0 : i32
    %dma_wait3A_1362 = tpu.memref_slice %arg2[%get3A_650, %dma_wait3A_1361] : memref<100000x1024xf32, #tpu.memory_space<any>> -> memref<1x1024xf32, #tpu.memory_space<any>>
    tpu.wait_dma2 semaphore(%arg5 : memref<!tpu.dma_semaphore, #tpu.memory_space<semaphore_mem>>) src(%dma_wait3A_1362 : memref<1x1024xf32, #tpu.memory_space<any>>) dst(%dma_wait3A_1360 : memref<1x1024xf32, #tpu.memory_space<vmem>>)
    %dma_wait3A_1363 = arith.constant 94 : i32
    %dma_wait3A_1364 = arith.constant 0 : i32
    %dma_wait3A_1365 = tpu.memref_slice %arg4[%dma_wait3A_1363, %dma_wait3A_1364] : memref<128x1024xf32, #tpu.memory_space<vmem>> -> memref<1x1024xf32, #tpu.memory_space<vmem>>
    %dma_wait3A_1366 = arith.constant 0 : i32
    %dma_wait3A_1367 = tpu.memref_slice %arg2[%get3A_657, %dma_wait3A_1366] : memref<100000x1024xf32, #tpu.memory_space<any>> -> memref<1x1024xf32, #tpu.memory_space<any>>
    tpu.wait_dma2 semaphore(%arg5 : memref<!tpu.dma_semaphore, #tpu.memory_space<semaphore_mem>>) src(%dma_wait3A_1367 : memref<1x1024xf32, #tpu.memory_space<any>>) dst(%dma_wait3A_1365 : memref<1x1024xf32, #tpu.memory_space<vmem>>)
    %dma_wait3A_1368 = arith.constant 95 : i32
    %dma_wait3A_1369 = arith.constant 0 : i32
    %dma_wait3A_1370 = tpu.memref_slice %arg4[%dma_wait3A_1368, %dma_wait3A_1369] : memref<128x1024xf32, #tpu.memory_space<vmem>> -> memref<1x1024xf32, #tpu.memory_space<vmem>>
    %dma_wait3A_1371 = arith.constant 0 : i32
    %dma_wait3A_1372 = tpu.memref_slice %arg2[%get3A_664, %dma_wait3A_1371] : memref<100000x1024xf32, #tpu.memory_space<any>> -> memref<1x1024xf32, #tpu.memory_space<any>>
    tpu.wait_dma2 semaphore(%arg5 : memref<!tpu.dma_semaphore, #tpu.memory_space<semaphore_mem>>) src(%dma_wait3A_1372 : memref<1x1024xf32, #tpu.memory_space<any>>) dst(%dma_wait3A_1370 : memref<1x1024xf32, #tpu.memory_space<vmem>>)
    %dma_wait3A_1373 = arith.constant 96 : i32
    %dma_wait3A_1374 = arith.constant 0 : i32
    %dma_wait3A_1375 = tpu.memref_slice %arg4[%dma_wait3A_1373, %dma_wait3A_1374] : memref<128x1024xf32, #tpu.memory_space<vmem>> -> memref<1x1024xf32, #tpu.memory_space<vmem>>
    %dma_wait3A_1376 = arith.constant 0 : i32
    %dma_wait3A_1377 = tpu.memref_slice %arg2[%get3A_671, %dma_wait3A_1376] : memref<100000x1024xf32, #tpu.memory_space<any>> -> memref<1x1024xf32, #tpu.memory_space<any>>
    tpu.wait_dma2 semaphore(%arg5 : memref<!tpu.dma_semaphore, #tpu.memory_space<semaphore_mem>>) src(%dma_wait3A_1377 : memref<1x1024xf32, #tpu.memory_space<any>>) dst(%dma_wait3A_1375 : memref<1x1024xf32, #tpu.memory_space<vmem>>)
    %dma_wait3A_1378 = arith.constant 97 : i32
    %dma_wait3A_1379 = arith.constant 0 : i32
    %dma_wait3A_1380 = tpu.memref_slice %arg4[%dma_wait3A_1378, %dma_wait3A_1379] : memref<128x1024xf32, #tpu.memory_space<vmem>> -> memref<1x1024xf32, #tpu.memory_space<vmem>>
    %dma_wait3A_1381 = arith.constant 0 : i32
    %dma_wait3A_1382 = tpu.memref_slice %arg2[%get3A_678, %dma_wait3A_1381] : memref<100000x1024xf32, #tpu.memory_space<any>> -> memref<1x1024xf32, #tpu.memory_space<any>>
    tpu.wait_dma2 semaphore(%arg5 : memref<!tpu.dma_semaphore, #tpu.memory_space<semaphore_mem>>) src(%dma_wait3A_1382 : memref<1x1024xf32, #tpu.memory_space<any>>) dst(%dma_wait3A_1380 : memref<1x1024xf32, #tpu.memory_space<vmem>>)
    %dma_wait3A_1383 = arith.constant 98 : i32
    %dma_wait3A_1384 = arith.constant 0 : i32
    %dma_wait3A_1385 = tpu.memref_slice %arg4[%dma_wait3A_1383, %dma_wait3A_1384] : memref<128x1024xf32, #tpu.memory_space<vmem>> -> memref<1x1024xf32, #tpu.memory_space<vmem>>
    %dma_wait3A_1386 = arith.constant 0 : i32
    %dma_wait3A_1387 = tpu.memref_slice %arg2[%get3A_685, %dma_wait3A_1386] : memref<100000x1024xf32, #tpu.memory_space<any>> -> memref<1x1024xf32, #tpu.memory_space<any>>
    tpu.wait_dma2 semaphore(%arg5 : memref<!tpu.dma_semaphore, #tpu.memory_space<semaphore_mem>>) src(%dma_wait3A_1387 : memref<1x1024xf32, #tpu.memory_space<any>>) dst(%dma_wait3A_1385 : memref<1x1024xf32, #tpu.memory_space<vmem>>)
    %dma_wait3A_1388 = arith.constant 99 : i32
    %dma_wait3A_1389 = arith.constant 0 : i32
    %dma_wait3A_1390 = tpu.memref_slice %arg4[%dma_wait3A_1388, %dma_wait3A_1389] : memref<128x1024xf32, #tpu.memory_space<vmem>> -> memref<1x1024xf32, #tpu.memory_space<vmem>>
    %dma_wait3A_1391 = arith.constant 0 : i32
    %dma_wait3A_1392 = tpu.memref_slice %arg2[%get3A_692, %dma_wait3A_1391] : memref<100000x1024xf32, #tpu.memory_space<any>> -> memref<1x1024xf32, #tpu.memory_space<any>>
    tpu.wait_dma2 semaphore(%arg5 : memref<!tpu.dma_semaphore, #tpu.memory_space<semaphore_mem>>) src(%dma_wait3A_1392 : memref<1x1024xf32, #tpu.memory_space<any>>) dst(%dma_wait3A_1390 : memref<1x1024xf32, #tpu.memory_space<vmem>>)
    %dma_wait3A_1393 = arith.constant 100 : i32
    %dma_wait3A_1394 = arith.constant 0 : i32
    %dma_wait3A_1395 = tpu.memref_slice %arg4[%dma_wait3A_1393, %dma_wait3A_1394] : memref<128x1024xf32, #tpu.memory_space<vmem>> -> memref<1x1024xf32, #tpu.memory_space<vmem>>
    %dma_wait3A_1396 = arith.constant 0 : i32
    %dma_wait3A_1397 = tpu.memref_slice %arg2[%get3A_699, %dma_wait3A_1396] : memref<100000x1024xf32, #tpu.memory_space<any>> -> memref<1x1024xf32, #tpu.memory_space<any>>
    tpu.wait_dma2 semaphore(%arg5 : memref<!tpu.dma_semaphore, #tpu.memory_space<semaphore_mem>>) src(%dma_wait3A_1397 : memref<1x1024xf32, #tpu.memory_space<any>>) dst(%dma_wait3A_1395 : memref<1x1024xf32, #tpu.memory_space<vmem>>)
    %dma_wait3A_1398 = arith.constant 101 : i32
    %dma_wait3A_1399 = arith.constant 0 : i32
    %dma_wait3A_1400 = tpu.memref_slice %arg4[%dma_wait3A_1398, %dma_wait3A_1399] : memref<128x1024xf32, #tpu.memory_space<vmem>> -> memref<1x1024xf32, #tpu.memory_space<vmem>>
    %dma_wait3A_1401 = arith.constant 0 : i32
    %dma_wait3A_1402 = tpu.memref_slice %arg2[%get3A_706, %dma_wait3A_1401] : memref<100000x1024xf32, #tpu.memory_space<any>> -> memref<1x1024xf32, #tpu.memory_space<any>>
    tpu.wait_dma2 semaphore(%arg5 : memref<!tpu.dma_semaphore, #tpu.memory_space<semaphore_mem>>) src(%dma_wait3A_1402 : memref<1x1024xf32, #tpu.memory_space<any>>) dst(%dma_wait3A_1400 : memref<1x1024xf32, #tpu.memory_space<vmem>>)
    %dma_wait3A_1403 = arith.constant 102 : i32
    %dma_wait3A_1404 = arith.constant 0 : i32
    %dma_wait3A_1405 = tpu.memref_slice %arg4[%dma_wait3A_1403, %dma_wait3A_1404] : memref<128x1024xf32, #tpu.memory_space<vmem>> -> memref<1x1024xf32, #tpu.memory_space<vmem>>
    %dma_wait3A_1406 = arith.constant 0 : i32
    %dma_wait3A_1407 = tpu.memref_slice %arg2[%get3A_713, %dma_wait3A_1406] : memref<100000x1024xf32, #tpu.memory_space<any>> -> memref<1x1024xf32, #tpu.memory_space<any>>
    tpu.wait_dma2 semaphore(%arg5 : memref<!tpu.dma_semaphore, #tpu.memory_space<semaphore_mem>>) src(%dma_wait3A_1407 : memref<1x1024xf32, #tpu.memory_space<any>>) dst(%dma_wait3A_1405 : memref<1x1024xf32, #tpu.memory_space<vmem>>)
    %dma_wait3A_1408 = arith.constant 103 : i32
    %dma_wait3A_1409 = arith.constant 0 : i32
    %dma_wait3A_1410 = tpu.memref_slice %arg4[%dma_wait3A_1408, %dma_wait3A_1409] : memref<128x1024xf32, #tpu.memory_space<vmem>> -> memref<1x1024xf32, #tpu.memory_space<vmem>>
    %dma_wait3A_1411 = arith.constant 0 : i32
    %dma_wait3A_1412 = tpu.memref_slice %arg2[%get3A_720, %dma_wait3A_1411] : memref<100000x1024xf32, #tpu.memory_space<any>> -> memref<1x1024xf32, #tpu.memory_space<any>>
    tpu.wait_dma2 semaphore(%arg5 : memref<!tpu.dma_semaphore, #tpu.memory_space<semaphore_mem>>) src(%dma_wait3A_1412 : memref<1x1024xf32, #tpu.memory_space<any>>) dst(%dma_wait3A_1410 : memref<1x1024xf32, #tpu.memory_space<vmem>>)
    %dma_wait3A_1413 = arith.constant 104 : i32
    %dma_wait3A_1414 = arith.constant 0 : i32
    %dma_wait3A_1415 = tpu.memref_slice %arg4[%dma_wait3A_1413, %dma_wait3A_1414] : memref<128x1024xf32, #tpu.memory_space<vmem>> -> memref<1x1024xf32, #tpu.memory_space<vmem>>
    %dma_wait3A_1416 = arith.constant 0 : i32
    %dma_wait3A_1417 = tpu.memref_slice %arg2[%get3A_727, %dma_wait3A_1416] : memref<100000x1024xf32, #tpu.memory_space<any>> -> memref<1x1024xf32, #tpu.memory_space<any>>
    tpu.wait_dma2 semaphore(%arg5 : memref<!tpu.dma_semaphore, #tpu.memory_space<semaphore_mem>>) src(%dma_wait3A_1417 : memref<1x1024xf32, #tpu.memory_space<any>>) dst(%dma_wait3A_1415 : memref<1x1024xf32, #tpu.memory_space<vmem>>)
    %dma_wait3A_1418 = arith.constant 105 : i32
    %dma_wait3A_1419 = arith.constant 0 : i32
    %dma_wait3A_1420 = tpu.memref_slice %arg4[%dma_wait3A_1418, %dma_wait3A_1419] : memref<128x1024xf32, #tpu.memory_space<vmem>> -> memref<1x1024xf32, #tpu.memory_space<vmem>>
    %dma_wait3A_1421 = arith.constant 0 : i32
    %dma_wait3A_1422 = tpu.memref_slice %arg2[%get3A_734, %dma_wait3A_1421] : memref<100000x1024xf32, #tpu.memory_space<any>> -> memref<1x1024xf32, #tpu.memory_space<any>>
    tpu.wait_dma2 semaphore(%arg5 : memref<!tpu.dma_semaphore, #tpu.memory_space<semaphore_mem>>) src(%dma_wait3A_1422 : memref<1x1024xf32, #tpu.memory_space<any>>) dst(%dma_wait3A_1420 : memref<1x1024xf32, #tpu.memory_space<vmem>>)
    %dma_wait3A_1423 = arith.constant 106 : i32
    %dma_wait3A_1424 = arith.constant 0 : i32
    %dma_wait3A_1425 = tpu.memref_slice %arg4[%dma_wait3A_1423, %dma_wait3A_1424] : memref<128x1024xf32, #tpu.memory_space<vmem>> -> memref<1x1024xf32, #tpu.memory_space<vmem>>
    %dma_wait3A_1426 = arith.constant 0 : i32
    %dma_wait3A_1427 = tpu.memref_slice %arg2[%get3A_741, %dma_wait3A_1426] : memref<100000x1024xf32, #tpu.memory_space<any>> -> memref<1x1024xf32, #tpu.memory_space<any>>
    tpu.wait_dma2 semaphore(%arg5 : memref<!tpu.dma_semaphore, #tpu.memory_space<semaphore_mem>>) src(%dma_wait3A_1427 : memref<1x1024xf32, #tpu.memory_space<any>>) dst(%dma_wait3A_1425 : memref<1x1024xf32, #tpu.memory_space<vmem>>)
    %dma_wait3A_1428 = arith.constant 107 : i32
    %dma_wait3A_1429 = arith.constant 0 : i32
    %dma_wait3A_1430 = tpu.memref_slice %arg4[%dma_wait3A_1428, %dma_wait3A_1429] : memref<128x1024xf32, #tpu.memory_space<vmem>> -> memref<1x1024xf32, #tpu.memory_space<vmem>>
    %dma_wait3A_1431 = arith.constant 0 : i32
    %dma_wait3A_1432 = tpu.memref_slice %arg2[%get3A_748, %dma_wait3A_1431] : memref<100000x1024xf32, #tpu.memory_space<any>> -> memref<1x1024xf32, #tpu.memory_space<any>>
    tpu.wait_dma2 semaphore(%arg5 : memref<!tpu.dma_semaphore, #tpu.memory_space<semaphore_mem>>) src(%dma_wait3A_1432 : memref<1x1024xf32, #tpu.memory_space<any>>) dst(%dma_wait3A_1430 : memref<1x1024xf32, #tpu.memory_space<vmem>>)
    %dma_wait3A_1433 = arith.constant 108 : i32
    %dma_wait3A_1434 = arith.constant 0 : i32
    %dma_wait3A_1435 = tpu.memref_slice %arg4[%dma_wait3A_1433, %dma_wait3A_1434] : memref<128x1024xf32, #tpu.memory_space<vmem>> -> memref<1x1024xf32, #tpu.memory_space<vmem>>
    %dma_wait3A_1436 = arith.constant 0 : i32
    %dma_wait3A_1437 = tpu.memref_slice %arg2[%get3A_755, %dma_wait3A_1436] : memref<100000x1024xf32, #tpu.memory_space<any>> -> memref<1x1024xf32, #tpu.memory_space<any>>
    tpu.wait_dma2 semaphore(%arg5 : memref<!tpu.dma_semaphore, #tpu.memory_space<semaphore_mem>>) src(%dma_wait3A_1437 : memref<1x1024xf32, #tpu.memory_space<any>>) dst(%dma_wait3A_1435 : memref<1x1024xf32, #tpu.memory_space<vmem>>)
    %dma_wait3A_1438 = arith.constant 109 : i32
    %dma_wait3A_1439 = arith.constant 0 : i32
    %dma_wait3A_1440 = tpu.memref_slice %arg4[%dma_wait3A_1438, %dma_wait3A_1439] : memref<128x1024xf32, #tpu.memory_space<vmem>> -> memref<1x1024xf32, #tpu.memory_space<vmem>>
    %dma_wait3A_1441 = arith.constant 0 : i32
    %dma_wait3A_1442 = tpu.memref_slice %arg2[%get3A_762, %dma_wait3A_1441] : memref<100000x1024xf32, #tpu.memory_space<any>> -> memref<1x1024xf32, #tpu.memory_space<any>>
    tpu.wait_dma2 semaphore(%arg5 : memref<!tpu.dma_semaphore, #tpu.memory_space<semaphore_mem>>) src(%dma_wait3A_1442 : memref<1x1024xf32, #tpu.memory_space<any>>) dst(%dma_wait3A_1440 : memref<1x1024xf32, #tpu.memory_space<vmem>>)
    %dma_wait3A_1443 = arith.constant 110 : i32
    %dma_wait3A_1444 = arith.constant 0 : i32
    %dma_wait3A_1445 = tpu.memref_slice %arg4[%dma_wait3A_1443, %dma_wait3A_1444] : memref<128x1024xf32, #tpu.memory_space<vmem>> -> memref<1x1024xf32, #tpu.memory_space<vmem>>
    %dma_wait3A_1446 = arith.constant 0 : i32
    %dma_wait3A_1447 = tpu.memref_slice %arg2[%get3A_769, %dma_wait3A_1446] : memref<100000x1024xf32, #tpu.memory_space<any>> -> memref<1x1024xf32, #tpu.memory_space<any>>
    tpu.wait_dma2 semaphore(%arg5 : memref<!tpu.dma_semaphore, #tpu.memory_space<semaphore_mem>>) src(%dma_wait3A_1447 : memref<1x1024xf32, #tpu.memory_space<any>>) dst(%dma_wait3A_1445 : memref<1x1024xf32, #tpu.memory_space<vmem>>)
    %dma_wait3A_1448 = arith.constant 111 : i32
    %dma_wait3A_1449 = arith.constant 0 : i32
    %dma_wait3A_1450 = tpu.memref_slice %arg4[%dma_wait3A_1448, %dma_wait3A_1449] : memref<128x1024xf32, #tpu.memory_space<vmem>> -> memref<1x1024xf32, #tpu.memory_space<vmem>>
    %dma_wait3A_1451 = arith.constant 0 : i32
    %dma_wait3A_1452 = tpu.memref_slice %arg2[%get3A_776, %dma_wait3A_1451] : memref<100000x1024xf32, #tpu.memory_space<any>> -> memref<1x1024xf32, #tpu.memory_space<any>>
    tpu.wait_dma2 semaphore(%arg5 : memref<!tpu.dma_semaphore, #tpu.memory_space<semaphore_mem>>) src(%dma_wait3A_1452 : memref<1x1024xf32, #tpu.memory_space<any>>) dst(%dma_wait3A_1450 : memref<1x1024xf32, #tpu.memory_space<vmem>>)
    %dma_wait3A_1453 = arith.constant 112 : i32
    %dma_wait3A_1454 = arith.constant 0 : i32
    %dma_wait3A_1455 = tpu.memref_slice %arg4[%dma_wait3A_1453, %dma_wait3A_1454] : memref<128x1024xf32, #tpu.memory_space<vmem>> -> memref<1x1024xf32, #tpu.memory_space<vmem>>
    %dma_wait3A_1456 = arith.constant 0 : i32
    %dma_wait3A_1457 = tpu.memref_slice %arg2[%get3A_783, %dma_wait3A_1456] : memref<100000x1024xf32, #tpu.memory_space<any>> -> memref<1x1024xf32, #tpu.memory_space<any>>
    tpu.wait_dma2 semaphore(%arg5 : memref<!tpu.dma_semaphore, #tpu.memory_space<semaphore_mem>>) src(%dma_wait3A_1457 : memref<1x1024xf32, #tpu.memory_space<any>>) dst(%dma_wait3A_1455 : memref<1x1024xf32, #tpu.memory_space<vmem>>)
    %dma_wait3A_1458 = arith.constant 113 : i32
    %dma_wait3A_1459 = arith.constant 0 : i32
    %dma_wait3A_1460 = tpu.memref_slice %arg4[%dma_wait3A_1458, %dma_wait3A_1459] : memref<128x1024xf32, #tpu.memory_space<vmem>> -> memref<1x1024xf32, #tpu.memory_space<vmem>>
    %dma_wait3A_1461 = arith.constant 0 : i32
    %dma_wait3A_1462 = tpu.memref_slice %arg2[%get3A_790, %dma_wait3A_1461] : memref<100000x1024xf32, #tpu.memory_space<any>> -> memref<1x1024xf32, #tpu.memory_space<any>>
    tpu.wait_dma2 semaphore(%arg5 : memref<!tpu.dma_semaphore, #tpu.memory_space<semaphore_mem>>) src(%dma_wait3A_1462 : memref<1x1024xf32, #tpu.memory_space<any>>) dst(%dma_wait3A_1460 : memref<1x1024xf32, #tpu.memory_space<vmem>>)
    %dma_wait3A_1463 = arith.constant 114 : i32
    %dma_wait3A_1464 = arith.constant 0 : i32
    %dma_wait3A_1465 = tpu.memref_slice %arg4[%dma_wait3A_1463, %dma_wait3A_1464] : memref<128x1024xf32, #tpu.memory_space<vmem>> -> memref<1x1024xf32, #tpu.memory_space<vmem>>
    %dma_wait3A_1466 = arith.constant 0 : i32
    %dma_wait3A_1467 = tpu.memref_slice %arg2[%get3A_797, %dma_wait3A_1466] : memref<100000x1024xf32, #tpu.memory_space<any>> -> memref<1x1024xf32, #tpu.memory_space<any>>
    tpu.wait_dma2 semaphore(%arg5 : memref<!tpu.dma_semaphore, #tpu.memory_space<semaphore_mem>>) src(%dma_wait3A_1467 : memref<1x1024xf32, #tpu.memory_space<any>>) dst(%dma_wait3A_1465 : memref<1x1024xf32, #tpu.memory_space<vmem>>)
    %dma_wait3A_1468 = arith.constant 115 : i32
    %dma_wait3A_1469 = arith.constant 0 : i32
    %dma_wait3A_1470 = tpu.memref_slice %arg4[%dma_wait3A_1468, %dma_wait3A_1469] : memref<128x1024xf32, #tpu.memory_space<vmem>> -> memref<1x1024xf32, #tpu.memory_space<vmem>>
    %dma_wait3A_1471 = arith.constant 0 : i32
    %dma_wait3A_1472 = tpu.memref_slice %arg2[%get3A_804, %dma_wait3A_1471] : memref<100000x1024xf32, #tpu.memory_space<any>> -> memref<1x1024xf32, #tpu.memory_space<any>>
    tpu.wait_dma2 semaphore(%arg5 : memref<!tpu.dma_semaphore, #tpu.memory_space<semaphore_mem>>) src(%dma_wait3A_1472 : memref<1x1024xf32, #tpu.memory_space<any>>) dst(%dma_wait3A_1470 : memref<1x1024xf32, #tpu.memory_space<vmem>>)
    %dma_wait3A_1473 = arith.constant 116 : i32
    %dma_wait3A_1474 = arith.constant 0 : i32
    %dma_wait3A_1475 = tpu.memref_slice %arg4[%dma_wait3A_1473, %dma_wait3A_1474] : memref<128x1024xf32, #tpu.memory_space<vmem>> -> memref<1x1024xf32, #tpu.memory_space<vmem>>
    %dma_wait3A_1476 = arith.constant 0 : i32
    %dma_wait3A_1477 = tpu.memref_slice %arg2[%get3A_811, %dma_wait3A_1476] : memref<100000x1024xf32, #tpu.memory_space<any>> -> memref<1x1024xf32, #tpu.memory_space<any>>
    tpu.wait_dma2 semaphore(%arg5 : memref<!tpu.dma_semaphore, #tpu.memory_space<semaphore_mem>>) src(%dma_wait3A_1477 : memref<1x1024xf32, #tpu.memory_space<any>>) dst(%dma_wait3A_1475 : memref<1x1024xf32, #tpu.memory_space<vmem>>)
    %dma_wait3A_1478 = arith.constant 117 : i32
    %dma_wait3A_1479 = arith.constant 0 : i32
    %dma_wait3A_1480 = tpu.memref_slice %arg4[%dma_wait3A_1478, %dma_wait3A_1479] : memref<128x1024xf32, #tpu.memory_space<vmem>> -> memref<1x1024xf32, #tpu.memory_space<vmem>>
    %dma_wait3A_1481 = arith.constant 0 : i32
    %dma_wait3A_1482 = tpu.memref_slice %arg2[%get3A_818, %dma_wait3A_1481] : memref<100000x1024xf32, #tpu.memory_space<any>> -> memref<1x1024xf32, #tpu.memory_space<any>>
    tpu.wait_dma2 semaphore(%arg5 : memref<!tpu.dma_semaphore, #tpu.memory_space<semaphore_mem>>) src(%dma_wait3A_1482 : memref<1x1024xf32, #tpu.memory_space<any>>) dst(%dma_wait3A_1480 : memref<1x1024xf32, #tpu.memory_space<vmem>>)
    %dma_wait3A_1483 = arith.constant 118 : i32
    %dma_wait3A_1484 = arith.constant 0 : i32
    %dma_wait3A_1485 = tpu.memref_slice %arg4[%dma_wait3A_1483, %dma_wait3A_1484] : memref<128x1024xf32, #tpu.memory_space<vmem>> -> memref<1x1024xf32, #tpu.memory_space<vmem>>
    %dma_wait3A_1486 = arith.constant 0 : i32
    %dma_wait3A_1487 = tpu.memref_slice %arg2[%get3A_825, %dma_wait3A_1486] : memref<100000x1024xf32, #tpu.memory_space<any>> -> memref<1x1024xf32, #tpu.memory_space<any>>
    tpu.wait_dma2 semaphore(%arg5 : memref<!tpu.dma_semaphore, #tpu.memory_space<semaphore_mem>>) src(%dma_wait3A_1487 : memref<1x1024xf32, #tpu.memory_space<any>>) dst(%dma_wait3A_1485 : memref<1x1024xf32, #tpu.memory_space<vmem>>)
    %dma_wait3A_1488 = arith.constant 119 : i32
    %dma_wait3A_1489 = arith.constant 0 : i32
    %dma_wait3A_1490 = tpu.memref_slice %arg4[%dma_wait3A_1488, %dma_wait3A_1489] : memref<128x1024xf32, #tpu.memory_space<vmem>> -> memref<1x1024xf32, #tpu.memory_space<vmem>>
    %dma_wait3A_1491 = arith.constant 0 : i32
    %dma_wait3A_1492 = tpu.memref_slice %arg2[%get3A_832, %dma_wait3A_1491] : memref<100000x1024xf32, #tpu.memory_space<any>> -> memref<1x1024xf32, #tpu.memory_space<any>>
    tpu.wait_dma2 semaphore(%arg5 : memref<!tpu.dma_semaphore, #tpu.memory_space<semaphore_mem>>) src(%dma_wait3A_1492 : memref<1x1024xf32, #tpu.memory_space<any>>) dst(%dma_wait3A_1490 : memref<1x1024xf32, #tpu.memory_space<vmem>>)
    %dma_wait3A_1493 = arith.constant 120 : i32
    %dma_wait3A_1494 = arith.constant 0 : i32
    %dma_wait3A_1495 = tpu.memref_slice %arg4[%dma_wait3A_1493, %dma_wait3A_1494] : memref<128x1024xf32, #tpu.memory_space<vmem>> -> memref<1x1024xf32, #tpu.memory_space<vmem>>
    %dma_wait3A_1496 = arith.constant 0 : i32
    %dma_wait3A_1497 = tpu.memref_slice %arg2[%get3A_839, %dma_wait3A_1496] : memref<100000x1024xf32, #tpu.memory_space<any>> -> memref<1x1024xf32, #tpu.memory_space<any>>
    tpu.wait_dma2 semaphore(%arg5 : memref<!tpu.dma_semaphore, #tpu.memory_space<semaphore_mem>>) src(%dma_wait3A_1497 : memref<1x1024xf32, #tpu.memory_space<any>>) dst(%dma_wait3A_1495 : memref<1x1024xf32, #tpu.memory_space<vmem>>)
    %dma_wait3A_1498 = arith.constant 121 : i32
    %dma_wait3A_1499 = arith.constant 0 : i32
    %dma_wait3A_1500 = tpu.memref_slice %arg4[%dma_wait3A_1498, %dma_wait3A_1499] : memref<128x1024xf32, #tpu.memory_space<vmem>> -> memref<1x1024xf32, #tpu.memory_space<vmem>>
    %dma_wait3A_1501 = arith.constant 0 : i32
    %dma_wait3A_1502 = tpu.memref_slice %arg2[%get3A_846, %dma_wait3A_1501] : memref<100000x1024xf32, #tpu.memory_space<any>> -> memref<1x1024xf32, #tpu.memory_space<any>>
    tpu.wait_dma2 semaphore(%arg5 : memref<!tpu.dma_semaphore, #tpu.memory_space<semaphore_mem>>) src(%dma_wait3A_1502 : memref<1x1024xf32, #tpu.memory_space<any>>) dst(%dma_wait3A_1500 : memref<1x1024xf32, #tpu.memory_space<vmem>>)
    %dma_wait3A_1503 = arith.constant 122 : i32
    %dma_wait3A_1504 = arith.constant 0 : i32
    %dma_wait3A_1505 = tpu.memref_slice %arg4[%dma_wait3A_1503, %dma_wait3A_1504] : memref<128x1024xf32, #tpu.memory_space<vmem>> -> memref<1x1024xf32, #tpu.memory_space<vmem>>
    %dma_wait3A_1506 = arith.constant 0 : i32
    %dma_wait3A_1507 = tpu.memref_slice %arg2[%get3A_853, %dma_wait3A_1506] : memref<100000x1024xf32, #tpu.memory_space<any>> -> memref<1x1024xf32, #tpu.memory_space<any>>
    tpu.wait_dma2 semaphore(%arg5 : memref<!tpu.dma_semaphore, #tpu.memory_space<semaphore_mem>>) src(%dma_wait3A_1507 : memref<1x1024xf32, #tpu.memory_space<any>>) dst(%dma_wait3A_1505 : memref<1x1024xf32, #tpu.memory_space<vmem>>)
    %dma_wait3A_1508 = arith.constant 123 : i32
    %dma_wait3A_1509 = arith.constant 0 : i32
    %dma_wait3A_1510 = tpu.memref_slice %arg4[%dma_wait3A_1508, %dma_wait3A_1509] : memref<128x1024xf32, #tpu.memory_space<vmem>> -> memref<1x1024xf32, #tpu.memory_space<vmem>>
    %dma_wait3A_1511 = arith.constant 0 : i32
    %dma_wait3A_1512 = tpu.memref_slice %arg2[%get3A_860, %dma_wait3A_1511] : memref<100000x1024xf32, #tpu.memory_space<any>> -> memref<1x1024xf32, #tpu.memory_space<any>>
    tpu.wait_dma2 semaphore(%arg5 : memref<!tpu.dma_semaphore, #tpu.memory_space<semaphore_mem>>) src(%dma_wait3A_1512 : memref<1x1024xf32, #tpu.memory_space<any>>) dst(%dma_wait3A_1510 : memref<1x1024xf32, #tpu.memory_space<vmem>>)
    %dma_wait3A_1513 = arith.constant 124 : i32
    %dma_wait3A_1514 = arith.constant 0 : i32
    %dma_wait3A_1515 = tpu.memref_slice %arg4[%dma_wait3A_1513, %dma_wait3A_1514] : memref<128x1024xf32, #tpu.memory_space<vmem>> -> memref<1x1024xf32, #tpu.memory_space<vmem>>
    %dma_wait3A_1516 = arith.constant 0 : i32
    %dma_wait3A_1517 = tpu.memref_slice %arg2[%get3A_867, %dma_wait3A_1516] : memref<100000x1024xf32, #tpu.memory_space<any>> -> memref<1x1024xf32, #tpu.memory_space<any>>
    tpu.wait_dma2 semaphore(%arg5 : memref<!tpu.dma_semaphore, #tpu.memory_space<semaphore_mem>>) src(%dma_wait3A_1517 : memref<1x1024xf32, #tpu.memory_space<any>>) dst(%dma_wait3A_1515 : memref<1x1024xf32, #tpu.memory_space<vmem>>)
    %dma_wait3A_1518 = arith.constant 125 : i32
    %dma_wait3A_1519 = arith.constant 0 : i32
    %dma_wait3A_1520 = tpu.memref_slice %arg4[%dma_wait3A_1518, %dma_wait3A_1519] : memref<128x1024xf32, #tpu.memory_space<vmem>> -> memref<1x1024xf32, #tpu.memory_space<vmem>>
    %dma_wait3A_1521 = arith.constant 0 : i32
    %dma_wait3A_1522 = tpu.memref_slice %arg2[%get3A_874, %dma_wait3A_1521] : memref<100000x1024xf32, #tpu.memory_space<any>> -> memref<1x1024xf32, #tpu.memory_space<any>>
    tpu.wait_dma2 semaphore(%arg5 : memref<!tpu.dma_semaphore, #tpu.memory_space<semaphore_mem>>) src(%dma_wait3A_1522 : memref<1x1024xf32, #tpu.memory_space<any>>) dst(%dma_wait3A_1520 : memref<1x1024xf32, #tpu.memory_space<vmem>>)
    %dma_wait3A_1523 = arith.constant 126 : i32
    %dma_wait3A_1524 = arith.constant 0 : i32
    %dma_wait3A_1525 = tpu.memref_slice %arg4[%dma_wait3A_1523, %dma_wait3A_1524] : memref<128x1024xf32, #tpu.memory_space<vmem>> -> memref<1x1024xf32, #tpu.memory_space<vmem>>
    %dma_wait3A_1526 = arith.constant 0 : i32
    %dma_wait3A_1527 = tpu.memref_slice %arg2[%get3A_881, %dma_wait3A_1526] : memref<100000x1024xf32, #tpu.memory_space<any>> -> memref<1x1024xf32, #tpu.memory_space<any>>
    tpu.wait_dma2 semaphore(%arg5 : memref<!tpu.dma_semaphore, #tpu.memory_space<semaphore_mem>>) src(%dma_wait3A_1527 : memref<1x1024xf32, #tpu.memory_space<any>>) dst(%dma_wait3A_1525 : memref<1x1024xf32, #tpu.memory_space<vmem>>)
    %dma_wait3A_1528 = arith.constant 127 : i32
    %dma_wait3A_1529 = arith.constant 0 : i32
    %dma_wait3A_1530 = tpu.memref_slice %arg4[%dma_wait3A_1528, %dma_wait3A_1529] : memref<128x1024xf32, #tpu.memory_space<vmem>> -> memref<1x1024xf32, #tpu.memory_space<vmem>>
    %dma_wait3A_1531 = arith.constant 0 : i32
    %dma_wait3A_1532 = tpu.memref_slice %arg2[%get3A_888, %dma_wait3A_1531] : memref<100000x1024xf32, #tpu.memory_space<any>> -> memref<1x1024xf32, #tpu.memory_space<any>>
    tpu.wait_dma2 semaphore(%arg5 : memref<!tpu.dma_semaphore, #tpu.memory_space<semaphore_mem>>) src(%dma_wait3A_1532 : memref<1x1024xf32, #tpu.memory_space<any>>) dst(%dma_wait3A_1530 : memref<1x1024xf32, #tpu.memory_space<vmem>>)
    %get3A_1533 = arith.constant 0 : index
    %get3A_1534 = arith.constant 0 : index
    %get3A_1535 = arith.constant 0 : index
    %get3A_1536 = vector.load %arg1[%get3A_1533, %get3A_1534, %get3A_1535] : memref<32x32x1024xf32, #tpu.memory_space<vmem>>, vector<32x32x1024xf32>
    %reshape3A = vector.shape_cast %get3A_1536 : vector<32x32x1024xf32> to vector<1024x1024xf32>
    %get3A_1537 = arith.constant 0 : index
    %get3A_1538 = arith.constant 0 : index
    %get3A_1539 = vector.load %arg4[%get3A_1537, %get3A_1538] : memref<128x1024xf32, #tpu.memory_space<vmem>>, vector<128x1024xf32>
    %dot_general3A = arith.constant dense<0.000000e+00> : vector<1024x128xf32>
    %dot_general3A_1540 = tpu.matmul %reshape3A, %get3A_1539, %dot_general3A {dimension_numbers = #tpu.dot_dimension_numbers<[1], [1], [0], [0], [0, 0, 1, 0], [], []>, transpose_lhs_hint = false} : vector<1024x1024xf32>, vector<128x1024xf32>, vector<1024x128xf32> -> vector<1024x128xf32>
    %swap3A = arith.constant 0 : index
    %swap3A_1541 = arith.constant 0 : index
    %swap3A_1542 = vector.load %arg3[%swap3A, %swap3A_1541] : memref<1024x128xf32, #tpu.memory_space<vmem>>, vector<1024x128xf32>
    tpu.vector_store %arg3[%swap3A, %swap3A_1541], %dot_general3A_1540 {strides = array<i32>} : memref<1024x128xf32, #tpu.memory_space<vmem>>, vector<1024x128xf32>,
    return
  }
}

module attributes {stable_mosaic.version = 14 : i64} {
  func.func @_tcfin_body(%arg0: memref<1024x128xf32, #tpu.memory_space<vmem>>, %arg1: memref<1024xf32, #tpu.memory_space<vmem>>, %arg2: memref<1024xf32, #tpu.memory_space<vmem>>, %arg3: memref<100xf32, #tpu.memory_space<vmem>>, %arg4: memref<100xf32, #tpu.memory_space<vmem>>, %arg5: memref<1x1xf32, #tpu.memory_space<vmem>>) attributes {dimension_semantics = [], scalar_prefetch = 0 : i64, scratch_operands = 0 : i64, tpu.core_type = #tpu.core_type<tc>} {
    %get3A = arith.constant 0 : index
    %get3A_0 = arith.constant 0 : index
    %get3A_1 = vector.load %arg0[%get3A, %get3A_0] : memref<1024x128xf32, #tpu.memory_space<vmem>>, vector<1024x100xf32>
    %get3A_2 = arith.constant 0 : index
    %get3A_3 = vector.load %arg3[%get3A_2] : memref<100xf32, #tpu.memory_space<vmem>>, vector<100xf32>
    %reshape3A = vector.shape_cast %get3A_3 : vector<100xf32> to vector<1x100xf32>
    %add3A = vector.broadcast %reshape3A : vector<1x100xf32> to vector<1024x100xf32>
    %add3A_4 = arith.addf %get3A_1, %add3A : vector<1024x100xf32>
    %sub3A = arith.constant 11.5129251 : f32
    %sub3A_5 = vector.broadcast %sub3A : f32 to vector<1024x100xf32>
    %sub3A_6 = arith.subf %add3A_4, %sub3A_5 : vector<1024x100xf32>
    %min3A = arith.constant 2.000000e+01 : f32
    %min3A_7 = vector.broadcast %min3A : f32 to vector<1024x100xf32>
    %min3A_8 = arith.minimumf %sub3A_6, %min3A_7 : vector<1024x100xf32>
    %exp3A = math.exp %min3A_8 : vector<1024x100xf32>
    %get3A_9 = arith.constant 0 : index
    %get3A_10 = vector.load %arg4[%get3A_9] : memref<100xf32, #tpu.memory_space<vmem>>, vector<100xf32>
    %mul3A = arith.constant 1.000000e+02 : f32
    %mul3A_11 = vector.broadcast %mul3A : f32 to vector<100xf32>
    %mul3A_12 = arith.mulf %mul3A_11, %get3A_10 : vector<100xf32>
    %reshape3A_13 = vector.shape_cast %mul3A_12 : vector<100xf32> to vector<1x100xf32>
    %add3A_14 = vector.broadcast %reshape3A_13 : vector<1x100xf32> to vector<1024x100xf32>
    %add3A_15 = arith.addf %exp3A, %add3A_14 : vector<1024x100xf32>
    %add3A_16 = arith.constant 1.000000e-10 : f32
    %add3A_17 = vector.broadcast %add3A_16 : f32 to vector<1024x100xf32>
    %add3A_18 = arith.addf %add3A_15, %add3A_17 : vector<1024x100xf32>
    %div3A = vector.broadcast %reshape3A_13 : vector<1x100xf32> to vector<1024x100xf32>
    %div3A_19 = arith.divf %div3A, %add3A_18 : vector<1024x100xf32>
    %add3A_20 = arith.constant 1.000000e-10 : f32
    %add3A_21 = vector.broadcast %add3A_20 : f32 to vector<1024x100xf32>
    %add3A_22 = arith.addf %div3A_19, %add3A_21 : vector<1024x100xf32>
    %log3A = math.log %add3A_22 : vector<1024x100xf32>
    %reduce_sum3A = vector.shape_cast %log3A : vector<1024x100xf32> to vector<1x1024x100xf32>
    %reduce_sum3A_23 = arith.constant dense<0.000000e+00> : vector<1xf32>
    %reduce_sum3A_24 = vector.multi_reduction <add>, %reduce_sum3A, %reduce_sum3A_23 [1, 2] : vector<1x1024x100xf32> to vector<1xf32>
    %reduce_sum3A_25 = vector.shape_cast %reduce_sum3A_24 : vector<1xf32> to vector<1x1x1xf32>
    %reduce_sum3A_26 = vector.extract %reduce_sum3A_25[0, 0, 0] : f32 from vector<1x1x1xf32>
    %get3A_27 = arith.constant 0 : index
    %get3A_28 = vector.load %arg1[%get3A_27] : memref<1024xf32, #tpu.memory_space<vmem>>, vector<1024xf32>
    %sub3A_29 = arith.constant 11.5129251 : f32
    %sub3A_30 = vector.broadcast %sub3A_29 : f32 to vector<1024xf32>
    %sub3A_31 = arith.subf %get3A_28, %sub3A_30 : vector<1024xf32>
    %min3A_32 = arith.constant 2.000000e+01 : f32
    %min3A_33 = vector.broadcast %min3A_32 : f32 to vector<1024xf32>
    %min3A_34 = arith.minimumf %sub3A_31, %min3A_33 : vector<1024xf32>
    %exp3A_35 = math.exp %min3A_34 : vector<1024xf32>
    %get3A_36 = arith.constant 0 : index
    %get3A_37 = vector.load %arg2[%get3A_36] : memref<1024xf32, #tpu.memory_space<vmem>>, vector<1024xf32>
    %mul3A_38 = arith.constant 1.000000e+02 : f32
    %mul3A_39 = vector.broadcast %mul3A_38 : f32 to vector<1024xf32>
    %mul3A_40 = arith.mulf %mul3A_39, %get3A_37 : vector<1024xf32>
    %add3A_41 = arith.addf %exp3A_35, %mul3A_40 : vector<1024xf32>
    %add3A_42 = arith.constant 1.000000e-10 : f32
    %add3A_43 = vector.broadcast %add3A_42 : f32 to vector<1024xf32>
    %add3A_44 = arith.addf %add3A_41, %add3A_43 : vector<1024xf32>
    %div3A_45 = arith.divf %exp3A_35, %add3A_44 : vector<1024xf32>
    %add3A_46 = arith.constant 1.000000e-10 : f32
    %add3A_47 = vector.broadcast %add3A_46 : f32 to vector<1024xf32>
    %add3A_48 = arith.addf %div3A_45, %add3A_47 : vector<1024xf32>
    %log3A_49 = math.log %add3A_48 : vector<1024xf32>
    %reduce_sum3A_50 = vector.shape_cast %log3A_49 : vector<1024xf32> to vector<1x1024xf32>
    %reduce_sum3A_51 = arith.constant dense<0.000000e+00> : vector<1xf32>
    %reduce_sum3A_52 = vector.multi_reduction <add>, %reduce_sum3A_50, %reduce_sum3A_51 [1] : vector<1x1024xf32> to vector<1xf32>
    %reduce_sum3A_53 = vector.shape_cast %reduce_sum3A_52 : vector<1xf32> to vector<1x1xf32>
    %reduce_sum3A_54 = vector.extract %reduce_sum3A_53[0, 0] : f32 from vector<1x1xf32>
    %add3A_55 = arith.addf %reduce_sum3A_54, %reduce_sum3A_26 : f32
    %neg3A = arith.constant 0.000000e+00 : f32
    %neg3A_56 = arith.subf %neg3A, %add3A_55 : f32
    %div3A_57 = arith.constant 1.024000e+03 : f32
    %div3A_58 = arith.divf %neg3A_56, %div3A_57 : f32
    %reshape3A_59 = vector.broadcast %div3A_58 : f32 to vector<1x1xf32>
    %swap3A = arith.constant 0 : index
    %swap3A_60 = arith.constant 0 : index
    %swap3A_61 = vector.load %arg5[%swap3A, %swap3A_60] : memref<1x1xf32, #tpu.memory_space<vmem>>, vector<1x1xf32>
    tpu.vector_store %arg5[%swap3A, %swap3A_60], %reshape3A_59 {strides = array<i32>} : memref<1x1xf32, #tpu.memory_space<vmem>>, vector<1x1xf32>,
    return
  }
}

</mosaic_0001>

<sc_bundles>
// kernel: kernel.5.cloned.1.call-start
scs
__scs_entry_jumppad:
0x0: {  	(pc) =	sbr.rel $0x88, $3  }
0x1: {  	(tag) =	ssettag $0x0;
	lr =	simm.s32 $0x1  }
0x2: {  	[smem:$0x3F9B] =	sst lr;
	_ =	strace $0xD0000000  }
0x3: {  	_ = 	snop  }
0x4: {  	_ = 	snop  }
0x5: {  	_ = 	snop  }
0x6: {  	_ = 	snop  }
0x7: {  	_ = 	snop  }
__scs_overlays_trampoline_lowered:
0x8: {  	[smem:$0x3FAA] =	sst s0  }
0x9: {  	[smem:$0x3FAB] =	sst s1  }
0xa: {  	[smem:$0x3FAC] =	sst s2  }
0xb: {  	[smem:$0x3FAD] =	sst s3  }
0xc: {  	[smem:$0x3FAE] =	sst s4  }
0xd: {  	[smem:$0x3FAF] =	sst s5  }
0xe: {  	[smem:$0x3FB0] =	sst s6  }
0xf: {  	[smem:$0x3FB1] =	sst s7  }
0x10: {  	[smem:$0x3FB2] =	sst s8  }
0x11: {  	[smem:$0x3FB3] =	sst s9;
	s0 =	simm.s32 @!p0 $0x0  }
0x12: {  	s1 =	sld [smem:$0x3F99];
	s0 =	simm.s32 @p0 $0x1  }
0x13: {  	[smem:$0x3FB4] =	sst s0;
	s0 =	simm.s32 @!p1 $0x0  }
0x14: {  	s2 =	sld [smem:$0x3F98];
	s0 =	simm.s32 @p1 $0x1  }
0x15: {  	[smem:$0x3FB5] =	sst s0;
	s0 =	simm.s32 @!p2 $0x0  }
0x16: {  	s3 =	sld [smem:$0x3FDB];
	s0 =	simm.s32 @p2 $0x1  }
0x17: {  	s4 =	simm.s32 $0x1BF5;
	[smem:$0x3FB7] =	sst s0  }
0x18: {  	s0 =	sld [smem:$0x3F9A];
	_ =	swait.ge [sflag:s4], $0x0  }
0x19: {  	s7 =	sld [smem:$0x3F9B]  }
0x1a: {  	s8 =	sadd.s32 $0xFFFFE003, lr  }
0x1b: {  	s9 =	sadd.s32 $0xFFFFFEF7, lr;
	s5 =	simm.s32 $0xFFFFFFFF;
	p2 =	slt.u32 s8, $0xFFFFF086  }
0x1c: {  	p1 =	slt.u32 s9, $0xF7A;
	s5 =	simm.s32 @!p2 $0x0  }
0x1d: {  	s5 =	simm.s32 @p1 $0x1;
	p0 =	seq.s32 s7, s2  }
0x1e: {  	s7 =	smul.u32 @!p0 $0xF7A, s2;
	p2 =	seq.s32 @!p0 s5, $0x0  }
0x1f: {  	s9 =	smul.u32 $0xF7A, s1;
	s8 =	simm.s32 @!p0 $0x1BF5;
	p2 =	por !p2, p0  }
0x20: {  	[sflag:s8] =	ssyncset.s32 @!p0 $0xFFFFF086;
	s6 =	sadd.s32 @!p0 s3, s7;
	s7 =	simm.s32 @!p0 $0x108  }
0x21: {  	s3 =	sadd.s32 s3, s9;
	s6 =	sadd.s32 @!p0 $0x88, s6;
	s7 =	simm.s32 @p2 $0x1082  }
0x22: {  	[simem:s7], [sflag:s8] =	dma.local @!p0 [hbm:s6], $0xF7A  }
0x23: {  	s9 =	sor.u32 $0xD0000000, s2;
	s6 =	simm.s32 $0x108;
	_ =	swait.ge @!p0 [sflag:s8], $0x0  }
0x24: {  	s3 =	sadd.s32 $0x88, s3;
	s6 =	simm.s32 @!p1 $0x1082;
	[sflag:s4] =	ssyncset.s32 $0xFFFFF086  }
0x25: {  	[simem:s6], [sflag:s4] =	dma.local [hbm:s3], $0xF7A  }
0x26: {  	[smem:$0x3F9B] =	sst s1;
	(tag) =	ssettag s2;
	_ =	strace s9  }
0x27: {  	s1 =	sld [smem:$0x3FAB]  }
0x28: {  	s2 =	sld [smem:$0x3FAC]  }
0x29: {  	s4 =	sld [smem:$0x3FAE]  }
0x2a: {  	p0 =	seq.s32 s5, $0x0;
	s5 =	sld [smem:$0x3FAF]  }
0x2b: {  	s6 =	sld [smem:$0x3FB0]  }
0x2c: {  	s7 =	sld [smem:$0x3FB1]  }
0x2d: {  	s3 =	simm.s32 $0x108;
	s8 =	sld [smem:$0x3FB2]  }
0x2e: {  	s3 =	simm.s32 @!p0 $0x1082;
	s9 =	sld [smem:$0x3FB3]  }
0x2f: {  	lr =	sadd.s32 s0, s3;
	s0 =	sld [smem:$0x3FAA]  }
0x30: {  	s3 =	sld [smem:$0x3FAD]  }
0x31: {  	[smem:$0x3FB6] =	sst s10  }
0x32: {  	s10 =	sld [smem:$0x3FB4];
	_ =	sdelay $0x3  }
0x33: {  	p0 =	seq.s32 s10, $0x1;
	s10 =	sld [smem:$0x3FB6];
	_ =	sdelay $0x3  }
0x34: {  	[smem:$0x3FB6] =	sst s10  }
0x35: {  	s10 =	sld [smem:$0x3FB5];
	_ =	sdelay $0x3  }
0x36: {  	p1 =	seq.s32 s10, $0x1;
	s10 =	sld [smem:$0x3FB6];
	_ =	sdelay $0x3  }
0x37: {  	[smem:$0x3FB6] =	sst s10  }
0x38: {  	s10 =	sld [smem:$0x3FB7]  }
0x39: {  	_ = 	snop;
	(pc) =	sbr.ind lr, $3  }
0x3a: {  	_ = 	snop  }
0x3b: {  	_ = 	snop  }
0x3c: {  	p2 =	seq.s32 s10, $0x1;
	s10 =	sld [smem:$0x3FB6]  }
0x3d: {  	_ =	shalt  }
0x3e: {  	_ =	shalt  }
0x3f: {  	_ =	shalt  }
0x40: {  	_ =	shalt  }
0x41: {  	_ =	shalt  }
0x42: {  	_ =	shalt  }
0x43: {  	_ =	shalt  }
0x44: {  	_ =	shalt  }
0x45: {  	_ =	shalt  }
0x46: {  	_ =	shalt  }
0x47: {  	_ =	shalt  }
0x48: {  	_ =	shalt  }
0x49: {  	_ =	shalt  }
0x4a: {  	_ =	shalt  }
0x4b: {  	_ =	shalt  }
0x4c: {  	_ =	shalt  }
0x4d: {  	_ =	shalt  }
0x4e: {  	_ =	shalt  }
0x4f: {  	_ =	shalt  }
0x50: {  	_ =	shalt  }
0x51: {  	_ =	shalt  }
0x52: {  	_ =	shalt  }
0x53: {  	_ =	shalt  }
0x54: {  	_ =	shalt  }
0x55: {  	_ =	shalt  }
0x56: {  	_ =	shalt  }
0x57: {  	_ =	shalt  }
0x58: {  	_ =	shalt  }
0x59: {  	_ =	shalt  }
0x5a: {  	_ =	shalt  }
0x5b: {  	_ =	shalt  }
0x5c: {  	_ =	shalt  }
0x5d: {  	_ =	shalt  }
0x5e: {  	_ =	shalt  }
0x5f: {  	_ =	shalt  }
0x60: {  	_ =	shalt  }
0x61: {  	_ =	shalt  }
0x62: {  	_ =	shalt  }
0x63: {  	_ =	shalt  }
0x64: {  	_ =	shalt  }
0x65: {  	_ =	shalt  }
0x66: {  	_ =	shalt  }
0x67: {  	_ =	shalt  }
0x68: {  	_ =	shalt  }
0x69: {  	_ =	shalt  }
0x6a: {  	_ =	shalt  }
0x6b: {  	_ =	shalt  }
0x6c: {  	_ =	shalt  }
0x6d: {  	_ =	shalt  }
0x6e: {  	_ =	shalt  }
0x6f: {  	_ =	shalt  }
0x70: {  	_ =	shalt  }
0x71: {  	_ =	shalt  }
0x72: {  	_ =	shalt  }
0x73: {  	_ =	shalt  }
0x74: {  	_ =	shalt  }
0x75: {  	_ =	shalt  }
0x76: {  	_ =	shalt  }
0x77: {  	_ =	shalt  }
0x78: {  	_ =	shalt  }
0x79: {  	_ =	shalt  }
0x7a: {  	_ =	shalt  }
0x7b: {  	_ =	shalt  }
0x7c: {  	_ =	shalt  }
0x7d: {  	_ =	shalt  }
0x7e: {  	_ =	shalt  }
0x7f: {  	_ =	shalt  }
0x80: {  	_ =	shalt  }
0x81: {  	_ =	shalt  }
0x82: {  	_ =	shalt  }
0x83: {  	_ =	shalt  }
0x84: {  	_ =	shalt  }
0x85: {  	_ =	shalt  }
0x86: {  	_ =	shalt  }
0x87: {  	_ =	shalt  }
.Lfunc_end0:
.L_simem_size_0:
called_computation_lowered:
.L_overlay_start_0:
0x88: {  	s2 =	sld [smem:$0x3FD9]  }
0x89: {  	s3 =	sld [smem:$0x3FFE];
	_ =	sdelay $0x1  }
0x8a: {  	s1 =	srdreg.scid  }
0x8b: {  	s0 =	sand.u32 $0x1, s1  }
0x8c: {  	s17 =	sshll.u32 s0, $0xA;
	s2 =	sadd.s32 s3, s2  }
0x8d: {  	s2 =	sadd.s32 s2, s17  }
0x8e: {  	[smem:$0x3FC2] =	sst s2  }
0x8f: {  	_ = 	snop  }
0x90: {  	s2 =	sld [smem:$0x3FC9]  }
0x91: {  	s18 =	sld [smem:$0x3FC8]  }
0x92: {  	s4 =	sld [smem:$0x3FC7]  }
0x93: {  	s5 =	sld [smem:$0x3FC6]  }
0x94: {  	s6 =	sld [smem:$0x3FC5]  }
0x95: {  	s7 =	sld [smem:$0x3FC4]  }
0x96: {  	s8 =	sld [smem:$0x3FD0];
	(tm) =	ssettm $0x1  }
0x97: {  	s9 =	sld [smem:$0x3FFB];
	_ =	sdelay $0x3  }
0x98: {  	_ =	strace s9  }
0x99: {  	s9 =	sld [smem:$0x3FFC];
	_ =	sdelay $0x3  }
0x9a: {  	_ =	strace s9  }
0x9b: {  	s9 =	sld [smem:$0x3FFD];
	_ =	sdelay $0x3  }
0x9c: {  	_ =	strace s9  }
0x9d: {  	_ =	strace $0x8FFFFFFF  }
0x9e: {  	s19 =	sld [smem:$0x3FDB];
	_ =	sdelay $0x1  }
0x9f: {  	s10 =	simm.s32 $_scs_section_size  }
0xa0: {  	s11 =	simm.s32 $_size__tile_overlayer_lowered;
	s12 =	simm.s32 $_tile_overlayer_lowered  }
0xa1: {  	s22 =	simm.s32 $0x1BFF;
	s21 =	sshll.u32 s12, $0x1;
	s9 =	sadd.s32 s10, s19  }
0xa2: {  	s13 =	simm.s32 $0x0;
	s20 =	sshll.u32 s11, $0x1;
	s11 =	sadd.s32 s21, s9  }
0xa3: {  	[timem:s13], [sflag:s22] =	dma.local [hbm:s11], s20  }
0xa4: {  	_ =	swait.ge [sflag:s22], s20  }
0xa5: {  	s10 =	ssub.s32 $0x0, s20;
	[sflag:s22] =	ssyncset.done $0x0  }
0xa6: {  	[sflag:s22] =	ssyncadd.s32 s10;
	_ =	sdelay $0x1  }
0xa7: {  	s23 =	simm.s32 $0x1B8B  }
0xa8: {  	_ =	swait.ge [sflag:s23], $0x1  }
0xa9: {  	[sflag:s23] =	ssyncset.done $0x0  }
0xaa: {  	s25 =	simm.s32 $0x1B8E;
	s24 =	sld [smem:$0x3FFE];
	[sflag:s23] =	ssyncadd.s32 $0xFFFFFFFF  }
0xab: {  	s26 =	simm.s32 $execute0_lowered;
	[smem:$0x3FD2] =	sst s25  }
0xac: {  	s11 =	sshll.u32 s26, $0x1;
	_ =	strace $0x80000046;
	[dreg:$0x1] =	wrdreg $0xFFFFFFFF  }
0xad: {  	s28 =	simm.s32 $_size_execute0_lowered;
	s9 =	sadd.s32 s9, s11;
	[dreg:$0x0] =	wrdreg $0x0  }
0xae: {  	s11 =	sshll.u32 s28, $0x1;
	[dreg:$0x2] =	wrdreg s9  }
0xaf: {  	[dreg:$0x3] =	wrdreg s11  }
0xb0: {  	[dreg:$0x4] =	wrdreg $0xC0  }
0xb1: {  	_ =	task [dreg:s13], $0x5FFFF  }
0xb2: {  	[dreg:$0x1] =	wrdreg $0xFFFFFFFF  }
0xb3: {  	[dreg:$0x0] =	wrdreg $0x60  }
0xb4: {  	[dreg:$0x2] =	wrdreg s4  }
0xb5: {  	[dreg:$0x3] =	wrdreg s5  }
0xb6: {  	[dreg:$0x4] =	wrdreg s6  }
0xb7: {  	[dreg:$0x5] =	wrdreg s2  }
0xb8: {  	[dreg:$0x6] =	wrdreg s18  }
0xb9: {  	[dreg:$0x7] =	wrdreg s7  }
0xba: {  	[dreg:$0x8] =	wrdreg s24  }
0xbb: {  	[dreg:$0x9] =	wrdreg s8  }
0xbc: {  	[dreg:$0xa] =	wrdreg $0x9  }
0xbd: {  	_ =	task.clear_ibuf [dreg:s13], $0xBFFFF;
	_ =	strace $0x90000046  }
0xbe: {  	s29 =	simm.s32 $0x9;
	_ =	strace $0x80000048  }
0xbf: {  	_ =	swait.ge [sflag:s29], $0x1  }
0xc0: {  	[sflag:s29] =	ssyncadd.s32 $0xFFFFFFFF  }
0xc1: {  	_ =	strace $0x90000048  }
0xc2: {  	_ =	sfence  }
0xc3: {  	s30 =	sld [smem:$0x0];
	_ =	sdelay $0x2  }
0xc4: {  	s31 =	sshll.u32 s1, $0xD;
	s1 =	sshrl.u32 s1, $0x2  }
0xc5: {  	s3 =	sand.u32 $0x4000, s31;
	s1 =	sadd.s32 s1, s30  }
0xc6: {  	s0 =	sor.u32 s3, s0;
	s1 =	sshll.u32 s1, $0x11  }
0xc7: {  	s0 =	sor.u32 s1, s0  }
0xc8: {  	s0 =	sadd.s32 $0x8F2B, s0  }
0xc9: {  	[sflag:s0] =	ssyncadd.remote.s32 $0x1  }
0xca: {  	_ =	sfence.sel $0xFFFF  }
0xcb: {  	[dreg:$0x0] =	wrdreg $0xFFFFFFFF;
	(pc) =	sbr.abs _section_cstart, $3  }
0xcc: {  	[dreg:$0x1] =	wrdreg $0xFFFFFFFF  }
0xcd: {  	_ =	task.clear_ibuf [dreg:s13], $0x2FFFF;
	_ =	strace $0x9FFFFFFF  }
0xce: {  	(tm) =	ssettm $0x7FFFFFFF  }
0xcf: {  	_ =	shalt  }
tec
execute0_lowered:
.L_overlay_start_1:
0x0: {  	(tag) =	ssettag $0x1  }
0x1: {  	s0 =	rddreg [dreg:$0x0]  }
0x2: {  	s1 =	rddreg [dreg:$0x3]  }
0x3: {  	s2 =	rddreg [dreg:$0x4]  }
0x4: {  	s3 =	rddreg [dreg:$0x6]  }
0x5: {  	s4 =	srdreg.scid;
	s5 =	stileid.u32;
	s7 =	simm.s32 $0x0  }
0x6: {  	s20 =	simm.s32 $0x1;
	s28 =	simm.s32 $0x20;
	s30 =	simm.s32 $0x10100  }
0x7: {  	v2 =	vlaneseq.u32;
	s31 =	simm.s32 $0x3;
	s21 =	simm.s32 $0x6;
	s22 =	simm.s32 $0xA  }
0x8: {  	s29 =	simm.s32 $0x12;
	s4 =	sand.u32 $0x1, s4;
	s5 =	sshll.u32 s5, $0x1;
	v0 =	vmul.u32 $0x80, v2  }
0x9: {  	[smem:$0x7FF] =	sst s7;
	s10 =	sadd.s32 $0x100, s0;
	s11 =	sadd.s32 $0x200, s0;
	v1 =	vand.u32 $0x7, v2;
	v2 =	vshrl.u32 v2, $0x3  }
0xa: {  	vm0 =	vmmov $0xffff;
	s12 =	sadd.s32 $0x300, s0;
	s5 =	sor.u32 s4, s5;
	s4 =	ssub.s32 $0x2, s4;
	v2 =	vmul.u32 $0x8, v2;
	v3 =	vor.u32 $0x1, v0  }
0xb: {  	_ =	strace $0x80000047;
	s6 =	sshll.u32 s5, $0x2;
	s8 =	sshrl.u32 s4, $0x1;
	v4 =	vor.u32 $0x2, v0;
	v5 =	vor.u32 $0x3, v0;
	v6 =	vor.u32 $0x4, v0  }
0xc: {  	s24 =	sshll.u32 s5, $0x4;
	s25 =	sshll.u32 s5, $0xC;
	p0 =	sne.s32 s5, $0x1F;
	v7 =	vor.u32 $0x5, v0;
	v8 =	vor.u32 $0x6, v0;
	v9 =	vor.u32 $0x7, v0  }
0xd: {  	v10 =	vor.u32 $0x8, v0;
	v11 =	vor.u32 $0x9, v0;
	v12 =	vor.u32 $0xA, v0;
	s5 =	simm.s32 $0x7;
	s6 =	sadd.s32 s6, s3;
	s3 =	sadd.s32 $0x1800, s3  }
0xe: {  	v13 =	vor.u32 $0xB, v0;
	v14 =	vor.u32 $0xC, v0;
	v15 =	vor.u32 $0xD, v0;
	s23 =	ssub.s32 s4, s8;
	s1 =	sadd.s32 s1, s24;
	s13 =	sadd.s32 s2, s25  }
0xf: {  	v16 =	vor.u32 $0xE, v0;
	v17 =	vor.u32 $0xF, v0;
	v18 =	vor.u32 $0x800, v0;
	s4 =	simm.s32 $0x5;
	s24 =	simm.s32 $0xB;
	[dreg:$0x9] =	wrdreg s3  }
0x10: {  	v19 =	vor.u32 $0x801, v0;
	v20 =	vor.u32 $0x802, v0;
	v21 =	vor.u32 $0x803, v0;
	s25 =	simm.s32 $0x10180;
	[dreg:$0xa] =	wrdreg s1;
	s1 =	sadd.s32 $0x400, s13  }
0x11: {  	v22 =	vor.u32 $0x804, v0;
	v23 =	vor.u32 $0x805, v0;
	v24 =	vor.u32 $0x806, v0;
	s26 =	sadd.s32 $0x800, s13;
	s16 =	sadd.s32 $0xC00, s13;
	s17 =	sadd.s32 $0x1600, s6  }
0x12: {  	v25 =	vor.u32 $0x807, v0;
	v26 =	vor.u32 $0x808, v0;
	v27 =	vor.u32 $0x809, v0;
	s18 =	sadd.s32 $0x1400, s6;
	s19 =	smax.u32 s23, $0x1;
	s3 =	simm.s32 $0x4  }
0x13: {  	v28 =	vor.u32 $0x80A, v0;
	v29 =	vor.u32 $0x80B, v0;
	v30 =	vor.u32 $0x80C, v0;
	s6 =	simm.s32 $0x9;
	s23 =	simm.s32 $0xC;
	[dreg:$0xb] =	wrdreg s1  }
0x14: {  	v31 =	vor.u32 $0x80D, v0;
	v32 =	vor.u32 $0x80E, v0;
	v33 =	vor.u32 $0x80F, v0;
	[dreg:$0xc] =	wrdreg s26;
	s26 =	simm.s32 $0xF;
	s1 =	simm.s32 $0x0  }
.LBB2_1:
0x15: {  	s2 =	rddreg [dreg:$0xa]  }
0x16: {  	[tilespmem:s7], [sflag:$0x1] =	stream.linear.gather [hbm4b:s2+s7], $0x80, $0x38;
	[tilespmem:$0x11380] =	vst v63  }
0x17: {  	s8 =	simm.s32 @!p0 $0x0;
	s9 =	rddreg [dreg:$0x5];
	s2 =	simm.s32 @!p0 $0x11200  }
0x18: {  	[tilespmem:s2], [sflag:$0x2] =	stream.linear.gather @!p0 [hbm4b:s9+s8], $0x80, $0x38;
	[tilespmem:$0x11380] =	vst v63  }
0x19: {  	_ =	swait.ge [sflag:s20], $0x80  }
0x1a: {  	[sflag:s20] =	ssyncset.done $0x0  }
0x1b: {  	[sflag:s20] =	ssyncadd.s32 $0xFFFFFF80  }
0x1c: {  	v34 =	vld.msk [tilespmem:$0x0], $0xff;
	_ =	sdelay $0x4  }
0x1d: {  	v35 =	vshll.u32 v34, $0x3  }
0x1e: {  	v34 =	vand.u32 $0x7, v34;
	v35 =	vand.u32 $0xFFFFFFC0, v35  }
0x1f: {  	v34 =	vor.u32 v34, v35  }
0x20: {  	v34 =	vperm.xlane v34, v1;
	_ =	sdelay $0x1  }
0x21: {  	v34 =	vadd.s32 v2, v34;
	_ =	sdelay $0x3  }
0x22: {  	s14 =	simm.s32 $0x80  }
0x23: {  	[tilespmem:s14], [sflag:$0x3] =	stream.indirect_vreg.gather [hbm4b:s0+s7], $0x80, v34, vm0, $0xb8;
	[tilespmem:$0x11380] =	vst v63  }
0x24: {  	s15 =	simm.s32 $0x880  }
0x25: {  	[tilespmem:s15], [sflag:$0x3] =	stream.indirect_vreg.gather [hbm4b:s10+s7], $0x80, v34, vm0, $0xb8;
	[tilespmem:$0x11380] =	vst v63  }
0x26: {  	s9 =	simm.s32 $0x1080  }
0x27: {  	[tilespmem:s9], [sflag:$0x3] =	stream.indirect_vreg.gather [hbm4b:s11+s7], $0x80, v34, vm0, $0xb8;
	[tilespmem:$0x11380] =	vst v63  }
0x28: {  	s14 =	simm.s32 $0x1880  }
0x29: {  	[tilespmem:s14], [sflag:$0x3] =	stream.indirect_vreg.gather [hbm4b:s12+s7], $0x80, v34, vm0, $0xb8;
	[tilespmem:$0x11380] =	vst v63  }
0x2a: {  	s15 =	simm.s32 $0x8080  }
0x2b: {  	[tilespmem:s15], [sflag:$0x7] =	stream.linear.gather [hbm4b:s13+s7], $0x2000, $0x38;
	[tilespmem:$0x11380] =	vst v63  }
0x2c: {  	v34 =	vld.msk [tilespmem:$0x8], $0xff;
	_ =	sdelay $0x4  }
0x2d: {  	v61 =	vshll.u32 v34, $0x3  }
0x2e: {  	v34 =	vand.u32 $0x7, v34;
	v35 =	vand.u32 $0xFFFFFFC0, v61  }
0x2f: {  	v34 =	vor.u32 v34, v35  }
0x30: {  	v34 =	vperm.xlane v34, v1;
	_ =	sdelay $0x1  }
0x31: {  	v34 =	vadd.s32 v2, v34;
	_ =	sdelay $0x3  }
0x32: {  	s9 =	simm.s32 $0x2080  }
0x33: {  	[tilespmem:s9], [sflag:$0x4] =	stream.indirect_vreg.gather [hbm4b:s0+s7], $0x80, v34, vm0, $0xb8;
	[tilespmem:$0x11380] =	vst v63  }
0x34: {  	s14 =	simm.s32 $0x2880  }
0x35: {  	[tilespmem:s14], [sflag:$0x4] =	stream.indirect_vreg.gather [hbm4b:s10+s7], $0x80, v34, vm0, $0xb8;
	[tilespmem:$0x11380] =	vst v63  }
0x36: {  	s15 =	simm.s32 $0x3080  }
0x37: {  	[tilespmem:s15], [sflag:$0x4] =	stream.indirect_vreg.gather [hbm4b:s11+s7], $0x80, v34, vm0, $0xb8;
	[tilespmem:$0x11380] =	vst v63  }
0x38: {  	s9 =	simm.s32 $0x3880  }
0x39: {  	[tilespmem:s9], [sflag:$0x4] =	stream.indirect_vreg.gather [hbm4b:s12+s7], $0x80, v34, vm0, $0xb8;
	[tilespmem:$0x11380] =	vst v63  }
0x3a: {  	s14 =	rddreg [dreg:$0xb];
	s15 =	simm.s32 $0xA080  }
0x3b: {  	[tilespmem:s15], [sflag:$0x8] =	stream.linear.gather [hbm4b:s14+s7], $0x2000, $0x38;
	[tilespmem:$0x11380] =	vst v63  }
0x3c: {  	v34 =	vld.msk [tilespmem:$0x10], $0xff;
	_ =	sdelay $0x4  }
0x3d: {  	v62 =	vshll.u32 v34, $0x3  }
0x3e: {  	v34 =	vand.u32 $0x7, v34;
	v35 =	vand.u32 $0xFFFFFFC0, v62  }
0x3f: {  	v34 =	vor.u32 v34, v35  }
0x40: {  	v34 =	vperm.xlane v34, v1;
	_ =	sdelay $0x1  }
0x41: {  	v34 =	vadd.s32 v2, v34;
	_ =	sdelay $0x3  }
0x42: {  	s9 =	simm.s32 $0x4080  }
0x43: {  	[tilespmem:s9], [sflag:$0x5] =	stream.indirect_vreg.gather [hbm4b:s0+s7], $0x80, v34, vm0, $0xb8;
	[tilespmem:$0x11380] =	vst v63  }
0x44: {  	s14 =	simm.s32 $0x4880  }
0x45: {  	[tilespmem:s14], [sflag:$0x5] =	stream.indirect_vreg.gather [hbm4b:s10+s7], $0x80, v34, vm0, $0xb8;
	[tilespmem:$0x11380] =	vst v63  }
0x46: {  	s15 =	simm.s32 $0x5080  }
0x47: {  	[tilespmem:s15], [sflag:$0x5] =	stream.indirect_vreg.gather [hbm4b:s11+s7], $0x80, v34, vm0, $0xb8;
	[tilespmem:$0x11380] =	vst v63  }
0x48: {  	s9 =	simm.s32 $0x5880  }
0x49: {  	[tilespmem:s9], [sflag:$0x5] =	stream.indirect_vreg.gather [hbm4b:s12+s7], $0x80, v34, vm0, $0xb8;
	[tilespmem:$0x11380] =	vst v63  }
0x4a: {  	s14 =	rddreg [dreg:$0xc];
	s15 =	simm.s32 $0xC080  }
0x4b: {  	[tilespmem:s15], [sflag:$0x9] =	stream.linear.gather [hbm4b:s14+s7], $0x2000, $0x38;
	[tilespmem:$0x11380] =	vst v63  }
0x4c: {  	v34 =	vld.msk [tilespmem:$0x18], $0xff;
	_ =	sdelay $0x4  }
0x4d: {  	v63 =	vshll.u32 v34, $0x3  }
0x4e: {  	v34 =	vand.u32 $0x7, v34;
	v35 =	vand.u32 $0xFFFFFFC0, v63  }
0x4f: {  	v34 =	vor.u32 v34, v35  }
0x50: {  	v34 =	vperm.xlane v34, v1;
	_ =	sdelay $0x1  }
0x51: {  	v34 =	vadd.s32 v2, v34;
	_ =	sdelay $0x3  }
0x52: {  	s9 =	simm.s32 $0x6080  }
0x53: {  	[tilespmem:s9], [sflag:$0x6] =	stream.indirect_vreg.gather [hbm4b:s0+s7], $0x80, v34, vm0, $0xb8;
	[tilespmem:$0x11380] =	vst v63  }
0x54: {  	s14 =	simm.s32 $0x6880  }
0x55: {  	[tilespmem:s14], [sflag:$0x6] =	stream.indirect_vreg.gather [hbm4b:s10+s7], $0x80, v34, vm0, $0xb8;
	[tilespmem:$0x11380] =	vst v63  }
0x56: {  	s15 =	simm.s32 $0x7080  }
0x57: {  	[tilespmem:s15], [sflag:$0x6] =	stream.indirect_vreg.gather [hbm4b:s11+s7], $0x80, v34, vm0, $0xb8;
	[tilespmem:$0x11380] =	vst v63  }
0x58: {  	s9 =	simm.s32 $0x7880  }
0x59: {  	[tilespmem:s9], [sflag:$0x6] =	stream.indirect_vreg.gather [hbm4b:s12+s7], $0x80, v34, vm0, $0xb8;
	[tilespmem:$0x11380] =	vst v63  }
0x5a: {  	s14 =	simm.s32 $0xE080  }
0x5b: {  	[tilespmem:s14], [sflag:$0xA] =	stream.linear.gather [hbm4b:s16+s7], $0x2000, $0x38;
	[tilespmem:$0x11380] =	vst v63  }
0x5c: {  	s15 =	simm.s32 $0x10080;
	s14 =	rddreg [dreg:$0x1]  }
0x5d: {  	[tilespmem:s15], [sflag:$0xB] =	stream.indirect.gather [hbm4b:s14+s28], $0x1, s7, s28, $0xb8;
	[tilespmem:$0x11380] =	vst v63  }
0x5e: {  	s8 =	simm.s32 @!p0 $0x2;
	s15 =	rddreg [dreg:$0x2]  }
0x5f: {  	[tilespmem:s30], [sflag:$0xC] =	stream.indirect.gather [hbm4b:s15+s28], $0x1, s7, s28, $0xb8;
	[tilespmem:$0x11380] =	vst v63  }
0x60: {  	_ =	swait.ge @!p0 [sflag:s8], $0x80  }
0x61: {  	[sflag:s8] =	ssyncset.done @!p0 $0x0  }
0x62: {  	s9 =	simm.s32 @!p0 $0x11280;
	[sflag:s8] =	ssyncadd.s32 @!p0 $0xFFFFFF80;
	s8 =	simm.s32 @!p0 $0x64  }
0x63: {  	[tilespmem:s9], [sflag:$0xD] =	stream.indirect.gather @!p0 [hbm4b:s14+s8], $0x1, s2, s8, $0xb8;
	[tilespmem:$0x11380] =	vst v63  }
0x64: {  	s9 =	simm.s32 @!p0 $0x11300  }
0x65: {  	[tilespmem:s9], [sflag:$0xE] =	stream.indirect.gather @!p0 [hbm4b:s15+s8], $0x1, s2, s8, $0xb8;
	[tilespmem:$0x11380] =	vst v63  }
0x66: {  	_ =	swait.ge [sflag:s31], $0x2000  }
0x67: {  	[sflag:s31] =	ssyncset.done $0x0  }
0x68: {  	[sflag:s31] =	ssyncadd.s32 $0xFFFFE000  }
0x69: {  	_ =	swait.ge [sflag:s5], $0x2000  }
0x6a: {  	s2 =	simm.s32 $0x80C0;
	[sflag:s5] =	ssyncset.done $0x0  }
0x6b: {  	s8 =	simm.s32 $0xC0;
	s9 =	simm.s32 $0x0;
	[sflag:s5] =	ssyncadd.s32 $0xFFFFE000  }
.LBB2_2:
0x6c: {  	v37 =	vmov s8  }
0x6d: {  	v34 =	vmov s2;
	_ =	sdelay $0x2  }
0x6e: {  	s14 =	simm.s32 $0x0  }
0x6f: {  	v36 =	vld.idx.msk [tilespmem:v37+s14+$0x20 ss:$0x1], $0xffff  }
0x70: {  	v39 =	vld.idx.msk [tilespmem:v34+s14+$0x20 ss:$0x1], $0xffff  }
0x71: {  	v35 =	vld.idx.msk [tilespmem:v37+s14+$0x0 ss:$0x1], $0xffff  }
0x72: {  	v38 =	vld.idx.msk [tilespmem:v34+s14+$0x0 ss:$0x1], $0xffff  }
0x73: {  	v40 =	vld.idx.msk [tilespmem:v37+s14+$0xFFFFFFE0 ss:$0x1], $0xffff  }
0x74: {  	v41 =	vld.idx.msk [tilespmem:v34+s14+$0xFFFFFFE0 ss:$0x1], $0xffff  }
0x75: {  	v44 =	vld.idx.msk [tilespmem:v37+s14+$0xFFFFFFC0 ss:$0x1], $0xffff  }
0x76: {  	v45 =	vld.idx.msk [tilespmem:v34+s14+$0xFFFFFFC0 ss:$0x1], $0xffff  }
0x77: {  	v42 =	vimm.f32 $0.0e+00;
	s15 =	simm.s32 $0x1000;
	v43 =	vimm.f32 $0.0e+00;
	v46 =	vld.idx.msk [tilespmem:v37+s14+$0xFFFFFFD0 ss:$0x1], $0xffff  }
.LBB2_3:
0x78: {  	p1 =	sne.s32 s15, $0x7000;
	v47 =	vld.idx.msk [tilespmem:v34+s14+$0xFFFFFFD0 ss:$0x1], $0xffff  }
0x79: {  	v48 =	vld.idx.msk [tilespmem:v37+s14+$0xFFFFFFF0 ss:$0x1], $0xffff  }
0x7a: {  	v49 =	vld.idx.msk [tilespmem:v34+s14+$0xFFFFFFF0 ss:$0x1], $0xffff  }
0x7b: {  	v50 =	vld.idx.msk [tilespmem:v37+s14+$0x10 ss:$0x1], $0xffff  }
0x7c: {  	v51 =	vld.idx.msk [tilespmem:v34+s14+$0x10 ss:$0x1], $0xffff  }
0x7d: {  	v52 =	vld.idx.msk [tilespmem:v37+s14+$0x30 ss:$0x1], $0xffff  }
0x7e: {  	v44 =	vmul.f32 v45, v44;
	v45 =	vmul.f32 v47, v46;
	v46 =	vld.idx.msk [tilespmem:v34+s14+$0x30 ss:$0x1], $0xffff;
	s14 =	sshra.s32 s15, $0x2  }
0x7f: {  	v40 =	vmul.f32 v41, v40;
	v47 =	vld.idx.msk [tilespmem:v37+s14+$0x20 ss:$0x1], $0xffff  }
0x80: {  	v41 =	vadd.f32 v44, v42;
	v42 =	vadd.f32 v45, v43;
	v43 =	vmul.f32 v49, v48;
	v53 =	vld.idx.msk [tilespmem:v34+s14+$0x20 ss:$0x1], $0xffff  }
0x81: {  	v44 =	vmul.f32 v38, v35;
	v35 =	vld.idx.msk [tilespmem:v37+s14+$0x0 ss:$0x1], $0xffff  }
0x82: {  	v45 =	vadd.f32 v40, v41;
	v42 =	vadd.f32 v43, v42;
	v43 =	vmul.f32 v51, v50;
	v38 =	vld.idx.msk [tilespmem:v34+s14+$0x0 ss:$0x1], $0xffff  }
.Ltmp0:
0x83: {  	v49 =	vmul.f32 v39, v36;
	v40 =	vld.idx.msk [tilespmem:v37+s14+$0xFFFFFFE0 ss:$0x1], $0xffff;
	(pc) =	sbr.rel @p1 .LBB2_3-.Ltmp0, $4  }
0x84: {  	v48 =	vadd.f32 v44, v45;
	v43 =	vadd.f32 v43, v42;
	v46 =	vmul.f32 v46, v52;
	v41 =	vld.idx.msk [tilespmem:v34+s14+$0xFFFFFFE0 ss:$0x1], $0xffff  }
0x85: {  	v36 =	vmov v47;
	v44 =	vld.idx.msk [tilespmem:v37+s14+$0xFFFFFFC0 ss:$0x1], $0xffff  }
0x86: {  	v42 =	vadd.f32 v49, v48;
	v43 =	vadd.f32 v46, v43;
	v39 =	vmov v53;
	v45 =	vld.idx.msk [tilespmem:v34+s14+$0xFFFFFFC0 ss:$0x1], $0xffff  }
0x87: {  	s15 =	sadd.s32 $0x1000, s15;
	v46 =	vld.idx.msk [tilespmem:v37+s14+$0xFFFFFFD0 ss:$0x1], $0xffff  }
0x88: {  	_ =	sdelay $0x3  }
0x89: {  	v47 =	vld.idx.msk [tilespmem:v34+s14+$0xFFFFFFD0 ss:$0x1], $0xffff  }
0x8a: {  	v48 =	vld.idx.msk [tilespmem:v37+s14+$0xFFFFFFF0 ss:$0x1], $0xffff  }
0x8b: {  	v49 =	vld.idx.msk [tilespmem:v34+s14+$0xFFFFFFF0 ss:$0x1], $0xffff  }
0x8c: {  	v50 =	vld.idx.msk [tilespmem:v37+s14+$0x10 ss:$0x1], $0xffff  }
0x8d: {  	v51 =	vld.idx.msk [tilespmem:v34+s14+$0x10 ss:$0x1], $0xffff  }
0x8e: {  	v54 =	vld.idx.msk [tilespmem:v37+s14+$0x30 ss:$0x1], $0xffff;
	v44 =	vmul.f32 v45, v44;
	v55 =	vmul.f32 v47, v46  }
0x8f: {  	v56 =	vld.idx.msk [tilespmem:v34+s14+$0x30 ss:$0x1], $0xffff;
	v40 =	vmul.f32 v41, v40  }
0x90: {  	v57 =	vadd.f32 v44, v42;
	v59 =	vmul.f32 v49, v48;
	v58 =	vadd.f32 v55, v43  }
0x91: {  	v35 =	vmul.f32 v38, v35  }
0x92: {  	v62 =	vmul.f32 v51, v50;
	v60 =	vadd.f32 v40, v57;
	v61 =	vadd.f32 v59, v58  }
0x93: {  	v36 =	vmul.f32 v39, v36  }
0x94: {  	s15 =	sshll.u32 s9, $0x7;
	s9 =	sadd.s32 $0x1, s9;
	v34 =	vmul.f32 v56, v54;
	v35 =	vadd.f32 v35, v60;
	v63 =	vadd.f32 v62, v61  }
0x95: {  	p1 =	sne.s32 s9, $0x8  }
.Ltmp1:
0x96: {  	v35 =	vadd.f32 v36, v35;
	v34 =	vadd.f32 v34, v63;
	(pc) =	sbr.rel @p1 .LBB2_2-.Ltmp1, $4  }
0x97: {  	_ = 	snop  }
0x98: {  	v34 =	vadd.f32 v34, v35  }
0x99: {  	s14 =	sand.u32 $0x3FFFFF80, s15  }
0x9a: {  	s2 =	sadd.s32 $0x80, s2;
	s8 =	sadd.s32 $0x80, s8;
	[tilespmem:s14+$0x10180] =	vst v34  }
0x9b: {  	_ =	swait.ge [sflag:s3], $0x2000  }
0x9c: {  	[sflag:s3] =	ssyncset.done $0x0  }
0x9d: {  	s2 =	simm.s32 $0x8;
	[sflag:s3] =	ssyncadd.s32 $0xFFFFE000  }
0x9e: {  	_ =	swait.ge [sflag:s2], $0x2000  }
0x9f: {  	[sflag:s2] =	ssyncset.done $0x0  }
0xa0: {  	s8 =	simm.s32 $0x8080;
	s9 =	simm.s32 $0x80;
	[sflag:s2] =	ssyncadd.s32 $0xFFFFE000  }
.LBB2_6:
0xa1: {  	s14 =	sshll.u32 s2, $0xA  }
0xa2: {  	s14 =	sand.u32 $0x3FFFE000, s14  }
0xa3: {  	s15 =	sadd.s32 s14, s9  }
0xa4: {  	s14 =	sadd.s32 s14, s8;
	v37 =	vmov s15  }
0xa5: {  	v34 =	vmov s14;
	_ =	sdelay $0x2  }
0xa6: {  	s14 =	simm.s32 $0x0  }
0xa7: {  	v36 =	vld.idx.msk [tilespmem:v37+s14+$0x60 ss:$0x1], $0xffff  }
0xa8: {  	v39 =	vld.idx.msk [tilespmem:v34+s14+$0x60 ss:$0x1], $0xffff  }
0xa9: {  	v35 =	vld.idx.msk [tilespmem:v37+s14+$0x40 ss:$0x1], $0xffff  }
0xaa: {  	v38 =	vld.idx.msk [tilespmem:v34+s14+$0x40 ss:$0x1], $0xffff  }
0xab: {  	v40 =	vld.idx.msk [tilespmem:v37+s14+$0x20 ss:$0x1], $0xffff  }
0xac: {  	v41 =	vld.idx.msk [tilespmem:v34+s14+$0x20 ss:$0x1], $0xffff  }
0xad: {  	v44 =	vld.idx.msk [tilespmem:v37+s14+$0x0 ss:$0x1], $0xffff  }
0xae: {  	v45 =	vld.idx.msk [tilespmem:v34+s14+$0x0 ss:$0x1], $0xffff  }
0xaf: {  	v42 =	vimm.f32 $0.0e+00;
	v43 =	vimm.f32 $0.0e+00;
	s15 =	simm.s32 $0x1000;
	v46 =	vld.idx.msk [tilespmem:v37+s14+$0x10 ss:$0x1], $0xffff  }
.LBB2_7:
0xb0: {  	p1 =	sne.s32 s15, $0x7000;
	v47 =	vld.idx.msk [tilespmem:v34+s14+$0x10 ss:$0x1], $0xffff  }
0xb1: {  	v48 =	vld.idx.msk [tilespmem:v37+s14+$0x30 ss:$0x1], $0xffff  }
0xb2: {  	v49 =	vld.idx.msk [tilespmem:v34+s14+$0x30 ss:$0x1], $0xffff  }
0xb3: {  	v50 =	vld.idx.msk [tilespmem:v37+s14+$0x50 ss:$0x1], $0xffff  }
0xb4: {  	v51 =	vld.idx.msk [tilespmem:v34+s14+$0x50 ss:$0x1], $0xffff  }
0xb5: {  	v52 =	vld.idx.msk [tilespmem:v37+s14+$0x70 ss:$0x1], $0xffff  }
0xb6: {  	v44 =	vmul.f32 v45, v44;
	v45 =	vmul.f32 v47, v46;
	v46 =	vld.idx.msk [tilespmem:v34+s14+$0x70 ss:$0x1], $0xffff;
	s14 =	sshra.s32 s15, $0x2  }
0xb7: {  	v40 =	vmul.f32 v41, v40;
	v47 =	vld.idx.msk [tilespmem:v37+s14+$0x60 ss:$0x1], $0xffff  }
0xb8: {  	v41 =	vadd.f32 v44, v42;
	v42 =	vadd.f32 v45, v43;
	v43 =	vmul.f32 v49, v48;
	v53 =	vld.idx.msk [tilespmem:v34+s14+$0x60 ss:$0x1], $0xffff  }
0xb9: {  	v44 =	vmul.f32 v38, v35;
	v35 =	vld.idx.msk [tilespmem:v37+s14+$0x40 ss:$0x1], $0xffff  }
0xba: {  	v45 =	vadd.f32 v40, v41;
	v42 =	vadd.f32 v43, v42;
	v43 =	vmul.f32 v51, v50;
	v38 =	vld.idx.msk [tilespmem:v34+s14+$0x40 ss:$0x1], $0xffff  }
.Ltmp2:
0xbb: {  	v49 =	vmul.f32 v39, v36;
	v40 =	vld.idx.msk [tilespmem:v37+s14+$0x20 ss:$0x1], $0xffff;
	(pc) =	sbr.rel @p1 .LBB2_7-.Ltmp2, $4  }
0xbc: {  	v48 =	vadd.f32 v44, v45;
	v43 =	vadd.f32 v43, v42;
	v46 =	vmul.f32 v46, v52;
	v41 =	vld.idx.msk [tilespmem:v34+s14+$0x20 ss:$0x1], $0xffff  }
0xbd: {  	v36 =	vmov v47;
	v44 =	vld.idx.msk [tilespmem:v37+s14+$0x0 ss:$0x1], $0xffff  }
0xbe: {  	v42 =	vadd.f32 v49, v48;
	v43 =	vadd.f32 v46, v43;
	v39 =	vmov v53;
	v45 =	vld.idx.msk [tilespmem:v34+s14+$0x0 ss:$0x1], $0xffff  }
0xbf: {  	s15 =	sadd.s32 $0x1000, s15;
	v46 =	vld.idx.msk [tilespmem:v37+s14+$0x10 ss:$0x1], $0xffff  }
0xc0: {  	_ =	sdelay $0x3  }
0xc1: {  	v47 =	vld.idx.msk [tilespmem:v34+s14+$0x10 ss:$0x1], $0xffff  }
0xc2: {  	v48 =	vld.idx.msk [tilespmem:v37+s14+$0x30 ss:$0x1], $0xffff  }
0xc3: {  	v49 =	vld.idx.msk [tilespmem:v34+s14+$0x30 ss:$0x1], $0xffff  }
0xc4: {  	v50 =	vld.idx.msk [tilespmem:v37+s14+$0x50 ss:$0x1], $0xffff  }
0xc5: {  	v51 =	vld.idx.msk [tilespmem:v34+s14+$0x50 ss:$0x1], $0xffff  }
0xc6: {  	v54 =	vld.idx.msk [tilespmem:v37+s14+$0x70 ss:$0x1], $0xffff;
	v44 =	vmul.f32 v45, v44;
	v55 =	vmul.f32 v47, v46  }
0xc7: {  	v56 =	vld.idx.msk [tilespmem:v34+s14+$0x70 ss:$0x1], $0xffff;
	v40 =	vmul.f32 v41, v40  }
0xc8: {  	v57 =	vadd.f32 v44, v42;
	v59 =	vmul.f32 v49, v48;
	v58 =	vadd.f32 v55, v43  }
0xc9: {  	v35 =	vmul.f32 v38, v35  }
0xca: {  	v62 =	vmul.f32 v51, v50;
	v60 =	vadd.f32 v40, v57;
	v61 =	vadd.f32 v59, v58  }
0xcb: {  	v36 =	vmul.f32 v39, v36  }
0xcc: {  	s15 =	sshll.u32 s2, $0x7;
	s2 =	sadd.s32 $0x1, s2;
	v34 =	vmul.f32 v56, v54;
	v35 =	vadd.f32 v35, v60;
	v63 =	vadd.f32 v62, v61  }
0xcd: {  	p1 =	sne.s32 s2, $0x10  }
.Ltmp3:
0xce: {  	v35 =	vadd.f32 v36, v35;
	v34 =	vadd.f32 v34, v63;
	(pc) =	sbr.rel @p1 .LBB2_6-.Ltmp3, $4  }
0xcf: {  	_ = 	snop  }
0xd0: {  	v34 =	vadd.f32 v34, v35  }
0xd1: {  	s14 =	sand.u32 $0x3FFFFF80, s15  }
0xd2: {  	s8 =	sadd.s32 $0x80, s8;
	s9 =	sadd.s32 $0x80, s9;
	[tilespmem:s14+$0x10180] =	vst v34  }
0xd3: {  	_ =	swait.ge [sflag:s4], $0x2000  }
0xd4: {  	[sflag:s4] =	ssyncset.done $0x0  }
0xd5: {  	[sflag:s4] =	ssyncadd.s32 $0xFFFFE000  }
0xd6: {  	_ =	swait.ge [sflag:s6], $0x2000  }
0xd7: {  	s2 =	simm.s32 $0x10;
	[sflag:s6] =	ssyncset.done $0x0  }
0xd8: {  	s8 =	simm.s32 $0x8080;
	s9 =	simm.s32 $0x80;
	[sflag:s6] =	ssyncadd.s32 $0xFFFFE000  }
.LBB2_10:
0xd9: {  	s14 =	sshll.u32 s2, $0xA  }
0xda: {  	s14 =	sand.u32 $0x3FFFE000, s14  }
0xdb: {  	s15 =	sadd.s32 s14, s9  }
0xdc: {  	s14 =	sadd.s32 s14, s8;
	v37 =	vmov s15  }
0xdd: {  	v34 =	vmov s14;
	_ =	sdelay $0x2  }
0xde: {  	s14 =	simm.s32 $0x0  }
0xdf: {  	v36 =	vld.idx.msk [tilespmem:v37+s14+$0x60 ss:$0x1], $0xffff  }
0xe0: {  	v39 =	vld.idx.msk [tilespmem:v34+s14+$0x60 ss:$0x1], $0xffff  }
0xe1: {  	v35 =	vld.idx.msk [tilespmem:v37+s14+$0x40 ss:$0x1], $0xffff  }
0xe2: {  	v38 =	vld.idx.msk [tilespmem:v34+s14+$0x40 ss:$0x1], $0xffff  }
0xe3: {  	v40 =	vld.idx.msk [tilespmem:v37+s14+$0x20 ss:$0x1], $0xffff  }
0xe4: {  	v41 =	vld.idx.msk [tilespmem:v34+s14+$0x20 ss:$0x1], $0xffff  }
0xe5: {  	v44 =	vld.idx.msk [tilespmem:v37+s14+$0x0 ss:$0x1], $0xffff  }
0xe6: {  	v45 =	vld.idx.msk [tilespmem:v34+s14+$0x0 ss:$0x1], $0xffff  }
0xe7: {  	v42 =	vimm.f32 $0.0e+00;
	v43 =	vimm.f32 $0.0e+00;
	s15 =	simm.s32 $0x1000;
	v46 =	vld.idx.msk [tilespmem:v37+s14+$0x10 ss:$0x1], $0xffff  }
.LBB2_11:
0xe8: {  	p1 =	sne.s32 s15, $0x7000;
	v47 =	vld.idx.msk [tilespmem:v34+s14+$0x10 ss:$0x1], $0xffff  }
0xe9: {  	v48 =	vld.idx.msk [tilespmem:v37+s14+$0x30 ss:$0x1], $0xffff  }
0xea: {  	v49 =	vld.idx.msk [tilespmem:v34+s14+$0x30 ss:$0x1], $0xffff  }
0xeb: {  	v50 =	vld.idx.msk [tilespmem:v37+s14+$0x50 ss:$0x1], $0xffff  }
0xec: {  	v51 =	vld.idx.msk [tilespmem:v34+s14+$0x50 ss:$0x1], $0xffff  }
0xed: {  	v52 =	vld.idx.msk [tilespmem:v37+s14+$0x70 ss:$0x1], $0xffff  }
0xee: {  	v44 =	vmul.f32 v45, v44;
	v45 =	vmul.f32 v47, v46;
	v46 =	vld.idx.msk [tilespmem:v34+s14+$0x70 ss:$0x1], $0xffff;
	s14 =	sshra.s32 s15, $0x2  }
0xef: {  	v40 =	vmul.f32 v41, v40;
	v47 =	vld.idx.msk [tilespmem:v37+s14+$0x60 ss:$0x1], $0xffff  }
0xf0: {  	v41 =	vadd.f32 v44, v42;
	v42 =	vadd.f32 v45, v43;
	v43 =	vmul.f32 v49, v48;
	v53 =	vld.idx.msk [tilespmem:v34+s14+$0x60 ss:$0x1], $0xffff  }
0xf1: {  	v44 =	vmul.f32 v38, v35;
	v35 =	vld.idx.msk [tilespmem:v37+s14+$0x40 ss:$0x1], $0xffff  }
0xf2: {  	v45 =	vadd.f32 v40, v41;
	v42 =	vadd.f32 v43, v42;
	v43 =	vmul.f32 v51, v50;
	v38 =	vld.idx.msk [tilespmem:v34+s14+$0x40 ss:$0x1], $0xffff  }
.Ltmp4:
0xf3: {  	v49 =	vmul.f32 v39, v36;
	v40 =	vld.idx.msk [tilespmem:v37+s14+$0x20 ss:$0x1], $0xffff;
	(pc) =	sbr.rel @p1 .LBB2_11-.Ltmp4, $4  }
0xf4: {  	v48 =	vadd.f32 v44, v45;
	v43 =	vadd.f32 v43, v42;
	v46 =	vmul.f32 v46, v52;
	v41 =	vld.idx.msk [tilespmem:v34+s14+$0x20 ss:$0x1], $0xffff  }
0xf5: {  	v36 =	vmov v47;
	v44 =	vld.idx.msk [tilespmem:v37+s14+$0x0 ss:$0x1], $0xffff  }
0xf6: {  	v42 =	vadd.f32 v49, v48;
	v43 =	vadd.f32 v46, v43;
	v39 =	vmov v53;
	v45 =	vld.idx.msk [tilespmem:v34+s14+$0x0 ss:$0x1], $0xffff  }
0xf7: {  	s15 =	sadd.s32 $0x1000, s15;
	v46 =	vld.idx.msk [tilespmem:v37+s14+$0x10 ss:$0x1], $0xffff  }
0xf8: {  	_ =	sdelay $0x3  }
0xf9: {  	v47 =	vld.idx.msk [tilespmem:v34+s14+$0x10 ss:$0x1], $0xffff  }
0xfa: {  	v48 =	vld.idx.msk [tilespmem:v37+s14+$0x30 ss:$0x1], $0xffff  }
0xfb: {  	v49 =	vld.idx.msk [tilespmem:v34+s14+$0x30 ss:$0x1], $0xffff  }
0xfc: {  	v50 =	vld.idx.msk [tilespmem:v37+s14+$0x50 ss:$0x1], $0xffff  }
0xfd: {  	v51 =	vld.idx.msk [tilespmem:v34+s14+$0x50 ss:$0x1], $0xffff  }
0xfe: {  	v54 =	vld.idx.msk [tilespmem:v37+s14+$0x70 ss:$0x1], $0xffff;
	v44 =	vmul.f32 v45, v44;
	v55 =	vmul.f32 v47, v46  }
0xff: {  	v56 =	vld.idx.msk [tilespmem:v34+s14+$0x70 ss:$0x1], $0xffff;
	v40 =	vmul.f32 v41, v40  }
0x100: {  	v57 =	vadd.f32 v44, v42;
	v59 =	vmul.f32 v49, v48;
	v58 =	vadd.f32 v55, v43  }
0x101: {  	v35 =	vmul.f32 v38, v35  }
0x102: {  	v62 =	vmul.f32 v51, v50;
	v60 =	vadd.f32 v40, v57;
	v61 =	vadd.f32 v59, v58  }
0x103: {  	v36 =	vmul.f32 v39, v36  }
0x104: {  	s15 =	sshll.u32 s2, $0x7;
	s2 =	sadd.s32 $0x1, s2;
	v34 =	vmul.f32 v56, v54;
	v35 =	vadd.f32 v35, v60;
	v63 =	vadd.f32 v62, v61  }
0x105: {  	p1 =	sne.s32 s2, $0x18  }
.Ltmp5:
0x106: {  	v35 =	vadd.f32 v36, v35;
	v34 =	vadd.f32 v34, v63;
	(pc) =	sbr.rel @p1 .LBB2_10-.Ltmp5, $4  }
0x107: {  	_ = 	snop  }
0x108: {  	v34 =	vadd.f32 v34, v35  }
0x109: {  	s14 =	sand.u32 $0x3FFFFF80, s15  }
0x10a: {  	s8 =	sadd.s32 $0x80, s8;
	s9 =	sadd.s32 $0x80, s9;
	[tilespmem:s14+$0x10180] =	vst v34  }
0x10b: {  	_ =	swait.ge [sflag:s21], $0x2000  }
0x10c: {  	[sflag:s21] =	ssyncset.done $0x0  }
0x10d: {  	[sflag:s21] =	ssyncadd.s32 $0xFFFFE000  }
0x10e: {  	_ =	swait.ge [sflag:s22], $0x2000  }
0x10f: {  	s2 =	simm.s32 $0x18;
	[sflag:s22] =	ssyncset.done $0x0  }
0x110: {  	s8 =	simm.s32 $0x8080;
	s9 =	simm.s32 $0x80;
	[sflag:s22] =	ssyncadd.s32 $0xFFFFE000  }
.LBB2_14:
0x111: {  	s14 =	sshll.u32 s2, $0xA  }
0x112: {  	s14 =	sand.u32 $0x3FFFE000, s14  }
0x113: {  	s15 =	sadd.s32 s14, s9  }
0x114: {  	s14 =	sadd.s32 s14, s8;
	v37 =	vmov s15  }
0x115: {  	v34 =	vmov s14;
	_ =	sdelay $0x2  }
0x116: {  	s14 =	simm.s32 $0x0  }
0x117: {  	v36 =	vld.idx.msk [tilespmem:v37+s14+$0x60 ss:$0x1], $0xffff  }
0x118: {  	v39 =	vld.idx.msk [tilespmem:v34+s14+$0x60 ss:$0x1], $0xffff  }
0x119: {  	v35 =	vld.idx.msk [tilespmem:v37+s14+$0x40 ss:$0x1], $0xffff  }
0x11a: {  	v38 =	vld.idx.msk [tilespmem:v34+s14+$0x40 ss:$0x1], $0xffff  }
0x11b: {  	v40 =	vld.idx.msk [tilespmem:v37+s14+$0x20 ss:$0x1], $0xffff  }
0x11c: {  	v41 =	vld.idx.msk [tilespmem:v34+s14+$0x20 ss:$0x1], $0xffff  }
0x11d: {  	v44 =	vld.idx.msk [tilespmem:v37+s14+$0x0 ss:$0x1], $0xffff  }
0x11e: {  	v45 =	vld.idx.msk [tilespmem:v34+s14+$0x0 ss:$0x1], $0xffff  }
0x11f: {  	v42 =	vimm.f32 $0.0e+00;
	v43 =	vimm.f32 $0.0e+00;
	s15 =	simm.s32 $0x1000;
	v46 =	vld.idx.msk [tilespmem:v37+s14+$0x10 ss:$0x1], $0xffff  }
.LBB2_15:
0x120: {  	p1 =	sne.s32 s15, $0x7000;
	v47 =	vld.idx.msk [tilespmem:v34+s14+$0x10 ss:$0x1], $0xffff  }
0x121: {  	v48 =	vld.idx.msk [tilespmem:v37+s14+$0x30 ss:$0x1], $0xffff  }
0x122: {  	v49 =	vld.idx.msk [tilespmem:v34+s14+$0x30 ss:$0x1], $0xffff  }
0x123: {  	v50 =	vld.idx.msk [tilespmem:v37+s14+$0x50 ss:$0x1], $0xffff  }
0x124: {  	v51 =	vld.idx.msk [tilespmem:v34+s14+$0x50 ss:$0x1], $0xffff  }
0x125: {  	v52 =	vld.idx.msk [tilespmem:v37+s14+$0x70 ss:$0x1], $0xffff  }
0x126: {  	v44 =	vmul.f32 v45, v44;
	v45 =	vmul.f32 v47, v46;
	v46 =	vld.idx.msk [tilespmem:v34+s14+$0x70 ss:$0x1], $0xffff;
	s14 =	sshra.s32 s15, $0x2  }
0x127: {  	v40 =	vmul.f32 v41, v40;
	v47 =	vld.idx.msk [tilespmem:v37+s14+$0x60 ss:$0x1], $0xffff  }
0x128: {  	v41 =	vadd.f32 v44, v42;
	v42 =	vadd.f32 v45, v43;
	v43 =	vmul.f32 v49, v48;
	v53 =	vld.idx.msk [tilespmem:v34+s14+$0x60 ss:$0x1], $0xffff  }
0x129: {  	v44 =	vmul.f32 v38, v35;
	v35 =	vld.idx.msk [tilespmem:v37+s14+$0x40 ss:$0x1], $0xffff  }
0x12a: {  	v45 =	vadd.f32 v40, v41;
	v42 =	vadd.f32 v43, v42;
	v43 =	vmul.f32 v51, v50;
	v38 =	vld.idx.msk [tilespmem:v34+s14+$0x40 ss:$0x1], $0xffff  }
.Ltmp6:
0x12b: {  	v49 =	vmul.f32 v39, v36;
	v40 =	vld.idx.msk [tilespmem:v37+s14+$0x20 ss:$0x1], $0xffff;
	(pc) =	sbr.rel @p1 .LBB2_15-.Ltmp6, $4  }
0x12c: {  	v48 =	vadd.f32 v44, v45;
	v43 =	vadd.f32 v43, v42;
	v46 =	vmul.f32 v46, v52;
	v41 =	vld.idx.msk [tilespmem:v34+s14+$0x20 ss:$0x1], $0xffff  }
0x12d: {  	v36 =	vmov v47;
	v44 =	vld.idx.msk [tilespmem:v37+s14+$0x0 ss:$0x1], $0xffff  }
0x12e: {  	v42 =	vadd.f32 v49, v48;
	v43 =	vadd.f32 v46, v43;
	v39 =	vmov v53;
	v45 =	vld.idx.msk [tilespmem:v34+s14+$0x0 ss:$0x1], $0xffff  }
0x12f: {  	s15 =	sadd.s32 $0x1000, s15;
	v46 =	vld.idx.msk [tilespmem:v37+s14+$0x10 ss:$0x1], $0xffff  }
0x130: {  	_ =	sdelay $0x3  }
0x131: {  	v47 =	vld.idx.msk [tilespmem:v34+s14+$0x10 ss:$0x1], $0xffff  }
0x132: {  	v48 =	vld.idx.msk [tilespmem:v37+s14+$0x30 ss:$0x1], $0xffff  }
0x133: {  	v49 =	vld.idx.msk [tilespmem:v34+s14+$0x30 ss:$0x1], $0xffff  }
0x134: {  	v50 =	vld.idx.msk [tilespmem:v37+s14+$0x50 ss:$0x1], $0xffff  }
0x135: {  	v51 =	vld.idx.msk [tilespmem:v34+s14+$0x50 ss:$0x1], $0xffff  }
0x136: {  	v54 =	vld.idx.msk [tilespmem:v37+s14+$0x70 ss:$0x1], $0xffff;
	v44 =	vmul.f32 v45, v44;
	v55 =	vmul.f32 v47, v46  }
0x137: {  	v56 =	vld.idx.msk [tilespmem:v34+s14+$0x70 ss:$0x1], $0xffff;
	v40 =	vmul.f32 v41, v40  }
0x138: {  	v57 =	vadd.f32 v44, v42;
	v59 =	vmul.f32 v49, v48;
	v58 =	vadd.f32 v55, v43  }
0x139: {  	v35 =	vmul.f32 v38, v35  }
0x13a: {  	v62 =	vmul.f32 v51, v50;
	v60 =	vadd.f32 v40, v57;
	v61 =	vadd.f32 v59, v58  }
0x13b: {  	v36 =	vmul.f32 v39, v36  }
0x13c: {  	s15 =	sshll.u32 s2, $0x7;
	s2 =	sadd.s32 $0x1, s2;
	v34 =	vmul.f32 v56, v54;
	v35 =	vadd.f32 v35, v60;
	v63 =	vadd.f32 v62, v61  }
0x13d: {  	p1 =	sne.s32 s2, $0x20  }
.Ltmp7:
0x13e: {  	v35 =	vadd.f32 v36, v35;
	v34 =	vadd.f32 v34, v63;
	(pc) =	sbr.rel @p1 .LBB2_14-.Ltmp7, $4  }
0x13f: {  	_ = 	snop  }
0x140: {  	v34 =	vadd.f32 v34, v35  }
0x141: {  	s14 =	sand.u32 $0x3FFFFF80, s15  }
0x142: {  	s8 =	sadd.s32 $0x80, s8;
	s9 =	sadd.s32 $0x80, s9;
	[tilespmem:s14+$0x10180] =	vst v34  }
0x143: {  	s2 =	simm.s32 @!p0 $0xD  }
0x144: {  	_ =	swait.ge @!p0 [sflag:s2], $0x64  }
0x145: {  	[sflag:s2] =	ssyncset.done @!p0 $0x0  }
0x146: {  	[sflag:s2] =	ssyncadd.s32 @!p0 $0xFFFFFF9C;
	s2 =	simm.s32 @!p0 $0xE  }
0x147: {  	_ =	swait.ge @!p0 [sflag:s2], $0x64  }
0x148: {  	[sflag:s2] =	ssyncset.done @!p0 $0x0  }
0x149: {  	[sflag:s2] =	ssyncadd.s32 @!p0 $0xFFFFFF9C  }
0x14a: {  	s8 =	simm.s32 @!p0 $0x11280;
	s2 =	simm.s32 @!p0 $0x0;
	s9 =	rddreg [dreg:$0x7]  }
0x14b: {  	[hbm4b:s9+s2] =	stream.linear.scatter @!p0 [tilespmem:s8], [sflag:$0x10], $0x80, $0x38;
	[tilespmem:$0x11380] =	vst v63  }
0x14c: {  	s8 =	simm.s32 @!p0 $0x11300;
	s9 =	rddreg [dreg:$0x9]  }
0x14d: {  	[hbm4b:s9+s2] =	stream.linear.scatter @!p0 [tilespmem:s8], [sflag:$0x11], $0x80, $0x38;
	[tilespmem:$0x11380] =	vst v63  }
0x14e: {  	_ =	swait.ge [sflag:s23], $0x20  }
0x14f: {  	[sflag:s23] =	ssyncset.done $0x0  }
0x150: {  	[sflag:s23] =	ssyncadd.s32 $0xFFFFFFE0  }
0x151: {  	[hbm4b:s17+s7] =	stream.linear.scatter [tilespmem:s30], [sflag:$0xF], $0x20, $0x38;
	[tilespmem:$0x11380] =	vst v63  }
0x152: {  	_ =	swait.ge [sflag:s24], $0x20  }
0x153: {  	[sflag:s24] =	ssyncset.done $0x0  }
0x154: {  	[sflag:s24] =	ssyncadd.s32 $0xFFFFFFE0  }
0x155: {  	v34 =	vld.idx.msk [tilespmem:v0+s25+$0x0], $0xffff;
	_ =	sdelay $0x1  }
0x156: {  	v35 =	vld.idx.msk [tilespmem:v3+s25+$0x0], $0xffff;
	_ =	sdelay $0x1  }
0x157: {  	v36 =	vld.idx.msk [tilespmem:v4+s25+$0x0], $0xffff  }
0x158: {  	v34 =	vadd.f32 $0.0e+00, v34  }
0x159: {  	v37 =	vld.idx.msk [tilespmem:v5+s25+$0x0], $0xffff  }
0x15a: {  	v34 =	vadd.f32 v35, v34  }
0x15b: {  	v59 =	vld.idx.msk [tilespmem:v6+s25+$0x0], $0xffff  }
0x15c: {  	v34 =	vadd.f32 v36, v34  }
0x15d: {  	v60 =	vld.idx.msk [tilespmem:v7+s25+$0x0], $0xffff  }
0x15e: {  	v34 =	vadd.f32 v37, v34  }
0x15f: {  	v61 =	vld.idx.msk [tilespmem:v8+s25+$0x0], $0xffff  }
0x160: {  	v34 =	vadd.f32 v59, v34  }
0x161: {  	v62 =	vld.idx.msk [tilespmem:v9+s25+$0x0], $0xffff  }
0x162: {  	v34 =	vadd.f32 v60, v34  }
0x163: {  	v63 =	vld.idx.msk [tilespmem:v10+s25+$0x0], $0xffff  }
0x164: {  	v34 =	vadd.f32 v61, v34  }
0x165: {  	v40 =	vld.idx.msk [tilespmem:v11+s25+$0x0], $0xffff  }
0x166: {  	v34 =	vadd.f32 v62, v34  }
0x167: {  	v41 =	vld.idx.msk [tilespmem:v12+s25+$0x0], $0xffff  }
0x168: {  	v34 =	vadd.f32 v63, v34  }
0x169: {  	v42 =	vld.idx.msk [tilespmem:v13+s25+$0x0], $0xffff  }
0x16a: {  	v34 =	vadd.f32 v40, v34  }
0x16b: {  	v43 =	vld.idx.msk [tilespmem:v14+s25+$0x0], $0xffff  }
0x16c: {  	v34 =	vadd.f32 v41, v34  }
0x16d: {  	v44 =	vld.idx.msk [tilespmem:v15+s25+$0x0], $0xffff  }
0x16e: {  	v34 =	vadd.f32 v42, v34  }
0x16f: {  	v45 =	vld.idx.msk [tilespmem:v16+s25+$0x0], $0xffff  }
0x170: {  	v34 =	vadd.f32 v43, v34  }
0x171: {  	v46 =	vld.idx.msk [tilespmem:v17+s25+$0x0], $0xffff  }
0x172: {  	v34 =	vadd.f32 v44, v34  }
0x173: {  	v47 =	vld [tilespmem:$0x10080]  }
0x174: {  	v34 =	vadd.f32 v45, v34;
	_ =	sdelay $0x1  }
0x175: {  	v34 =	vadd.f32 v46, v34;
	_ =	sdelay $0x1  }
0x176: {  	v34 =	vadd.f32 v47, v34;
	_ =	sdelay $0x1  }
0x177: {  	[tilespmem:$0x11180] =	vst v34  }
0x178: {  	v34 =	vld.idx.msk [tilespmem:v18+s25+$0x0], $0xffff;
	_ =	sdelay $0x1  }
0x179: {  	v48 =	vld.idx.msk [tilespmem:v19+s25+$0x0], $0xffff;
	_ =	sdelay $0x1  }
0x17a: {  	v49 =	vld.idx.msk [tilespmem:v20+s25+$0x0], $0xffff  }
0x17b: {  	v34 =	vadd.f32 $0.0e+00, v34  }
0x17c: {  	v50 =	vld.idx.msk [tilespmem:v21+s25+$0x0], $0xffff  }
0x17d: {  	v34 =	vadd.f32 v48, v34  }
0x17e: {  	v51 =	vld.idx.msk [tilespmem:v22+s25+$0x0], $0xffff  }
0x17f: {  	v34 =	vadd.f32 v49, v34  }
0x180: {  	v52 =	vld.idx.msk [tilespmem:v23+s25+$0x0], $0xffff  }
0x181: {  	v34 =	vadd.f32 v50, v34  }
0x182: {  	v53 =	vld.idx.msk [tilespmem:v24+s25+$0x0], $0xffff  }
0x183: {  	v34 =	vadd.f32 v51, v34  }
0x184: {  	v54 =	vld.idx.msk [tilespmem:v25+s25+$0x0], $0xffff  }
0x185: {  	v34 =	vadd.f32 v52, v34  }
0x186: {  	v55 =	vld.idx.msk [tilespmem:v26+s25+$0x0], $0xffff  }
0x187: {  	v34 =	vadd.f32 v53, v34  }
0x188: {  	v56 =	vld.idx.msk [tilespmem:v27+s25+$0x0], $0xffff  }
0x189: {  	v34 =	vadd.f32 v54, v34  }
0x18a: {  	v57 =	vld.idx.msk [tilespmem:v28+s25+$0x0], $0xffff  }
0x18b: {  	v34 =	vadd.f32 v55, v34  }
0x18c: {  	v58 =	vld.idx.msk [tilespmem:v29+s25+$0x0], $0xffff  }
0x18d: {  	v34 =	vadd.f32 v56, v34  }
0x18e: {  	v59 =	vld.idx.msk [tilespmem:v30+s25+$0x0], $0xffff  }
0x18f: {  	v34 =	vadd.f32 v57, v34  }
0x190: {  	v60 =	vld.idx.msk [tilespmem:v31+s25+$0x0], $0xffff  }
0x191: {  	v34 =	vadd.f32 v58, v34  }
0x192: {  	v61 =	vld.idx.msk [tilespmem:v32+s25+$0x0], $0xffff  }
0x193: {  	v34 =	vadd.f32 v59, v34  }
0x194: {  	v62 =	vld.idx.msk [tilespmem:v33+s25+$0x0], $0xffff  }
0x195: {  	v34 =	vadd.f32 v60, v34  }
0x196: {  	v63 =	vld [tilespmem:$0x10090]  }
0x197: {  	v34 =	vadd.f32 v61, v34;
	_ =	sdelay $0x1  }
0x198: {  	v34 =	vadd.f32 v62, v34;
	_ =	sdelay $0x1  }
0x199: {  	v34 =	vadd.f32 v63, v34;
	_ =	sdelay $0x1  }
0x19a: {  	s15 =	simm.s32 $0x11180;
	[tilespmem:$0x11190] =	vst v34  }
0x19b: {  	[hbm4b:s18+s7] =	stream.linear.scatter [tilespmem:s15], [sflag:$0x12], $0x20, $0x38;
	[tilespmem:$0x11380] =	vst v63  }
0x19c: {  	_ =	swait.ge [sflag:s29], $0x20  }
0x19d: {  	[sflag:s29] =	ssyncset.done $0x0  }
0x19e: {  	[sflag:s29] =	ssyncadd.s32 $0xFFFFFFE0  }
0x19f: {  	_ =	swait.ge [sflag:s26], $0x20  }
0x1a0: {  	[sflag:s26] =	ssyncset.done $0x0  }
0x1a1: {  	s1 =	sadd.s32 $0x1, s1;
	s2 =	simm.s32 @!p0 $0x10;
	[sflag:s26] =	ssyncadd.s32 $0xFFFFFFE0  }
0x1a2: {  	p1 =	sne.s32 s1, s19;
	_ =	swait.ge @!p0 [sflag:s2], $0x80  }
.Ltmp8:
0x1a3: {  	[sflag:s2] =	ssyncset.done @!p0 $0x0;
	(pc) =	sbr.rel @p1 .LBB2_1-.Ltmp8, $4  }
0x1a4: {  	[sflag:s2] =	ssyncadd.s32 @!p0 $0xFFFFFF80;
	s2 =	simm.s32 @!p0 $0x11  }
0x1a5: {  	_ =	swait.ge @!p0 [sflag:s2], $0x80  }
0x1a6: {  	[sflag:s2] =	ssyncset.done @!p0 $0x0  }
0x1a7: {  	[sflag:s2] =	ssyncadd.s32 @!p0 $0xFFFFFF80  }
0x1a8: {  	_ =	sfence.sel $0x180000  }
0x1a9: {  	[bflag:$0x0] =	sbarrier.arrive $0xFFFF  }
0x1aa: {  	_ =	strace $0x90000047  }
0x1ab: {  	s0 =	stileid.u32;
	[bflag:$0x2] =	sbarrier.arrive $0xFFFF  }
0x1ac: {  	p0 =	sne.s32 s0, $0x0;
	s0 =	rddreg [dreg:$0x8]  }
0x1ad: {  	s0 =	sadd.s32 @!p0 $0x100000, s0  }
0x1ae: {  	[sflag:s0] =	ssyncadd.tile.s32 @!p0 $0x1;
	_ =	shalt  }
.Lfunc_end2:
_tile_overlayer_lowered:
.L_overlay_start_2:
0x1af: {  	(tag) =	ssettag $0x2  }
0x1b0: {  	s0 =	rddreg [dreg:$0x0];
	s2 =	stileid.u32  }
0x1b1: {  	s1 =	rddreg [dreg:$0x1];
	p0 =	sne.s32 s2, $0x0  }
0x1b2: {  	s3 =	rddreg [dreg:$0x2];
	[bflag:$0x3] =	sbarrier.arrive $0xFFFF;
	s2 =	simm.s32 @!p0 $0x1C12  }
0x1b3: {  	[timem:s3], [sflag:s2] =	dma.local @!p0 [hbm:s0], s1  }
0x1b4: {  	s0 =	simm.s32 @!p0 $0x12  }
0x1b5: {  	_ =	swait.ge @!p0 [sflag:s0], s1  }
0x1b6: {  	s1 =	ssub.s32 @!p0 $0x0, s1;
	[sflag:s0] =	ssyncset.done @!p0 $0x0  }
0x1b7: {  	[sflag:s0] =	ssyncadd.s32 @!p0 s1  }
0x1b8: {  	[bflag:$0x3] =	sbarrier.arrive $0xFFFF  }
0x1b9: {  	_ =	shalt  }

</sc_bundles>
